<compile_context>
chip_gen: v7x
topology: tpu7x:2x2x1
jax: 0.10.2.dev20260603
libtpu: 0.0.44.dev20260713+nightly
codegen_flags: <defaults>
</compile_context>

<pallas_src>
import functools

import jax
import jax.numpy as jnp
from jax import lax
from jax.experimental import pallas as pl
from jax.experimental.pallas import tpu as pltpu
from jax.experimental.pallas import tpu_sc as plsc

_C = 16
_B = 1024

_N = 524288
_F = 16
_W = 2048
_TPW = 16
_SL = _N // 16
_NBK = 4096
_DR = _NBK // 16

_i16 = lambda: lax.iota(jnp.int32, 16)



def _hist_slice(src, f, base, kind, h, kbuf, ybuf):
    def zbody(i, _):
        h[pl.ds(i * 16, 16)] = jnp.zeros((16,), jnp.int32)
        return 0
    lax.fori_loop(0, _NBK // 16, zbody, 0)
    ones = jnp.full((16,), 1, jnp.int32)

    def hwin(w, _):
        if kind == 0:
            pltpu.sync_copy(src.at[f, pl.ds(base + w * _W, _W)], kbuf)
        else:
            pltpu.sync_copy(src.at[pl.ds(base + w * _W, _W)], ybuf)

        def hvec(j, _):
            if kind == 0:
                kv = kbuf[pl.ds(j * 16, 16)]
                k24 = (kv * 16777216.0).astype(jnp.int32)
                d = k24 & 0xFFF
            else:
                pk = ybuf[pl.ds(j * 16, 16)]
                d = (pk >> 16) & 0xFFF
            plsc.addupdate_scatter(h, [d], ones)
            return 0
        lax.fori_loop(0, _W // 16, hvec, 0)
        return 0
    lax.fori_loop(0, _TPW, hwin, 0)


def _cross_tile_bases(sid, h, G, B, RT, gb, bbuf2, rtbuf, rtb1):
    pltpu.sync_copy(h, G.at[sid])
    plsc.subcore_barrier()

    pltpu.sync_copy(G.at[:, pl.ds(sid * _DR, _DR)], gb)

    def colsum(k):
        def tb(t, col):
            return col + gb[t, pl.ds(k * 16, 16)]
        return lax.fori_loop(0, 16, tb, jnp.zeros((16,), jnp.int32))

    run = jnp.int32(0)
    excl = []
    for k in range(_DR // 16):
        col = colsum(k)
        inc = plsc.cumsum(col)
        excl.append(inc - col + run)
        run = run + jnp.sum(col)

    rtb1[...] = jnp.where(_i16() == sid, run, 0)
    pltpu.sync_copy(rtb1, RT.at[sid])
    plsc.subcore_barrier()
    pltpu.sync_copy(RT, rtbuf)

    def tsb(t, acc):
        return acc + rtbuf[t, :]
    tsum = lax.fori_loop(0, 16, tsb, jnp.zeros((16,), jnp.int32))
    s_u = jnp.sum(jnp.where(_i16() < sid, tsum, 0))

    def bb(t, pref):
        out = []
        for k in range(_DR // 16):
            bbuf2[t, pl.ds(k * 16, 16)] = pref[k]
            out.append(pref[k] + gb[t, pl.ds(k * 16, 16)])
        return tuple(out)

    lax.fori_loop(0, 16, bb, tuple(e + s_u for e in excl))
    pltpu.sync_copy(bbuf2, B.at[:, pl.ds(sid * _DR, _DR)])
    plsc.subcore_barrier()

    pltpu.sync_copy(B.at[sid], h)


def _scatter_pass(src, y_hbm, f, base, kind, h, stage,
                  kbuf, ybuf, pbuf, posbuf, pbufB, posbufB, sem, semB):
    ones = jnp.full((16,), 1, jnp.int32)

    def compute_win(w, pb, qb):
        if kind == 0:
            pltpu.sync_copy(src.at[f, pl.ds(base + w * _W, _W)], kbuf)
            pltpu.sync_copy(y_hbm.at[pl.ds(base + w * _W, _W)], ybuf)
        else:
            pltpu.sync_copy(src.at[pl.ds(base + w * _W, _W)], ybuf)

        def svec(j, _):
            if kind == 0:
                kv = kbuf[pl.ds(j * 16, 16)]
                k24 = (kv * 16777216.0).astype(jnp.int32)
                d = k24 & 0xFFF
                pk = (k24 << 4) | ybuf[pl.ds(j * 16, 16)]
            else:
                pk = ybuf[pl.ds(j * 16, 16)]
                d = (pk >> 16) & 0xFFF
            cnt = plsc.scan_count(d)[0]
            bse = plsc.load_gather(h, [d])
            plsc.addupdate_scatter(h, [d], ones)
            qb[pl.ds(j * 16, 16)] = bse + cnt - 1
            pb[pl.ds(j * 16, 16)] = pk
            return 0
        lax.fori_loop(0, _W // 16, svec, 0)

    def swin(i, _):
        @pl.when(i > 0)
        def _():
            pltpu.make_async_copy(pbuf, stage.at[posbuf], sem).wait()
        compute_win(2 * i, pbuf, posbuf)
        pltpu.async_copy(pbuf, stage.at[posbuf], sem)

        @pl.when(i > 0)
        def _():
            pltpu.make_async_copy(pbufB, stage.at[posbufB], semB).wait()
        compute_win(2 * i + 1, pbufB, posbufB)
        pltpu.async_copy(pbufB, stage.at[posbufB], semB)
        return 0

    lax.fori_loop(0, _TPW // 2, swin, 0)
    pltpu.make_async_copy(pbuf, stage.at[posbuf], sem).wait()
    pltpu.make_async_copy(pbufB, stage.at[posbufB], semB).wait()
    plsc.subcore_barrier()


def _sc_sort_body(nfeat, xt_hbm, y_hbm, srt_hbm,
                  stageA, stageB, G, B, RT,
                  kbuf, ybuf, pbuf, posbuf, pbufB, posbufB,
                  h, gb, bbuf2, rtbuf, rtb1, sem, semB):
    cid = lax.axis_index("c")
    sid = lax.axis_index("s")
    base = sid * _SL

    def feat_body(j, _):
        f = 2 * j + cid

        _hist_slice(xt_hbm, f, base, 0, h, kbuf, ybuf)
        _cross_tile_bases(sid, h, G, B, RT, gb, bbuf2, rtbuf, rtb1)
        _scatter_pass(xt_hbm, y_hbm, f, base, 0, h, stageA,
                      kbuf, ybuf, pbuf, posbuf, pbufB, posbufB, sem, semB)

        _hist_slice(stageA, f, base, 1, h, kbuf, ybuf)
        _cross_tile_bases(sid, h, G, B, RT, gb, bbuf2, rtbuf, rtb1)
        _scatter_pass(stageA, y_hbm, f, base, 1, h, stageB,
                      kbuf, ybuf, pbuf, posbuf, pbufB, posbufB, sem, semB)
        pltpu.sync_copy(stageB.at[pl.ds(base, _SL)],
                        srt_hbm.at[f, pl.ds(base, _SL)])
        plsc.subcore_barrier()
        return 0

    lax.fori_loop(0, nfeat // 2, feat_body, 0)


def _make_sc_sort(nfeat):
    return functools.partial(
        pl.kernel,
        functools.partial(_sc_sort_body, nfeat),
        mesh=plsc.VectorSubcoreMesh(core_axis_name="c", subcore_axis_name="s"),
        out_type=[
            jax.ShapeDtypeStruct((nfeat, _N), jnp.int32),
        ],
        scratch_types=[
            pltpu.VMEM_SHARED((_N,), jnp.int32),
            pltpu.VMEM_SHARED((_N,), jnp.int32),
            pltpu.VMEM_SHARED((16, _NBK), jnp.int32),
            pltpu.VMEM_SHARED((16, _NBK), jnp.int32),
            pltpu.VMEM_SHARED((16, 16), jnp.int32),
            pltpu.VMEM((_W,), jnp.float32),
            pltpu.VMEM((_W,), jnp.int32),
            pltpu.VMEM((_W,), jnp.int32),
            pltpu.VMEM((_W,), jnp.int32),
            pltpu.VMEM((_W,), jnp.int32),
            pltpu.VMEM((_W,), jnp.int32),
            pltpu.VMEM((_NBK,), jnp.int32),
            pltpu.VMEM((16, _DR), jnp.int32),
            pltpu.VMEM((16, _DR), jnp.int32),
            pltpu.VMEM((16, 16), jnp.int32),
            pltpu.VMEM((16,), jnp.int32),
            pltpu.SemaphoreType.DMA,
            pltpu.SemaphoreType.DMA,
        ],
        compiler_params=pltpu.CompilerParams(needs_layout_passes=False),
    )()



def _hist_kernel(y_ref, out_ref):
    blk = y_ref[...]
    g_row = lax.broadcasted_iota(jnp.int32, (256, 1), 0)
    t_col = jnp.zeros((256, 1), jnp.float32)
    for c in range(_C):
        t_c = jnp.sum((blk == c).astype(jnp.float32))
        t_col = t_col + jnp.where(g_row % _C == c, t_c, 0.0)
    out_ref[...] = t_col


def _gini_kernel(nf, fg, lab_ref, tot_ref, lt_ref, invl_ref, invr_ref,
                 out_ref, carry):
    i = pl.program_id(0)
    fc = fg * _C

    @pl.when(i == 0)
    def _():
        carry[...] = jnp.zeros_like(carry)

    lab = (lab_ref[...] & 15).astype(jnp.float32)
    g_row = lax.broadcasted_iota(jnp.int32, (fc, 1), 0)
    cvec = (g_row % _C).astype(jnp.float32)
    lab_rep = jnp.broadcast_to(
        lab.reshape(fg, 1, _B), (fg, 16, _B)
    ).reshape(fc, _B)
    oh = (lab_rep == cvec).astype(jnp.bfloat16)
    cum = jnp.dot(oh, lt_ref[...], preferred_element_type=jnp.float32) + carry[...]
    carry[...] = cum[:, _B - 1 : _B]

    t_col = tot_ref[...]
    rcnt = t_col - cum
    sumsq_l = jnp.sum((cum * cum).reshape(fg, 16, _B), axis=1)
    s_r = jnp.sum((rcnt * rcnt).reshape(fg, 16, _B), axis=1)

    inv_l = invl_ref[...]
    inv_r = invr_ref[...]
    out_ref[...] = 1.0 - (sumsq_l * inv_l + s_r * inv_r) / nf


_NGROUP = 1


def kernel(X, y):
    n, f = X.shape
    fg = f // _NGROUP
    xt = X.T

    y16 = y.reshape(16, n // 16)
    t_col = pl.pallas_call(
        _hist_kernel,
        out_shape=jax.ShapeDtypeStruct((256, 1), jnp.float32),
    )(y16)
    t_col_g = t_col[: fg * _C]

    lt = (
        jnp.arange(_B, dtype=jnp.int32)[:, None]
        <= jnp.arange(_B, dtype=jnp.int32)[None, :]
    ).astype(jnp.bfloat16)
    n_l = jnp.arange(1, n + 1, dtype=jnp.float32)
    inv_l = (1.0 / n_l)[None, :]
    inv_r = jnp.where(n_l < n, 1.0 / jnp.maximum(n - n_l, 1.0), 0.0)[None, :]

    sc_sort = _make_sc_sort(fg)
    nb = n // _B
    gini_call = pl.pallas_call(
        functools.partial(_gini_kernel, float(n), fg),
        grid=(nb,),
        in_specs=[
            pl.BlockSpec((fg, _B), lambda i: (0, i)),
            pl.BlockSpec((fg * _C, 1), lambda i: (0, 0)),
            pl.BlockSpec((_B, _B), lambda i: (0, 0)),
            pl.BlockSpec((1, _B), lambda i: (0, i)),
            pl.BlockSpec((1, _B), lambda i: (0, i)),
        ],
        out_specs=pl.BlockSpec((fg, _B), lambda i: (0, i)),
        out_shape=jax.ShapeDtypeStruct((fg, n), jnp.float32),
        scratch_shapes=[pltpu.VMEM((fg * _C, 1), jnp.float32)],
    )

    outs = []
    for g in range(_NGROUP):
        (srt,) = sc_sort(xt[g * fg : (g + 1) * fg], y)
        outs.append(gini_call(srt, t_col_g, lt, inv_l, inv_r))
    return jnp.concatenate(outs, axis=0)

# --- scband reference (transcript-rebuilt; emitter-appended) ---
"""Pipeline reference for scband-decision-tree-1116691497819 (READ-ONLY COPY).

The authoritative reference and input builder live on the scoring server;
editing this copy changes nothing except your own understanding.
"""

import jax, jax.numpy as jnp
import numpy as np

N, F, C = 524288, 16, 16

def setup_inputs(seed: int = 0):
    key = jax.random.key(seed)
    k1, k2 = jax.random.split(key)
    X = jax.random.uniform(k1, (N, F), dtype=jnp.float32)
    y = jax.random.randint(k2, (N,), 0, C, dtype=jnp.int32)
    return {"X": X, "y": y}

def reference(X, y):
    n, f = X.shape
    onehot_all = jax.nn.one_hot(y, C, dtype=jnp.float32)
    nf = jnp.float32(n)
    ginis = []
    for fi in range(f):
        order = jnp.argsort(X[:, fi])
        oh = jnp.take(onehot_all, order, axis=0)
        left_counts = jnp.cumsum(oh, axis=0)
        total = left_counts[-1]
        right_counts = total[None, :] - left_counts
        n_left = jnp.arange(1, n + 1, dtype=jnp.float32)
        n_right = nf - n_left
        p_left = left_counts / n_left[:, None]
        gini_left = 1.0 - jnp.sum(p_left ** 2, axis=1)
        p_right = right_counts / jnp.maximum(n_right, 1.0)[:, None]
        gini_right_raw = 1.0 - jnp.sum(p_right ** 2, axis=1)
        gini_right = jnp.where(n_right > 0, gini_right_raw, 0.0)
        g = (n_left / nf) * gini_left + (n_right / nf) * gini_right
        ginis.append(g)
    return jnp.stack(ginis, axis=0)

if __name__ == "__main__":
    import jax
    _d = setup_inputs()
    print(jax.jit(kernel)(*tuple(_d.values())))

</pallas_src>

<mosaic_0001>
#map = affine_map<(d0, d1) -> (0, 0)>
#map1 = affine_map<(d0, d1) -> (0)>
module attributes {stable_mosaic.version = 14 : i64} {
  func.func @_sc_sort_body(%arg0: i32, %arg1: i32, %arg2: memref<16x524288xf32, #tpu.memory_space<hbm>>, %arg3: memref<524288xi32, #tpu.memory_space<hbm>>, %arg4: memref<16x524288xi32, #tpu.memory_space<hbm>>, %arg5: memref<524288xi32, #tpu.memory_space<vmem_shared>>, %arg6: memref<524288xi32, #tpu.memory_space<vmem_shared>>, %arg7: memref<16x4096xi32, #tpu.memory_space<vmem_shared>>, %arg8: memref<16x4096xi32, #tpu.memory_space<vmem_shared>>, %arg9: memref<16x16xi32, #tpu.memory_space<vmem_shared>>, %arg10: memref<2048xf32, #tpu.memory_space<vmem>>, %arg11: memref<2048xi32, #tpu.memory_space<vmem>>, %arg12: memref<2048xi32, #tpu.memory_space<vmem>>, %arg13: memref<2048xi32, #tpu.memory_space<vmem>>, %arg14: memref<2048xi32, #tpu.memory_space<vmem>>, %arg15: memref<2048xi32, #tpu.memory_space<vmem>>, %arg16: memref<4096xi32, #tpu.memory_space<vmem>>, %arg17: memref<16x256xi32, #tpu.memory_space<vmem>>, %arg18: memref<16x256xi32, #tpu.memory_space<vmem>>, %arg19: memref<16x16xi32, #tpu.memory_space<vmem>>, %arg20: memref<16xi32, #tpu.memory_space<vmem>>, %arg21: memref<!tpu.dma_semaphore, #tpu.memory_space<semaphore_mem>>, %arg22: memref<!tpu.dma_semaphore, #tpu.memory_space<semaphore_mem>>) attributes {dimension_semantics = [#tpu.dimension_semantics<core_parallel>, #tpu.dimension_semantics<subcore_parallel>], iteration_bounds = array<i64: 2, 16>, scalar_prefetch = 0 : i64, scratch_operands = 18 : i64, tpu.core_type = #tpu.core_type<sc_vector_subcore>, window_params = [{transform_indices = #map}, {transform_indices = #map1}, {transform_indices = #map}]} {
    %mul3A = arith.constant 32768 : i32
    %mul3A_0 = arith.muli %arg1, %mul3A : i32
    %scan3A = arith.constant 0 : i32
    %scan3A_1 = arith.constant 0 : i32
    %scan3A_2 = arith.constant 8 : i32
    %scan3A_3 = arith.addi %scan3A_1, %scan3A_2 : i32
    %scan3A_4 = arith.constant 1 : i32
    %scan3A_5 = scf.for %scan3A_7 = %scan3A_1 to %scan3A_3 step %scan3A_4 iter_args(%scan3A_8 = %scan3A) -> (i32)  : i32 {
      %mul3A_9 = arith.constant 2 : i32
      %mul3A_10 = arith.muli %mul3A_9, %scan3A_7 : i32
      %add3A = arith.addi %mul3A_10, %arg0 : i32
      %scan3A_11 = arith.constant 0 : i32
      %scan3A_12 = arith.constant 0 : i32
      %scan3A_13 = arith.constant 256 : i32
      %scan3A_14 = arith.addi %scan3A_12, %scan3A_13 : i32
      %scan3A_15 = arith.constant 1 : i32
      %scan3A_16 = scf.for %scan3A_817 = %scan3A_12 to %scan3A_14 step %scan3A_15 iter_args(%scan3A_818 = %scan3A_11) -> (i32)  : i32 {
        %broadcast_in_dim3A_819 = arith.constant 0 : i32
        %broadcast_in_dim3A_820 = vector.broadcast %broadcast_in_dim3A_819 : i32 to vector<16xi32>
        %mul3A_821 = arith.constant 16 : i32
        %mul3A_822 = arith.muli %scan3A_817, %mul3A_821 : i32
        %swap3A_823 = arith.index_cast %mul3A_822 : i32 to index
        %swap3A_824 = tpu.vector_load %arg16[%swap3A_823] {strides = array<i32>} : memref<4096xi32, #tpu.memory_space<vmem>>, vector<16xi32>,
        tpu.vector_store %arg16[%swap3A_823], %broadcast_in_dim3A_820 {strides = array<i32>} : memref<4096xi32, #tpu.memory_space<vmem>>, vector<16xi32>,
        %scan3A_825 = arith.constant 0 : i32
        scf.yield %scan3A_825 : i32
      }
      %scan3A_17 = arith.constant 256 : i32
      %broadcast_in_dim3A = arith.constant 1 : i32
      %broadcast_in_dim3A_18 = vector.broadcast %broadcast_in_dim3A : i32 to vector<16xi32>
      %scan3A_19 = arith.constant 0 : i32
      %scan3A_20 = arith.constant 0 : i32
      %scan3A_21 = arith.constant 16 : i32
      %scan3A_22 = arith.addi %scan3A_20, %scan3A_21 : i32
      %scan3A_23 = arith.constant 1 : i32
      %scan3A_24 = scf.for %scan3A_817 = %scan3A_20 to %scan3A_22 step %scan3A_23 iter_args(%scan3A_818 = %scan3A_19) -> (i32)  : i32 {
        %mul3A_819 = arith.constant 2048 : i32
        %mul3A_820 = arith.muli %scan3A_817, %mul3A_819 : i32
        %add3A_821 = arith.addi %mul3A_0, %mul3A_820 : i32
        "tpu.region"() ({
          %run_scoped3A = tpu.sem_alloc : memref<!tpu.dma_semaphore, #tpu.memory_space<semaphore_mem>>
          %dma_start3A = tpu.memref_slice %arg2[%add3A, %add3A_821] : memref<16x524288xf32, #tpu.memory_space<hbm>> -> memref<1x2048xf32, #tpu.memory_space<hbm>>
          %dma_start3A_830 = tpu.memref_squeeze %dma_start3A : memref<1x2048xf32, #tpu.memory_space<hbm>> -> memref<2048xf32, #tpu.memory_space<hbm>>
          %dma_start3A_831 = tpu.memref_slice %arg2[%add3A, %add3A_821] : memref<16x524288xf32, #tpu.memory_space<hbm>> -> memref<1x2048xf32, #tpu.memory_space<hbm>>
          %dma_start3A_832 = tpu.memref_squeeze %dma_start3A_831 : memref<1x2048xf32, #tpu.memory_space<hbm>> -> memref<2048xf32, #tpu.memory_space<hbm>>
          tpu.enqueue_dma source(%dma_start3A_832 : memref<2048xf32, #tpu.memory_space<hbm>>) target(%arg10 : memref<2048xf32, #tpu.memory_space<vmem>>) target_semaphore(%run_scoped3A : memref<!tpu.dma_semaphore, #tpu.memory_space<semaphore_mem>>)
          %dma_wait3A_833 = tpu.memref_slice %arg2[%add3A, %add3A_821] : memref<16x524288xf32, #tpu.memory_space<hbm>> -> memref<1x2048xf32, #tpu.memory_space<hbm>>
          %dma_wait3A_834 = tpu.memref_squeeze %dma_wait3A_833 : memref<1x2048xf32, #tpu.memory_space<hbm>> -> memref<2048xf32, #tpu.memory_space<hbm>>
          %dma_wait3A_835 = tpu.memref_slice %arg2[%add3A, %add3A_821] : memref<16x524288xf32, #tpu.memory_space<hbm>> -> memref<1x2048xf32, #tpu.memory_space<hbm>>
          %dma_wait3A_836 = tpu.memref_squeeze %dma_wait3A_835 : memref<1x2048xf32, #tpu.memory_space<hbm>> -> memref<2048xf32, #tpu.memory_space<hbm>>
          tpu.wait_dma2 semaphore(%run_scoped3A : memref<!tpu.dma_semaphore, #tpu.memory_space<semaphore_mem>>) src(%dma_wait3A_836 : memref<2048xf32, #tpu.memory_space<hbm>>) dst(%arg10 : memref<2048xf32, #tpu.memory_space<vmem>>)
          tpu.yield
        }) : () -> ()
        %scan3A_822 = arith.constant 0 : i32
        %scan3A_823 = arith.constant 0 : i32
        %scan3A_824 = arith.constant 128 : i32
        %scan3A_825 = arith.addi %scan3A_823, %scan3A_824 : i32
        %scan3A_826 = arith.constant 1 : i32
        %scan3A_827 = scf.for %scan3A_830 = %scan3A_823 to %scan3A_825 step %scan3A_826 iter_args(%scan3A_831 = %scan3A_822) -> (i32)  : i32 {
          %mul3A_832 = arith.constant 16 : i32
          %mul3A_833 = arith.muli %scan3A_830, %mul3A_832 : i32
          %get3A = arith.index_cast %mul3A_833 : i32 to index
          %get3A_834 = tpu.vector_load %arg10[%get3A] {strides = array<i32>} : memref<2048xf32, #tpu.memory_space<vmem>>, vector<16xf32>,
          %mul3A_835 = arith.constant 0x4B800000 : f32
          %mul3A_836 = vector.broadcast %mul3A_835 : f32 to vector<16xf32>
          %mul3A_837 = arith.mulf %get3A_834, %mul3A_836 : vector<16xf32>
          %convert_element_type3A = arith.fptosi %mul3A_837 : vector<16xf32> to vector<16xi32>
          %and3A = arith.constant 4095 : i32
          %and3A_838 = vector.broadcast %and3A : i32 to vector<16xi32>
          %and3A_839 = arith.andi %convert_element_type3A, %and3A_838 : vector<16xi32>
          tpu.vector_store_idx %arg16[%and3A_839], %broadcast_in_dim3A_18 {add = true} : memref<4096xi32, #tpu.memory_space<vmem>>[vector<16xi32>], vector<16xi32>,
          %scan3A_840 = arith.constant 0 : i32
          scf.yield %scan3A_840 : i32
        }
        %scan3A_828 = arith.constant 128 : i32
        %scan3A_829 = arith.constant 0 : i32
        scf.yield %scan3A_829 : i32
      }
      %scan3A_25 = arith.constant 16 : i32
      "tpu.region"() ({
        %run_scoped3A = tpu.sem_alloc : memref<!tpu.dma_semaphore, #tpu.memory_space<semaphore_mem>>
        %dma_start3A = arith.constant 0 : i32
        %dma_start3A_817 = tpu.memref_slice %arg7[%arg1, %dma_start3A] : memref<16x4096xi32, #tpu.memory_space<vmem_shared>> -> memref<1x4096xi32, #tpu.memory_space<vmem_shared>>
        %dma_start3A_818 = tpu.memref_squeeze %dma_start3A_817 : memref<1x4096xi32, #tpu.memory_space<vmem_shared>> -> memref<4096xi32, #tpu.memory_space<vmem_shared>>
        %dma_start3A_819 = arith.constant 0 : i32
        %dma_start3A_820 = tpu.memref_slice %arg7[%arg1, %dma_start3A_819] : memref<16x4096xi32, #tpu.memory_space<vmem_shared>> -> memref<1x4096xi32, #tpu.memory_space<vmem_shared>>
        %dma_start3A_821 = tpu.memref_squeeze %dma_start3A_820 : memref<1x4096xi32, #tpu.memory_space<vmem_shared>> -> memref<4096xi32, #tpu.memory_space<vmem_shared>>
        tpu.enqueue_dma source(%arg16 : memref<4096xi32, #tpu.memory_space<vmem>>) target(%dma_start3A_821 : memref<4096xi32, #tpu.memory_space<vmem_shared>>) target_semaphore(%run_scoped3A : memref<!tpu.dma_semaphore, #tpu.memory_space<semaphore_mem>>)
        %dma_wait3A_822 = arith.constant 0 : i32
        %dma_wait3A_823 = tpu.memref_slice %arg7[%arg1, %dma_wait3A_822] : memref<16x4096xi32, #tpu.memory_space<vmem_shared>> -> memref<1x4096xi32, #tpu.memory_space<vmem_shared>>
        %dma_wait3A_824 = tpu.memref_squeeze %dma_wait3A_823 : memref<1x4096xi32, #tpu.memory_space<vmem_shared>> -> memref<4096xi32, #tpu.memory_space<vmem_shared>>
        %dma_wait3A_825 = arith.constant 0 : i32
        %dma_wait3A_826 = tpu.memref_slice %arg7[%arg1, %dma_wait3A_825] : memref<16x4096xi32, #tpu.memory_space<vmem_shared>> -> memref<1x4096xi32, #tpu.memory_space<vmem_shared>>
        %dma_wait3A_827 = tpu.memref_squeeze %dma_wait3A_826 : memref<1x4096xi32, #tpu.memory_space<vmem_shared>> -> memref<4096xi32, #tpu.memory_space<vmem_shared>>
        tpu.wait_dma2 semaphore(%run_scoped3A : memref<!tpu.dma_semaphore, #tpu.memory_space<semaphore_mem>>) src(%arg16 : memref<4096xi32, #tpu.memory_space<vmem>>) dst(%dma_wait3A_827 : memref<4096xi32, #tpu.memory_space<vmem_shared>>)
        tpu.yield
      }) : () -> ()
      %barrier3A = arith.constant 0 : index
      tpu.barrier barrier_id(%barrier3A)
      %mul3A_26 = arith.constant 256 : i32
      %mul3A_27 = arith.muli %arg1, %mul3A_26 : i32
      "tpu.region"() ({
        %run_scoped3A = tpu.sem_alloc : memref<!tpu.dma_semaphore, #tpu.memory_space<semaphore_mem>>
        %dma_start3A = arith.constant 0 : i32
        %dma_start3A_817 = tpu.memref_slice %arg7[%dma_start3A, %mul3A_27] : memref<16x4096xi32, #tpu.memory_space<vmem_shared>> -> memref<16x256xi32, #tpu.memory_space<vmem_shared>>
        %dma_start3A_818 = arith.constant 0 : i32
        %dma_start3A_819 = tpu.memref_slice %arg7[%dma_start3A_818, %mul3A_27] : memref<16x4096xi32, #tpu.memory_space<vmem_shared>> -> memref<16x256xi32, #tpu.memory_space<vmem_shared>>
        tpu.enqueue_dma source(%dma_start3A_819 : memref<16x256xi32, #tpu.memory_space<vmem_shared>>) target(%arg17 : memref<16x256xi32, #tpu.memory_space<vmem>>) target_semaphore(%run_scoped3A : memref<!tpu.dma_semaphore, #tpu.memory_space<semaphore_mem>>)
        %dma_wait3A_820 = arith.constant 0 : i32
        %dma_wait3A_821 = tpu.memref_slice %arg7[%dma_wait3A_820, %mul3A_27] : memref<16x4096xi32, #tpu.memory_space<vmem_shared>> -> memref<16x256xi32, #tpu.memory_space<vmem_shared>>
        %dma_wait3A_822 = arith.constant 0 : i32
        %dma_wait3A_823 = tpu.memref_slice %arg7[%dma_wait3A_822, %mul3A_27] : memref<16x4096xi32, #tpu.memory_space<vmem_shared>> -> memref<16x256xi32, #tpu.memory_space<vmem_shared>>
        tpu.wait_dma2 semaphore(%run_scoped3A : memref<!tpu.dma_semaphore, #tpu.memory_space<semaphore_mem>>) src(%dma_wait3A_823 : memref<16x256xi32, #tpu.memory_space<vmem_shared>>) dst(%arg17 : memref<16x256xi32, #tpu.memory_space<vmem>>)
        tpu.yield
      }) : () -> ()
      %broadcast_in_dim3A_28 = arith.constant 0 : i32
      %broadcast_in_dim3A_29 = vector.broadcast %broadcast_in_dim3A_28 : i32 to vector<16xi32>
      %scan3A_30 = arith.constant 0 : i32
      %scan3A_31 = arith.constant 16 : i32
      %scan3A_32 = arith.addi %scan3A_30, %scan3A_31 : i32
      %scan3A_33 = arith.constant 1 : i32
      %scan3A_34 = scf.for %scan3A_817 = %scan3A_30 to %scan3A_32 step %scan3A_33 iter_args(%scan3A_818 = %broadcast_in_dim3A_29) -> (vector<16xi32>)  : i32 {
        %get3A = arith.index_cast %scan3A_817 : i32 to index
        %get3A_819 = arith.constant 0 : index
        %get3A_820 = tpu.vector_load %arg17[%get3A, %get3A_819] {strides = array<i32>} : memref<16x256xi32, #tpu.memory_space<vmem>>, vector<16xi32>,
        %add3A_821 = arith.addi %scan3A_818, %get3A_820 : vector<16xi32>
        scf.yield %add3A_821 : vector<16xi32>
      }
      %scan3A_35 = arith.constant 16 : i32
      %broadcast_in_dim3A_36 = arith.constant true
      %broadcast_in_dim3A_37 = vector.broadcast %broadcast_in_dim3A_36 : i1 to vector<16xi1>
      %masked_cumsum3A = tpu.scan <sum>, %scan3A_34 masked %broadcast_in_dim3A_37 : vector<16xi32>, vector<16xi1> -> vector<16xi32>
      %sub3A = arith.subi %masked_cumsum3A, %scan3A_34 : vector<16xi32>
      %add3A_38 = arith.constant 0 : i32
      %add3A_39 = vector.broadcast %add3A_38 : i32 to vector<16xi32>
      %add3A_40 = arith.addi %sub3A, %add3A_39 : vector<16xi32>
      %reduce_sum3A = arith.constant true
      %reduce_sum3A_41 = vector.broadcast %reduce_sum3A : i1 to vector<16xi1>
      %reduce_sum3A_42 = tpu.scan <sum>, %scan3A_34 masked %reduce_sum3A_41 : vector<16xi32>, vector<16xi1> -> vector<16xi32>
      %reduce_sum3A_43 = vector.extract %reduce_sum3A_42[15] : i32 from vector<16xi32>
      %add3A_44 = arith.constant 0 : i32
      %add3A_45 = arith.addi %add3A_44, %reduce_sum3A_43 : i32
      %broadcast_in_dim3A_46 = arith.constant 0 : i32
      %broadcast_in_dim3A_47 = vector.broadcast %broadcast_in_dim3A_46 : i32 to vector<16xi32>
      %scan3A_48 = arith.constant 0 : i32
      %scan3A_49 = arith.constant 16 : i32
      %scan3A_50 = arith.addi %scan3A_48, %scan3A_49 : i32
      %scan3A_51 = arith.constant 1 : i32
      %scan3A_52 = scf.for %scan3A_817 = %scan3A_48 to %scan3A_50 step %scan3A_51 iter_args(%scan3A_818 = %broadcast_in_dim3A_47) -> (vector<16xi32>)  : i32 {
        %get3A = arith.index_cast %scan3A_817 : i32 to index
        %get3A_819 = arith.constant 16 : index
        %get3A_820 = tpu.vector_load %arg17[%get3A, %get3A_819] {strides = array<i32>} : memref<16x256xi32, #tpu.memory_space<vmem>>, vector<16xi32>,
        %add3A_821 = arith.addi %scan3A_818, %get3A_820 : vector<16xi32>
        scf.yield %add3A_821 : vector<16xi32>
      }
      %scan3A_53 = arith.constant 16 : i32
      %broadcast_in_dim3A_54 = arith.constant true
      %broadcast_in_dim3A_55 = vector.broadcast %broadcast_in_dim3A_54 : i1 to vector<16xi1>
      %masked_cumsum3A_56 = tpu.scan <sum>, %scan3A_52 masked %broadcast_in_dim3A_55 : vector<16xi32>, vector<16xi1> -> vector<16xi32>
      %sub3A_57 = arith.subi %masked_cumsum3A_56, %scan3A_52 : vector<16xi32>
      %add3A_58 = vector.broadcast %add3A_45 : i32 to vector<16xi32>
      %add3A_59 = arith.addi %sub3A_57, %add3A_58 : vector<16xi32>
      %reduce_sum3A_60 = arith.constant true
      %reduce_sum3A_61 = vector.broadcast %reduce_sum3A_60 : i1 to vector<16xi1>
      %reduce_sum3A_62 = tpu.scan <sum>, %scan3A_52 masked %reduce_sum3A_61 : vector<16xi32>, vector<16xi1> -> vector<16xi32>
      %reduce_sum3A_63 = vector.extract %reduce_sum3A_62[15] : i32 from vector<16xi32>
      %add3A_64 = arith.addi %add3A_45, %reduce_sum3A_63 : i32
      %broadcast_in_dim3A_65 = arith.constant 0 : i32
      %broadcast_in_dim3A_66 = vector.broadcast %broadcast_in_dim3A_65 : i32 to vector<16xi32>
      %scan3A_67 = arith.constant 0 : i32
      %scan3A_68 = arith.constant 16 : i32
      %scan3A_69 = arith.addi %scan3A_67, %scan3A_68 : i32
      %scan3A_70 = arith.constant 1 : i32
      %scan3A_71 = scf.for %scan3A_817 = %scan3A_67 to %scan3A_69 step %scan3A_70 iter_args(%scan3A_818 = %broadcast_in_dim3A_66) -> (vector<16xi32>)  : i32 {
        %get3A = arith.index_cast %scan3A_817 : i32 to index
        %get3A_819 = arith.constant 32 : index
        %get3A_820 = tpu.vector_load %arg17[%get3A, %get3A_819] {strides = array<i32>} : memref<16x256xi32, #tpu.memory_space<vmem>>, vector<16xi32>,
        %add3A_821 = arith.addi %scan3A_818, %get3A_820 : vector<16xi32>
        scf.yield %add3A_821 : vector<16xi32>
      }
      %scan3A_72 = arith.constant 16 : i32
      %broadcast_in_dim3A_73 = arith.constant true
      %broadcast_in_dim3A_74 = vector.broadcast %broadcast_in_dim3A_73 : i1 to vector<16xi1>
      %masked_cumsum3A_75 = tpu.scan <sum>, %scan3A_71 masked %broadcast_in_dim3A_74 : vector<16xi32>, vector<16xi1> -> vector<16xi32>
      %sub3A_76 = arith.subi %masked_cumsum3A_75, %scan3A_71 : vector<16xi32>
      %add3A_77 = vector.broadcast %add3A_64 : i32 to vector<16xi32>
      %add3A_78 = arith.addi %sub3A_76, %add3A_77 : vector<16xi32>
      %reduce_sum3A_79 = arith.constant true
      %reduce_sum3A_80 = vector.broadcast %reduce_sum3A_79 : i1 to vector<16xi1>
      %reduce_sum3A_81 = tpu.scan <sum>, %scan3A_71 masked %reduce_sum3A_80 : vector<16xi32>, vector<16xi1> -> vector<16xi32>
      %reduce_sum3A_82 = vector.extract %reduce_sum3A_81[15] : i32 from vector<16xi32>
      %add3A_83 = arith.addi %add3A_64, %reduce_sum3A_82 : i32
      %broadcast_in_dim3A_84 = arith.constant 0 : i32
      %broadcast_in_dim3A_85 = vector.broadcast %broadcast_in_dim3A_84 : i32 to vector<16xi32>
      %scan3A_86 = arith.constant 0 : i32
      %scan3A_87 = arith.constant 16 : i32
      %scan3A_88 = arith.addi %scan3A_86, %scan3A_87 : i32
      %scan3A_89 = arith.constant 1 : i32
      %scan3A_90 = scf.for %scan3A_817 = %scan3A_86 to %scan3A_88 step %scan3A_89 iter_args(%scan3A_818 = %broadcast_in_dim3A_85) -> (vector<16xi32>)  : i32 {
        %get3A = arith.index_cast %scan3A_817 : i32 to index
        %get3A_819 = arith.constant 48 : index
        %get3A_820 = tpu.vector_load %arg17[%get3A, %get3A_819] {strides = array<i32>} : memref<16x256xi32, #tpu.memory_space<vmem>>, vector<16xi32>,
        %add3A_821 = arith.addi %scan3A_818, %get3A_820 : vector<16xi32>
        scf.yield %add3A_821 : vector<16xi32>
      }
      %scan3A_91 = arith.constant 16 : i32
      %broadcast_in_dim3A_92 = arith.constant true
      %broadcast_in_dim3A_93 = vector.broadcast %broadcast_in_dim3A_92 : i1 to vector<16xi1>
      %masked_cumsum3A_94 = tpu.scan <sum>, %scan3A_90 masked %broadcast_in_dim3A_93 : vector<16xi32>, vector<16xi1> -> vector<16xi32>
      %sub3A_95 = arith.subi %masked_cumsum3A_94, %scan3A_90 : vector<16xi32>
      %add3A_96 = vector.broadcast %add3A_83 : i32 to vector<16xi32>
      %add3A_97 = arith.addi %sub3A_95, %add3A_96 : vector<16xi32>
      %reduce_sum3A_98 = arith.constant true
      %reduce_sum3A_99 = vector.broadcast %reduce_sum3A_98 : i1 to vector<16xi1>
      %reduce_sum3A_100 = tpu.scan <sum>, %scan3A_90 masked %reduce_sum3A_99 : vector<16xi32>, vector<16xi1> -> vector<16xi32>
      %reduce_sum3A_101 = vector.extract %reduce_sum3A_100[15] : i32 from vector<16xi32>
      %add3A_102 = arith.addi %add3A_83, %reduce_sum3A_101 : i32
      %broadcast_in_dim3A_103 = arith.constant 0 : i32
      %broadcast_in_dim3A_104 = vector.broadcast %broadcast_in_dim3A_103 : i32 to vector<16xi32>
      %scan3A_105 = arith.constant 0 : i32
      %scan3A_106 = arith.constant 16 : i32
      %scan3A_107 = arith.addi %scan3A_105, %scan3A_106 : i32
      %scan3A_108 = arith.constant 1 : i32
      %scan3A_109 = scf.for %scan3A_817 = %scan3A_105 to %scan3A_107 step %scan3A_108 iter_args(%scan3A_818 = %broadcast_in_dim3A_104) -> (vector<16xi32>)  : i32 {
        %get3A = arith.index_cast %scan3A_817 : i32 to index
        %get3A_819 = arith.constant 64 : index
        %get3A_820 = tpu.vector_load %arg17[%get3A, %get3A_819] {strides = array<i32>} : memref<16x256xi32, #tpu.memory_space<vmem>>, vector<16xi32>,
        %add3A_821 = arith.addi %scan3A_818, %get3A_820 : vector<16xi32>
        scf.yield %add3A_821 : vector<16xi32>
      }
      %scan3A_110 = arith.constant 16 : i32
      %broadcast_in_dim3A_111 = arith.constant true
      %broadcast_in_dim3A_112 = vector.broadcast %broadcast_in_dim3A_111 : i1 to vector<16xi1>
      %masked_cumsum3A_113 = tpu.scan <sum>, %scan3A_109 masked %broadcast_in_dim3A_112 : vector<16xi32>, vector<16xi1> -> vector<16xi32>
      %sub3A_114 = arith.subi %masked_cumsum3A_113, %scan3A_109 : vector<16xi32>
      %add3A_115 = vector.broadcast %add3A_102 : i32 to vector<16xi32>
      %add3A_116 = arith.addi %sub3A_114, %add3A_115 : vector<16xi32>
      %reduce_sum3A_117 = arith.constant true
      %reduce_sum3A_118 = vector.broadcast %reduce_sum3A_117 : i1 to vector<16xi1>
      %reduce_sum3A_119 = tpu.scan <sum>, %scan3A_109 masked %reduce_sum3A_118 : vector<16xi32>, vector<16xi1> -> vector<16xi32>
      %reduce_sum3A_120 = vector.extract %reduce_sum3A_119[15] : i32 from vector<16xi32>
      %add3A_121 = arith.addi %add3A_102, %reduce_sum3A_120 : i32
      %broadcast_in_dim3A_122 = arith.constant 0 : i32
      %broadcast_in_dim3A_123 = vector.broadcast %broadcast_in_dim3A_122 : i32 to vector<16xi32>
      %scan3A_124 = arith.constant 0 : i32
      %scan3A_125 = arith.constant 16 : i32
      %scan3A_126 = arith.addi %scan3A_124, %scan3A_125 : i32
      %scan3A_127 = arith.constant 1 : i32
      %scan3A_128 = scf.for %scan3A_817 = %scan3A_124 to %scan3A_126 step %scan3A_127 iter_args(%scan3A_818 = %broadcast_in_dim3A_123) -> (vector<16xi32>)  : i32 {
        %get3A = arith.index_cast %scan3A_817 : i32 to index
        %get3A_819 = arith.constant 80 : index
        %get3A_820 = tpu.vector_load %arg17[%get3A, %get3A_819] {strides = array<i32>} : memref<16x256xi32, #tpu.memory_space<vmem>>, vector<16xi32>,
        %add3A_821 = arith.addi %scan3A_818, %get3A_820 : vector<16xi32>
        scf.yield %add3A_821 : vector<16xi32>
      }
      %scan3A_129 = arith.constant 16 : i32
      %broadcast_in_dim3A_130 = arith.constant true
      %broadcast_in_dim3A_131 = vector.broadcast %broadcast_in_dim3A_130 : i1 to vector<16xi1>
      %masked_cumsum3A_132 = tpu.scan <sum>, %scan3A_128 masked %broadcast_in_dim3A_131 : vector<16xi32>, vector<16xi1> -> vector<16xi32>
      %sub3A_133 = arith.subi %masked_cumsum3A_132, %scan3A_128 : vector<16xi32>
      %add3A_134 = vector.broadcast %add3A_121 : i32 to vector<16xi32>
      %add3A_135 = arith.addi %sub3A_133, %add3A_134 : vector<16xi32>
      %reduce_sum3A_136 = arith.constant true
      %reduce_sum3A_137 = vector.broadcast %reduce_sum3A_136 : i1 to vector<16xi1>
      %reduce_sum3A_138 = tpu.scan <sum>, %scan3A_128 masked %reduce_sum3A_137 : vector<16xi32>, vector<16xi1> -> vector<16xi32>
      %reduce_sum3A_139 = vector.extract %reduce_sum3A_138[15] : i32 from vector<16xi32>
      %add3A_140 = arith.addi %add3A_121, %reduce_sum3A_139 : i32
      %broadcast_in_dim3A_141 = arith.constant 0 : i32
      %broadcast_in_dim3A_142 = vector.broadcast %broadcast_in_dim3A_141 : i32 to vector<16xi32>
      %scan3A_143 = arith.constant 0 : i32
      %scan3A_144 = arith.constant 16 : i32
      %scan3A_145 = arith.addi %scan3A_143, %scan3A_144 : i32
      %scan3A_146 = arith.constant 1 : i32
      %scan3A_147 = scf.for %scan3A_817 = %scan3A_143 to %scan3A_145 step %scan3A_146 iter_args(%scan3A_818 = %broadcast_in_dim3A_142) -> (vector<16xi32>)  : i32 {
        %get3A = arith.index_cast %scan3A_817 : i32 to index
        %get3A_819 = arith.constant 96 : index
        %get3A_820 = tpu.vector_load %arg17[%get3A, %get3A_819] {strides = array<i32>} : memref<16x256xi32, #tpu.memory_space<vmem>>, vector<16xi32>,
        %add3A_821 = arith.addi %scan3A_818, %get3A_820 : vector<16xi32>
        scf.yield %add3A_821 : vector<16xi32>
      }
      %scan3A_148 = arith.constant 16 : i32
      %broadcast_in_dim3A_149 = arith.constant true
      %broadcast_in_dim3A_150 = vector.broadcast %broadcast_in_dim3A_149 : i1 to vector<16xi1>
      %masked_cumsum3A_151 = tpu.scan <sum>, %scan3A_147 masked %broadcast_in_dim3A_150 : vector<16xi32>, vector<16xi1> -> vector<16xi32>
      %sub3A_152 = arith.subi %masked_cumsum3A_151, %scan3A_147 : vector<16xi32>
      %add3A_153 = vector.broadcast %add3A_140 : i32 to vector<16xi32>
      %add3A_154 = arith.addi %sub3A_152, %add3A_153 : vector<16xi32>
      %reduce_sum3A_155 = arith.constant true
      %reduce_sum3A_156 = vector.broadcast %reduce_sum3A_155 : i1 to vector<16xi1>
      %reduce_sum3A_157 = tpu.scan <sum>, %scan3A_147 masked %reduce_sum3A_156 : vector<16xi32>, vector<16xi1> -> vector<16xi32>
      %reduce_sum3A_158 = vector.extract %reduce_sum3A_157[15] : i32 from vector<16xi32>
      %add3A_159 = arith.addi %add3A_140, %reduce_sum3A_158 : i32
      %broadcast_in_dim3A_160 = arith.constant 0 : i32
      %broadcast_in_dim3A_161 = vector.broadcast %broadcast_in_dim3A_160 : i32 to vector<16xi32>
      %scan3A_162 = arith.constant 0 : i32
      %scan3A_163 = arith.constant 16 : i32
      %scan3A_164 = arith.addi %scan3A_162, %scan3A_163 : i32
      %scan3A_165 = arith.constant 1 : i32
      %scan3A_166 = scf.for %scan3A_817 = %scan3A_162 to %scan3A_164 step %scan3A_165 iter_args(%scan3A_818 = %broadcast_in_dim3A_161) -> (vector<16xi32>)  : i32 {
        %get3A = arith.index_cast %scan3A_817 : i32 to index
        %get3A_819 = arith.constant 112 : index
        %get3A_820 = tpu.vector_load %arg17[%get3A, %get3A_819] {strides = array<i32>} : memref<16x256xi32, #tpu.memory_space<vmem>>, vector<16xi32>,
        %add3A_821 = arith.addi %scan3A_818, %get3A_820 : vector<16xi32>
        scf.yield %add3A_821 : vector<16xi32>
      }
      %scan3A_167 = arith.constant 16 : i32
      %broadcast_in_dim3A_168 = arith.constant true
      %broadcast_in_dim3A_169 = vector.broadcast %broadcast_in_dim3A_168 : i1 to vector<16xi1>
      %masked_cumsum3A_170 = tpu.scan <sum>, %scan3A_166 masked %broadcast_in_dim3A_169 : vector<16xi32>, vector<16xi1> -> vector<16xi32>
      %sub3A_171 = arith.subi %masked_cumsum3A_170, %scan3A_166 : vector<16xi32>
      %add3A_172 = vector.broadcast %add3A_159 : i32 to vector<16xi32>
      %add3A_173 = arith.addi %sub3A_171, %add3A_172 : vector<16xi32>
      %reduce_sum3A_174 = arith.constant true
      %reduce_sum3A_175 = vector.broadcast %reduce_sum3A_174 : i1 to vector<16xi1>
      %reduce_sum3A_176 = tpu.scan <sum>, %scan3A_166 masked %reduce_sum3A_175 : vector<16xi32>, vector<16xi1> -> vector<16xi32>
      %reduce_sum3A_177 = vector.extract %reduce_sum3A_176[15] : i32 from vector<16xi32>
      %add3A_178 = arith.addi %add3A_159, %reduce_sum3A_177 : i32
      %broadcast_in_dim3A_179 = arith.constant 0 : i32
      %broadcast_in_dim3A_180 = vector.broadcast %broadcast_in_dim3A_179 : i32 to vector<16xi32>
      %scan3A_181 = arith.constant 0 : i32
      %scan3A_182 = arith.constant 16 : i32
      %scan3A_183 = arith.addi %scan3A_181, %scan3A_182 : i32
      %scan3A_184 = arith.constant 1 : i32
      %scan3A_185 = scf.for %scan3A_817 = %scan3A_181 to %scan3A_183 step %scan3A_184 iter_args(%scan3A_818 = %broadcast_in_dim3A_180) -> (vector<16xi32>)  : i32 {
        %get3A = arith.index_cast %scan3A_817 : i32 to index
        %get3A_819 = arith.constant 128 : index
        %get3A_820 = tpu.vector_load %arg17[%get3A, %get3A_819] {strides = array<i32>} : memref<16x256xi32, #tpu.memory_space<vmem>>, vector<16xi32>,
        %add3A_821 = arith.addi %scan3A_818, %get3A_820 : vector<16xi32>
        scf.yield %add3A_821 : vector<16xi32>
      }
      %scan3A_186 = arith.constant 16 : i32
      %broadcast_in_dim3A_187 = arith.constant true
      %broadcast_in_dim3A_188 = vector.broadcast %broadcast_in_dim3A_187 : i1 to vector<16xi1>
      %masked_cumsum3A_189 = tpu.scan <sum>, %scan3A_185 masked %broadcast_in_dim3A_188 : vector<16xi32>, vector<16xi1> -> vector<16xi32>
      %sub3A_190 = arith.subi %masked_cumsum3A_189, %scan3A_185 : vector<16xi32>
      %add3A_191 = vector.broadcast %add3A_178 : i32 to vector<16xi32>
      %add3A_192 = arith.addi %sub3A_190, %add3A_191 : vector<16xi32>
      %reduce_sum3A_193 = arith.constant true
      %reduce_sum3A_194 = vector.broadcast %reduce_sum3A_193 : i1 to vector<16xi1>
      %reduce_sum3A_195 = tpu.scan <sum>, %scan3A_185 masked %reduce_sum3A_194 : vector<16xi32>, vector<16xi1> -> vector<16xi32>
      %reduce_sum3A_196 = vector.extract %reduce_sum3A_195[15] : i32 from vector<16xi32>
      %add3A_197 = arith.addi %add3A_178, %reduce_sum3A_196 : i32
      %broadcast_in_dim3A_198 = arith.constant 0 : i32
      %broadcast_in_dim3A_199 = vector.broadcast %broadcast_in_dim3A_198 : i32 to vector<16xi32>
      %scan3A_200 = arith.constant 0 : i32
      %scan3A_201 = arith.constant 16 : i32
      %scan3A_202 = arith.addi %scan3A_200, %scan3A_201 : i32
      %scan3A_203 = arith.constant 1 : i32
      %scan3A_204 = scf.for %scan3A_817 = %scan3A_200 to %scan3A_202 step %scan3A_203 iter_args(%scan3A_818 = %broadcast_in_dim3A_199) -> (vector<16xi32>)  : i32 {
        %get3A = arith.index_cast %scan3A_817 : i32 to index
        %get3A_819 = arith.constant 144 : index
        %get3A_820 = tpu.vector_load %arg17[%get3A, %get3A_819] {strides = array<i32>} : memref<16x256xi32, #tpu.memory_space<vmem>>, vector<16xi32>,
        %add3A_821 = arith.addi %scan3A_818, %get3A_820 : vector<16xi32>
        scf.yield %add3A_821 : vector<16xi32>
      }
      %scan3A_205 = arith.constant 16 : i32
      %broadcast_in_dim3A_206 = arith.constant true
      %broadcast_in_dim3A_207 = vector.broadcast %broadcast_in_dim3A_206 : i1 to vector<16xi1>
      %masked_cumsum3A_208 = tpu.scan <sum>, %scan3A_204 masked %broadcast_in_dim3A_207 : vector<16xi32>, vector<16xi1> -> vector<16xi32>
      %sub3A_209 = arith.subi %masked_cumsum3A_208, %scan3A_204 : vector<16xi32>
      %add3A_210 = vector.broadcast %add3A_197 : i32 to vector<16xi32>
      %add3A_211 = arith.addi %sub3A_209, %add3A_210 : vector<16xi32>
      %reduce_sum3A_212 = arith.constant true
      %reduce_sum3A_213 = vector.broadcast %reduce_sum3A_212 : i1 to vector<16xi1>
      %reduce_sum3A_214 = tpu.scan <sum>, %scan3A_204 masked %reduce_sum3A_213 : vector<16xi32>, vector<16xi1> -> vector<16xi32>
      %reduce_sum3A_215 = vector.extract %reduce_sum3A_214[15] : i32 from vector<16xi32>
      %add3A_216 = arith.addi %add3A_197, %reduce_sum3A_215 : i32
      %broadcast_in_dim3A_217 = arith.constant 0 : i32
      %broadcast_in_dim3A_218 = vector.broadcast %broadcast_in_dim3A_217 : i32 to vector<16xi32>
      %scan3A_219 = arith.constant 0 : i32
      %scan3A_220 = arith.constant 16 : i32
      %scan3A_221 = arith.addi %scan3A_219, %scan3A_220 : i32
      %scan3A_222 = arith.constant 1 : i32
      %scan3A_223 = scf.for %scan3A_817 = %scan3A_219 to %scan3A_221 step %scan3A_222 iter_args(%scan3A_818 = %broadcast_in_dim3A_218) -> (vector<16xi32>)  : i32 {
        %get3A = arith.index_cast %scan3A_817 : i32 to index
        %get3A_819 = arith.constant 160 : index
        %get3A_820 = tpu.vector_load %arg17[%get3A, %get3A_819] {strides = array<i32>} : memref<16x256xi32, #tpu.memory_space<vmem>>, vector<16xi32>,
        %add3A_821 = arith.addi %scan3A_818, %get3A_820 : vector<16xi32>
        scf.yield %add3A_821 : vector<16xi32>
      }
      %scan3A_224 = arith.constant 16 : i32
      %broadcast_in_dim3A_225 = arith.constant true
      %broadcast_in_dim3A_226 = vector.broadcast %broadcast_in_dim3A_225 : i1 to vector<16xi1>
      %masked_cumsum3A_227 = tpu.scan <sum>, %scan3A_223 masked %broadcast_in_dim3A_226 : vector<16xi32>, vector<16xi1> -> vector<16xi32>
      %sub3A_228 = arith.subi %masked_cumsum3A_227, %scan3A_223 : vector<16xi32>
      %add3A_229 = vector.broadcast %add3A_216 : i32 to vector<16xi32>
      %add3A_230 = arith.addi %sub3A_228, %add3A_229 : vector<16xi32>
      %reduce_sum3A_231 = arith.constant true
      %reduce_sum3A_232 = vector.broadcast %reduce_sum3A_231 : i1 to vector<16xi1>
      %reduce_sum3A_233 = tpu.scan <sum>, %scan3A_223 masked %reduce_sum3A_232 : vector<16xi32>, vector<16xi1> -> vector<16xi32>
      %reduce_sum3A_234 = vector.extract %reduce_sum3A_233[15] : i32 from vector<16xi32>
      %add3A_235 = arith.addi %add3A_216, %reduce_sum3A_234 : i32
      %broadcast_in_dim3A_236 = arith.constant 0 : i32
      %broadcast_in_dim3A_237 = vector.broadcast %broadcast_in_dim3A_236 : i32 to vector<16xi32>
      %scan3A_238 = arith.constant 0 : i32
      %scan3A_239 = arith.constant 16 : i32
      %scan3A_240 = arith.addi %scan3A_238, %scan3A_239 : i32
      %scan3A_241 = arith.constant 1 : i32
      %scan3A_242 = scf.for %scan3A_817 = %scan3A_238 to %scan3A_240 step %scan3A_241 iter_args(%scan3A_818 = %broadcast_in_dim3A_237) -> (vector<16xi32>)  : i32 {
        %get3A = arith.index_cast %scan3A_817 : i32 to index
        %get3A_819 = arith.constant 176 : index
        %get3A_820 = tpu.vector_load %arg17[%get3A, %get3A_819] {strides = array<i32>} : memref<16x256xi32, #tpu.memory_space<vmem>>, vector<16xi32>,
        %add3A_821 = arith.addi %scan3A_818, %get3A_820 : vector<16xi32>
        scf.yield %add3A_821 : vector<16xi32>
      }
      %scan3A_243 = arith.constant 16 : i32
      %broadcast_in_dim3A_244 = arith.constant true
      %broadcast_in_dim3A_245 = vector.broadcast %broadcast_in_dim3A_244 : i1 to vector<16xi1>
      %masked_cumsum3A_246 = tpu.scan <sum>, %scan3A_242 masked %broadcast_in_dim3A_245 : vector<16xi32>, vector<16xi1> -> vector<16xi32>
      %sub3A_247 = arith.subi %masked_cumsum3A_246, %scan3A_242 : vector<16xi32>
      %add3A_248 = vector.broadcast %add3A_235 : i32 to vector<16xi32>
      %add3A_249 = arith.addi %sub3A_247, %add3A_248 : vector<16xi32>
      %reduce_sum3A_250 = arith.constant true
      %reduce_sum3A_251 = vector.broadcast %reduce_sum3A_250 : i1 to vector<16xi1>
      %reduce_sum3A_252 = tpu.scan <sum>, %scan3A_242 masked %reduce_sum3A_251 : vector<16xi32>, vector<16xi1> -> vector<16xi32>
      %reduce_sum3A_253 = vector.extract %reduce_sum3A_252[15] : i32 from vector<16xi32>
      %add3A_254 = arith.addi %add3A_235, %reduce_sum3A_253 : i32
      %broadcast_in_dim3A_255 = arith.constant 0 : i32
      %broadcast_in_dim3A_256 = vector.broadcast %broadcast_in_dim3A_255 : i32 to vector<16xi32>
      %scan3A_257 = arith.constant 0 : i32
      %scan3A_258 = arith.constant 16 : i32
      %scan3A_259 = arith.addi %scan3A_257, %scan3A_258 : i32
      %scan3A_260 = arith.constant 1 : i32
      %scan3A_261 = scf.for %scan3A_817 = %scan3A_257 to %scan3A_259 step %scan3A_260 iter_args(%scan3A_818 = %broadcast_in_dim3A_256) -> (vector<16xi32>)  : i32 {
        %get3A = arith.index_cast %scan3A_817 : i32 to index
        %get3A_819 = arith.constant 192 : index
        %get3A_820 = tpu.vector_load %arg17[%get3A, %get3A_819] {strides = array<i32>} : memref<16x256xi32, #tpu.memory_space<vmem>>, vector<16xi32>,
        %add3A_821 = arith.addi %scan3A_818, %get3A_820 : vector<16xi32>
        scf.yield %add3A_821 : vector<16xi32>
      }
      %scan3A_262 = arith.constant 16 : i32
      %broadcast_in_dim3A_263 = arith.constant true
      %broadcast_in_dim3A_264 = vector.broadcast %broadcast_in_dim3A_263 : i1 to vector<16xi1>
      %masked_cumsum3A_265 = tpu.scan <sum>, %scan3A_261 masked %broadcast_in_dim3A_264 : vector<16xi32>, vector<16xi1> -> vector<16xi32>
      %sub3A_266 = arith.subi %masked_cumsum3A_265, %scan3A_261 : vector<16xi32>
      %add3A_267 = vector.broadcast %add3A_254 : i32 to vector<16xi32>
      %add3A_268 = arith.addi %sub3A_266, %add3A_267 : vector<16xi32>
      %reduce_sum3A_269 = arith.constant true
      %reduce_sum3A_270 = vector.broadcast %reduce_sum3A_269 : i1 to vector<16xi1>
      %reduce_sum3A_271 = tpu.scan <sum>, %scan3A_261 masked %reduce_sum3A_270 : vector<16xi32>, vector<16xi1> -> vector<16xi32>
      %reduce_sum3A_272 = vector.extract %reduce_sum3A_271[15] : i32 from vector<16xi32>
      %add3A_273 = arith.addi %add3A_254, %reduce_sum3A_272 : i32
      %broadcast_in_dim3A_274 = arith.constant 0 : i32
      %broadcast_in_dim3A_275 = vector.broadcast %broadcast_in_dim3A_274 : i32 to vector<16xi32>
      %scan3A_276 = arith.constant 0 : i32
      %scan3A_277 = arith.constant 16 : i32
      %scan3A_278 = arith.addi %scan3A_276, %scan3A_277 : i32
      %scan3A_279 = arith.constant 1 : i32
      %scan3A_280 = scf.for %scan3A_817 = %scan3A_276 to %scan3A_278 step %scan3A_279 iter_args(%scan3A_818 = %broadcast_in_dim3A_275) -> (vector<16xi32>)  : i32 {
        %get3A = arith.index_cast %scan3A_817 : i32 to index
        %get3A_819 = arith.constant 208 : index
        %get3A_820 = tpu.vector_load %arg17[%get3A, %get3A_819] {strides = array<i32>} : memref<16x256xi32, #tpu.memory_space<vmem>>, vector<16xi32>,
        %add3A_821 = arith.addi %scan3A_818, %get3A_820 : vector<16xi32>
        scf.yield %add3A_821 : vector<16xi32>
      }
      %scan3A_281 = arith.constant 16 : i32
      %broadcast_in_dim3A_282 = arith.constant true
      %broadcast_in_dim3A_283 = vector.broadcast %broadcast_in_dim3A_282 : i1 to vector<16xi1>
      %masked_cumsum3A_284 = tpu.scan <sum>, %scan3A_280 masked %broadcast_in_dim3A_283 : vector<16xi32>, vector<16xi1> -> vector<16xi32>
      %sub3A_285 = arith.subi %masked_cumsum3A_284, %scan3A_280 : vector<16xi32>
      %add3A_286 = vector.broadcast %add3A_273 : i32 to vector<16xi32>
      %add3A_287 = arith.addi %sub3A_285, %add3A_286 : vector<16xi32>
      %reduce_sum3A_288 = arith.constant true
      %reduce_sum3A_289 = vector.broadcast %reduce_sum3A_288 : i1 to vector<16xi1>
      %reduce_sum3A_290 = tpu.scan <sum>, %scan3A_280 masked %reduce_sum3A_289 : vector<16xi32>, vector<16xi1> -> vector<16xi32>
      %reduce_sum3A_291 = vector.extract %reduce_sum3A_290[15] : i32 from vector<16xi32>
      %add3A_292 = arith.addi %add3A_273, %reduce_sum3A_291 : i32
      %broadcast_in_dim3A_293 = arith.constant 0 : i32
      %broadcast_in_dim3A_294 = vector.broadcast %broadcast_in_dim3A_293 : i32 to vector<16xi32>
      %scan3A_295 = arith.constant 0 : i32
      %scan3A_296 = arith.constant 16 : i32
      %scan3A_297 = arith.addi %scan3A_295, %scan3A_296 : i32
      %scan3A_298 = arith.constant 1 : i32
      %scan3A_299 = scf.for %scan3A_817 = %scan3A_295 to %scan3A_297 step %scan3A_298 iter_args(%scan3A_818 = %broadcast_in_dim3A_294) -> (vector<16xi32>)  : i32 {
        %get3A = arith.index_cast %scan3A_817 : i32 to index
        %get3A_819 = arith.constant 224 : index
        %get3A_820 = tpu.vector_load %arg17[%get3A, %get3A_819] {strides = array<i32>} : memref<16x256xi32, #tpu.memory_space<vmem>>, vector<16xi32>,
        %add3A_821 = arith.addi %scan3A_818, %get3A_820 : vector<16xi32>
        scf.yield %add3A_821 : vector<16xi32>
      }
      %scan3A_300 = arith.constant 16 : i32
      %broadcast_in_dim3A_301 = arith.constant true
      %broadcast_in_dim3A_302 = vector.broadcast %broadcast_in_dim3A_301 : i1 to vector<16xi1>
      %masked_cumsum3A_303 = tpu.scan <sum>, %scan3A_299 masked %broadcast_in_dim3A_302 : vector<16xi32>, vector<16xi1> -> vector<16xi32>
      %sub3A_304 = arith.subi %masked_cumsum3A_303, %scan3A_299 : vector<16xi32>
      %add3A_305 = vector.broadcast %add3A_292 : i32 to vector<16xi32>
      %add3A_306 = arith.addi %sub3A_304, %add3A_305 : vector<16xi32>
      %reduce_sum3A_307 = arith.constant true
      %reduce_sum3A_308 = vector.broadcast %reduce_sum3A_307 : i1 to vector<16xi1>
      %reduce_sum3A_309 = tpu.scan <sum>, %scan3A_299 masked %reduce_sum3A_308 : vector<16xi32>, vector<16xi1> -> vector<16xi32>
      %reduce_sum3A_310 = vector.extract %reduce_sum3A_309[15] : i32 from vector<16xi32>
      %add3A_311 = arith.addi %add3A_292, %reduce_sum3A_310 : i32
      %broadcast_in_dim3A_312 = arith.constant 0 : i32
      %broadcast_in_dim3A_313 = vector.broadcast %broadcast_in_dim3A_312 : i32 to vector<16xi32>
      %scan3A_314 = arith.constant 0 : i32
      %scan3A_315 = arith.constant 16 : i32
      %scan3A_316 = arith.addi %scan3A_314, %scan3A_315 : i32
      %scan3A_317 = arith.constant 1 : i32
      %scan3A_318 = scf.for %scan3A_817 = %scan3A_314 to %scan3A_316 step %scan3A_317 iter_args(%scan3A_818 = %broadcast_in_dim3A_313) -> (vector<16xi32>)  : i32 {
        %get3A = arith.index_cast %scan3A_817 : i32 to index
        %get3A_819 = arith.constant 240 : index
        %get3A_820 = tpu.vector_load %arg17[%get3A, %get3A_819] {strides = array<i32>} : memref<16x256xi32, #tpu.memory_space<vmem>>, vector<16xi32>,
        %add3A_821 = arith.addi %scan3A_818, %get3A_820 : vector<16xi32>
        scf.yield %add3A_821 : vector<16xi32>
      }
      %scan3A_319 = arith.constant 16 : i32
      %broadcast_in_dim3A_320 = arith.constant true
      %broadcast_in_dim3A_321 = vector.broadcast %broadcast_in_dim3A_320 : i1 to vector<16xi1>
      %masked_cumsum3A_322 = tpu.scan <sum>, %scan3A_318 masked %broadcast_in_dim3A_321 : vector<16xi32>, vector<16xi1> -> vector<16xi32>
      %sub3A_323 = arith.subi %masked_cumsum3A_322, %scan3A_318 : vector<16xi32>
      %add3A_324 = vector.broadcast %add3A_311 : i32 to vector<16xi32>
      %add3A_325 = arith.addi %sub3A_323, %add3A_324 : vector<16xi32>
      %reduce_sum3A_326 = arith.constant true
      %reduce_sum3A_327 = vector.broadcast %reduce_sum3A_326 : i1 to vector<16xi1>
      %reduce_sum3A_328 = tpu.scan <sum>, %scan3A_318 masked %reduce_sum3A_327 : vector<16xi32>, vector<16xi1> -> vector<16xi32>
      %reduce_sum3A_329 = vector.extract %reduce_sum3A_328[15] : i32 from vector<16xi32>
      %add3A_330 = arith.addi %add3A_311, %reduce_sum3A_329 : i32
      %iota3A = tpu.iota {dimensions = array<i32: 0>} : vector<16xi32>
      %eq3A = vector.broadcast %arg1 : i32 to vector<16xi32>
      %eq3A_331 = arith.cmpi eq, %iota3A, %eq3A : vector<16xi32>
      %jit3A = arith.constant 0 : i32
      %broadcast_in_dim3A_332 = vector.broadcast %add3A_330 : i32 to vector<16xi32>
      %broadcast_in_dim3A_333 = vector.broadcast %jit3A : i32 to vector<16xi32>
      %select_n3A = arith.select %eq3A_331, %broadcast_in_dim3A_332, %broadcast_in_dim3A_333 : vector<16xi1>, vector<16xi32>
      %swap3A = arith.constant 0 : index
      %swap3A_334 = tpu.vector_load %arg20[%swap3A] {strides = array<i32>} : memref<16xi32, #tpu.memory_space<vmem>>, vector<16xi32>,
      tpu.vector_store %arg20[%swap3A], %select_n3A {strides = array<i32>} : memref<16xi32, #tpu.memory_space<vmem>>, vector<16xi32>,
      "tpu.region"() ({
        %run_scoped3A = tpu.sem_alloc : memref<!tpu.dma_semaphore, #tpu.memory_space<semaphore_mem>>
        %dma_start3A = arith.constant 0 : i32
        %dma_start3A_817 = tpu.memref_slice %arg9[%arg1, %dma_start3A] : memref<16x16xi32, #tpu.memory_space<vmem_shared>> -> memref<1x16xi32, #tpu.memory_space<vmem_shared>>
        %dma_start3A_818 = tpu.memref_squeeze %dma_start3A_817 : memref<1x16xi32, #tpu.memory_space<vmem_shared>> -> memref<16xi32, #tpu.memory_space<vmem_shared>>
        %dma_start3A_819 = arith.constant 0 : i32
        %dma_start3A_820 = tpu.memref_slice %arg9[%arg1, %dma_start3A_819] : memref<16x16xi32, #tpu.memory_space<vmem_shared>> -> memref<1x16xi32, #tpu.memory_space<vmem_shared>>
        %dma_start3A_821 = tpu.memref_squeeze %dma_start3A_820 : memref<1x16xi32, #tpu.memory_space<vmem_shared>> -> memref<16xi32, #tpu.memory_space<vmem_shared>>
        tpu.enqueue_dma source(%arg20 : memref<16xi32, #tpu.memory_space<vmem>>) target(%dma_start3A_821 : memref<16xi32, #tpu.memory_space<vmem_shared>>) target_semaphore(%run_scoped3A : memref<!tpu.dma_semaphore, #tpu.memory_space<semaphore_mem>>)
        %dma_wait3A_822 = arith.constant 0 : i32
        %dma_wait3A_823 = tpu.memref_slice %arg9[%arg1, %dma_wait3A_822] : memref<16x16xi32, #tpu.memory_space<vmem_shared>> -> memref<1x16xi32, #tpu.memory_space<vmem_shared>>
        %dma_wait3A_824 = tpu.memref_squeeze %dma_wait3A_823 : memref<1x16xi32, #tpu.memory_space<vmem_shared>> -> memref<16xi32, #tpu.memory_space<vmem_shared>>
        %dma_wait3A_825 = arith.constant 0 : i32
        %dma_wait3A_826 = tpu.memref_slice %arg9[%arg1, %dma_wait3A_825] : memref<16x16xi32, #tpu.memory_space<vmem_shared>> -> memref<1x16xi32, #tpu.memory_space<vmem_shared>>
        %dma_wait3A_827 = tpu.memref_squeeze %dma_wait3A_826 : memref<1x16xi32, #tpu.memory_space<vmem_shared>> -> memref<16xi32, #tpu.memory_space<vmem_shared>>
        tpu.wait_dma2 semaphore(%run_scoped3A : memref<!tpu.dma_semaphore, #tpu.memory_space<semaphore_mem>>) src(%arg20 : memref<16xi32, #tpu.memory_space<vmem>>) dst(%dma_wait3A_827 : memref<16xi32, #tpu.memory_space<vmem_shared>>)
        tpu.yield
      }) : () -> ()
      %barrier3A_335 = arith.constant 0 : index
      tpu.barrier barrier_id(%barrier3A_335)
      "tpu.region"() ({
        %run_scoped3A = tpu.sem_alloc : memref<!tpu.dma_semaphore, #tpu.memory_space<semaphore_mem>>
        tpu.enqueue_dma source(%arg9 : memref<16x16xi32, #tpu.memory_space<vmem_shared>>) target(%arg19 : memref<16x16xi32, #tpu.memory_space<vmem>>) target_semaphore(%run_scoped3A : memref<!tpu.dma_semaphore, #tpu.memory_space<semaphore_mem>>)
        tpu.wait_dma2 semaphore(%run_scoped3A : memref<!tpu.dma_semaphore, #tpu.memory_space<semaphore_mem>>) src(%arg9 : memref<16x16xi32, #tpu.memory_space<vmem_shared>>) dst(%arg19 : memref<16x16xi32, #tpu.memory_space<vmem>>)
        tpu.yield
      }) : () -> ()
      %broadcast_in_dim3A_336 = arith.constant 0 : i32
      %broadcast_in_dim3A_337 = vector.broadcast %broadcast_in_dim3A_336 : i32 to vector<16xi32>
      %scan3A_338 = arith.constant 0 : i32
      %scan3A_339 = arith.constant 16 : i32
      %scan3A_340 = arith.addi %scan3A_338, %scan3A_339 : i32
      %scan3A_341 = arith.constant 1 : i32
      %scan3A_342 = scf.for %scan3A_817 = %scan3A_338 to %scan3A_340 step %scan3A_341 iter_args(%scan3A_818 = %broadcast_in_dim3A_337) -> (vector<16xi32>)  : i32 {
        %get3A = arith.index_cast %scan3A_817 : i32 to index
        %get3A_819 = arith.constant 0 : index
        %get3A_820 = tpu.vector_load %arg19[%get3A, %get3A_819] {strides = array<i32>} : memref<16x16xi32, #tpu.memory_space<vmem>>, vector<16xi32>,
        %add3A_821 = arith.addi %scan3A_818, %get3A_820 : vector<16xi32>
        scf.yield %add3A_821 : vector<16xi32>
      }
      %scan3A_343 = arith.constant 16 : i32
      %iota3A_344 = tpu.iota {dimensions = array<i32: 0>} : vector<16xi32>
      %lt3A = vector.broadcast %arg1 : i32 to vector<16xi32>
      %lt3A_345 = arith.cmpi slt, %iota3A_344, %lt3A : vector<16xi32>
      %jit3A_346 = arith.constant 0 : i32
      %broadcast_in_dim3A_347 = vector.broadcast %jit3A_346 : i32 to vector<16xi32>
      %select_n3A_348 = arith.select %lt3A_345, %scan3A_342, %broadcast_in_dim3A_347 : vector<16xi1>, vector<16xi32>
      %reduce_sum3A_349 = arith.constant true
      %reduce_sum3A_350 = vector.broadcast %reduce_sum3A_349 : i1 to vector<16xi1>
      %reduce_sum3A_351 = tpu.scan <sum>, %select_n3A_348 masked %reduce_sum3A_350 : vector<16xi32>, vector<16xi1> -> vector<16xi32>
      %reduce_sum3A_352 = vector.extract %reduce_sum3A_351[15] : i32 from vector<16xi32>
      %add3A_353 = vector.broadcast %reduce_sum3A_352 : i32 to vector<16xi32>
      %add3A_354 = arith.addi %add3A_40, %add3A_353 : vector<16xi32>
      %add3A_355 = vector.broadcast %reduce_sum3A_352 : i32 to vector<16xi32>
      %add3A_356 = arith.addi %add3A_59, %add3A_355 : vector<16xi32>
      %add3A_357 = vector.broadcast %reduce_sum3A_352 : i32 to vector<16xi32>
      %add3A_358 = arith.addi %add3A_78, %add3A_357 : vector<16xi32>
      %add3A_359 = vector.broadcast %reduce_sum3A_352 : i32 to vector<16xi32>
      %add3A_360 = arith.addi %add3A_97, %add3A_359 : vector<16xi32>
      %add3A_361 = vector.broadcast %reduce_sum3A_352 : i32 to vector<16xi32>
      %add3A_362 = arith.addi %add3A_116, %add3A_361 : vector<16xi32>
      %add3A_363 = vector.broadcast %reduce_sum3A_352 : i32 to vector<16xi32>
      %add3A_364 = arith.addi %add3A_135, %add3A_363 : vector<16xi32>
      %add3A_365 = vector.broadcast %reduce_sum3A_352 : i32 to vector<16xi32>
      %add3A_366 = arith.addi %add3A_154, %add3A_365 : vector<16xi32>
      %add3A_367 = vector.broadcast %reduce_sum3A_352 : i32 to vector<16xi32>
      %add3A_368 = arith.addi %add3A_173, %add3A_367 : vector<16xi32>
      %add3A_369 = vector.broadcast %reduce_sum3A_352 : i32 to vector<16xi32>
      %add3A_370 = arith.addi %add3A_192, %add3A_369 : vector<16xi32>
      %add3A_371 = vector.broadcast %reduce_sum3A_352 : i32 to vector<16xi32>
      %add3A_372 = arith.addi %add3A_211, %add3A_371 : vector<16xi32>
      %add3A_373 = vector.broadcast %reduce_sum3A_352 : i32 to vector<16xi32>
      %add3A_374 = arith.addi %add3A_230, %add3A_373 : vector<16xi32>
      %add3A_375 = vector.broadcast %reduce_sum3A_352 : i32 to vector<16xi32>
      %add3A_376 = arith.addi %add3A_249, %add3A_375 : vector<16xi32>
      %add3A_377 = vector.broadcast %reduce_sum3A_352 : i32 to vector<16xi32>
      %add3A_378 = arith.addi %add3A_268, %add3A_377 : vector<16xi32>
      %add3A_379 = vector.broadcast %reduce_sum3A_352 : i32 to vector<16xi32>
      %add3A_380 = arith.addi %add3A_287, %add3A_379 : vector<16xi32>
      %add3A_381 = vector.broadcast %reduce_sum3A_352 : i32 to vector<16xi32>
      %add3A_382 = arith.addi %add3A_306, %add3A_381 : vector<16xi32>
      %add3A_383 = vector.broadcast %reduce_sum3A_352 : i32 to vector<16xi32>
      %add3A_384 = arith.addi %add3A_325, %add3A_383 : vector<16xi32>
      %scan3A_385 = arith.constant 0 : i32
      %scan3A_386 = arith.constant 16 : i32
      %scan3A_387 = arith.addi %scan3A_385, %scan3A_386 : i32
      %scan3A_388 = arith.constant 1 : i32
      %scan3A_389:16 = scf.for %scan3A_817 = %scan3A_385 to %scan3A_387 step %scan3A_388 iter_args(%scan3A_818 = %add3A_354, %scan3A_819 = %add3A_356, %scan3A_820 = %add3A_358, %scan3A_821 = %add3A_360, %scan3A_822 = %add3A_362, %scan3A_823 = %add3A_364, %scan3A_824 = %add3A_366, %scan3A_825 = %add3A_368, %scan3A_826 = %add3A_370, %scan3A_827 = %add3A_372, %scan3A_828 = %add3A_374, %scan3A_829 = %add3A_376, %scan3A_830 = %add3A_378, %scan3A_831 = %add3A_380, %scan3A_832 = %add3A_382, %scan3A_833 = %add3A_384) -> (vector<16xi32>, vector<16xi32>, vector<16xi32>, vector<16xi32>, vector<16xi32>, vector<16xi32>, vector<16xi32>, vector<16xi32>, vector<16xi32>, vector<16xi32>, vector<16xi32>, vector<16xi32>, vector<16xi32>, vector<16xi32>, vector<16xi32>, vector<16xi32>)  : i32 {
        %swap3A_834 = arith.index_cast %scan3A_817 : i32 to index
        %swap3A_835 = arith.constant 0 : index
        %swap3A_836 = tpu.vector_load %arg18[%swap3A_834, %swap3A_835] {strides = array<i32>} : memref<16x256xi32, #tpu.memory_space<vmem>>, vector<16xi32>,
        tpu.vector_store %arg18[%swap3A_834, %swap3A_835], %scan3A_818 {strides = array<i32>} : memref<16x256xi32, #tpu.memory_space<vmem>>, vector<16xi32>,
        %get3A = arith.index_cast %scan3A_817 : i32 to index
        %get3A_837 = arith.constant 0 : index
        %get3A_838 = tpu.vector_load %arg17[%get3A, %get3A_837] {strides = array<i32>} : memref<16x256xi32, #tpu.memory_space<vmem>>, vector<16xi32>,
        %add3A_839 = arith.addi %scan3A_818, %get3A_838 : vector<16xi32>
        %swap3A_840 = arith.index_cast %scan3A_817 : i32 to index
        %swap3A_841 = arith.constant 16 : index
        %swap3A_842 = tpu.vector_load %arg18[%swap3A_840, %swap3A_841] {strides = array<i32>} : memref<16x256xi32, #tpu.memory_space<vmem>>, vector<16xi32>,
        tpu.vector_store %arg18[%swap3A_840, %swap3A_841], %scan3A_819 {strides = array<i32>} : memref<16x256xi32, #tpu.memory_space<vmem>>, vector<16xi32>,
        %get3A_843 = arith.index_cast %scan3A_817 : i32 to index
        %get3A_844 = arith.constant 16 : index
        %get3A_845 = tpu.vector_load %arg17[%get3A_843, %get3A_844] {strides = array<i32>} : memref<16x256xi32, #tpu.memory_space<vmem>>, vector<16xi32>,
        %add3A_846 = arith.addi %scan3A_819, %get3A_845 : vector<16xi32>
        %swap3A_847 = arith.index_cast %scan3A_817 : i32 to index
        %swap3A_848 = arith.constant 32 : index
        %swap3A_849 = tpu.vector_load %arg18[%swap3A_847, %swap3A_848] {strides = array<i32>} : memref<16x256xi32, #tpu.memory_space<vmem>>, vector<16xi32>,
        tpu.vector_store %arg18[%swap3A_847, %swap3A_848], %scan3A_820 {strides = array<i32>} : memref<16x256xi32, #tpu.memory_space<vmem>>, vector<16xi32>,
        %get3A_850 = arith.index_cast %scan3A_817 : i32 to index
        %get3A_851 = arith.constant 32 : index
        %get3A_852 = tpu.vector_load %arg17[%get3A_850, %get3A_851] {strides = array<i32>} : memref<16x256xi32, #tpu.memory_space<vmem>>, vector<16xi32>,
        %add3A_853 = arith.addi %scan3A_820, %get3A_852 : vector<16xi32>
        %swap3A_854 = arith.index_cast %scan3A_817 : i32 to index
        %swap3A_855 = arith.constant 48 : index
        %swap3A_856 = tpu.vector_load %arg18[%swap3A_854, %swap3A_855] {strides = array<i32>} : memref<16x256xi32, #tpu.memory_space<vmem>>, vector<16xi32>,
        tpu.vector_store %arg18[%swap3A_854, %swap3A_855], %scan3A_821 {strides = array<i32>} : memref<16x256xi32, #tpu.memory_space<vmem>>, vector<16xi32>,
        %get3A_857 = arith.index_cast %scan3A_817 : i32 to index
        %get3A_858 = arith.constant 48 : index
        %get3A_859 = tpu.vector_load %arg17[%get3A_857, %get3A_858] {strides = array<i32>} : memref<16x256xi32, #tpu.memory_space<vmem>>, vector<16xi32>,
        %add3A_860 = arith.addi %scan3A_821, %get3A_859 : vector<16xi32>
        %swap3A_861 = arith.index_cast %scan3A_817 : i32 to index
        %swap3A_862 = arith.constant 64 : index
        %swap3A_863 = tpu.vector_load %arg18[%swap3A_861, %swap3A_862] {strides = array<i32>} : memref<16x256xi32, #tpu.memory_space<vmem>>, vector<16xi32>,
        tpu.vector_store %arg18[%swap3A_861, %swap3A_862], %scan3A_822 {strides = array<i32>} : memref<16x256xi32, #tpu.memory_space<vmem>>, vector<16xi32>,
        %get3A_864 = arith.index_cast %scan3A_817 : i32 to index
        %get3A_865 = arith.constant 64 : index
        %get3A_866 = tpu.vector_load %arg17[%get3A_864, %get3A_865] {strides = array<i32>} : memref<16x256xi32, #tpu.memory_space<vmem>>, vector<16xi32>,
        %add3A_867 = arith.addi %scan3A_822, %get3A_866 : vector<16xi32>
        %swap3A_868 = arith.index_cast %scan3A_817 : i32 to index
        %swap3A_869 = arith.constant 80 : index
        %swap3A_870 = tpu.vector_load %arg18[%swap3A_868, %swap3A_869] {strides = array<i32>} : memref<16x256xi32, #tpu.memory_space<vmem>>, vector<16xi32>,
        tpu.vector_store %arg18[%swap3A_868, %swap3A_869], %scan3A_823 {strides = array<i32>} : memref<16x256xi32, #tpu.memory_space<vmem>>, vector<16xi32>,
        %get3A_871 = arith.index_cast %scan3A_817 : i32 to index
        %get3A_872 = arith.constant 80 : index
        %get3A_873 = tpu.vector_load %arg17[%get3A_871, %get3A_872] {strides = array<i32>} : memref<16x256xi32, #tpu.memory_space<vmem>>, vector<16xi32>,
        %add3A_874 = arith.addi %scan3A_823, %get3A_873 : vector<16xi32>
        %swap3A_875 = arith.index_cast %scan3A_817 : i32 to index
        %swap3A_876 = arith.constant 96 : index
        %swap3A_877 = tpu.vector_load %arg18[%swap3A_875, %swap3A_876] {strides = array<i32>} : memref<16x256xi32, #tpu.memory_space<vmem>>, vector<16xi32>,
        tpu.vector_store %arg18[%swap3A_875, %swap3A_876], %scan3A_824 {strides = array<i32>} : memref<16x256xi32, #tpu.memory_space<vmem>>, vector<16xi32>,
        %get3A_878 = arith.index_cast %scan3A_817 : i32 to index
        %get3A_879 = arith.constant 96 : index
        %get3A_880 = tpu.vector_load %arg17[%get3A_878, %get3A_879] {strides = array<i32>} : memref<16x256xi32, #tpu.memory_space<vmem>>, vector<16xi32>,
        %add3A_881 = arith.addi %scan3A_824, %get3A_880 : vector<16xi32>
        %swap3A_882 = arith.index_cast %scan3A_817 : i32 to index
        %swap3A_883 = arith.constant 112 : index
        %swap3A_884 = tpu.vector_load %arg18[%swap3A_882, %swap3A_883] {strides = array<i32>} : memref<16x256xi32, #tpu.memory_space<vmem>>, vector<16xi32>,
        tpu.vector_store %arg18[%swap3A_882, %swap3A_883], %scan3A_825 {strides = array<i32>} : memref<16x256xi32, #tpu.memory_space<vmem>>, vector<16xi32>,
        %get3A_885 = arith.index_cast %scan3A_817 : i32 to index
        %get3A_886 = arith.constant 112 : index
        %get3A_887 = tpu.vector_load %arg17[%get3A_885, %get3A_886] {strides = array<i32>} : memref<16x256xi32, #tpu.memory_space<vmem>>, vector<16xi32>,
        %add3A_888 = arith.addi %scan3A_825, %get3A_887 : vector<16xi32>
        %swap3A_889 = arith.index_cast %scan3A_817 : i32 to index
        %swap3A_890 = arith.constant 128 : index
        %swap3A_891 = tpu.vector_load %arg18[%swap3A_889, %swap3A_890] {strides = array<i32>} : memref<16x256xi32, #tpu.memory_space<vmem>>, vector<16xi32>,
        tpu.vector_store %arg18[%swap3A_889, %swap3A_890], %scan3A_826 {strides = array<i32>} : memref<16x256xi32, #tpu.memory_space<vmem>>, vector<16xi32>,
        %get3A_892 = arith.index_cast %scan3A_817 : i32 to index
        %get3A_893 = arith.constant 128 : index
        %get3A_894 = tpu.vector_load %arg17[%get3A_892, %get3A_893] {strides = array<i32>} : memref<16x256xi32, #tpu.memory_space<vmem>>, vector<16xi32>,
        %add3A_895 = arith.addi %scan3A_826, %get3A_894 : vector<16xi32>
        %swap3A_896 = arith.index_cast %scan3A_817 : i32 to index
        %swap3A_897 = arith.constant 144 : index
        %swap3A_898 = tpu.vector_load %arg18[%swap3A_896, %swap3A_897] {strides = array<i32>} : memref<16x256xi32, #tpu.memory_space<vmem>>, vector<16xi32>,
        tpu.vector_store %arg18[%swap3A_896, %swap3A_897], %scan3A_827 {strides = array<i32>} : memref<16x256xi32, #tpu.memory_space<vmem>>, vector<16xi32>,
        %get3A_899 = arith.index_cast %scan3A_817 : i32 to index
        %get3A_900 = arith.constant 144 : index
        %get3A_901 = tpu.vector_load %arg17[%get3A_899, %get3A_900] {strides = array<i32>} : memref<16x256xi32, #tpu.memory_space<vmem>>, vector<16xi32>,
        %add3A_902 = arith.addi %scan3A_827, %get3A_901 : vector<16xi32>
        %swap3A_903 = arith.index_cast %scan3A_817 : i32 to index
        %swap3A_904 = arith.constant 160 : index
        %swap3A_905 = tpu.vector_load %arg18[%swap3A_903, %swap3A_904] {strides = array<i32>} : memref<16x256xi32, #tpu.memory_space<vmem>>, vector<16xi32>,
        tpu.vector_store %arg18[%swap3A_903, %swap3A_904], %scan3A_828 {strides = array<i32>} : memref<16x256xi32, #tpu.memory_space<vmem>>, vector<16xi32>,
        %get3A_906 = arith.index_cast %scan3A_817 : i32 to index
        %get3A_907 = arith.constant 160 : index
        %get3A_908 = tpu.vector_load %arg17[%get3A_906, %get3A_907] {strides = array<i32>} : memref<16x256xi32, #tpu.memory_space<vmem>>, vector<16xi32>,
        %add3A_909 = arith.addi %scan3A_828, %get3A_908 : vector<16xi32>
        %swap3A_910 = arith.index_cast %scan3A_817 : i32 to index
        %swap3A_911 = arith.constant 176 : index
        %swap3A_912 = tpu.vector_load %arg18[%swap3A_910, %swap3A_911] {strides = array<i32>} : memref<16x256xi32, #tpu.memory_space<vmem>>, vector<16xi32>,
        tpu.vector_store %arg18[%swap3A_910, %swap3A_911], %scan3A_829 {strides = array<i32>} : memref<16x256xi32, #tpu.memory_space<vmem>>, vector<16xi32>,
        %get3A_913 = arith.index_cast %scan3A_817 : i32 to index
        %get3A_914 = arith.constant 176 : index
        %get3A_915 = tpu.vector_load %arg17[%get3A_913, %get3A_914] {strides = array<i32>} : memref<16x256xi32, #tpu.memory_space<vmem>>, vector<16xi32>,
        %add3A_916 = arith.addi %scan3A_829, %get3A_915 : vector<16xi32>
        %swap3A_917 = arith.index_cast %scan3A_817 : i32 to index
        %swap3A_918 = arith.constant 192 : index
        %swap3A_919 = tpu.vector_load %arg18[%swap3A_917, %swap3A_918] {strides = array<i32>} : memref<16x256xi32, #tpu.memory_space<vmem>>, vector<16xi32>,
        tpu.vector_store %arg18[%swap3A_917, %swap3A_918], %scan3A_830 {strides = array<i32>} : memref<16x256xi32, #tpu.memory_space<vmem>>, vector<16xi32>,
        %get3A_920 = arith.index_cast %scan3A_817 : i32 to index
        %get3A_921 = arith.constant 192 : index
        %get3A_922 = tpu.vector_load %arg17[%get3A_920, %get3A_921] {strides = array<i32>} : memref<16x256xi32, #tpu.memory_space<vmem>>, vector<16xi32>,
        %add3A_923 = arith.addi %scan3A_830, %get3A_922 : vector<16xi32>
        %swap3A_924 = arith.index_cast %scan3A_817 : i32 to index
        %swap3A_925 = arith.constant 208 : index
        %swap3A_926 = tpu.vector_load %arg18[%swap3A_924, %swap3A_925] {strides = array<i32>} : memref<16x256xi32, #tpu.memory_space<vmem>>, vector<16xi32>,
        tpu.vector_store %arg18[%swap3A_924, %swap3A_925], %scan3A_831 {strides = array<i32>} : memref<16x256xi32, #tpu.memory_space<vmem>>, vector<16xi32>,
        %get3A_927 = arith.index_cast %scan3A_817 : i32 to index
        %get3A_928 = arith.constant 208 : index
        %get3A_929 = tpu.vector_load %arg17[%get3A_927, %get3A_928] {strides = array<i32>} : memref<16x256xi32, #tpu.memory_space<vmem>>, vector<16xi32>,
        %add3A_930 = arith.addi %scan3A_831, %get3A_929 : vector<16xi32>
        %swap3A_931 = arith.index_cast %scan3A_817 : i32 to index
        %swap3A_932 = arith.constant 224 : index
        %swap3A_933 = tpu.vector_load %arg18[%swap3A_931, %swap3A_932] {strides = array<i32>} : memref<16x256xi32, #tpu.memory_space<vmem>>, vector<16xi32>,
        tpu.vector_store %arg18[%swap3A_931, %swap3A_932], %scan3A_832 {strides = array<i32>} : memref<16x256xi32, #tpu.memory_space<vmem>>, vector<16xi32>,
        %get3A_934 = arith.index_cast %scan3A_817 : i32 to index
        %get3A_935 = arith.constant 224 : index
        %get3A_936 = tpu.vector_load %arg17[%get3A_934, %get3A_935] {strides = array<i32>} : memref<16x256xi32, #tpu.memory_space<vmem>>, vector<16xi32>,
        %add3A_937 = arith.addi %scan3A_832, %get3A_936 : vector<16xi32>
        %swap3A_938 = arith.index_cast %scan3A_817 : i32 to index
        %swap3A_939 = arith.constant 240 : index
        %swap3A_940 = tpu.vector_load %arg18[%swap3A_938, %swap3A_939] {strides = array<i32>} : memref<16x256xi32, #tpu.memory_space<vmem>>, vector<16xi32>,
        tpu.vector_store %arg18[%swap3A_938, %swap3A_939], %scan3A_833 {strides = array<i32>} : memref<16x256xi32, #tpu.memory_space<vmem>>, vector<16xi32>,
        %get3A_941 = arith.index_cast %scan3A_817 : i32 to index
        %get3A_942 = arith.constant 240 : index
        %get3A_943 = tpu.vector_load %arg17[%get3A_941, %get3A_942] {strides = array<i32>} : memref<16x256xi32, #tpu.memory_space<vmem>>, vector<16xi32>,
        %add3A_944 = arith.addi %scan3A_833, %get3A_943 : vector<16xi32>
        scf.yield %add3A_839, %add3A_846, %add3A_853, %add3A_860, %add3A_867, %add3A_874, %add3A_881, %add3A_888, %add3A_895, %add3A_902, %add3A_909, %add3A_916, %add3A_923, %add3A_930, %add3A_937, %add3A_944 : vector<16xi32>, vector<16xi32>, vector<16xi32>, vector<16xi32>, vector<16xi32>, vector<16xi32>, vector<16xi32>, vector<16xi32>, vector<16xi32>, vector<16xi32>, vector<16xi32>, vector<16xi32>, vector<16xi32>, vector<16xi32>, vector<16xi32>, vector<16xi32>
      }
      %scan3A_390 = arith.constant 16 : i32
      %mul3A_391 = arith.constant 256 : i32
      %mul3A_392 = arith.muli %arg1, %mul3A_391 : i32
      "tpu.region"() ({
        %run_scoped3A = tpu.sem_alloc : memref<!tpu.dma_semaphore, #tpu.memory_space<semaphore_mem>>
        %dma_start3A = arith.constant 0 : i32
        %dma_start3A_817 = tpu.memref_slice %arg8[%dma_start3A, %mul3A_392] : memref<16x4096xi32, #tpu.memory_space<vmem_shared>> -> memref<16x256xi32, #tpu.memory_space<vmem_shared>>
        %dma_start3A_818 = arith.constant 0 : i32
        %dma_start3A_819 = tpu.memref_slice %arg8[%dma_start3A_818, %mul3A_392] : memref<16x4096xi32, #tpu.memory_space<vmem_shared>> -> memref<16x256xi32, #tpu.memory_space<vmem_shared>>
        tpu.enqueue_dma source(%arg18 : memref<16x256xi32, #tpu.memory_space<vmem>>) target(%dma_start3A_819 : memref<16x256xi32, #tpu.memory_space<vmem_shared>>) target_semaphore(%run_scoped3A : memref<!tpu.dma_semaphore, #tpu.memory_space<semaphore_mem>>)
        %dma_wait3A_820 = arith.constant 0 : i32
        %dma_wait3A_821 = tpu.memref_slice %arg8[%dma_wait3A_820, %mul3A_392] : memref<16x4096xi32, #tpu.memory_space<vmem_shared>> -> memref<16x256xi32, #tpu.memory_space<vmem_shared>>
        %dma_wait3A_822 = arith.constant 0 : i32
        %dma_wait3A_823 = tpu.memref_slice %arg8[%dma_wait3A_822, %mul3A_392] : memref<16x4096xi32, #tpu.memory_space<vmem_shared>> -> memref<16x256xi32, #tpu.memory_space<vmem_shared>>
        tpu.wait_dma2 semaphore(%run_scoped3A : memref<!tpu.dma_semaphore, #tpu.memory_space<semaphore_mem>>) src(%arg18 : memref<16x256xi32, #tpu.memory_space<vmem>>) dst(%dma_wait3A_823 : memref<16x256xi32, #tpu.memory_space<vmem_shared>>)
        tpu.yield
      }) : () -> ()
      %barrier3A_393 = arith.constant 0 : index
      tpu.barrier barrier_id(%barrier3A_393)
      "tpu.region"() ({
        %run_scoped3A = tpu.sem_alloc : memref<!tpu.dma_semaphore, #tpu.memory_space<semaphore_mem>>
        %dma_start3A = arith.constant 0 : i32
        %dma_start3A_817 = tpu.memref_slice %arg8[%arg1, %dma_start3A] : memref<16x4096xi32, #tpu.memory_space<vmem_shared>> -> memref<1x4096xi32, #tpu.memory_space<vmem_shared>>
        %dma_start3A_818 = tpu.memref_squeeze %dma_start3A_817 : memref<1x4096xi32, #tpu.memory_space<vmem_shared>> -> memref<4096xi32, #tpu.memory_space<vmem_shared>>
        %dma_start3A_819 = arith.constant 0 : i32
        %dma_start3A_820 = tpu.memref_slice %arg8[%arg1, %dma_start3A_819] : memref<16x4096xi32, #tpu.memory_space<vmem_shared>> -> memref<1x4096xi32, #tpu.memory_space<vmem_shared>>
        %dma_start3A_821 = tpu.memref_squeeze %dma_start3A_820 : memref<1x4096xi32, #tpu.memory_space<vmem_shared>> -> memref<4096xi32, #tpu.memory_space<vmem_shared>>
        tpu.enqueue_dma source(%dma_start3A_821 : memref<4096xi32, #tpu.memory_space<vmem_shared>>) target(%arg16 : memref<4096xi32, #tpu.memory_space<vmem>>) target_semaphore(%run_scoped3A : memref<!tpu.dma_semaphore, #tpu.memory_space<semaphore_mem>>)
        %dma_wait3A_822 = arith.constant 0 : i32
        %dma_wait3A_823 = tpu.memref_slice %arg8[%arg1, %dma_wait3A_822] : memref<16x4096xi32, #tpu.memory_space<vmem_shared>> -> memref<1x4096xi32, #tpu.memory_space<vmem_shared>>
        %dma_wait3A_824 = tpu.memref_squeeze %dma_wait3A_823 : memref<1x4096xi32, #tpu.memory_space<vmem_shared>> -> memref<4096xi32, #tpu.memory_space<vmem_shared>>
        %dma_wait3A_825 = arith.constant 0 : i32
        %dma_wait3A_826 = tpu.memref_slice %arg8[%arg1, %dma_wait3A_825] : memref<16x4096xi32, #tpu.memory_space<vmem_shared>> -> memref<1x4096xi32, #tpu.memory_space<vmem_shared>>
        %dma_wait3A_827 = tpu.memref_squeeze %dma_wait3A_826 : memref<1x4096xi32, #tpu.memory_space<vmem_shared>> -> memref<4096xi32, #tpu.memory_space<vmem_shared>>
        tpu.wait_dma2 semaphore(%run_scoped3A : memref<!tpu.dma_semaphore, #tpu.memory_space<semaphore_mem>>) src(%dma_wait3A_827 : memref<4096xi32, #tpu.memory_space<vmem_shared>>) dst(%arg16 : memref<4096xi32, #tpu.memory_space<vmem>>)
        tpu.yield
      }) : () -> ()
      %broadcast_in_dim3A_394 = arith.constant 1 : i32
      %broadcast_in_dim3A_395 = vector.broadcast %broadcast_in_dim3A_394 : i32 to vector<16xi32>
      %scan3A_396 = arith.constant 0 : i32
      %scan3A_397 = arith.constant 0 : i32
      %scan3A_398 = arith.constant 8 : i32
      %scan3A_399 = arith.addi %scan3A_397, %scan3A_398 : i32
      %scan3A_400 = arith.constant 1 : i32
      %scan3A_401 = scf.for %scan3A_817 = %scan3A_397 to %scan3A_399 step %scan3A_400 iter_args(%scan3A_818 = %scan3A_396) -> (i32)  : i32 {
        %gt3A = arith.constant 0 : i32
        %gt3A_819 = arith.cmpi sgt, %scan3A_817, %gt3A : i32
        %convert_element_type3A = arith.extui %gt3A_819 : i1 to i32
        %cond3A = arith.constant 0 : i32
        %cond3A_820 = arith.cmpi ne, %convert_element_type3A, %cond3A : i32
        scf.if %cond3A_820 {
          %dma_wait3A_862 = arith.constant 0 : i32
          %dma_wait3A_863 = tpu.memref_slice %arg5[%dma_wait3A_862] : memref<524288xi32, #tpu.memory_space<vmem_shared>> -> memref<524288xi32, #tpu.memory_space<vmem_shared>>
          tpu.wait_indirect_dma semaphore(%arg21 : memref<!tpu.dma_semaphore, #tpu.memory_space<semaphore_mem>>) src(%arg12 : memref<2048xi32, #tpu.memory_space<vmem>>) dst(%dma_wait3A_863 : memref<524288xi32, #tpu.memory_space<vmem_shared>>)
        } else {
        }
        %mul3A_821 = arith.constant 2 : i32
        %mul3A_822 = arith.muli %mul3A_821, %scan3A_817 : i32
        %mul3A_823 = arith.constant 2048 : i32
        %mul3A_824 = arith.muli %mul3A_822, %mul3A_823 : i32
        %add3A_825 = arith.addi %mul3A_0, %mul3A_824 : i32
        "tpu.region"() ({
          %run_scoped3A = tpu.sem_alloc : memref<!tpu.dma_semaphore, #tpu.memory_space<semaphore_mem>>
          %dma_start3A_862 = tpu.memref_slice %arg2[%add3A, %add3A_825] : memref<16x524288xf32, #tpu.memory_space<hbm>> -> memref<1x2048xf32, #tpu.memory_space<hbm>>
          %dma_start3A_863 = tpu.memref_squeeze %dma_start3A_862 : memref<1x2048xf32, #tpu.memory_space<hbm>> -> memref<2048xf32, #tpu.memory_space<hbm>>
          %dma_start3A_864 = tpu.memref_slice %arg2[%add3A, %add3A_825] : memref<16x524288xf32, #tpu.memory_space<hbm>> -> memref<1x2048xf32, #tpu.memory_space<hbm>>
          %dma_start3A_865 = tpu.memref_squeeze %dma_start3A_864 : memref<1x2048xf32, #tpu.memory_space<hbm>> -> memref<2048xf32, #tpu.memory_space<hbm>>
          tpu.enqueue_dma source(%dma_start3A_865 : memref<2048xf32, #tpu.memory_space<hbm>>) target(%arg10 : memref<2048xf32, #tpu.memory_space<vmem>>) target_semaphore(%run_scoped3A : memref<!tpu.dma_semaphore, #tpu.memory_space<semaphore_mem>>)
          %dma_wait3A_866 = tpu.memref_slice %arg2[%add3A, %add3A_825] : memref<16x524288xf32, #tpu.memory_space<hbm>> -> memref<1x2048xf32, #tpu.memory_space<hbm>>
          %dma_wait3A_867 = tpu.memref_squeeze %dma_wait3A_866 : memref<1x2048xf32, #tpu.memory_space<hbm>> -> memref<2048xf32, #tpu.memory_space<hbm>>
          %dma_wait3A_868 = tpu.memref_slice %arg2[%add3A, %add3A_825] : memref<16x524288xf32, #tpu.memory_space<hbm>> -> memref<1x2048xf32, #tpu.memory_space<hbm>>
          %dma_wait3A_869 = tpu.memref_squeeze %dma_wait3A_868 : memref<1x2048xf32, #tpu.memory_space<hbm>> -> memref<2048xf32, #tpu.memory_space<hbm>>
          tpu.wait_dma2 semaphore(%run_scoped3A : memref<!tpu.dma_semaphore, #tpu.memory_space<semaphore_mem>>) src(%dma_wait3A_869 : memref<2048xf32, #tpu.memory_space<hbm>>) dst(%arg10 : memref<2048xf32, #tpu.memory_space<vmem>>)
          tpu.yield
        }) : () -> ()
        %mul3A_826 = arith.constant 2048 : i32
        %mul3A_827 = arith.muli %mul3A_822, %mul3A_826 : i32
        %add3A_828 = arith.addi %mul3A_0, %mul3A_827 : i32
        "tpu.region"() ({
          %run_scoped3A = tpu.sem_alloc : memref<!tpu.dma_semaphore, #tpu.memory_space<semaphore_mem>>
          %dma_start3A_862 = tpu.memref_slice %arg3[%add3A_828] : memref<524288xi32, #tpu.memory_space<hbm>> -> memref<2048xi32, #tpu.memory_space<hbm>>
          %dma_start3A_863 = tpu.memref_slice %arg3[%add3A_828] : memref<524288xi32, #tpu.memory_space<hbm>> -> memref<2048xi32, #tpu.memory_space<hbm>>
          tpu.enqueue_dma source(%dma_start3A_863 : memref<2048xi32, #tpu.memory_space<hbm>>) target(%arg11 : memref<2048xi32, #tpu.memory_space<vmem>>) target_semaphore(%run_scoped3A : memref<!tpu.dma_semaphore, #tpu.memory_space<semaphore_mem>>)
          %dma_wait3A_864 = tpu.memref_slice %arg3[%add3A_828] : memref<524288xi32, #tpu.memory_space<hbm>> -> memref<2048xi32, #tpu.memory_space<hbm>>
          %dma_wait3A_865 = tpu.memref_slice %arg3[%add3A_828] : memref<524288xi32, #tpu.memory_space<hbm>> -> memref<2048xi32, #tpu.memory_space<hbm>>
          tpu.wait_dma2 semaphore(%run_scoped3A : memref<!tpu.dma_semaphore, #tpu.memory_space<semaphore_mem>>) src(%dma_wait3A_865 : memref<2048xi32, #tpu.memory_space<hbm>>) dst(%arg11 : memref<2048xi32, #tpu.memory_space<vmem>>)
          tpu.yield
        }) : () -> ()
        %scan3A_829 = arith.constant 0 : i32
        %scan3A_830 = arith.constant 0 : i32
        %scan3A_831 = arith.constant 128 : i32
        %scan3A_832 = arith.addi %scan3A_830, %scan3A_831 : i32
        %scan3A_833 = arith.constant 1 : i32
        %scan3A_834 = scf.for %scan3A_862 = %scan3A_830 to %scan3A_832 step %scan3A_833 iter_args(%scan3A_863 = %scan3A_829) -> (i32)  : i32 {
          %mul3A_864 = arith.constant 16 : i32
          %mul3A_865 = arith.muli %scan3A_862, %mul3A_864 : i32
          %get3A = arith.index_cast %mul3A_865 : i32 to index
          %get3A_866 = tpu.vector_load %arg10[%get3A] {strides = array<i32>} : memref<2048xf32, #tpu.memory_space<vmem>>, vector<16xf32>,
          %mul3A_867 = arith.constant 0x4B800000 : f32
          %mul3A_868 = vector.broadcast %mul3A_867 : f32 to vector<16xf32>
          %mul3A_869 = arith.mulf %get3A_866, %mul3A_868 : vector<16xf32>
          %convert_element_type3A_870 = arith.fptosi %mul3A_869 : vector<16xf32> to vector<16xi32>
          %and3A = arith.constant 4095 : i32
          %and3A_871 = vector.broadcast %and3A : i32 to vector<16xi32>
          %and3A_872 = arith.andi %convert_element_type3A_870, %and3A_871 : vector<16xi32>
          %shift_left3A = arith.constant 4 : i32
          %shift_left3A_873 = vector.broadcast %shift_left3A : i32 to vector<16xi32>
          %shift_left3A_874 = arith.shli %convert_element_type3A_870, %shift_left3A_873 : vector<16xi32>
          %mul3A_875 = arith.constant 16 : i32
          %mul3A_876 = arith.muli %scan3A_862, %mul3A_875 : i32
          %get3A_877 = arith.index_cast %mul3A_876 : i32 to index
          %get3A_878 = tpu.vector_load %arg11[%get3A_877] {strides = array<i32>} : memref<2048xi32, #tpu.memory_space<vmem>>, vector<16xi32>,
          %or3A = arith.ori %shift_left3A_874, %get3A_878 : vector<16xi32>
          %broadcast_in_dim3A_879 = arith.constant true
          %broadcast_in_dim3A_880 = vector.broadcast %broadcast_in_dim3A_879 : i1 to vector<16xi1>
          %unique3A, %unique3A_881 = tpu.scan_count mask(%broadcast_in_dim3A_880 : vector<16xi1>) value(%and3A_872 : vector<16xi32>) : vector<16xi1>, vector<16xi32>
          %gather3A = tpu.vector_load_idx %arg16[%and3A_872] : memref<4096xi32, #tpu.memory_space<vmem>>[vector<16xi32>], vector<16xi32>,
          tpu.vector_store_idx %arg16[%and3A_872], %broadcast_in_dim3A_395 {add = true} : memref<4096xi32, #tpu.memory_space<vmem>>[vector<16xi32>], vector<16xi32>,
          %add3A_882 = arith.addi %gather3A, %unique3A_881 : vector<16xi32>
          %sub3A_883 = arith.constant 1 : i32
          %sub3A_884 = vector.broadcast %sub3A_883 : i32 to vector<16xi32>
          %sub3A_885 = arith.subi %add3A_882, %sub3A_884 : vector<16xi32>
          %mul3A_886 = arith.constant 16 : i32
          %mul3A_887 = arith.muli %scan3A_862, %mul3A_886 : i32
          %swap3A_888 = arith.index_cast %mul3A_887 : i32 to index
          %swap3A_889 = tpu.vector_load %arg13[%swap3A_888] {strides = array<i32>} : memref<2048xi32, #tpu.memory_space<vmem>>, vector<16xi32>,
          tpu.vector_store %arg13[%swap3A_888], %sub3A_885 {strides = array<i32>} : memref<2048xi32, #tpu.memory_space<vmem>>, vector<16xi32>,
          %mul3A_890 = arith.constant 16 : i32
          %mul3A_891 = arith.muli %scan3A_862, %mul3A_890 : i32
          %swap3A_892 = arith.index_cast %mul3A_891 : i32 to index
          %swap3A_893 = tpu.vector_load %arg12[%swap3A_892] {strides = array<i32>} : memref<2048xi32, #tpu.memory_space<vmem>>, vector<16xi32>,
          tpu.vector_store %arg12[%swap3A_892], %or3A {strides = array<i32>} : memref<2048xi32, #tpu.memory_space<vmem>>, vector<16xi32>,
          %scan3A_894 = arith.constant 0 : i32
          scf.yield %scan3A_894 : i32
        }
        %scan3A_835 = arith.constant 128 : i32
        %dma_start3A = arith.constant 0 : i32
        %dma_start3A_836 = tpu.memref_slice %arg5[%dma_start3A] : memref<524288xi32, #tpu.memory_space<vmem_shared>> -> memref<524288xi32, #tpu.memory_space<vmem_shared>>
        tpu.enqueue_indirect_dma source(%arg12 : memref<2048xi32, #tpu.memory_space<vmem>>) target(%dma_start3A_836 : memref<524288xi32, #tpu.memory_space<vmem_shared>>) offsets(%arg13 : memref<2048xi32, #tpu.memory_space<vmem>>) semaphore(%arg21 : memref<!tpu.dma_semaphore, #tpu.memory_space<semaphore_mem>>)
        %gt3A_837 = arith.constant 0 : i32
        %gt3A_838 = arith.cmpi sgt, %scan3A_817, %gt3A_837 : i32
        %convert_element_type3A_839 = arith.extui %gt3A_838 : i1 to i32
        %cond3A_840 = arith.constant 0 : i32
        %cond3A_841 = arith.cmpi ne, %convert_element_type3A_839, %cond3A_840 : i32
        scf.if %cond3A_841 {
          %dma_wait3A_862 = arith.constant 0 : i32
          %dma_wait3A_863 = tpu.memref_slice %arg5[%dma_wait3A_862] : memref<524288xi32, #tpu.memory_space<vmem_shared>> -> memref<524288xi32, #tpu.memory_space<vmem_shared>>
          tpu.wait_indirect_dma semaphore(%arg22 : memref<!tpu.dma_semaphore, #tpu.memory_space<semaphore_mem>>) src(%arg14 : memref<2048xi32, #tpu.memory_space<vmem>>) dst(%dma_wait3A_863 : memref<524288xi32, #tpu.memory_space<vmem_shared>>)
        } else {
        }
        %mul3A_842 = arith.constant 2 : i32
        %mul3A_843 = arith.muli %mul3A_842, %scan3A_817 : i32
        %add3A_844 = arith.constant 1 : i32
        %add3A_845 = arith.addi %mul3A_843, %add3A_844 : i32
        %mul3A_846 = arith.constant 2048 : i32
        %mul3A_847 = arith.muli %add3A_845, %mul3A_846 : i32
        %add3A_848 = arith.addi %mul3A_0, %mul3A_847 : i32
        "tpu.region"() ({
          %run_scoped3A = tpu.sem_alloc : memref<!tpu.dma_semaphore, #tpu.memory_space<semaphore_mem>>
          %dma_start3A_862 = tpu.memref_slice %arg2[%add3A, %add3A_848] : memref<16x524288xf32, #tpu.memory_space<hbm>> -> memref<1x2048xf32, #tpu.memory_space<hbm>>
          %dma_start3A_863 = tpu.memref_squeeze %dma_start3A_862 : memref<1x2048xf32, #tpu.memory_space<hbm>> -> memref<2048xf32, #tpu.memory_space<hbm>>
          %dma_start3A_864 = tpu.memref_slice %arg2[%add3A, %add3A_848] : memref<16x524288xf32, #tpu.memory_space<hbm>> -> memref<1x2048xf32, #tpu.memory_space<hbm>>
          %dma_start3A_865 = tpu.memref_squeeze %dma_start3A_864 : memref<1x2048xf32, #tpu.memory_space<hbm>> -> memref<2048xf32, #tpu.memory_space<hbm>>
          tpu.enqueue_dma source(%dma_start3A_865 : memref<2048xf32, #tpu.memory_space<hbm>>) target(%arg10 : memref<2048xf32, #tpu.memory_space<vmem>>) target_semaphore(%run_scoped3A : memref<!tpu.dma_semaphore, #tpu.memory_space<semaphore_mem>>)
          %dma_wait3A_866 = tpu.memref_slice %arg2[%add3A, %add3A_848] : memref<16x524288xf32, #tpu.memory_space<hbm>> -> memref<1x2048xf32, #tpu.memory_space<hbm>>
          %dma_wait3A_867 = tpu.memref_squeeze %dma_wait3A_866 : memref<1x2048xf32, #tpu.memory_space<hbm>> -> memref<2048xf32, #tpu.memory_space<hbm>>
          %dma_wait3A_868 = tpu.memref_slice %arg2[%add3A, %add3A_848] : memref<16x524288xf32, #tpu.memory_space<hbm>> -> memref<1x2048xf32, #tpu.memory_space<hbm>>
          %dma_wait3A_869 = tpu.memref_squeeze %dma_wait3A_868 : memref<1x2048xf32, #tpu.memory_space<hbm>> -> memref<2048xf32, #tpu.memory_space<hbm>>
          tpu.wait_dma2 semaphore(%run_scoped3A : memref<!tpu.dma_semaphore, #tpu.memory_space<semaphore_mem>>) src(%dma_wait3A_869 : memref<2048xf32, #tpu.memory_space<hbm>>) dst(%arg10 : memref<2048xf32, #tpu.memory_space<vmem>>)
          tpu.yield
        }) : () -> ()
        %mul3A_849 = arith.constant 2048 : i32
        %mul3A_850 = arith.muli %add3A_845, %mul3A_849 : i32
        %add3A_851 = arith.addi %mul3A_0, %mul3A_850 : i32
        "tpu.region"() ({
          %run_scoped3A = tpu.sem_alloc : memref<!tpu.dma_semaphore, #tpu.memory_space<semaphore_mem>>
          %dma_start3A_862 = tpu.memref_slice %arg3[%add3A_851] : memref<524288xi32, #tpu.memory_space<hbm>> -> memref<2048xi32, #tpu.memory_space<hbm>>
          %dma_start3A_863 = tpu.memref_slice %arg3[%add3A_851] : memref<524288xi32, #tpu.memory_space<hbm>> -> memref<2048xi32, #tpu.memory_space<hbm>>
          tpu.enqueue_dma source(%dma_start3A_863 : memref<2048xi32, #tpu.memory_space<hbm>>) target(%arg11 : memref<2048xi32, #tpu.memory_space<vmem>>) target_semaphore(%run_scoped3A : memref<!tpu.dma_semaphore, #tpu.memory_space<semaphore_mem>>)
          %dma_wait3A_864 = tpu.memref_slice %arg3[%add3A_851] : memref<524288xi32, #tpu.memory_space<hbm>> -> memref<2048xi32, #tpu.memory_space<hbm>>
          %dma_wait3A_865 = tpu.memref_slice %arg3[%add3A_851] : memref<524288xi32, #tpu.memory_space<hbm>> -> memref<2048xi32, #tpu.memory_space<hbm>>
          tpu.wait_dma2 semaphore(%run_scoped3A : memref<!tpu.dma_semaphore, #tpu.memory_space<semaphore_mem>>) src(%dma_wait3A_865 : memref<2048xi32, #tpu.memory_space<hbm>>) dst(%arg11 : memref<2048xi32, #tpu.memory_space<vmem>>)
          tpu.yield
        }) : () -> ()
        %scan3A_852 = arith.constant 0 : i32
        %scan3A_853 = arith.constant 0 : i32
        %scan3A_854 = arith.constant 128 : i32
        %scan3A_855 = arith.addi %scan3A_853, %scan3A_854 : i32
        %scan3A_856 = arith.constant 1 : i32
        %scan3A_857 = scf.for %scan3A_862 = %scan3A_853 to %scan3A_855 step %scan3A_856 iter_args(%scan3A_863 = %scan3A_852) -> (i32)  : i32 {
          %mul3A_864 = arith.constant 16 : i32
          %mul3A_865 = arith.muli %scan3A_862, %mul3A_864 : i32
          %get3A = arith.index_cast %mul3A_865 : i32 to index
          %get3A_866 = tpu.vector_load %arg10[%get3A] {strides = array<i32>} : memref<2048xf32, #tpu.memory_space<vmem>>, vector<16xf32>,
          %mul3A_867 = arith.constant 0x4B800000 : f32
          %mul3A_868 = vector.broadcast %mul3A_867 : f32 to vector<16xf32>
          %mul3A_869 = arith.mulf %get3A_866, %mul3A_868 : vector<16xf32>
          %convert_element_type3A_870 = arith.fptosi %mul3A_869 : vector<16xf32> to vector<16xi32>
          %and3A = arith.constant 4095 : i32
          %and3A_871 = vector.broadcast %and3A : i32 to vector<16xi32>
          %and3A_872 = arith.andi %convert_element_type3A_870, %and3A_871 : vector<16xi32>
          %shift_left3A = arith.constant 4 : i32
          %shift_left3A_873 = vector.broadcast %shift_left3A : i32 to vector<16xi32>
          %shift_left3A_874 = arith.shli %convert_element_type3A_870, %shift_left3A_873 : vector<16xi32>
          %mul3A_875 = arith.constant 16 : i32
          %mul3A_876 = arith.muli %scan3A_862, %mul3A_875 : i32
          %get3A_877 = arith.index_cast %mul3A_876 : i32 to index
          %get3A_878 = tpu.vector_load %arg11[%get3A_877] {strides = array<i32>} : memref<2048xi32, #tpu.memory_space<vmem>>, vector<16xi32>,
          %or3A = arith.ori %shift_left3A_874, %get3A_878 : vector<16xi32>
          %broadcast_in_dim3A_879 = arith.constant true
          %broadcast_in_dim3A_880 = vector.broadcast %broadcast_in_dim3A_879 : i1 to vector<16xi1>
          %unique3A, %unique3A_881 = tpu.scan_count mask(%broadcast_in_dim3A_880 : vector<16xi1>) value(%and3A_872 : vector<16xi32>) : vector<16xi1>, vector<16xi32>
          %gather3A = tpu.vector_load_idx %arg16[%and3A_872] : memref<4096xi32, #tpu.memory_space<vmem>>[vector<16xi32>], vector<16xi32>,
          tpu.vector_store_idx %arg16[%and3A_872], %broadcast_in_dim3A_395 {add = true} : memref<4096xi32, #tpu.memory_space<vmem>>[vector<16xi32>], vector<16xi32>,
          %add3A_882 = arith.addi %gather3A, %unique3A_881 : vector<16xi32>
          %sub3A_883 = arith.constant 1 : i32
          %sub3A_884 = vector.broadcast %sub3A_883 : i32 to vector<16xi32>
          %sub3A_885 = arith.subi %add3A_882, %sub3A_884 : vector<16xi32>
          %mul3A_886 = arith.constant 16 : i32
          %mul3A_887 = arith.muli %scan3A_862, %mul3A_886 : i32
          %swap3A_888 = arith.index_cast %mul3A_887 : i32 to index
          %swap3A_889 = tpu.vector_load %arg15[%swap3A_888] {strides = array<i32>} : memref<2048xi32, #tpu.memory_space<vmem>>, vector<16xi32>,
          tpu.vector_store %arg15[%swap3A_888], %sub3A_885 {strides = array<i32>} : memref<2048xi32, #tpu.memory_space<vmem>>, vector<16xi32>,
          %mul3A_890 = arith.constant 16 : i32
          %mul3A_891 = arith.muli %scan3A_862, %mul3A_890 : i32
          %swap3A_892 = arith.index_cast %mul3A_891 : i32 to index
          %swap3A_893 = tpu.vector_load %arg14[%swap3A_892] {strides = array<i32>} : memref<2048xi32, #tpu.memory_space<vmem>>, vector<16xi32>,
          tpu.vector_store %arg14[%swap3A_892], %or3A {strides = array<i32>} : memref<2048xi32, #tpu.memory_space<vmem>>, vector<16xi32>,
          %scan3A_894 = arith.constant 0 : i32
          scf.yield %scan3A_894 : i32
        }
        %scan3A_858 = arith.constant 128 : i32
        %dma_start3A_859 = arith.constant 0 : i32
        %dma_start3A_860 = tpu.memref_slice %arg5[%dma_start3A_859] : memref<524288xi32, #tpu.memory_space<vmem_shared>> -> memref<524288xi32, #tpu.memory_space<vmem_shared>>
        tpu.enqueue_indirect_dma source(%arg14 : memref<2048xi32, #tpu.memory_space<vmem>>) target(%dma_start3A_860 : memref<524288xi32, #tpu.memory_space<vmem_shared>>) offsets(%arg15 : memref<2048xi32, #tpu.memory_space<vmem>>) semaphore(%arg22 : memref<!tpu.dma_semaphore, #tpu.memory_space<semaphore_mem>>)
        %scan3A_861 = arith.constant 0 : i32
        scf.yield %scan3A_861 : i32
      }
      %scan3A_402 = arith.constant 8 : i32
      %dma_wait3A = arith.constant 0 : i32
      %dma_wait3A_403 = tpu.memref_slice %arg5[%dma_wait3A] : memref<524288xi32, #tpu.memory_space<vmem_shared>> -> memref<524288xi32, #tpu.memory_space<vmem_shared>>
      tpu.wait_indirect_dma semaphore(%arg21 : memref<!tpu.dma_semaphore, #tpu.memory_space<semaphore_mem>>) src(%arg12 : memref<2048xi32, #tpu.memory_space<vmem>>) dst(%dma_wait3A_403 : memref<524288xi32, #tpu.memory_space<vmem_shared>>)
      %dma_wait3A_404 = arith.constant 0 : i32
      %dma_wait3A_405 = tpu.memref_slice %arg5[%dma_wait3A_404] : memref<524288xi32, #tpu.memory_space<vmem_shared>> -> memref<524288xi32, #tpu.memory_space<vmem_shared>>
      tpu.wait_indirect_dma semaphore(%arg22 : memref<!tpu.dma_semaphore, #tpu.memory_space<semaphore_mem>>) src(%arg14 : memref<2048xi32, #tpu.memory_space<vmem>>) dst(%dma_wait3A_405 : memref<524288xi32, #tpu.memory_space<vmem_shared>>)
      %barrier3A_406 = arith.constant 0 : index
      tpu.barrier barrier_id(%barrier3A_406)
      %scan3A_407 = arith.constant 0 : i32
      %scan3A_408 = arith.constant 0 : i32
      %scan3A_409 = arith.constant 256 : i32
      %scan3A_410 = arith.addi %scan3A_408, %scan3A_409 : i32
      %scan3A_411 = arith.constant 1 : i32
      %scan3A_412 = scf.for %scan3A_817 = %scan3A_408 to %scan3A_410 step %scan3A_411 iter_args(%scan3A_818 = %scan3A_407) -> (i32)  : i32 {
        %broadcast_in_dim3A_819 = arith.constant 0 : i32
        %broadcast_in_dim3A_820 = vector.broadcast %broadcast_in_dim3A_819 : i32 to vector<16xi32>
        %mul3A_821 = arith.constant 16 : i32
        %mul3A_822 = arith.muli %scan3A_817, %mul3A_821 : i32
        %swap3A_823 = arith.index_cast %mul3A_822 : i32 to index
        %swap3A_824 = tpu.vector_load %arg16[%swap3A_823] {strides = array<i32>} : memref<4096xi32, #tpu.memory_space<vmem>>, vector<16xi32>,
        tpu.vector_store %arg16[%swap3A_823], %broadcast_in_dim3A_820 {strides = array<i32>} : memref<4096xi32, #tpu.memory_space<vmem>>, vector<16xi32>,
        %scan3A_825 = arith.constant 0 : i32
        scf.yield %scan3A_825 : i32
      }
      %scan3A_413 = arith.constant 256 : i32
      %broadcast_in_dim3A_414 = arith.constant 1 : i32
      %broadcast_in_dim3A_415 = vector.broadcast %broadcast_in_dim3A_414 : i32 to vector<16xi32>
      %scan3A_416 = arith.constant 0 : i32
      %scan3A_417 = arith.constant 0 : i32
      %scan3A_418 = arith.constant 16 : i32
      %scan3A_419 = arith.addi %scan3A_417, %scan3A_418 : i32
      %scan3A_420 = arith.constant 1 : i32
      %scan3A_421 = scf.for %scan3A_817 = %scan3A_417 to %scan3A_419 step %scan3A_420 iter_args(%scan3A_818 = %scan3A_416) -> (i32)  : i32 {
        %mul3A_819 = arith.constant 2048 : i32
        %mul3A_820 = arith.muli %scan3A_817, %mul3A_819 : i32
        %add3A_821 = arith.addi %mul3A_0, %mul3A_820 : i32
        "tpu.region"() ({
          %run_scoped3A = tpu.sem_alloc : memref<!tpu.dma_semaphore, #tpu.memory_space<semaphore_mem>>
          %dma_start3A = tpu.memref_slice %arg5[%add3A_821] : memref<524288xi32, #tpu.memory_space<vmem_shared>> -> memref<2048xi32, #tpu.memory_space<vmem_shared>>
          %dma_start3A_830 = tpu.memref_slice %arg5[%add3A_821] : memref<524288xi32, #tpu.memory_space<vmem_shared>> -> memref<2048xi32, #tpu.memory_space<vmem_shared>>
          tpu.enqueue_dma source(%dma_start3A_830 : memref<2048xi32, #tpu.memory_space<vmem_shared>>) target(%arg11 : memref<2048xi32, #tpu.memory_space<vmem>>) target_semaphore(%run_scoped3A : memref<!tpu.dma_semaphore, #tpu.memory_space<semaphore_mem>>)
          %dma_wait3A_831 = tpu.memref_slice %arg5[%add3A_821] : memref<524288xi32, #tpu.memory_space<vmem_shared>> -> memref<2048xi32, #tpu.memory_space<vmem_shared>>
          %dma_wait3A_832 = tpu.memref_slice %arg5[%add3A_821] : memref<524288xi32, #tpu.memory_space<vmem_shared>> -> memref<2048xi32, #tpu.memory_space<vmem_shared>>
          tpu.wait_dma2 semaphore(%run_scoped3A : memref<!tpu.dma_semaphore, #tpu.memory_space<semaphore_mem>>) src(%dma_wait3A_832 : memref<2048xi32, #tpu.memory_space<vmem_shared>>) dst(%arg11 : memref<2048xi32, #tpu.memory_space<vmem>>)
          tpu.yield
        }) : () -> ()
        %scan3A_822 = arith.constant 0 : i32
        %scan3A_823 = arith.constant 0 : i32
        %scan3A_824 = arith.constant 128 : i32
        %scan3A_825 = arith.addi %scan3A_823, %scan3A_824 : i32
        %scan3A_826 = arith.constant 1 : i32
        %scan3A_827 = scf.for %scan3A_830 = %scan3A_823 to %scan3A_825 step %scan3A_826 iter_args(%scan3A_831 = %scan3A_822) -> (i32)  : i32 {
          %mul3A_832 = arith.constant 16 : i32
          %mul3A_833 = arith.muli %scan3A_830, %mul3A_832 : i32
          %get3A = arith.index_cast %mul3A_833 : i32 to index
          %get3A_834 = tpu.vector_load %arg11[%get3A] {strides = array<i32>} : memref<2048xi32, #tpu.memory_space<vmem>>, vector<16xi32>,
          %shift_right_arithmetic3A = arith.constant 16 : i32
          %shift_right_arithmetic3A_835 = vector.broadcast %shift_right_arithmetic3A : i32 to vector<16xi32>
          %shift_right_arithmetic3A_836 = arith.shrsi %get3A_834, %shift_right_arithmetic3A_835 : vector<16xi32>
          %and3A = arith.constant 4095 : i32
          %and3A_837 = vector.broadcast %and3A : i32 to vector<16xi32>
          %and3A_838 = arith.andi %shift_right_arithmetic3A_836, %and3A_837 : vector<16xi32>
          tpu.vector_store_idx %arg16[%and3A_838], %broadcast_in_dim3A_415 {add = true} : memref<4096xi32, #tpu.memory_space<vmem>>[vector<16xi32>], vector<16xi32>,
          %scan3A_839 = arith.constant 0 : i32
          scf.yield %scan3A_839 : i32
        }
        %scan3A_828 = arith.constant 128 : i32
        %scan3A_829 = arith.constant 0 : i32
        scf.yield %scan3A_829 : i32
      }
      %scan3A_422 = arith.constant 16 : i32
      "tpu.region"() ({
        %run_scoped3A = tpu.sem_alloc : memref<!tpu.dma_semaphore, #tpu.memory_space<semaphore_mem>>
        %dma_start3A = arith.constant 0 : i32
        %dma_start3A_817 = tpu.memref_slice %arg7[%arg1, %dma_start3A] : memref<16x4096xi32, #tpu.memory_space<vmem_shared>> -> memref<1x4096xi32, #tpu.memory_space<vmem_shared>>
        %dma_start3A_818 = tpu.memref_squeeze %dma_start3A_817 : memref<1x4096xi32, #tpu.memory_space<vmem_shared>> -> memref<4096xi32, #tpu.memory_space<vmem_shared>>
        %dma_start3A_819 = arith.constant 0 : i32
        %dma_start3A_820 = tpu.memref_slice %arg7[%arg1, %dma_start3A_819] : memref<16x4096xi32, #tpu.memory_space<vmem_shared>> -> memref<1x4096xi32, #tpu.memory_space<vmem_shared>>
        %dma_start3A_821 = tpu.memref_squeeze %dma_start3A_820 : memref<1x4096xi32, #tpu.memory_space<vmem_shared>> -> memref<4096xi32, #tpu.memory_space<vmem_shared>>
        tpu.enqueue_dma source(%arg16 : memref<4096xi32, #tpu.memory_space<vmem>>) target(%dma_start3A_821 : memref<4096xi32, #tpu.memory_space<vmem_shared>>) target_semaphore(%run_scoped3A : memref<!tpu.dma_semaphore, #tpu.memory_space<semaphore_mem>>)
        %dma_wait3A_822 = arith.constant 0 : i32
        %dma_wait3A_823 = tpu.memref_slice %arg7[%arg1, %dma_wait3A_822] : memref<16x4096xi32, #tpu.memory_space<vmem_shared>> -> memref<1x4096xi32, #tpu.memory_space<vmem_shared>>
        %dma_wait3A_824 = tpu.memref_squeeze %dma_wait3A_823 : memref<1x4096xi32, #tpu.memory_space<vmem_shared>> -> memref<4096xi32, #tpu.memory_space<vmem_shared>>
        %dma_wait3A_825 = arith.constant 0 : i32
        %dma_wait3A_826 = tpu.memref_slice %arg7[%arg1, %dma_wait3A_825] : memref<16x4096xi32, #tpu.memory_space<vmem_shared>> -> memref<1x4096xi32, #tpu.memory_space<vmem_shared>>
        %dma_wait3A_827 = tpu.memref_squeeze %dma_wait3A_826 : memref<1x4096xi32, #tpu.memory_space<vmem_shared>> -> memref<4096xi32, #tpu.memory_space<vmem_shared>>
        tpu.wait_dma2 semaphore(%run_scoped3A : memref<!tpu.dma_semaphore, #tpu.memory_space<semaphore_mem>>) src(%arg16 : memref<4096xi32, #tpu.memory_space<vmem>>) dst(%dma_wait3A_827 : memref<4096xi32, #tpu.memory_space<vmem_shared>>)
        tpu.yield
      }) : () -> ()
      %barrier3A_423 = arith.constant 0 : index
      tpu.barrier barrier_id(%barrier3A_423)
      %mul3A_424 = arith.constant 256 : i32
      %mul3A_425 = arith.muli %arg1, %mul3A_424 : i32
      "tpu.region"() ({
        %run_scoped3A = tpu.sem_alloc : memref<!tpu.dma_semaphore, #tpu.memory_space<semaphore_mem>>
        %dma_start3A = arith.constant 0 : i32
        %dma_start3A_817 = tpu.memref_slice %arg7[%dma_start3A, %mul3A_425] : memref<16x4096xi32, #tpu.memory_space<vmem_shared>> -> memref<16x256xi32, #tpu.memory_space<vmem_shared>>
        %dma_start3A_818 = arith.constant 0 : i32
        %dma_start3A_819 = tpu.memref_slice %arg7[%dma_start3A_818, %mul3A_425] : memref<16x4096xi32, #tpu.memory_space<vmem_shared>> -> memref<16x256xi32, #tpu.memory_space<vmem_shared>>
        tpu.enqueue_dma source(%dma_start3A_819 : memref<16x256xi32, #tpu.memory_space<vmem_shared>>) target(%arg17 : memref<16x256xi32, #tpu.memory_space<vmem>>) target_semaphore(%run_scoped3A : memref<!tpu.dma_semaphore, #tpu.memory_space<semaphore_mem>>)
        %dma_wait3A_820 = arith.constant 0 : i32
        %dma_wait3A_821 = tpu.memref_slice %arg7[%dma_wait3A_820, %mul3A_425] : memref<16x4096xi32, #tpu.memory_space<vmem_shared>> -> memref<16x256xi32, #tpu.memory_space<vmem_shared>>
        %dma_wait3A_822 = arith.constant 0 : i32
        %dma_wait3A_823 = tpu.memref_slice %arg7[%dma_wait3A_822, %mul3A_425] : memref<16x4096xi32, #tpu.memory_space<vmem_shared>> -> memref<16x256xi32, #tpu.memory_space<vmem_shared>>
        tpu.wait_dma2 semaphore(%run_scoped3A : memref<!tpu.dma_semaphore, #tpu.memory_space<semaphore_mem>>) src(%dma_wait3A_823 : memref<16x256xi32, #tpu.memory_space<vmem_shared>>) dst(%arg17 : memref<16x256xi32, #tpu.memory_space<vmem>>)
        tpu.yield
      }) : () -> ()
      %broadcast_in_dim3A_426 = arith.constant 0 : i32
      %broadcast_in_dim3A_427 = vector.broadcast %broadcast_in_dim3A_426 : i32 to vector<16xi32>
      %scan3A_428 = arith.constant 0 : i32
      %scan3A_429 = arith.constant 16 : i32
      %scan3A_430 = arith.addi %scan3A_428, %scan3A_429 : i32
      %scan3A_431 = arith.constant 1 : i32
      %scan3A_432 = scf.for %scan3A_817 = %scan3A_428 to %scan3A_430 step %scan3A_431 iter_args(%scan3A_818 = %broadcast_in_dim3A_427) -> (vector<16xi32>)  : i32 {
        %get3A = arith.index_cast %scan3A_817 : i32 to index
        %get3A_819 = arith.constant 0 : index
        %get3A_820 = tpu.vector_load %arg17[%get3A, %get3A_819] {strides = array<i32>} : memref<16x256xi32, #tpu.memory_space<vmem>>, vector<16xi32>,
        %add3A_821 = arith.addi %scan3A_818, %get3A_820 : vector<16xi32>
        scf.yield %add3A_821 : vector<16xi32>
      }
      %scan3A_433 = arith.constant 16 : i32
      %broadcast_in_dim3A_434 = arith.constant true
      %broadcast_in_dim3A_435 = vector.broadcast %broadcast_in_dim3A_434 : i1 to vector<16xi1>
      %masked_cumsum3A_436 = tpu.scan <sum>, %scan3A_432 masked %broadcast_in_dim3A_435 : vector<16xi32>, vector<16xi1> -> vector<16xi32>
      %sub3A_437 = arith.subi %masked_cumsum3A_436, %scan3A_432 : vector<16xi32>
      %add3A_438 = arith.constant 0 : i32
      %add3A_439 = vector.broadcast %add3A_438 : i32 to vector<16xi32>
      %add3A_440 = arith.addi %sub3A_437, %add3A_439 : vector<16xi32>
      %reduce_sum3A_441 = arith.constant true
      %reduce_sum3A_442 = vector.broadcast %reduce_sum3A_441 : i1 to vector<16xi1>
      %reduce_sum3A_443 = tpu.scan <sum>, %scan3A_432 masked %reduce_sum3A_442 : vector<16xi32>, vector<16xi1> -> vector<16xi32>
      %reduce_sum3A_444 = vector.extract %reduce_sum3A_443[15] : i32 from vector<16xi32>
      %add3A_445 = arith.constant 0 : i32
      %add3A_446 = arith.addi %add3A_445, %reduce_sum3A_444 : i32
      %broadcast_in_dim3A_447 = arith.constant 0 : i32
      %broadcast_in_dim3A_448 = vector.broadcast %broadcast_in_dim3A_447 : i32 to vector<16xi32>
      %scan3A_449 = arith.constant 0 : i32
      %scan3A_450 = arith.constant 16 : i32
      %scan3A_451 = arith.addi %scan3A_449, %scan3A_450 : i32
      %scan3A_452 = arith.constant 1 : i32
      %scan3A_453 = scf.for %scan3A_817 = %scan3A_449 to %scan3A_451 step %scan3A_452 iter_args(%scan3A_818 = %broadcast_in_dim3A_448) -> (vector<16xi32>)  : i32 {
        %get3A = arith.index_cast %scan3A_817 : i32 to index
        %get3A_819 = arith.constant 16 : index
        %get3A_820 = tpu.vector_load %arg17[%get3A, %get3A_819] {strides = array<i32>} : memref<16x256xi32, #tpu.memory_space<vmem>>, vector<16xi32>,
        %add3A_821 = arith.addi %scan3A_818, %get3A_820 : vector<16xi32>
        scf.yield %add3A_821 : vector<16xi32>
      }
      %scan3A_454 = arith.constant 16 : i32
      %broadcast_in_dim3A_455 = arith.constant true
      %broadcast_in_dim3A_456 = vector.broadcast %broadcast_in_dim3A_455 : i1 to vector<16xi1>
      %masked_cumsum3A_457 = tpu.scan <sum>, %scan3A_453 masked %broadcast_in_dim3A_456 : vector<16xi32>, vector<16xi1> -> vector<16xi32>
      %sub3A_458 = arith.subi %masked_cumsum3A_457, %scan3A_453 : vector<16xi32>
      %add3A_459 = vector.broadcast %add3A_446 : i32 to vector<16xi32>
      %add3A_460 = arith.addi %sub3A_458, %add3A_459 : vector<16xi32>
      %reduce_sum3A_461 = arith.constant true
      %reduce_sum3A_462 = vector.broadcast %reduce_sum3A_461 : i1 to vector<16xi1>
      %reduce_sum3A_463 = tpu.scan <sum>, %scan3A_453 masked %reduce_sum3A_462 : vector<16xi32>, vector<16xi1> -> vector<16xi32>
      %reduce_sum3A_464 = vector.extract %reduce_sum3A_463[15] : i32 from vector<16xi32>
      %add3A_465 = arith.addi %add3A_446, %reduce_sum3A_464 : i32
      %broadcast_in_dim3A_466 = arith.constant 0 : i32
      %broadcast_in_dim3A_467 = vector.broadcast %broadcast_in_dim3A_466 : i32 to vector<16xi32>
      %scan3A_468 = arith.constant 0 : i32
      %scan3A_469 = arith.constant 16 : i32
      %scan3A_470 = arith.addi %scan3A_468, %scan3A_469 : i32
      %scan3A_471 = arith.constant 1 : i32
      %scan3A_472 = scf.for %scan3A_817 = %scan3A_468 to %scan3A_470 step %scan3A_471 iter_args(%scan3A_818 = %broadcast_in_dim3A_467) -> (vector<16xi32>)  : i32 {
        %get3A = arith.index_cast %scan3A_817 : i32 to index
        %get3A_819 = arith.constant 32 : index
        %get3A_820 = tpu.vector_load %arg17[%get3A, %get3A_819] {strides = array<i32>} : memref<16x256xi32, #tpu.memory_space<vmem>>, vector<16xi32>,
        %add3A_821 = arith.addi %scan3A_818, %get3A_820 : vector<16xi32>
        scf.yield %add3A_821 : vector<16xi32>
      }
      %scan3A_473 = arith.constant 16 : i32
      %broadcast_in_dim3A_474 = arith.constant true
      %broadcast_in_dim3A_475 = vector.broadcast %broadcast_in_dim3A_474 : i1 to vector<16xi1>
      %masked_cumsum3A_476 = tpu.scan <sum>, %scan3A_472 masked %broadcast_in_dim3A_475 : vector<16xi32>, vector<16xi1> -> vector<16xi32>
      %sub3A_477 = arith.subi %masked_cumsum3A_476, %scan3A_472 : vector<16xi32>
      %add3A_478 = vector.broadcast %add3A_465 : i32 to vector<16xi32>
      %add3A_479 = arith.addi %sub3A_477, %add3A_478 : vector<16xi32>
      %reduce_sum3A_480 = arith.constant true
      %reduce_sum3A_481 = vector.broadcast %reduce_sum3A_480 : i1 to vector<16xi1>
      %reduce_sum3A_482 = tpu.scan <sum>, %scan3A_472 masked %reduce_sum3A_481 : vector<16xi32>, vector<16xi1> -> vector<16xi32>
      %reduce_sum3A_483 = vector.extract %reduce_sum3A_482[15] : i32 from vector<16xi32>
      %add3A_484 = arith.addi %add3A_465, %reduce_sum3A_483 : i32
      %broadcast_in_dim3A_485 = arith.constant 0 : i32
      %broadcast_in_dim3A_486 = vector.broadcast %broadcast_in_dim3A_485 : i32 to vector<16xi32>
      %scan3A_487 = arith.constant 0 : i32
      %scan3A_488 = arith.constant 16 : i32
      %scan3A_489 = arith.addi %scan3A_487, %scan3A_488 : i32
      %scan3A_490 = arith.constant 1 : i32
      %scan3A_491 = scf.for %scan3A_817 = %scan3A_487 to %scan3A_489 step %scan3A_490 iter_args(%scan3A_818 = %broadcast_in_dim3A_486) -> (vector<16xi32>)  : i32 {
        %get3A = arith.index_cast %scan3A_817 : i32 to index
        %get3A_819 = arith.constant 48 : index
        %get3A_820 = tpu.vector_load %arg17[%get3A, %get3A_819] {strides = array<i32>} : memref<16x256xi32, #tpu.memory_space<vmem>>, vector<16xi32>,
        %add3A_821 = arith.addi %scan3A_818, %get3A_820 : vector<16xi32>
        scf.yield %add3A_821 : vector<16xi32>
      }
      %scan3A_492 = arith.constant 16 : i32
      %broadcast_in_dim3A_493 = arith.constant true
      %broadcast_in_dim3A_494 = vector.broadcast %broadcast_in_dim3A_493 : i1 to vector<16xi1>
      %masked_cumsum3A_495 = tpu.scan <sum>, %scan3A_491 masked %broadcast_in_dim3A_494 : vector<16xi32>, vector<16xi1> -> vector<16xi32>
      %sub3A_496 = arith.subi %masked_cumsum3A_495, %scan3A_491 : vector<16xi32>
      %add3A_497 = vector.broadcast %add3A_484 : i32 to vector<16xi32>
      %add3A_498 = arith.addi %sub3A_496, %add3A_497 : vector<16xi32>
      %reduce_sum3A_499 = arith.constant true
      %reduce_sum3A_500 = vector.broadcast %reduce_sum3A_499 : i1 to vector<16xi1>
      %reduce_sum3A_501 = tpu.scan <sum>, %scan3A_491 masked %reduce_sum3A_500 : vector<16xi32>, vector<16xi1> -> vector<16xi32>
      %reduce_sum3A_502 = vector.extract %reduce_sum3A_501[15] : i32 from vector<16xi32>
      %add3A_503 = arith.addi %add3A_484, %reduce_sum3A_502 : i32
      %broadcast_in_dim3A_504 = arith.constant 0 : i32
      %broadcast_in_dim3A_505 = vector.broadcast %broadcast_in_dim3A_504 : i32 to vector<16xi32>
      %scan3A_506 = arith.constant 0 : i32
      %scan3A_507 = arith.constant 16 : i32
      %scan3A_508 = arith.addi %scan3A_506, %scan3A_507 : i32
      %scan3A_509 = arith.constant 1 : i32
      %scan3A_510 = scf.for %scan3A_817 = %scan3A_506 to %scan3A_508 step %scan3A_509 iter_args(%scan3A_818 = %broadcast_in_dim3A_505) -> (vector<16xi32>)  : i32 {
        %get3A = arith.index_cast %scan3A_817 : i32 to index
        %get3A_819 = arith.constant 64 : index
        %get3A_820 = tpu.vector_load %arg17[%get3A, %get3A_819] {strides = array<i32>} : memref<16x256xi32, #tpu.memory_space<vmem>>, vector<16xi32>,
        %add3A_821 = arith.addi %scan3A_818, %get3A_820 : vector<16xi32>
        scf.yield %add3A_821 : vector<16xi32>
      }
      %scan3A_511 = arith.constant 16 : i32
      %broadcast_in_dim3A_512 = arith.constant true
      %broadcast_in_dim3A_513 = vector.broadcast %broadcast_in_dim3A_512 : i1 to vector<16xi1>
      %masked_cumsum3A_514 = tpu.scan <sum>, %scan3A_510 masked %broadcast_in_dim3A_513 : vector<16xi32>, vector<16xi1> -> vector<16xi32>
      %sub3A_515 = arith.subi %masked_cumsum3A_514, %scan3A_510 : vector<16xi32>
      %add3A_516 = vector.broadcast %add3A_503 : i32 to vector<16xi32>
      %add3A_517 = arith.addi %sub3A_515, %add3A_516 : vector<16xi32>
      %reduce_sum3A_518 = arith.constant true
      %reduce_sum3A_519 = vector.broadcast %reduce_sum3A_518 : i1 to vector<16xi1>
      %reduce_sum3A_520 = tpu.scan <sum>, %scan3A_510 masked %reduce_sum3A_519 : vector<16xi32>, vector<16xi1> -> vector<16xi32>
      %reduce_sum3A_521 = vector.extract %reduce_sum3A_520[15] : i32 from vector<16xi32>
      %add3A_522 = arith.addi %add3A_503, %reduce_sum3A_521 : i32
      %broadcast_in_dim3A_523 = arith.constant 0 : i32
      %broadcast_in_dim3A_524 = vector.broadcast %broadcast_in_dim3A_523 : i32 to vector<16xi32>
      %scan3A_525 = arith.constant 0 : i32
      %scan3A_526 = arith.constant 16 : i32
      %scan3A_527 = arith.addi %scan3A_525, %scan3A_526 : i32
      %scan3A_528 = arith.constant 1 : i32
      %scan3A_529 = scf.for %scan3A_817 = %scan3A_525 to %scan3A_527 step %scan3A_528 iter_args(%scan3A_818 = %broadcast_in_dim3A_524) -> (vector<16xi32>)  : i32 {
        %get3A = arith.index_cast %scan3A_817 : i32 to index
        %get3A_819 = arith.constant 80 : index
        %get3A_820 = tpu.vector_load %arg17[%get3A, %get3A_819] {strides = array<i32>} : memref<16x256xi32, #tpu.memory_space<vmem>>, vector<16xi32>,
        %add3A_821 = arith.addi %scan3A_818, %get3A_820 : vector<16xi32>
        scf.yield %add3A_821 : vector<16xi32>
      }
      %scan3A_530 = arith.constant 16 : i32
      %broadcast_in_dim3A_531 = arith.constant true
      %broadcast_in_dim3A_532 = vector.broadcast %broadcast_in_dim3A_531 : i1 to vector<16xi1>
      %masked_cumsum3A_533 = tpu.scan <sum>, %scan3A_529 masked %broadcast_in_dim3A_532 : vector<16xi32>, vector<16xi1> -> vector<16xi32>
      %sub3A_534 = arith.subi %masked_cumsum3A_533, %scan3A_529 : vector<16xi32>
      %add3A_535 = vector.broadcast %add3A_522 : i32 to vector<16xi32>
      %add3A_536 = arith.addi %sub3A_534, %add3A_535 : vector<16xi32>
      %reduce_sum3A_537 = arith.constant true
      %reduce_sum3A_538 = vector.broadcast %reduce_sum3A_537 : i1 to vector<16xi1>
      %reduce_sum3A_539 = tpu.scan <sum>, %scan3A_529 masked %reduce_sum3A_538 : vector<16xi32>, vector<16xi1> -> vector<16xi32>
      %reduce_sum3A_540 = vector.extract %reduce_sum3A_539[15] : i32 from vector<16xi32>
      %add3A_541 = arith.addi %add3A_522, %reduce_sum3A_540 : i32
      %broadcast_in_dim3A_542 = arith.constant 0 : i32
      %broadcast_in_dim3A_543 = vector.broadcast %broadcast_in_dim3A_542 : i32 to vector<16xi32>
      %scan3A_544 = arith.constant 0 : i32
      %scan3A_545 = arith.constant 16 : i32
      %scan3A_546 = arith.addi %scan3A_544, %scan3A_545 : i32
      %scan3A_547 = arith.constant 1 : i32
      %scan3A_548 = scf.for %scan3A_817 = %scan3A_544 to %scan3A_546 step %scan3A_547 iter_args(%scan3A_818 = %broadcast_in_dim3A_543) -> (vector<16xi32>)  : i32 {
        %get3A = arith.index_cast %scan3A_817 : i32 to index
        %get3A_819 = arith.constant 96 : index
        %get3A_820 = tpu.vector_load %arg17[%get3A, %get3A_819] {strides = array<i32>} : memref<16x256xi32, #tpu.memory_space<vmem>>, vector<16xi32>,
        %add3A_821 = arith.addi %scan3A_818, %get3A_820 : vector<16xi32>
        scf.yield %add3A_821 : vector<16xi32>
      }
      %scan3A_549 = arith.constant 16 : i32
      %broadcast_in_dim3A_550 = arith.constant true
      %broadcast_in_dim3A_551 = vector.broadcast %broadcast_in_dim3A_550 : i1 to vector<16xi1>
      %masked_cumsum3A_552 = tpu.scan <sum>, %scan3A_548 masked %broadcast_in_dim3A_551 : vector<16xi32>, vector<16xi1> -> vector<16xi32>
      %sub3A_553 = arith.subi %masked_cumsum3A_552, %scan3A_548 : vector<16xi32>
      %add3A_554 = vector.broadcast %add3A_541 : i32 to vector<16xi32>
      %add3A_555 = arith.addi %sub3A_553, %add3A_554 : vector<16xi32>
      %reduce_sum3A_556 = arith.constant true
      %reduce_sum3A_557 = vector.broadcast %reduce_sum3A_556 : i1 to vector<16xi1>
      %reduce_sum3A_558 = tpu.scan <sum>, %scan3A_548 masked %reduce_sum3A_557 : vector<16xi32>, vector<16xi1> -> vector<16xi32>
      %reduce_sum3A_559 = vector.extract %reduce_sum3A_558[15] : i32 from vector<16xi32>
      %add3A_560 = arith.addi %add3A_541, %reduce_sum3A_559 : i32
      %broadcast_in_dim3A_561 = arith.constant 0 : i32
      %broadcast_in_dim3A_562 = vector.broadcast %broadcast_in_dim3A_561 : i32 to vector<16xi32>
      %scan3A_563 = arith.constant 0 : i32
      %scan3A_564 = arith.constant 16 : i32
      %scan3A_565 = arith.addi %scan3A_563, %scan3A_564 : i32
      %scan3A_566 = arith.constant 1 : i32
      %scan3A_567 = scf.for %scan3A_817 = %scan3A_563 to %scan3A_565 step %scan3A_566 iter_args(%scan3A_818 = %broadcast_in_dim3A_562) -> (vector<16xi32>)  : i32 {
        %get3A = arith.index_cast %scan3A_817 : i32 to index
        %get3A_819 = arith.constant 112 : index
        %get3A_820 = tpu.vector_load %arg17[%get3A, %get3A_819] {strides = array<i32>} : memref<16x256xi32, #tpu.memory_space<vmem>>, vector<16xi32>,
        %add3A_821 = arith.addi %scan3A_818, %get3A_820 : vector<16xi32>
        scf.yield %add3A_821 : vector<16xi32>
      }
      %scan3A_568 = arith.constant 16 : i32
      %broadcast_in_dim3A_569 = arith.constant true
      %broadcast_in_dim3A_570 = vector.broadcast %broadcast_in_dim3A_569 : i1 to vector<16xi1>
      %masked_cumsum3A_571 = tpu.scan <sum>, %scan3A_567 masked %broadcast_in_dim3A_570 : vector<16xi32>, vector<16xi1> -> vector<16xi32>
      %sub3A_572 = arith.subi %masked_cumsum3A_571, %scan3A_567 : vector<16xi32>
      %add3A_573 = vector.broadcast %add3A_560 : i32 to vector<16xi32>
      %add3A_574 = arith.addi %sub3A_572, %add3A_573 : vector<16xi32>
      %reduce_sum3A_575 = arith.constant true
      %reduce_sum3A_576 = vector.broadcast %reduce_sum3A_575 : i1 to vector<16xi1>
      %reduce_sum3A_577 = tpu.scan <sum>, %scan3A_567 masked %reduce_sum3A_576 : vector<16xi32>, vector<16xi1> -> vector<16xi32>
      %reduce_sum3A_578 = vector.extract %reduce_sum3A_577[15] : i32 from vector<16xi32>
      %add3A_579 = arith.addi %add3A_560, %reduce_sum3A_578 : i32
      %broadcast_in_dim3A_580 = arith.constant 0 : i32
      %broadcast_in_dim3A_581 = vector.broadcast %broadcast_in_dim3A_580 : i32 to vector<16xi32>
      %scan3A_582 = arith.constant 0 : i32
      %scan3A_583 = arith.constant 16 : i32
      %scan3A_584 = arith.addi %scan3A_582, %scan3A_583 : i32
      %scan3A_585 = arith.constant 1 : i32
      %scan3A_586 = scf.for %scan3A_817 = %scan3A_582 to %scan3A_584 step %scan3A_585 iter_args(%scan3A_818 = %broadcast_in_dim3A_581) -> (vector<16xi32>)  : i32 {
        %get3A = arith.index_cast %scan3A_817 : i32 to index
        %get3A_819 = arith.constant 128 : index
        %get3A_820 = tpu.vector_load %arg17[%get3A, %get3A_819] {strides = array<i32>} : memref<16x256xi32, #tpu.memory_space<vmem>>, vector<16xi32>,
        %add3A_821 = arith.addi %scan3A_818, %get3A_820 : vector<16xi32>
        scf.yield %add3A_821 : vector<16xi32>
      }
      %scan3A_587 = arith.constant 16 : i32
      %broadcast_in_dim3A_588 = arith.constant true
      %broadcast_in_dim3A_589 = vector.broadcast %broadcast_in_dim3A_588 : i1 to vector<16xi1>
      %masked_cumsum3A_590 = tpu.scan <sum>, %scan3A_586 masked %broadcast_in_dim3A_589 : vector<16xi32>, vector<16xi1> -> vector<16xi32>
      %sub3A_591 = arith.subi %masked_cumsum3A_590, %scan3A_586 : vector<16xi32>
      %add3A_592 = vector.broadcast %add3A_579 : i32 to vector<16xi32>
      %add3A_593 = arith.addi %sub3A_591, %add3A_592 : vector<16xi32>
      %reduce_sum3A_594 = arith.constant true
      %reduce_sum3A_595 = vector.broadcast %reduce_sum3A_594 : i1 to vector<16xi1>
      %reduce_sum3A_596 = tpu.scan <sum>, %scan3A_586 masked %reduce_sum3A_595 : vector<16xi32>, vector<16xi1> -> vector<16xi32>
      %reduce_sum3A_597 = vector.extract %reduce_sum3A_596[15] : i32 from vector<16xi32>
      %add3A_598 = arith.addi %add3A_579, %reduce_sum3A_597 : i32
      %broadcast_in_dim3A_599 = arith.constant 0 : i32
      %broadcast_in_dim3A_600 = vector.broadcast %broadcast_in_dim3A_599 : i32 to vector<16xi32>
      %scan3A_601 = arith.constant 0 : i32
      %scan3A_602 = arith.constant 16 : i32
      %scan3A_603 = arith.addi %scan3A_601, %scan3A_602 : i32
      %scan3A_604 = arith.constant 1 : i32
      %scan3A_605 = scf.for %scan3A_817 = %scan3A_601 to %scan3A_603 step %scan3A_604 iter_args(%scan3A_818 = %broadcast_in_dim3A_600) -> (vector<16xi32>)  : i32 {
        %get3A = arith.index_cast %scan3A_817 : i32 to index
        %get3A_819 = arith.constant 144 : index
        %get3A_820 = tpu.vector_load %arg17[%get3A, %get3A_819] {strides = array<i32>} : memref<16x256xi32, #tpu.memory_space<vmem>>, vector<16xi32>,
        %add3A_821 = arith.addi %scan3A_818, %get3A_820 : vector<16xi32>
        scf.yield %add3A_821 : vector<16xi32>
      }
      %scan3A_606 = arith.constant 16 : i32
      %broadcast_in_dim3A_607 = arith.constant true
      %broadcast_in_dim3A_608 = vector.broadcast %broadcast_in_dim3A_607 : i1 to vector<16xi1>
      %masked_cumsum3A_609 = tpu.scan <sum>, %scan3A_605 masked %broadcast_in_dim3A_608 : vector<16xi32>, vector<16xi1> -> vector<16xi32>
      %sub3A_610 = arith.subi %masked_cumsum3A_609, %scan3A_605 : vector<16xi32>
      %add3A_611 = vector.broadcast %add3A_598 : i32 to vector<16xi32>
      %add3A_612 = arith.addi %sub3A_610, %add3A_611 : vector<16xi32>
      %reduce_sum3A_613 = arith.constant true
      %reduce_sum3A_614 = vector.broadcast %reduce_sum3A_613 : i1 to vector<16xi1>
      %reduce_sum3A_615 = tpu.scan <sum>, %scan3A_605 masked %reduce_sum3A_614 : vector<16xi32>, vector<16xi1> -> vector<16xi32>
      %reduce_sum3A_616 = vector.extract %reduce_sum3A_615[15] : i32 from vector<16xi32>
      %add3A_617 = arith.addi %add3A_598, %reduce_sum3A_616 : i32
      %broadcast_in_dim3A_618 = arith.constant 0 : i32
      %broadcast_in_dim3A_619 = vector.broadcast %broadcast_in_dim3A_618 : i32 to vector<16xi32>
      %scan3A_620 = arith.constant 0 : i32
      %scan3A_621 = arith.constant 16 : i32
      %scan3A_622 = arith.addi %scan3A_620, %scan3A_621 : i32
      %scan3A_623 = arith.constant 1 : i32
      %scan3A_624 = scf.for %scan3A_817 = %scan3A_620 to %scan3A_622 step %scan3A_623 iter_args(%scan3A_818 = %broadcast_in_dim3A_619) -> (vector<16xi32>)  : i32 {
        %get3A = arith.index_cast %scan3A_817 : i32 to index
        %get3A_819 = arith.constant 160 : index
        %get3A_820 = tpu.vector_load %arg17[%get3A, %get3A_819] {strides = array<i32>} : memref<16x256xi32, #tpu.memory_space<vmem>>, vector<16xi32>,
        %add3A_821 = arith.addi %scan3A_818, %get3A_820 : vector<16xi32>
        scf.yield %add3A_821 : vector<16xi32>
      }
      %scan3A_625 = arith.constant 16 : i32
      %broadcast_in_dim3A_626 = arith.constant true
      %broadcast_in_dim3A_627 = vector.broadcast %broadcast_in_dim3A_626 : i1 to vector<16xi1>
      %masked_cumsum3A_628 = tpu.scan <sum>, %scan3A_624 masked %broadcast_in_dim3A_627 : vector<16xi32>, vector<16xi1> -> vector<16xi32>
      %sub3A_629 = arith.subi %masked_cumsum3A_628, %scan3A_624 : vector<16xi32>
      %add3A_630 = vector.broadcast %add3A_617 : i32 to vector<16xi32>
      %add3A_631 = arith.addi %sub3A_629, %add3A_630 : vector<16xi32>
      %reduce_sum3A_632 = arith.constant true
      %reduce_sum3A_633 = vector.broadcast %reduce_sum3A_632 : i1 to vector<16xi1>
      %reduce_sum3A_634 = tpu.scan <sum>, %scan3A_624 masked %reduce_sum3A_633 : vector<16xi32>, vector<16xi1> -> vector<16xi32>
      %reduce_sum3A_635 = vector.extract %reduce_sum3A_634[15] : i32 from vector<16xi32>
      %add3A_636 = arith.addi %add3A_617, %reduce_sum3A_635 : i32
      %broadcast_in_dim3A_637 = arith.constant 0 : i32
      %broadcast_in_dim3A_638 = vector.broadcast %broadcast_in_dim3A_637 : i32 to vector<16xi32>
      %scan3A_639 = arith.constant 0 : i32
      %scan3A_640 = arith.constant 16 : i32
      %scan3A_641 = arith.addi %scan3A_639, %scan3A_640 : i32
      %scan3A_642 = arith.constant 1 : i32
      %scan3A_643 = scf.for %scan3A_817 = %scan3A_639 to %scan3A_641 step %scan3A_642 iter_args(%scan3A_818 = %broadcast_in_dim3A_638) -> (vector<16xi32>)  : i32 {
        %get3A = arith.index_cast %scan3A_817 : i32 to index
        %get3A_819 = arith.constant 176 : index
        %get3A_820 = tpu.vector_load %arg17[%get3A, %get3A_819] {strides = array<i32>} : memref<16x256xi32, #tpu.memory_space<vmem>>, vector<16xi32>,
        %add3A_821 = arith.addi %scan3A_818, %get3A_820 : vector<16xi32>
        scf.yield %add3A_821 : vector<16xi32>
      }
      %scan3A_644 = arith.constant 16 : i32
      %broadcast_in_dim3A_645 = arith.constant true
      %broadcast_in_dim3A_646 = vector.broadcast %broadcast_in_dim3A_645 : i1 to vector<16xi1>
      %masked_cumsum3A_647 = tpu.scan <sum>, %scan3A_643 masked %broadcast_in_dim3A_646 : vector<16xi32>, vector<16xi1> -> vector<16xi32>
      %sub3A_648 = arith.subi %masked_cumsum3A_647, %scan3A_643 : vector<16xi32>
      %add3A_649 = vector.broadcast %add3A_636 : i32 to vector<16xi32>
      %add3A_650 = arith.addi %sub3A_648, %add3A_649 : vector<16xi32>
      %reduce_sum3A_651 = arith.constant true
      %reduce_sum3A_652 = vector.broadcast %reduce_sum3A_651 : i1 to vector<16xi1>
      %reduce_sum3A_653 = tpu.scan <sum>, %scan3A_643 masked %reduce_sum3A_652 : vector<16xi32>, vector<16xi1> -> vector<16xi32>
      %reduce_sum3A_654 = vector.extract %reduce_sum3A_653[15] : i32 from vector<16xi32>
      %add3A_655 = arith.addi %add3A_636, %reduce_sum3A_654 : i32
      %broadcast_in_dim3A_656 = arith.constant 0 : i32
      %broadcast_in_dim3A_657 = vector.broadcast %broadcast_in_dim3A_656 : i32 to vector<16xi32>
      %scan3A_658 = arith.constant 0 : i32
      %scan3A_659 = arith.constant 16 : i32
      %scan3A_660 = arith.addi %scan3A_658, %scan3A_659 : i32
      %scan3A_661 = arith.constant 1 : i32
      %scan3A_662 = scf.for %scan3A_817 = %scan3A_658 to %scan3A_660 step %scan3A_661 iter_args(%scan3A_818 = %broadcast_in_dim3A_657) -> (vector<16xi32>)  : i32 {
        %get3A = arith.index_cast %scan3A_817 : i32 to index
        %get3A_819 = arith.constant 192 : index
        %get3A_820 = tpu.vector_load %arg17[%get3A, %get3A_819] {strides = array<i32>} : memref<16x256xi32, #tpu.memory_space<vmem>>, vector<16xi32>,
        %add3A_821 = arith.addi %scan3A_818, %get3A_820 : vector<16xi32>
        scf.yield %add3A_821 : vector<16xi32>
      }
      %scan3A_663 = arith.constant 16 : i32
      %broadcast_in_dim3A_664 = arith.constant true
      %broadcast_in_dim3A_665 = vector.broadcast %broadcast_in_dim3A_664 : i1 to vector<16xi1>
      %masked_cumsum3A_666 = tpu.scan <sum>, %scan3A_662 masked %broadcast_in_dim3A_665 : vector<16xi32>, vector<16xi1> -> vector<16xi32>
      %sub3A_667 = arith.subi %masked_cumsum3A_666, %scan3A_662 : vector<16xi32>
      %add3A_668 = vector.broadcast %add3A_655 : i32 to vector<16xi32>
      %add3A_669 = arith.addi %sub3A_667, %add3A_668 : vector<16xi32>
      %reduce_sum3A_670 = arith.constant true
      %reduce_sum3A_671 = vector.broadcast %reduce_sum3A_670 : i1 to vector<16xi1>
      %reduce_sum3A_672 = tpu.scan <sum>, %scan3A_662 masked %reduce_sum3A_671 : vector<16xi32>, vector<16xi1> -> vector<16xi32>
      %reduce_sum3A_673 = vector.extract %reduce_sum3A_672[15] : i32 from vector<16xi32>
      %add3A_674 = arith.addi %add3A_655, %reduce_sum3A_673 : i32
      %broadcast_in_dim3A_675 = arith.constant 0 : i32
      %broadcast_in_dim3A_676 = vector.broadcast %broadcast_in_dim3A_675 : i32 to vector<16xi32>
      %scan3A_677 = arith.constant 0 : i32
      %scan3A_678 = arith.constant 16 : i32
      %scan3A_679 = arith.addi %scan3A_677, %scan3A_678 : i32
      %scan3A_680 = arith.constant 1 : i32
      %scan3A_681 = scf.for %scan3A_817 = %scan3A_677 to %scan3A_679 step %scan3A_680 iter_args(%scan3A_818 = %broadcast_in_dim3A_676) -> (vector<16xi32>)  : i32 {
        %get3A = arith.index_cast %scan3A_817 : i32 to index
        %get3A_819 = arith.constant 208 : index
        %get3A_820 = tpu.vector_load %arg17[%get3A, %get3A_819] {strides = array<i32>} : memref<16x256xi32, #tpu.memory_space<vmem>>, vector<16xi32>,
        %add3A_821 = arith.addi %scan3A_818, %get3A_820 : vector<16xi32>
        scf.yield %add3A_821 : vector<16xi32>
      }
      %scan3A_682 = arith.constant 16 : i32
      %broadcast_in_dim3A_683 = arith.constant true
      %broadcast_in_dim3A_684 = vector.broadcast %broadcast_in_dim3A_683 : i1 to vector<16xi1>
      %masked_cumsum3A_685 = tpu.scan <sum>, %scan3A_681 masked %broadcast_in_dim3A_684 : vector<16xi32>, vector<16xi1> -> vector<16xi32>
      %sub3A_686 = arith.subi %masked_cumsum3A_685, %scan3A_681 : vector<16xi32>
      %add3A_687 = vector.broadcast %add3A_674 : i32 to vector<16xi32>
      %add3A_688 = arith.addi %sub3A_686, %add3A_687 : vector<16xi32>
      %reduce_sum3A_689 = arith.constant true
      %reduce_sum3A_690 = vector.broadcast %reduce_sum3A_689 : i1 to vector<16xi1>
      %reduce_sum3A_691 = tpu.scan <sum>, %scan3A_681 masked %reduce_sum3A_690 : vector<16xi32>, vector<16xi1> -> vector<16xi32>
      %reduce_sum3A_692 = vector.extract %reduce_sum3A_691[15] : i32 from vector<16xi32>
      %add3A_693 = arith.addi %add3A_674, %reduce_sum3A_692 : i32
      %broadcast_in_dim3A_694 = arith.constant 0 : i32
      %broadcast_in_dim3A_695 = vector.broadcast %broadcast_in_dim3A_694 : i32 to vector<16xi32>
      %scan3A_696 = arith.constant 0 : i32
      %scan3A_697 = arith.constant 16 : i32
      %scan3A_698 = arith.addi %scan3A_696, %scan3A_697 : i32
      %scan3A_699 = arith.constant 1 : i32
      %scan3A_700 = scf.for %scan3A_817 = %scan3A_696 to %scan3A_698 step %scan3A_699 iter_args(%scan3A_818 = %broadcast_in_dim3A_695) -> (vector<16xi32>)  : i32 {
        %get3A = arith.index_cast %scan3A_817 : i32 to index
        %get3A_819 = arith.constant 224 : index
        %get3A_820 = tpu.vector_load %arg17[%get3A, %get3A_819] {strides = array<i32>} : memref<16x256xi32, #tpu.memory_space<vmem>>, vector<16xi32>,
        %add3A_821 = arith.addi %scan3A_818, %get3A_820 : vector<16xi32>
        scf.yield %add3A_821 : vector<16xi32>
      }
      %scan3A_701 = arith.constant 16 : i32
      %broadcast_in_dim3A_702 = arith.constant true
      %broadcast_in_dim3A_703 = vector.broadcast %broadcast_in_dim3A_702 : i1 to vector<16xi1>
      %masked_cumsum3A_704 = tpu.scan <sum>, %scan3A_700 masked %broadcast_in_dim3A_703 : vector<16xi32>, vector<16xi1> -> vector<16xi32>
      %sub3A_705 = arith.subi %masked_cumsum3A_704, %scan3A_700 : vector<16xi32>
      %add3A_706 = vector.broadcast %add3A_693 : i32 to vector<16xi32>
      %add3A_707 = arith.addi %sub3A_705, %add3A_706 : vector<16xi32>
      %reduce_sum3A_708 = arith.constant true
      %reduce_sum3A_709 = vector.broadcast %reduce_sum3A_708 : i1 to vector<16xi1>
      %reduce_sum3A_710 = tpu.scan <sum>, %scan3A_700 masked %reduce_sum3A_709 : vector<16xi32>, vector<16xi1> -> vector<16xi32>
      %reduce_sum3A_711 = vector.extract %reduce_sum3A_710[15] : i32 from vector<16xi32>
      %add3A_712 = arith.addi %add3A_693, %reduce_sum3A_711 : i32
      %broadcast_in_dim3A_713 = arith.constant 0 : i32
      %broadcast_in_dim3A_714 = vector.broadcast %broadcast_in_dim3A_713 : i32 to vector<16xi32>
      %scan3A_715 = arith.constant 0 : i32
      %scan3A_716 = arith.constant 16 : i32
      %scan3A_717 = arith.addi %scan3A_715, %scan3A_716 : i32
      %scan3A_718 = arith.constant 1 : i32
      %scan3A_719 = scf.for %scan3A_817 = %scan3A_715 to %scan3A_717 step %scan3A_718 iter_args(%scan3A_818 = %broadcast_in_dim3A_714) -> (vector<16xi32>)  : i32 {
        %get3A = arith.index_cast %scan3A_817 : i32 to index
        %get3A_819 = arith.constant 240 : index
        %get3A_820 = tpu.vector_load %arg17[%get3A, %get3A_819] {strides = array<i32>} : memref<16x256xi32, #tpu.memory_space<vmem>>, vector<16xi32>,
        %add3A_821 = arith.addi %scan3A_818, %get3A_820 : vector<16xi32>
        scf.yield %add3A_821 : vector<16xi32>
      }
      %scan3A_720 = arith.constant 16 : i32
      %broadcast_in_dim3A_721 = arith.constant true
      %broadcast_in_dim3A_722 = vector.broadcast %broadcast_in_dim3A_721 : i1 to vector<16xi1>
      %masked_cumsum3A_723 = tpu.scan <sum>, %scan3A_719 masked %broadcast_in_dim3A_722 : vector<16xi32>, vector<16xi1> -> vector<16xi32>
      %sub3A_724 = arith.subi %masked_cumsum3A_723, %scan3A_719 : vector<16xi32>
      %add3A_725 = vector.broadcast %add3A_712 : i32 to vector<16xi32>
      %add3A_726 = arith.addi %sub3A_724, %add3A_725 : vector<16xi32>
      %reduce_sum3A_727 = arith.constant true
      %reduce_sum3A_728 = vector.broadcast %reduce_sum3A_727 : i1 to vector<16xi1>
      %reduce_sum3A_729 = tpu.scan <sum>, %scan3A_719 masked %reduce_sum3A_728 : vector<16xi32>, vector<16xi1> -> vector<16xi32>
      %reduce_sum3A_730 = vector.extract %reduce_sum3A_729[15] : i32 from vector<16xi32>
      %add3A_731 = arith.addi %add3A_712, %reduce_sum3A_730 : i32
      %iota3A_732 = tpu.iota {dimensions = array<i32: 0>} : vector<16xi32>
      %eq3A_733 = vector.broadcast %arg1 : i32 to vector<16xi32>
      %eq3A_734 = arith.cmpi eq, %iota3A_732, %eq3A_733 : vector<16xi32>
      %jit3A_735 = arith.constant 0 : i32
      %broadcast_in_dim3A_736 = vector.broadcast %add3A_731 : i32 to vector<16xi32>
      %broadcast_in_dim3A_737 = vector.broadcast %jit3A_735 : i32 to vector<16xi32>
      %select_n3A_738 = arith.select %eq3A_734, %broadcast_in_dim3A_736, %broadcast_in_dim3A_737 : vector<16xi1>, vector<16xi32>
      %swap3A_739 = arith.constant 0 : index
      %swap3A_740 = tpu.vector_load %arg20[%swap3A_739] {strides = array<i32>} : memref<16xi32, #tpu.memory_space<vmem>>, vector<16xi32>,
      tpu.vector_store %arg20[%swap3A_739], %select_n3A_738 {strides = array<i32>} : memref<16xi32, #tpu.memory_space<vmem>>, vector<16xi32>,
      "tpu.region"() ({
        %run_scoped3A = tpu.sem_alloc : memref<!tpu.dma_semaphore, #tpu.memory_space<semaphore_mem>>
        %dma_start3A = arith.constant 0 : i32
        %dma_start3A_817 = tpu.memref_slice %arg9[%arg1, %dma_start3A] : memref<16x16xi32, #tpu.memory_space<vmem_shared>> -> memref<1x16xi32, #tpu.memory_space<vmem_shared>>
        %dma_start3A_818 = tpu.memref_squeeze %dma_start3A_817 : memref<1x16xi32, #tpu.memory_space<vmem_shared>> -> memref<16xi32, #tpu.memory_space<vmem_shared>>
        %dma_start3A_819 = arith.constant 0 : i32
        %dma_start3A_820 = tpu.memref_slice %arg9[%arg1, %dma_start3A_819] : memref<16x16xi32, #tpu.memory_space<vmem_shared>> -> memref<1x16xi32, #tpu.memory_space<vmem_shared>>
        %dma_start3A_821 = tpu.memref_squeeze %dma_start3A_820 : memref<1x16xi32, #tpu.memory_space<vmem_shared>> -> memref<16xi32, #tpu.memory_space<vmem_shared>>
        tpu.enqueue_dma source(%arg20 : memref<16xi32, #tpu.memory_space<vmem>>) target(%dma_start3A_821 : memref<16xi32, #tpu.memory_space<vmem_shared>>) target_semaphore(%run_scoped3A : memref<!tpu.dma_semaphore, #tpu.memory_space<semaphore_mem>>)
        %dma_wait3A_822 = arith.constant 0 : i32
        %dma_wait3A_823 = tpu.memref_slice %arg9[%arg1, %dma_wait3A_822] : memref<16x16xi32, #tpu.memory_space<vmem_shared>> -> memref<1x16xi32, #tpu.memory_space<vmem_shared>>
        %dma_wait3A_824 = tpu.memref_squeeze %dma_wait3A_823 : memref<1x16xi32, #tpu.memory_space<vmem_shared>> -> memref<16xi32, #tpu.memory_space<vmem_shared>>
        %dma_wait3A_825 = arith.constant 0 : i32
        %dma_wait3A_826 = tpu.memref_slice %arg9[%arg1, %dma_wait3A_825] : memref<16x16xi32, #tpu.memory_space<vmem_shared>> -> memref<1x16xi32, #tpu.memory_space<vmem_shared>>
        %dma_wait3A_827 = tpu.memref_squeeze %dma_wait3A_826 : memref<1x16xi32, #tpu.memory_space<vmem_shared>> -> memref<16xi32, #tpu.memory_space<vmem_shared>>
        tpu.wait_dma2 semaphore(%run_scoped3A : memref<!tpu.dma_semaphore, #tpu.memory_space<semaphore_mem>>) src(%arg20 : memref<16xi32, #tpu.memory_space<vmem>>) dst(%dma_wait3A_827 : memref<16xi32, #tpu.memory_space<vmem_shared>>)
        tpu.yield
      }) : () -> ()
      %barrier3A_741 = arith.constant 0 : index
      tpu.barrier barrier_id(%barrier3A_741)
      "tpu.region"() ({
        %run_scoped3A = tpu.sem_alloc : memref<!tpu.dma_semaphore, #tpu.memory_space<semaphore_mem>>
        tpu.enqueue_dma source(%arg9 : memref<16x16xi32, #tpu.memory_space<vmem_shared>>) target(%arg19 : memref<16x16xi32, #tpu.memory_space<vmem>>) target_semaphore(%run_scoped3A : memref<!tpu.dma_semaphore, #tpu.memory_space<semaphore_mem>>)
        tpu.wait_dma2 semaphore(%run_scoped3A : memref<!tpu.dma_semaphore, #tpu.memory_space<semaphore_mem>>) src(%arg9 : memref<16x16xi32, #tpu.memory_space<vmem_shared>>) dst(%arg19 : memref<16x16xi32, #tpu.memory_space<vmem>>)
        tpu.yield
      }) : () -> ()
      %broadcast_in_dim3A_742 = arith.constant 0 : i32
      %broadcast_in_dim3A_743 = vector.broadcast %broadcast_in_dim3A_742 : i32 to vector<16xi32>
      %scan3A_744 = arith.constant 0 : i32
      %scan3A_745 = arith.constant 16 : i32
      %scan3A_746 = arith.addi %scan3A_744, %scan3A_745 : i32
      %scan3A_747 = arith.constant 1 : i32
      %scan3A_748 = scf.for %scan3A_817 = %scan3A_744 to %scan3A_746 step %scan3A_747 iter_args(%scan3A_818 = %broadcast_in_dim3A_743) -> (vector<16xi32>)  : i32 {
        %get3A = arith.index_cast %scan3A_817 : i32 to index
        %get3A_819 = arith.constant 0 : index
        %get3A_820 = tpu.vector_load %arg19[%get3A, %get3A_819] {strides = array<i32>} : memref<16x16xi32, #tpu.memory_space<vmem>>, vector<16xi32>,
        %add3A_821 = arith.addi %scan3A_818, %get3A_820 : vector<16xi32>
        scf.yield %add3A_821 : vector<16xi32>
      }
      %scan3A_749 = arith.constant 16 : i32
      %iota3A_750 = tpu.iota {dimensions = array<i32: 0>} : vector<16xi32>
      %lt3A_751 = vector.broadcast %arg1 : i32 to vector<16xi32>
      %lt3A_752 = arith.cmpi slt, %iota3A_750, %lt3A_751 : vector<16xi32>
      %jit3A_753 = arith.constant 0 : i32
      %broadcast_in_dim3A_754 = vector.broadcast %jit3A_753 : i32 to vector<16xi32>
      %select_n3A_755 = arith.select %lt3A_752, %scan3A_748, %broadcast_in_dim3A_754 : vector<16xi1>, vector<16xi32>
      %reduce_sum3A_756 = arith.constant true
      %reduce_sum3A_757 = vector.broadcast %reduce_sum3A_756 : i1 to vector<16xi1>
      %reduce_sum3A_758 = tpu.scan <sum>, %select_n3A_755 masked %reduce_sum3A_757 : vector<16xi32>, vector<16xi1> -> vector<16xi32>
      %reduce_sum3A_759 = vector.extract %reduce_sum3A_758[15] : i32 from vector<16xi32>
      %add3A_760 = vector.broadcast %reduce_sum3A_759 : i32 to vector<16xi32>
      %add3A_761 = arith.addi %add3A_440, %add3A_760 : vector<16xi32>
      %add3A_762 = vector.broadcast %reduce_sum3A_759 : i32 to vector<16xi32>
      %add3A_763 = arith.addi %add3A_460, %add3A_762 : vector<16xi32>
      %add3A_764 = vector.broadcast %reduce_sum3A_759 : i32 to vector<16xi32>
      %add3A_765 = arith.addi %add3A_479, %add3A_764 : vector<16xi32>
      %add3A_766 = vector.broadcast %reduce_sum3A_759 : i32 to vector<16xi32>
      %add3A_767 = arith.addi %add3A_498, %add3A_766 : vector<16xi32>
      %add3A_768 = vector.broadcast %reduce_sum3A_759 : i32 to vector<16xi32>
      %add3A_769 = arith.addi %add3A_517, %add3A_768 : vector<16xi32>
      %add3A_770 = vector.broadcast %reduce_sum3A_759 : i32 to vector<16xi32>
      %add3A_771 = arith.addi %add3A_536, %add3A_770 : vector<16xi32>
      %add3A_772 = vector.broadcast %reduce_sum3A_759 : i32 to vector<16xi32>
      %add3A_773 = arith.addi %add3A_555, %add3A_772 : vector<16xi32>
      %add3A_774 = vector.broadcast %reduce_sum3A_759 : i32 to vector<16xi32>
      %add3A_775 = arith.addi %add3A_574, %add3A_774 : vector<16xi32>
      %add3A_776 = vector.broadcast %reduce_sum3A_759 : i32 to vector<16xi32>
      %add3A_777 = arith.addi %add3A_593, %add3A_776 : vector<16xi32>
      %add3A_778 = vector.broadcast %reduce_sum3A_759 : i32 to vector<16xi32>
      %add3A_779 = arith.addi %add3A_612, %add3A_778 : vector<16xi32>
      %add3A_780 = vector.broadcast %reduce_sum3A_759 : i32 to vector<16xi32>
      %add3A_781 = arith.addi %add3A_631, %add3A_780 : vector<16xi32>
      %add3A_782 = vector.broadcast %reduce_sum3A_759 : i32 to vector<16xi32>
      %add3A_783 = arith.addi %add3A_650, %add3A_782 : vector<16xi32>
      %add3A_784 = vector.broadcast %reduce_sum3A_759 : i32 to vector<16xi32>
      %add3A_785 = arith.addi %add3A_669, %add3A_784 : vector<16xi32>
      %add3A_786 = vector.broadcast %reduce_sum3A_759 : i32 to vector<16xi32>
      %add3A_787 = arith.addi %add3A_688, %add3A_786 : vector<16xi32>
      %add3A_788 = vector.broadcast %reduce_sum3A_759 : i32 to vector<16xi32>
      %add3A_789 = arith.addi %add3A_707, %add3A_788 : vector<16xi32>
      %add3A_790 = vector.broadcast %reduce_sum3A_759 : i32 to vector<16xi32>
      %add3A_791 = arith.addi %add3A_726, %add3A_790 : vector<16xi32>
      %scan3A_792 = arith.constant 0 : i32
      %scan3A_793 = arith.constant 16 : i32
      %scan3A_794 = arith.addi %scan3A_792, %scan3A_793 : i32
      %scan3A_795 = arith.constant 1 : i32
      %scan3A_796:16 = scf.for %scan3A_817 = %scan3A_792 to %scan3A_794 step %scan3A_795 iter_args(%scan3A_818 = %add3A_761, %scan3A_819 = %add3A_763, %scan3A_820 = %add3A_765, %scan3A_821 = %add3A_767, %scan3A_822 = %add3A_769, %scan3A_823 = %add3A_771, %scan3A_824 = %add3A_773, %scan3A_825 = %add3A_775, %scan3A_826 = %add3A_777, %scan3A_827 = %add3A_779, %scan3A_828 = %add3A_781, %scan3A_829 = %add3A_783, %scan3A_830 = %add3A_785, %scan3A_831 = %add3A_787, %scan3A_832 = %add3A_789, %scan3A_833 = %add3A_791) -> (vector<16xi32>, vector<16xi32>, vector<16xi32>, vector<16xi32>, vector<16xi32>, vector<16xi32>, vector<16xi32>, vector<16xi32>, vector<16xi32>, vector<16xi32>, vector<16xi32>, vector<16xi32>, vector<16xi32>, vector<16xi32>, vector<16xi32>, vector<16xi32>)  : i32 {
        %swap3A_834 = arith.index_cast %scan3A_817 : i32 to index
        %swap3A_835 = arith.constant 0 : index
        %swap3A_836 = tpu.vector_load %arg18[%swap3A_834, %swap3A_835] {strides = array<i32>} : memref<16x256xi32, #tpu.memory_space<vmem>>, vector<16xi32>,
        tpu.vector_store %arg18[%swap3A_834, %swap3A_835], %scan3A_818 {strides = array<i32>} : memref<16x256xi32, #tpu.memory_space<vmem>>, vector<16xi32>,
        %get3A = arith.index_cast %scan3A_817 : i32 to index
        %get3A_837 = arith.constant 0 : index
        %get3A_838 = tpu.vector_load %arg17[%get3A, %get3A_837] {strides = array<i32>} : memref<16x256xi32, #tpu.memory_space<vmem>>, vector<16xi32>,
        %add3A_839 = arith.addi %scan3A_818, %get3A_838 : vector<16xi32>
        %swap3A_840 = arith.index_cast %scan3A_817 : i32 to index
        %swap3A_841 = arith.constant 16 : index
        %swap3A_842 = tpu.vector_load %arg18[%swap3A_840, %swap3A_841] {strides = array<i32>} : memref<16x256xi32, #tpu.memory_space<vmem>>, vector<16xi32>,
        tpu.vector_store %arg18[%swap3A_840, %swap3A_841], %scan3A_819 {strides = array<i32>} : memref<16x256xi32, #tpu.memory_space<vmem>>, vector<16xi32>,
        %get3A_843 = arith.index_cast %scan3A_817 : i32 to index
        %get3A_844 = arith.constant 16 : index
        %get3A_845 = tpu.vector_load %arg17[%get3A_843, %get3A_844] {strides = array<i32>} : memref<16x256xi32, #tpu.memory_space<vmem>>, vector<16xi32>,
        %add3A_846 = arith.addi %scan3A_819, %get3A_845 : vector<16xi32>
        %swap3A_847 = arith.index_cast %scan3A_817 : i32 to index
        %swap3A_848 = arith.constant 32 : index
        %swap3A_849 = tpu.vector_load %arg18[%swap3A_847, %swap3A_848] {strides = array<i32>} : memref<16x256xi32, #tpu.memory_space<vmem>>, vector<16xi32>,
        tpu.vector_store %arg18[%swap3A_847, %swap3A_848], %scan3A_820 {strides = array<i32>} : memref<16x256xi32, #tpu.memory_space<vmem>>, vector<16xi32>,
        %get3A_850 = arith.index_cast %scan3A_817 : i32 to index
        %get3A_851 = arith.constant 32 : index
        %get3A_852 = tpu.vector_load %arg17[%get3A_850, %get3A_851] {strides = array<i32>} : memref<16x256xi32, #tpu.memory_space<vmem>>, vector<16xi32>,
        %add3A_853 = arith.addi %scan3A_820, %get3A_852 : vector<16xi32>
        %swap3A_854 = arith.index_cast %scan3A_817 : i32 to index
        %swap3A_855 = arith.constant 48 : index
        %swap3A_856 = tpu.vector_load %arg18[%swap3A_854, %swap3A_855] {strides = array<i32>} : memref<16x256xi32, #tpu.memory_space<vmem>>, vector<16xi32>,
        tpu.vector_store %arg18[%swap3A_854, %swap3A_855], %scan3A_821 {strides = array<i32>} : memref<16x256xi32, #tpu.memory_space<vmem>>, vector<16xi32>,
        %get3A_857 = arith.index_cast %scan3A_817 : i32 to index
        %get3A_858 = arith.constant 48 : index
        %get3A_859 = tpu.vector_load %arg17[%get3A_857, %get3A_858] {strides = array<i32>} : memref<16x256xi32, #tpu.memory_space<vmem>>, vector<16xi32>,
        %add3A_860 = arith.addi %scan3A_821, %get3A_859 : vector<16xi32>
        %swap3A_861 = arith.index_cast %scan3A_817 : i32 to index
        %swap3A_862 = arith.constant 64 : index
        %swap3A_863 = tpu.vector_load %arg18[%swap3A_861, %swap3A_862] {strides = array<i32>} : memref<16x256xi32, #tpu.memory_space<vmem>>, vector<16xi32>,
        tpu.vector_store %arg18[%swap3A_861, %swap3A_862], %scan3A_822 {strides = array<i32>} : memref<16x256xi32, #tpu.memory_space<vmem>>, vector<16xi32>,
        %get3A_864 = arith.index_cast %scan3A_817 : i32 to index
        %get3A_865 = arith.constant 64 : index
        %get3A_866 = tpu.vector_load %arg17[%get3A_864, %get3A_865] {strides = array<i32>} : memref<16x256xi32, #tpu.memory_space<vmem>>, vector<16xi32>,
        %add3A_867 = arith.addi %scan3A_822, %get3A_866 : vector<16xi32>
        %swap3A_868 = arith.index_cast %scan3A_817 : i32 to index
        %swap3A_869 = arith.constant 80 : index
        %swap3A_870 = tpu.vector_load %arg18[%swap3A_868, %swap3A_869] {strides = array<i32>} : memref<16x256xi32, #tpu.memory_space<vmem>>, vector<16xi32>,
        tpu.vector_store %arg18[%swap3A_868, %swap3A_869], %scan3A_823 {strides = array<i32>} : memref<16x256xi32, #tpu.memory_space<vmem>>, vector<16xi32>,
        %get3A_871 = arith.index_cast %scan3A_817 : i32 to index
        %get3A_872 = arith.constant 80 : index
        %get3A_873 = tpu.vector_load %arg17[%get3A_871, %get3A_872] {strides = array<i32>} : memref<16x256xi32, #tpu.memory_space<vmem>>, vector<16xi32>,
        %add3A_874 = arith.addi %scan3A_823, %get3A_873 : vector<16xi32>
        %swap3A_875 = arith.index_cast %scan3A_817 : i32 to index
        %swap3A_876 = arith.constant 96 : index
        %swap3A_877 = tpu.vector_load %arg18[%swap3A_875, %swap3A_876] {strides = array<i32>} : memref<16x256xi32, #tpu.memory_space<vmem>>, vector<16xi32>,
        tpu.vector_store %arg18[%swap3A_875, %swap3A_876], %scan3A_824 {strides = array<i32>} : memref<16x256xi32, #tpu.memory_space<vmem>>, vector<16xi32>,
        %get3A_878 = arith.index_cast %scan3A_817 : i32 to index
        %get3A_879 = arith.constant 96 : index
        %get3A_880 = tpu.vector_load %arg17[%get3A_878, %get3A_879] {strides = array<i32>} : memref<16x256xi32, #tpu.memory_space<vmem>>, vector<16xi32>,
        %add3A_881 = arith.addi %scan3A_824, %get3A_880 : vector<16xi32>
        %swap3A_882 = arith.index_cast %scan3A_817 : i32 to index
        %swap3A_883 = arith.constant 112 : index
        %swap3A_884 = tpu.vector_load %arg18[%swap3A_882, %swap3A_883] {strides = array<i32>} : memref<16x256xi32, #tpu.memory_space<vmem>>, vector<16xi32>,
        tpu.vector_store %arg18[%swap3A_882, %swap3A_883], %scan3A_825 {strides = array<i32>} : memref<16x256xi32, #tpu.memory_space<vmem>>, vector<16xi32>,
        %get3A_885 = arith.index_cast %scan3A_817 : i32 to index
        %get3A_886 = arith.constant 112 : index
        %get3A_887 = tpu.vector_load %arg17[%get3A_885, %get3A_886] {strides = array<i32>} : memref<16x256xi32, #tpu.memory_space<vmem>>, vector<16xi32>,
        %add3A_888 = arith.addi %scan3A_825, %get3A_887 : vector<16xi32>
        %swap3A_889 = arith.index_cast %scan3A_817 : i32 to index
        %swap3A_890 = arith.constant 128 : index
        %swap3A_891 = tpu.vector_load %arg18[%swap3A_889, %swap3A_890] {strides = array<i32>} : memref<16x256xi32, #tpu.memory_space<vmem>>, vector<16xi32>,
        tpu.vector_store %arg18[%swap3A_889, %swap3A_890], %scan3A_826 {strides = array<i32>} : memref<16x256xi32, #tpu.memory_space<vmem>>, vector<16xi32>,
        %get3A_892 = arith.index_cast %scan3A_817 : i32 to index
        %get3A_893 = arith.constant 128 : index
        %get3A_894 = tpu.vector_load %arg17[%get3A_892, %get3A_893] {strides = array<i32>} : memref<16x256xi32, #tpu.memory_space<vmem>>, vector<16xi32>,
        %add3A_895 = arith.addi %scan3A_826, %get3A_894 : vector<16xi32>
        %swap3A_896 = arith.index_cast %scan3A_817 : i32 to index
        %swap3A_897 = arith.constant 144 : index
        %swap3A_898 = tpu.vector_load %arg18[%swap3A_896, %swap3A_897] {strides = array<i32>} : memref<16x256xi32, #tpu.memory_space<vmem>>, vector<16xi32>,
        tpu.vector_store %arg18[%swap3A_896, %swap3A_897], %scan3A_827 {strides = array<i32>} : memref<16x256xi32, #tpu.memory_space<vmem>>, vector<16xi32>,
        %get3A_899 = arith.index_cast %scan3A_817 : i32 to index
        %get3A_900 = arith.constant 144 : index
        %get3A_901 = tpu.vector_load %arg17[%get3A_899, %get3A_900] {strides = array<i32>} : memref<16x256xi32, #tpu.memory_space<vmem>>, vector<16xi32>,
        %add3A_902 = arith.addi %scan3A_827, %get3A_901 : vector<16xi32>
        %swap3A_903 = arith.index_cast %scan3A_817 : i32 to index
        %swap3A_904 = arith.constant 160 : index
        %swap3A_905 = tpu.vector_load %arg18[%swap3A_903, %swap3A_904] {strides = array<i32>} : memref<16x256xi32, #tpu.memory_space<vmem>>, vector<16xi32>,
        tpu.vector_store %arg18[%swap3A_903, %swap3A_904], %scan3A_828 {strides = array<i32>} : memref<16x256xi32, #tpu.memory_space<vmem>>, vector<16xi32>,
        %get3A_906 = arith.index_cast %scan3A_817 : i32 to index
        %get3A_907 = arith.constant 160 : index
        %get3A_908 = tpu.vector_load %arg17[%get3A_906, %get3A_907] {strides = array<i32>} : memref<16x256xi32, #tpu.memory_space<vmem>>, vector<16xi32>,
        %add3A_909 = arith.addi %scan3A_828, %get3A_908 : vector<16xi32>
        %swap3A_910 = arith.index_cast %scan3A_817 : i32 to index
        %swap3A_911 = arith.constant 176 : index
        %swap3A_912 = tpu.vector_load %arg18[%swap3A_910, %swap3A_911] {strides = array<i32>} : memref<16x256xi32, #tpu.memory_space<vmem>>, vector<16xi32>,
        tpu.vector_store %arg18[%swap3A_910, %swap3A_911], %scan3A_829 {strides = array<i32>} : memref<16x256xi32, #tpu.memory_space<vmem>>, vector<16xi32>,
        %get3A_913 = arith.index_cast %scan3A_817 : i32 to index
        %get3A_914 = arith.constant 176 : index
        %get3A_915 = tpu.vector_load %arg17[%get3A_913, %get3A_914] {strides = array<i32>} : memref<16x256xi32, #tpu.memory_space<vmem>>, vector<16xi32>,
        %add3A_916 = arith.addi %scan3A_829, %get3A_915 : vector<16xi32>
        %swap3A_917 = arith.index_cast %scan3A_817 : i32 to index
        %swap3A_918 = arith.constant 192 : index
        %swap3A_919 = tpu.vector_load %arg18[%swap3A_917, %swap3A_918] {strides = array<i32>} : memref<16x256xi32, #tpu.memory_space<vmem>>, vector<16xi32>,
        tpu.vector_store %arg18[%swap3A_917, %swap3A_918], %scan3A_830 {strides = array<i32>} : memref<16x256xi32, #tpu.memory_space<vmem>>, vector<16xi32>,
        %get3A_920 = arith.index_cast %scan3A_817 : i32 to index
        %get3A_921 = arith.constant 192 : index
        %get3A_922 = tpu.vector_load %arg17[%get3A_920, %get3A_921] {strides = array<i32>} : memref<16x256xi32, #tpu.memory_space<vmem>>, vector<16xi32>,
        %add3A_923 = arith.addi %scan3A_830, %get3A_922 : vector<16xi32>
        %swap3A_924 = arith.index_cast %scan3A_817 : i32 to index
        %swap3A_925 = arith.constant 208 : index
        %swap3A_926 = tpu.vector_load %arg18[%swap3A_924, %swap3A_925] {strides = array<i32>} : memref<16x256xi32, #tpu.memory_space<vmem>>, vector<16xi32>,
        tpu.vector_store %arg18[%swap3A_924, %swap3A_925], %scan3A_831 {strides = array<i32>} : memref<16x256xi32, #tpu.memory_space<vmem>>, vector<16xi32>,
        %get3A_927 = arith.index_cast %scan3A_817 : i32 to index
        %get3A_928 = arith.constant 208 : index
        %get3A_929 = tpu.vector_load %arg17[%get3A_927, %get3A_928] {strides = array<i32>} : memref<16x256xi32, #tpu.memory_space<vmem>>, vector<16xi32>,
        %add3A_930 = arith.addi %scan3A_831, %get3A_929 : vector<16xi32>
        %swap3A_931 = arith.index_cast %scan3A_817 : i32 to index
        %swap3A_932 = arith.constant 224 : index
        %swap3A_933 = tpu.vector_load %arg18[%swap3A_931, %swap3A_932] {strides = array<i32>} : memref<16x256xi32, #tpu.memory_space<vmem>>, vector<16xi32>,
        tpu.vector_store %arg18[%swap3A_931, %swap3A_932], %scan3A_832 {strides = array<i32>} : memref<16x256xi32, #tpu.memory_space<vmem>>, vector<16xi32>,
        %get3A_934 = arith.index_cast %scan3A_817 : i32 to index
        %get3A_935 = arith.constant 224 : index
        %get3A_936 = tpu.vector_load %arg17[%get3A_934, %get3A_935] {strides = array<i32>} : memref<16x256xi32, #tpu.memory_space<vmem>>, vector<16xi32>,
        %add3A_937 = arith.addi %scan3A_832, %get3A_936 : vector<16xi32>
        %swap3A_938 = arith.index_cast %scan3A_817 : i32 to index
        %swap3A_939 = arith.constant 240 : index
        %swap3A_940 = tpu.vector_load %arg18[%swap3A_938, %swap3A_939] {strides = array<i32>} : memref<16x256xi32, #tpu.memory_space<vmem>>, vector<16xi32>,
        tpu.vector_store %arg18[%swap3A_938, %swap3A_939], %scan3A_833 {strides = array<i32>} : memref<16x256xi32, #tpu.memory_space<vmem>>, vector<16xi32>,
        %get3A_941 = arith.index_cast %scan3A_817 : i32 to index
        %get3A_942 = arith.constant 240 : index
        %get3A_943 = tpu.vector_load %arg17[%get3A_941, %get3A_942] {strides = array<i32>} : memref<16x256xi32, #tpu.memory_space<vmem>>, vector<16xi32>,
        %add3A_944 = arith.addi %scan3A_833, %get3A_943 : vector<16xi32>
        scf.yield %add3A_839, %add3A_846, %add3A_853, %add3A_860, %add3A_867, %add3A_874, %add3A_881, %add3A_888, %add3A_895, %add3A_902, %add3A_909, %add3A_916, %add3A_923, %add3A_930, %add3A_937, %add3A_944 : vector<16xi32>, vector<16xi32>, vector<16xi32>, vector<16xi32>, vector<16xi32>, vector<16xi32>, vector<16xi32>, vector<16xi32>, vector<16xi32>, vector<16xi32>, vector<16xi32>, vector<16xi32>, vector<16xi32>, vector<16xi32>, vector<16xi32>, vector<16xi32>
      }
      %scan3A_797 = arith.constant 16 : i32
      %mul3A_798 = arith.constant 256 : i32
      %mul3A_799 = arith.muli %arg1, %mul3A_798 : i32
      "tpu.region"() ({
        %run_scoped3A = tpu.sem_alloc : memref<!tpu.dma_semaphore, #tpu.memory_space<semaphore_mem>>
        %dma_start3A = arith.constant 0 : i32
        %dma_start3A_817 = tpu.memref_slice %arg8[%dma_start3A, %mul3A_799] : memref<16x4096xi32, #tpu.memory_space<vmem_shared>> -> memref<16x256xi32, #tpu.memory_space<vmem_shared>>
        %dma_start3A_818 = arith.constant 0 : i32
        %dma_start3A_819 = tpu.memref_slice %arg8[%dma_start3A_818, %mul3A_799] : memref<16x4096xi32, #tpu.memory_space<vmem_shared>> -> memref<16x256xi32, #tpu.memory_space<vmem_shared>>
        tpu.enqueue_dma source(%arg18 : memref<16x256xi32, #tpu.memory_space<vmem>>) target(%dma_start3A_819 : memref<16x256xi32, #tpu.memory_space<vmem_shared>>) target_semaphore(%run_scoped3A : memref<!tpu.dma_semaphore, #tpu.memory_space<semaphore_mem>>)
        %dma_wait3A_820 = arith.constant 0 : i32
        %dma_wait3A_821 = tpu.memref_slice %arg8[%dma_wait3A_820, %mul3A_799] : memref<16x4096xi32, #tpu.memory_space<vmem_shared>> -> memref<16x256xi32, #tpu.memory_space<vmem_shared>>
        %dma_wait3A_822 = arith.constant 0 : i32
        %dma_wait3A_823 = tpu.memref_slice %arg8[%dma_wait3A_822, %mul3A_799] : memref<16x4096xi32, #tpu.memory_space<vmem_shared>> -> memref<16x256xi32, #tpu.memory_space<vmem_shared>>
        tpu.wait_dma2 semaphore(%run_scoped3A : memref<!tpu.dma_semaphore, #tpu.memory_space<semaphore_mem>>) src(%arg18 : memref<16x256xi32, #tpu.memory_space<vmem>>) dst(%dma_wait3A_823 : memref<16x256xi32, #tpu.memory_space<vmem_shared>>)
        tpu.yield
      }) : () -> ()
      %barrier3A_800 = arith.constant 0 : index
      tpu.barrier barrier_id(%barrier3A_800)
      "tpu.region"() ({
        %run_scoped3A = tpu.sem_alloc : memref<!tpu.dma_semaphore, #tpu.memory_space<semaphore_mem>>
        %dma_start3A = arith.constant 0 : i32
        %dma_start3A_817 = tpu.memref_slice %arg8[%arg1, %dma_start3A] : memref<16x4096xi32, #tpu.memory_space<vmem_shared>> -> memref<1x4096xi32, #tpu.memory_space<vmem_shared>>
        %dma_start3A_818 = tpu.memref_squeeze %dma_start3A_817 : memref<1x4096xi32, #tpu.memory_space<vmem_shared>> -> memref<4096xi32, #tpu.memory_space<vmem_shared>>
        %dma_start3A_819 = arith.constant 0 : i32
        %dma_start3A_820 = tpu.memref_slice %arg8[%arg1, %dma_start3A_819] : memref<16x4096xi32, #tpu.memory_space<vmem_shared>> -> memref<1x4096xi32, #tpu.memory_space<vmem_shared>>
        %dma_start3A_821 = tpu.memref_squeeze %dma_start3A_820 : memref<1x4096xi32, #tpu.memory_space<vmem_shared>> -> memref<4096xi32, #tpu.memory_space<vmem_shared>>
        tpu.enqueue_dma source(%dma_start3A_821 : memref<4096xi32, #tpu.memory_space<vmem_shared>>) target(%arg16 : memref<4096xi32, #tpu.memory_space<vmem>>) target_semaphore(%run_scoped3A : memref<!tpu.dma_semaphore, #tpu.memory_space<semaphore_mem>>)
        %dma_wait3A_822 = arith.constant 0 : i32
        %dma_wait3A_823 = tpu.memref_slice %arg8[%arg1, %dma_wait3A_822] : memref<16x4096xi32, #tpu.memory_space<vmem_shared>> -> memref<1x4096xi32, #tpu.memory_space<vmem_shared>>
        %dma_wait3A_824 = tpu.memref_squeeze %dma_wait3A_823 : memref<1x4096xi32, #tpu.memory_space<vmem_shared>> -> memref<4096xi32, #tpu.memory_space<vmem_shared>>
        %dma_wait3A_825 = arith.constant 0 : i32
        %dma_wait3A_826 = tpu.memref_slice %arg8[%arg1, %dma_wait3A_825] : memref<16x4096xi32, #tpu.memory_space<vmem_shared>> -> memref<1x4096xi32, #tpu.memory_space<vmem_shared>>
        %dma_wait3A_827 = tpu.memref_squeeze %dma_wait3A_826 : memref<1x4096xi32, #tpu.memory_space<vmem_shared>> -> memref<4096xi32, #tpu.memory_space<vmem_shared>>
        tpu.wait_dma2 semaphore(%run_scoped3A : memref<!tpu.dma_semaphore, #tpu.memory_space<semaphore_mem>>) src(%dma_wait3A_827 : memref<4096xi32, #tpu.memory_space<vmem_shared>>) dst(%arg16 : memref<4096xi32, #tpu.memory_space<vmem>>)
        tpu.yield
      }) : () -> ()
      %broadcast_in_dim3A_801 = arith.constant 1 : i32
      %broadcast_in_dim3A_802 = vector.broadcast %broadcast_in_dim3A_801 : i32 to vector<16xi32>
      %scan3A_803 = arith.constant 0 : i32
      %scan3A_804 = arith.constant 0 : i32
      %scan3A_805 = arith.constant 8 : i32
      %scan3A_806 = arith.addi %scan3A_804, %scan3A_805 : i32
      %scan3A_807 = arith.constant 1 : i32
      %scan3A_808 = scf.for %scan3A_817 = %scan3A_804 to %scan3A_806 step %scan3A_807 iter_args(%scan3A_818 = %scan3A_803) -> (i32)  : i32 {
        %gt3A = arith.constant 0 : i32
        %gt3A_819 = arith.cmpi sgt, %scan3A_817, %gt3A : i32
        %convert_element_type3A = arith.extui %gt3A_819 : i1 to i32
        %cond3A = arith.constant 0 : i32
        %cond3A_820 = arith.cmpi ne, %convert_element_type3A, %cond3A : i32
        scf.if %cond3A_820 {
          %dma_wait3A_856 = arith.constant 0 : i32
          %dma_wait3A_857 = tpu.memref_slice %arg6[%dma_wait3A_856] : memref<524288xi32, #tpu.memory_space<vmem_shared>> -> memref<524288xi32, #tpu.memory_space<vmem_shared>>
          tpu.wait_indirect_dma semaphore(%arg21 : memref<!tpu.dma_semaphore, #tpu.memory_space<semaphore_mem>>) src(%arg12 : memref<2048xi32, #tpu.memory_space<vmem>>) dst(%dma_wait3A_857 : memref<524288xi32, #tpu.memory_space<vmem_shared>>)
        } else {
        }
        %mul3A_821 = arith.constant 2 : i32
        %mul3A_822 = arith.muli %mul3A_821, %scan3A_817 : i32
        %mul3A_823 = arith.constant 2048 : i32
        %mul3A_824 = arith.muli %mul3A_822, %mul3A_823 : i32
        %add3A_825 = arith.addi %mul3A_0, %mul3A_824 : i32
        "tpu.region"() ({
          %run_scoped3A = tpu.sem_alloc : memref<!tpu.dma_semaphore, #tpu.memory_space<semaphore_mem>>
          %dma_start3A_856 = tpu.memref_slice %arg5[%add3A_825] : memref<524288xi32, #tpu.memory_space<vmem_shared>> -> memref<2048xi32, #tpu.memory_space<vmem_shared>>
          %dma_start3A_857 = tpu.memref_slice %arg5[%add3A_825] : memref<524288xi32, #tpu.memory_space<vmem_shared>> -> memref<2048xi32, #tpu.memory_space<vmem_shared>>
          tpu.enqueue_dma source(%dma_start3A_857 : memref<2048xi32, #tpu.memory_space<vmem_shared>>) target(%arg11 : memref<2048xi32, #tpu.memory_space<vmem>>) target_semaphore(%run_scoped3A : memref<!tpu.dma_semaphore, #tpu.memory_space<semaphore_mem>>)
          %dma_wait3A_858 = tpu.memref_slice %arg5[%add3A_825] : memref<524288xi32, #tpu.memory_space<vmem_shared>> -> memref<2048xi32, #tpu.memory_space<vmem_shared>>
          %dma_wait3A_859 = tpu.memref_slice %arg5[%add3A_825] : memref<524288xi32, #tpu.memory_space<vmem_shared>> -> memref<2048xi32, #tpu.memory_space<vmem_shared>>
          tpu.wait_dma2 semaphore(%run_scoped3A : memref<!tpu.dma_semaphore, #tpu.memory_space<semaphore_mem>>) src(%dma_wait3A_859 : memref<2048xi32, #tpu.memory_space<vmem_shared>>) dst(%arg11 : memref<2048xi32, #tpu.memory_space<vmem>>)
          tpu.yield
        }) : () -> ()
        %scan3A_826 = arith.constant 0 : i32
        %scan3A_827 = arith.constant 0 : i32
        %scan3A_828 = arith.constant 128 : i32
        %scan3A_829 = arith.addi %scan3A_827, %scan3A_828 : i32
        %scan3A_830 = arith.constant 1 : i32
        %scan3A_831 = scf.for %scan3A_856 = %scan3A_827 to %scan3A_829 step %scan3A_830 iter_args(%scan3A_857 = %scan3A_826) -> (i32)  : i32 {
          %mul3A_858 = arith.constant 16 : i32
          %mul3A_859 = arith.muli %scan3A_856, %mul3A_858 : i32
          %get3A = arith.index_cast %mul3A_859 : i32 to index
          %get3A_860 = tpu.vector_load %arg11[%get3A] {strides = array<i32>} : memref<2048xi32, #tpu.memory_space<vmem>>, vector<16xi32>,
          %shift_right_arithmetic3A = arith.constant 16 : i32
          %shift_right_arithmetic3A_861 = vector.broadcast %shift_right_arithmetic3A : i32 to vector<16xi32>
          %shift_right_arithmetic3A_862 = arith.shrsi %get3A_860, %shift_right_arithmetic3A_861 : vector<16xi32>
          %and3A = arith.constant 4095 : i32
          %and3A_863 = vector.broadcast %and3A : i32 to vector<16xi32>
          %and3A_864 = arith.andi %shift_right_arithmetic3A_862, %and3A_863 : vector<16xi32>
          %broadcast_in_dim3A_865 = arith.constant true
          %broadcast_in_dim3A_866 = vector.broadcast %broadcast_in_dim3A_865 : i1 to vector<16xi1>
          %unique3A, %unique3A_867 = tpu.scan_count mask(%broadcast_in_dim3A_866 : vector<16xi1>) value(%and3A_864 : vector<16xi32>) : vector<16xi1>, vector<16xi32>
          %gather3A = tpu.vector_load_idx %arg16[%and3A_864] : memref<4096xi32, #tpu.memory_space<vmem>>[vector<16xi32>], vector<16xi32>,
          tpu.vector_store_idx %arg16[%and3A_864], %broadcast_in_dim3A_802 {add = true} : memref<4096xi32, #tpu.memory_space<vmem>>[vector<16xi32>], vector<16xi32>,
          %add3A_868 = arith.addi %gather3A, %unique3A_867 : vector<16xi32>
          %sub3A_869 = arith.constant 1 : i32
          %sub3A_870 = vector.broadcast %sub3A_869 : i32 to vector<16xi32>
          %sub3A_871 = arith.subi %add3A_868, %sub3A_870 : vector<16xi32>
          %mul3A_872 = arith.constant 16 : i32
          %mul3A_873 = arith.muli %scan3A_856, %mul3A_872 : i32
          %swap3A_874 = arith.index_cast %mul3A_873 : i32 to index
          %swap3A_875 = tpu.vector_load %arg13[%swap3A_874] {strides = array<i32>} : memref<2048xi32, #tpu.memory_space<vmem>>, vector<16xi32>,
          tpu.vector_store %arg13[%swap3A_874], %sub3A_871 {strides = array<i32>} : memref<2048xi32, #tpu.memory_space<vmem>>, vector<16xi32>,
          %mul3A_876 = arith.constant 16 : i32
          %mul3A_877 = arith.muli %scan3A_856, %mul3A_876 : i32
          %swap3A_878 = arith.index_cast %mul3A_877 : i32 to index
          %swap3A_879 = tpu.vector_load %arg12[%swap3A_878] {strides = array<i32>} : memref<2048xi32, #tpu.memory_space<vmem>>, vector<16xi32>,
          tpu.vector_store %arg12[%swap3A_878], %get3A_860 {strides = array<i32>} : memref<2048xi32, #tpu.memory_space<vmem>>, vector<16xi32>,
          %scan3A_880 = arith.constant 0 : i32
          scf.yield %scan3A_880 : i32
        }
        %scan3A_832 = arith.constant 128 : i32
        %dma_start3A = arith.constant 0 : i32
        %dma_start3A_833 = tpu.memref_slice %arg6[%dma_start3A] : memref<524288xi32, #tpu.memory_space<vmem_shared>> -> memref<524288xi32, #tpu.memory_space<vmem_shared>>
        tpu.enqueue_indirect_dma source(%arg12 : memref<2048xi32, #tpu.memory_space<vmem>>) target(%dma_start3A_833 : memref<524288xi32, #tpu.memory_space<vmem_shared>>) offsets(%arg13 : memref<2048xi32, #tpu.memory_space<vmem>>) semaphore(%arg21 : memref<!tpu.dma_semaphore, #tpu.memory_space<semaphore_mem>>)
        %gt3A_834 = arith.constant 0 : i32
        %gt3A_835 = arith.cmpi sgt, %scan3A_817, %gt3A_834 : i32
        %convert_element_type3A_836 = arith.extui %gt3A_835 : i1 to i32
        %cond3A_837 = arith.constant 0 : i32
        %cond3A_838 = arith.cmpi ne, %convert_element_type3A_836, %cond3A_837 : i32
        scf.if %cond3A_838 {
          %dma_wait3A_856 = arith.constant 0 : i32
          %dma_wait3A_857 = tpu.memref_slice %arg6[%dma_wait3A_856] : memref<524288xi32, #tpu.memory_space<vmem_shared>> -> memref<524288xi32, #tpu.memory_space<vmem_shared>>
          tpu.wait_indirect_dma semaphore(%arg22 : memref<!tpu.dma_semaphore, #tpu.memory_space<semaphore_mem>>) src(%arg14 : memref<2048xi32, #tpu.memory_space<vmem>>) dst(%dma_wait3A_857 : memref<524288xi32, #tpu.memory_space<vmem_shared>>)
        } else {
        }
        %mul3A_839 = arith.constant 2 : i32
        %mul3A_840 = arith.muli %mul3A_839, %scan3A_817 : i32
        %add3A_841 = arith.constant 1 : i32
        %add3A_842 = arith.addi %mul3A_840, %add3A_841 : i32
        %mul3A_843 = arith.constant 2048 : i32
        %mul3A_844 = arith.muli %add3A_842, %mul3A_843 : i32
        %add3A_845 = arith.addi %mul3A_0, %mul3A_844 : i32
        "tpu.region"() ({
          %run_scoped3A = tpu.sem_alloc : memref<!tpu.dma_semaphore, #tpu.memory_space<semaphore_mem>>
          %dma_start3A_856 = tpu.memref_slice %arg5[%add3A_845] : memref<524288xi32, #tpu.memory_space<vmem_shared>> -> memref<2048xi32, #tpu.memory_space<vmem_shared>>
          %dma_start3A_857 = tpu.memref_slice %arg5[%add3A_845] : memref<524288xi32, #tpu.memory_space<vmem_shared>> -> memref<2048xi32, #tpu.memory_space<vmem_shared>>
          tpu.enqueue_dma source(%dma_start3A_857 : memref<2048xi32, #tpu.memory_space<vmem_shared>>) target(%arg11 : memref<2048xi32, #tpu.memory_space<vmem>>) target_semaphore(%run_scoped3A : memref<!tpu.dma_semaphore, #tpu.memory_space<semaphore_mem>>)
          %dma_wait3A_858 = tpu.memref_slice %arg5[%add3A_845] : memref<524288xi32, #tpu.memory_space<vmem_shared>> -> memref<2048xi32, #tpu.memory_space<vmem_shared>>
          %dma_wait3A_859 = tpu.memref_slice %arg5[%add3A_845] : memref<524288xi32, #tpu.memory_space<vmem_shared>> -> memref<2048xi32, #tpu.memory_space<vmem_shared>>
          tpu.wait_dma2 semaphore(%run_scoped3A : memref<!tpu.dma_semaphore, #tpu.memory_space<semaphore_mem>>) src(%dma_wait3A_859 : memref<2048xi32, #tpu.memory_space<vmem_shared>>) dst(%arg11 : memref<2048xi32, #tpu.memory_space<vmem>>)
          tpu.yield
        }) : () -> ()
        %scan3A_846 = arith.constant 0 : i32
        %scan3A_847 = arith.constant 0 : i32
        %scan3A_848 = arith.constant 128 : i32
        %scan3A_849 = arith.addi %scan3A_847, %scan3A_848 : i32
        %scan3A_850 = arith.constant 1 : i32
        %scan3A_851 = scf.for %scan3A_856 = %scan3A_847 to %scan3A_849 step %scan3A_850 iter_args(%scan3A_857 = %scan3A_846) -> (i32)  : i32 {
          %mul3A_858 = arith.constant 16 : i32
          %mul3A_859 = arith.muli %scan3A_856, %mul3A_858 : i32
          %get3A = arith.index_cast %mul3A_859 : i32 to index
          %get3A_860 = tpu.vector_load %arg11[%get3A] {strides = array<i32>} : memref<2048xi32, #tpu.memory_space<vmem>>, vector<16xi32>,
          %shift_right_arithmetic3A = arith.constant 16 : i32
          %shift_right_arithmetic3A_861 = vector.broadcast %shift_right_arithmetic3A : i32 to vector<16xi32>
          %shift_right_arithmetic3A_862 = arith.shrsi %get3A_860, %shift_right_arithmetic3A_861 : vector<16xi32>
          %and3A = arith.constant 4095 : i32
          %and3A_863 = vector.broadcast %and3A : i32 to vector<16xi32>
          %and3A_864 = arith.andi %shift_right_arithmetic3A_862, %and3A_863 : vector<16xi32>
          %broadcast_in_dim3A_865 = arith.constant true
          %broadcast_in_dim3A_866 = vector.broadcast %broadcast_in_dim3A_865 : i1 to vector<16xi1>
          %unique3A, %unique3A_867 = tpu.scan_count mask(%broadcast_in_dim3A_866 : vector<16xi1>) value(%and3A_864 : vector<16xi32>) : vector<16xi1>, vector<16xi32>
          %gather3A = tpu.vector_load_idx %arg16[%and3A_864] : memref<4096xi32, #tpu.memory_space<vmem>>[vector<16xi32>], vector<16xi32>,
          tpu.vector_store_idx %arg16[%and3A_864], %broadcast_in_dim3A_802 {add = true} : memref<4096xi32, #tpu.memory_space<vmem>>[vector<16xi32>], vector<16xi32>,
          %add3A_868 = arith.addi %gather3A, %unique3A_867 : vector<16xi32>
          %sub3A_869 = arith.constant 1 : i32
          %sub3A_870 = vector.broadcast %sub3A_869 : i32 to vector<16xi32>
          %sub3A_871 = arith.subi %add3A_868, %sub3A_870 : vector<16xi32>
          %mul3A_872 = arith.constant 16 : i32
          %mul3A_873 = arith.muli %scan3A_856, %mul3A_872 : i32
          %swap3A_874 = arith.index_cast %mul3A_873 : i32 to index
          %swap3A_875 = tpu.vector_load %arg15[%swap3A_874] {strides = array<i32>} : memref<2048xi32, #tpu.memory_space<vmem>>, vector<16xi32>,
          tpu.vector_store %arg15[%swap3A_874], %sub3A_871 {strides = array<i32>} : memref<2048xi32, #tpu.memory_space<vmem>>, vector<16xi32>,
          %mul3A_876 = arith.constant 16 : i32
          %mul3A_877 = arith.muli %scan3A_856, %mul3A_876 : i32
          %swap3A_878 = arith.index_cast %mul3A_877 : i32 to index
          %swap3A_879 = tpu.vector_load %arg14[%swap3A_878] {strides = array<i32>} : memref<2048xi32, #tpu.memory_space<vmem>>, vector<16xi32>,
          tpu.vector_store %arg14[%swap3A_878], %get3A_860 {strides = array<i32>} : memref<2048xi32, #tpu.memory_space<vmem>>, vector<16xi32>,
          %scan3A_880 = arith.constant 0 : i32
          scf.yield %scan3A_880 : i32
        }
        %scan3A_852 = arith.constant 128 : i32
        %dma_start3A_853 = arith.constant 0 : i32
        %dma_start3A_854 = tpu.memref_slice %arg6[%dma_start3A_853] : memref<524288xi32, #tpu.memory_space<vmem_shared>> -> memref<524288xi32, #tpu.memory_space<vmem_shared>>
        tpu.enqueue_indirect_dma source(%arg14 : memref<2048xi32, #tpu.memory_space<vmem>>) target(%dma_start3A_854 : memref<524288xi32, #tpu.memory_space<vmem_shared>>) offsets(%arg15 : memref<2048xi32, #tpu.memory_space<vmem>>) semaphore(%arg22 : memref<!tpu.dma_semaphore, #tpu.memory_space<semaphore_mem>>)
        %scan3A_855 = arith.constant 0 : i32
        scf.yield %scan3A_855 : i32
      }
      %scan3A_809 = arith.constant 8 : i32
      %dma_wait3A_810 = arith.constant 0 : i32
      %dma_wait3A_811 = tpu.memref_slice %arg6[%dma_wait3A_810] : memref<524288xi32, #tpu.memory_space<vmem_shared>> -> memref<524288xi32, #tpu.memory_space<vmem_shared>>
      tpu.wait_indirect_dma semaphore(%arg21 : memref<!tpu.dma_semaphore, #tpu.memory_space<semaphore_mem>>) src(%arg12 : memref<2048xi32, #tpu.memory_space<vmem>>) dst(%dma_wait3A_811 : memref<524288xi32, #tpu.memory_space<vmem_shared>>)
      %dma_wait3A_812 = arith.constant 0 : i32
      %dma_wait3A_813 = tpu.memref_slice %arg6[%dma_wait3A_812] : memref<524288xi32, #tpu.memory_space<vmem_shared>> -> memref<524288xi32, #tpu.memory_space<vmem_shared>>
      tpu.wait_indirect_dma semaphore(%arg22 : memref<!tpu.dma_semaphore, #tpu.memory_space<semaphore_mem>>) src(%arg14 : memref<2048xi32, #tpu.memory_space<vmem>>) dst(%dma_wait3A_813 : memref<524288xi32, #tpu.memory_space<vmem_shared>>)
      %barrier3A_814 = arith.constant 0 : index
      tpu.barrier barrier_id(%barrier3A_814)
      "tpu.region"() ({
        %run_scoped3A = tpu.sem_alloc : memref<!tpu.dma_semaphore, #tpu.memory_space<semaphore_mem>>
        %dma_start3A = tpu.memref_slice %arg4[%add3A, %mul3A_0] : memref<16x524288xi32, #tpu.memory_space<hbm>> -> memref<1x32768xi32, #tpu.memory_space<hbm>>
        %dma_start3A_817 = tpu.memref_squeeze %dma_start3A : memref<1x32768xi32, #tpu.memory_space<hbm>> -> memref<32768xi32, #tpu.memory_space<hbm>>
        %dma_start3A_818 = tpu.memref_slice %arg6[%mul3A_0] : memref<524288xi32, #tpu.memory_space<vmem_shared>> -> memref<32768xi32, #tpu.memory_space<vmem_shared>>
        tpu.enqueue_dma source(%dma_start3A_818 : memref<32768xi32, #tpu.memory_space<vmem_shared>>) target(%dma_start3A_817 : memref<32768xi32, #tpu.memory_space<hbm>>) target_semaphore(%run_scoped3A : memref<!tpu.dma_semaphore, #tpu.memory_space<semaphore_mem>>)
        %dma_wait3A_819 = tpu.memref_slice %arg4[%add3A, %mul3A_0] : memref<16x524288xi32, #tpu.memory_space<hbm>> -> memref<1x32768xi32, #tpu.memory_space<hbm>>
        %dma_wait3A_820 = tpu.memref_squeeze %dma_wait3A_819 : memref<1x32768xi32, #tpu.memory_space<hbm>> -> memref<32768xi32, #tpu.memory_space<hbm>>
        %dma_wait3A_821 = tpu.memref_slice %arg6[%mul3A_0] : memref<524288xi32, #tpu.memory_space<vmem_shared>> -> memref<32768xi32, #tpu.memory_space<vmem_shared>>
        tpu.wait_dma2 semaphore(%run_scoped3A : memref<!tpu.dma_semaphore, #tpu.memory_space<semaphore_mem>>) src(%dma_wait3A_821 : memref<32768xi32, #tpu.memory_space<vmem_shared>>) dst(%dma_wait3A_820 : memref<32768xi32, #tpu.memory_space<hbm>>)
        tpu.yield
      }) : () -> ()
      %barrier3A_815 = arith.constant 0 : index
      tpu.barrier barrier_id(%barrier3A_815)
      %scan3A_816 = arith.constant 0 : i32
      scf.yield %scan3A_816 : i32
    }
    %scan3A_6 = arith.constant 8 : i32
    return
  }
}

module attributes {stable_mosaic.version = 14 : i64} {
  func.func @_hist_kernel(%arg0: memref<16x32768xi32, #tpu.memory_space<vmem>>, %arg1: memref<256x1xf32, #tpu.memory_space<vmem>>) attributes {dimension_semantics = [], scalar_prefetch = 0 : i64, scratch_operands = 0 : i64, tpu.core_type = #tpu.core_type<tc>} {
    %get3A = arith.constant 0 : index
    %get3A_0 = arith.constant 0 : index
    %get3A_1 = vector.load %arg0[%get3A, %get3A_0] : memref<16x32768xi32, #tpu.memory_space<vmem>>, vector<16x32768xi32>
    %iota3A = tpu.iota {dimensions = array<i32: 0>} : vector<256x1xi32>
    %broadcast_in_dim3A = arith.constant 0.000000e+00 : f32
    %broadcast_in_dim3A_2 = vector.broadcast %broadcast_in_dim3A : f32 to vector<256x1xf32>
    %eq3A = arith.constant 0 : i32
    %eq3A_3 = vector.broadcast %eq3A : i32 to vector<16x32768xi32>
    %eq3A_4 = arith.cmpi eq, %get3A_1, %eq3A_3 : vector<16x32768xi32>
    %convert_element_type3A = arith.extui %eq3A_4 : vector<16x32768xi1> to vector<16x32768xi32>
    %convert_element_type3A_5 = arith.sitofp %convert_element_type3A : vector<16x32768xi32> to vector<16x32768xf32>
    %reduce_sum3A = vector.shape_cast %convert_element_type3A_5 : vector<16x32768xf32> to vector<1x16x32768xf32>
    %reduce_sum3A_6 = arith.constant dense<0.000000e+00> : vector<1xf32>
    %reduce_sum3A_7 = vector.multi_reduction <add>, %reduce_sum3A, %reduce_sum3A_6 [1, 2] : vector<1x16x32768xf32> to vector<1xf32>
    %reduce_sum3A_8 = vector.shape_cast %reduce_sum3A_7 : vector<1xf32> to vector<1x1x1xf32>
    %reduce_sum3A_9 = vector.extract %reduce_sum3A_8[0, 0, 0] : f32 from vector<1x1x1xf32>
    %jit3A = arith.constant 16 : i32
    %eq3A_10 = arith.constant 0 : i32
    %eq3A_11 = arith.cmpi eq, %jit3A, %eq3A_10 : i32
    %jit3A_12 = arith.constant 1 : i32
    %select_n3A = arith.select %eq3A_11, %jit3A_12, %jit3A : i32
    %rem3A = vector.broadcast %select_n3A : i32 to vector<256x1xi32>
    %rem3A_13 = arith.remsi %iota3A, %rem3A : vector<256x1xi32>
    %ne3A = arith.constant 0 : i32
    %ne3A_14 = vector.broadcast %ne3A : i32 to vector<256x1xi32>
    %ne3A_15 = arith.cmpi ne, %rem3A_13, %ne3A_14 : vector<256x1xi32>
    %lt3A = arith.constant 0 : i32
    %lt3A_16 = vector.broadcast %lt3A : i32 to vector<256x1xi32>
    %lt3A_17 = arith.cmpi slt, %rem3A_13, %lt3A_16 : vector<256x1xi32>
    %lt3A_18 = arith.constant 0 : i32
    %lt3A_19 = arith.cmpi slt, %select_n3A, %lt3A_18 : i32
    %ne3A_20 = vector.broadcast %lt3A_19 : i1 to vector<256x1xi1>
    %ne3A_21 = vector.broadcast %ne3A_20 : vector<256x1xi1> to vector<256x1xi1>
    %ne3A_22 = arith.xori %lt3A_17, %ne3A_21 : vector<256x1xi1>
    %and3A = arith.andi %ne3A_22, %ne3A_15 : vector<256x1xi1>
    %add3A = vector.broadcast %select_n3A : i32 to vector<256x1xi32>
    %add3A_23 = arith.addi %rem3A_13, %add3A : vector<256x1xi32>
    %select_n3A_24 = arith.select %and3A, %add3A_23, %rem3A_13 : vector<256x1xi1>, vector<256x1xi32>
    %eq3A_25 = arith.constant 0 : i32
    %eq3A_26 = vector.broadcast %eq3A_25 : i32 to vector<256x1xi32>
    %eq3A_27 = arith.cmpi eq, %select_n3A_24, %eq3A_26 : vector<256x1xi32>
    %jit3A_28 = arith.constant 0.000000e+00 : f32
    %broadcast_in_dim3A_29 = vector.broadcast %reduce_sum3A_9 : f32 to vector<256x1xf32>
    %broadcast_in_dim3A_30 = vector.broadcast %jit3A_28 : f32 to vector<256x1xf32>
    %select_n3A_31 = arith.select %eq3A_27, %broadcast_in_dim3A_29, %broadcast_in_dim3A_30 : vector<256x1xi1>, vector<256x1xf32>
    %add3A_32 = arith.addf %broadcast_in_dim3A_2, %select_n3A_31 : vector<256x1xf32>
    %eq3A_33 = arith.constant 1 : i32
    %eq3A_34 = vector.broadcast %eq3A_33 : i32 to vector<16x32768xi32>
    %eq3A_35 = arith.cmpi eq, %get3A_1, %eq3A_34 : vector<16x32768xi32>
    %convert_element_type3A_36 = arith.extui %eq3A_35 : vector<16x32768xi1> to vector<16x32768xi32>
    %convert_element_type3A_37 = arith.sitofp %convert_element_type3A_36 : vector<16x32768xi32> to vector<16x32768xf32>
    %reduce_sum3A_38 = vector.shape_cast %convert_element_type3A_37 : vector<16x32768xf32> to vector<1x16x32768xf32>
    %reduce_sum3A_39 = arith.constant dense<0.000000e+00> : vector<1xf32>
    %reduce_sum3A_40 = vector.multi_reduction <add>, %reduce_sum3A_38, %reduce_sum3A_39 [1, 2] : vector<1x16x32768xf32> to vector<1xf32>
    %reduce_sum3A_41 = vector.shape_cast %reduce_sum3A_40 : vector<1xf32> to vector<1x1x1xf32>
    %reduce_sum3A_42 = vector.extract %reduce_sum3A_41[0, 0, 0] : f32 from vector<1x1x1xf32>
    %jit3A_43 = arith.constant 16 : i32
    %eq3A_44 = arith.constant 0 : i32
    %eq3A_45 = arith.cmpi eq, %jit3A_43, %eq3A_44 : i32
    %jit3A_46 = arith.constant 1 : i32
    %select_n3A_47 = arith.select %eq3A_45, %jit3A_46, %jit3A_43 : i32
    %rem3A_48 = vector.broadcast %select_n3A_47 : i32 to vector<256x1xi32>
    %rem3A_49 = arith.remsi %iota3A, %rem3A_48 : vector<256x1xi32>
    %ne3A_50 = arith.constant 0 : i32
    %ne3A_51 = vector.broadcast %ne3A_50 : i32 to vector<256x1xi32>
    %ne3A_52 = arith.cmpi ne, %rem3A_49, %ne3A_51 : vector<256x1xi32>
    %lt3A_53 = arith.constant 0 : i32
    %lt3A_54 = vector.broadcast %lt3A_53 : i32 to vector<256x1xi32>
    %lt3A_55 = arith.cmpi slt, %rem3A_49, %lt3A_54 : vector<256x1xi32>
    %lt3A_56 = arith.constant 0 : i32
    %lt3A_57 = arith.cmpi slt, %select_n3A_47, %lt3A_56 : i32
    %ne3A_58 = vector.broadcast %lt3A_57 : i1 to vector<256x1xi1>
    %ne3A_59 = vector.broadcast %ne3A_58 : vector<256x1xi1> to vector<256x1xi1>
    %ne3A_60 = arith.xori %lt3A_55, %ne3A_59 : vector<256x1xi1>
    %and3A_61 = arith.andi %ne3A_60, %ne3A_52 : vector<256x1xi1>
    %add3A_62 = vector.broadcast %select_n3A_47 : i32 to vector<256x1xi32>
    %add3A_63 = arith.addi %rem3A_49, %add3A_62 : vector<256x1xi32>
    %select_n3A_64 = arith.select %and3A_61, %add3A_63, %rem3A_49 : vector<256x1xi1>, vector<256x1xi32>
    %eq3A_65 = arith.constant 1 : i32
    %eq3A_66 = vector.broadcast %eq3A_65 : i32 to vector<256x1xi32>
    %eq3A_67 = arith.cmpi eq, %select_n3A_64, %eq3A_66 : vector<256x1xi32>
    %jit3A_68 = arith.constant 0.000000e+00 : f32
    %broadcast_in_dim3A_69 = vector.broadcast %reduce_sum3A_42 : f32 to vector<256x1xf32>
    %broadcast_in_dim3A_70 = vector.broadcast %jit3A_68 : f32 to vector<256x1xf32>
    %select_n3A_71 = arith.select %eq3A_67, %broadcast_in_dim3A_69, %broadcast_in_dim3A_70 : vector<256x1xi1>, vector<256x1xf32>
    %add3A_72 = arith.addf %add3A_32, %select_n3A_71 : vector<256x1xf32>
    %eq3A_73 = arith.constant 2 : i32
    %eq3A_74 = vector.broadcast %eq3A_73 : i32 to vector<16x32768xi32>
    %eq3A_75 = arith.cmpi eq, %get3A_1, %eq3A_74 : vector<16x32768xi32>
    %convert_element_type3A_76 = arith.extui %eq3A_75 : vector<16x32768xi1> to vector<16x32768xi32>
    %convert_element_type3A_77 = arith.sitofp %convert_element_type3A_76 : vector<16x32768xi32> to vector<16x32768xf32>
    %reduce_sum3A_78 = vector.shape_cast %convert_element_type3A_77 : vector<16x32768xf32> to vector<1x16x32768xf32>
    %reduce_sum3A_79 = arith.constant dense<0.000000e+00> : vector<1xf32>
    %reduce_sum3A_80 = vector.multi_reduction <add>, %reduce_sum3A_78, %reduce_sum3A_79 [1, 2] : vector<1x16x32768xf32> to vector<1xf32>
    %reduce_sum3A_81 = vector.shape_cast %reduce_sum3A_80 : vector<1xf32> to vector<1x1x1xf32>
    %reduce_sum3A_82 = vector.extract %reduce_sum3A_81[0, 0, 0] : f32 from vector<1x1x1xf32>
    %jit3A_83 = arith.constant 16 : i32
    %eq3A_84 = arith.constant 0 : i32
    %eq3A_85 = arith.cmpi eq, %jit3A_83, %eq3A_84 : i32
    %jit3A_86 = arith.constant 1 : i32
    %select_n3A_87 = arith.select %eq3A_85, %jit3A_86, %jit3A_83 : i32
    %rem3A_88 = vector.broadcast %select_n3A_87 : i32 to vector<256x1xi32>
    %rem3A_89 = arith.remsi %iota3A, %rem3A_88 : vector<256x1xi32>
    %ne3A_90 = arith.constant 0 : i32
    %ne3A_91 = vector.broadcast %ne3A_90 : i32 to vector<256x1xi32>
    %ne3A_92 = arith.cmpi ne, %rem3A_89, %ne3A_91 : vector<256x1xi32>
    %lt3A_93 = arith.constant 0 : i32
    %lt3A_94 = vector.broadcast %lt3A_93 : i32 to vector<256x1xi32>
    %lt3A_95 = arith.cmpi slt, %rem3A_89, %lt3A_94 : vector<256x1xi32>
    %lt3A_96 = arith.constant 0 : i32
    %lt3A_97 = arith.cmpi slt, %select_n3A_87, %lt3A_96 : i32
    %ne3A_98 = vector.broadcast %lt3A_97 : i1 to vector<256x1xi1>
    %ne3A_99 = vector.broadcast %ne3A_98 : vector<256x1xi1> to vector<256x1xi1>
    %ne3A_100 = arith.xori %lt3A_95, %ne3A_99 : vector<256x1xi1>
    %and3A_101 = arith.andi %ne3A_100, %ne3A_92 : vector<256x1xi1>
    %add3A_102 = vector.broadcast %select_n3A_87 : i32 to vector<256x1xi32>
    %add3A_103 = arith.addi %rem3A_89, %add3A_102 : vector<256x1xi32>
    %select_n3A_104 = arith.select %and3A_101, %add3A_103, %rem3A_89 : vector<256x1xi1>, vector<256x1xi32>
    %eq3A_105 = arith.constant 2 : i32
    %eq3A_106 = vector.broadcast %eq3A_105 : i32 to vector<256x1xi32>
    %eq3A_107 = arith.cmpi eq, %select_n3A_104, %eq3A_106 : vector<256x1xi32>
    %jit3A_108 = arith.constant 0.000000e+00 : f32
    %broadcast_in_dim3A_109 = vector.broadcast %reduce_sum3A_82 : f32 to vector<256x1xf32>
    %broadcast_in_dim3A_110 = vector.broadcast %jit3A_108 : f32 to vector<256x1xf32>
    %select_n3A_111 = arith.select %eq3A_107, %broadcast_in_dim3A_109, %broadcast_in_dim3A_110 : vector<256x1xi1>, vector<256x1xf32>
    %add3A_112 = arith.addf %add3A_72, %select_n3A_111 : vector<256x1xf32>
    %eq3A_113 = arith.constant 3 : i32
    %eq3A_114 = vector.broadcast %eq3A_113 : i32 to vector<16x32768xi32>
    %eq3A_115 = arith.cmpi eq, %get3A_1, %eq3A_114 : vector<16x32768xi32>
    %convert_element_type3A_116 = arith.extui %eq3A_115 : vector<16x32768xi1> to vector<16x32768xi32>
    %convert_element_type3A_117 = arith.sitofp %convert_element_type3A_116 : vector<16x32768xi32> to vector<16x32768xf32>
    %reduce_sum3A_118 = vector.shape_cast %convert_element_type3A_117 : vector<16x32768xf32> to vector<1x16x32768xf32>
    %reduce_sum3A_119 = arith.constant dense<0.000000e+00> : vector<1xf32>
    %reduce_sum3A_120 = vector.multi_reduction <add>, %reduce_sum3A_118, %reduce_sum3A_119 [1, 2] : vector<1x16x32768xf32> to vector<1xf32>
    %reduce_sum3A_121 = vector.shape_cast %reduce_sum3A_120 : vector<1xf32> to vector<1x1x1xf32>
    %reduce_sum3A_122 = vector.extract %reduce_sum3A_121[0, 0, 0] : f32 from vector<1x1x1xf32>
    %jit3A_123 = arith.constant 16 : i32
    %eq3A_124 = arith.constant 0 : i32
    %eq3A_125 = arith.cmpi eq, %jit3A_123, %eq3A_124 : i32
    %jit3A_126 = arith.constant 1 : i32
    %select_n3A_127 = arith.select %eq3A_125, %jit3A_126, %jit3A_123 : i32
    %rem3A_128 = vector.broadcast %select_n3A_127 : i32 to vector<256x1xi32>
    %rem3A_129 = arith.remsi %iota3A, %rem3A_128 : vector<256x1xi32>
    %ne3A_130 = arith.constant 0 : i32
    %ne3A_131 = vector.broadcast %ne3A_130 : i32 to vector<256x1xi32>
    %ne3A_132 = arith.cmpi ne, %rem3A_129, %ne3A_131 : vector<256x1xi32>
    %lt3A_133 = arith.constant 0 : i32
    %lt3A_134 = vector.broadcast %lt3A_133 : i32 to vector<256x1xi32>
    %lt3A_135 = arith.cmpi slt, %rem3A_129, %lt3A_134 : vector<256x1xi32>
    %lt3A_136 = arith.constant 0 : i32
    %lt3A_137 = arith.cmpi slt, %select_n3A_127, %lt3A_136 : i32
    %ne3A_138 = vector.broadcast %lt3A_137 : i1 to vector<256x1xi1>
    %ne3A_139 = vector.broadcast %ne3A_138 : vector<256x1xi1> to vector<256x1xi1>
    %ne3A_140 = arith.xori %lt3A_135, %ne3A_139 : vector<256x1xi1>
    %and3A_141 = arith.andi %ne3A_140, %ne3A_132 : vector<256x1xi1>
    %add3A_142 = vector.broadcast %select_n3A_127 : i32 to vector<256x1xi32>
    %add3A_143 = arith.addi %rem3A_129, %add3A_142 : vector<256x1xi32>
    %select_n3A_144 = arith.select %and3A_141, %add3A_143, %rem3A_129 : vector<256x1xi1>, vector<256x1xi32>
    %eq3A_145 = arith.constant 3 : i32
    %eq3A_146 = vector.broadcast %eq3A_145 : i32 to vector<256x1xi32>
    %eq3A_147 = arith.cmpi eq, %select_n3A_144, %eq3A_146 : vector<256x1xi32>
    %jit3A_148 = arith.constant 0.000000e+00 : f32
    %broadcast_in_dim3A_149 = vector.broadcast %reduce_sum3A_122 : f32 to vector<256x1xf32>
    %broadcast_in_dim3A_150 = vector.broadcast %jit3A_148 : f32 to vector<256x1xf32>
    %select_n3A_151 = arith.select %eq3A_147, %broadcast_in_dim3A_149, %broadcast_in_dim3A_150 : vector<256x1xi1>, vector<256x1xf32>
    %add3A_152 = arith.addf %add3A_112, %select_n3A_151 : vector<256x1xf32>
    %eq3A_153 = arith.constant 4 : i32
    %eq3A_154 = vector.broadcast %eq3A_153 : i32 to vector<16x32768xi32>
    %eq3A_155 = arith.cmpi eq, %get3A_1, %eq3A_154 : vector<16x32768xi32>
    %convert_element_type3A_156 = arith.extui %eq3A_155 : vector<16x32768xi1> to vector<16x32768xi32>
    %convert_element_type3A_157 = arith.sitofp %convert_element_type3A_156 : vector<16x32768xi32> to vector<16x32768xf32>
    %reduce_sum3A_158 = vector.shape_cast %convert_element_type3A_157 : vector<16x32768xf32> to vector<1x16x32768xf32>
    %reduce_sum3A_159 = arith.constant dense<0.000000e+00> : vector<1xf32>
    %reduce_sum3A_160 = vector.multi_reduction <add>, %reduce_sum3A_158, %reduce_sum3A_159 [1, 2] : vector<1x16x32768xf32> to vector<1xf32>
    %reduce_sum3A_161 = vector.shape_cast %reduce_sum3A_160 : vector<1xf32> to vector<1x1x1xf32>
    %reduce_sum3A_162 = vector.extract %reduce_sum3A_161[0, 0, 0] : f32 from vector<1x1x1xf32>
    %jit3A_163 = arith.constant 16 : i32
    %eq3A_164 = arith.constant 0 : i32
    %eq3A_165 = arith.cmpi eq, %jit3A_163, %eq3A_164 : i32
    %jit3A_166 = arith.constant 1 : i32
    %select_n3A_167 = arith.select %eq3A_165, %jit3A_166, %jit3A_163 : i32
    %rem3A_168 = vector.broadcast %select_n3A_167 : i32 to vector<256x1xi32>
    %rem3A_169 = arith.remsi %iota3A, %rem3A_168 : vector<256x1xi32>
    %ne3A_170 = arith.constant 0 : i32
    %ne3A_171 = vector.broadcast %ne3A_170 : i32 to vector<256x1xi32>
    %ne3A_172 = arith.cmpi ne, %rem3A_169, %ne3A_171 : vector<256x1xi32>
    %lt3A_173 = arith.constant 0 : i32
    %lt3A_174 = vector.broadcast %lt3A_173 : i32 to vector<256x1xi32>
    %lt3A_175 = arith.cmpi slt, %rem3A_169, %lt3A_174 : vector<256x1xi32>
    %lt3A_176 = arith.constant 0 : i32
    %lt3A_177 = arith.cmpi slt, %select_n3A_167, %lt3A_176 : i32
    %ne3A_178 = vector.broadcast %lt3A_177 : i1 to vector<256x1xi1>
    %ne3A_179 = vector.broadcast %ne3A_178 : vector<256x1xi1> to vector<256x1xi1>
    %ne3A_180 = arith.xori %lt3A_175, %ne3A_179 : vector<256x1xi1>
    %and3A_181 = arith.andi %ne3A_180, %ne3A_172 : vector<256x1xi1>
    %add3A_182 = vector.broadcast %select_n3A_167 : i32 to vector<256x1xi32>
    %add3A_183 = arith.addi %rem3A_169, %add3A_182 : vector<256x1xi32>
    %select_n3A_184 = arith.select %and3A_181, %add3A_183, %rem3A_169 : vector<256x1xi1>, vector<256x1xi32>
    %eq3A_185 = arith.constant 4 : i32
    %eq3A_186 = vector.broadcast %eq3A_185 : i32 to vector<256x1xi32>
    %eq3A_187 = arith.cmpi eq, %select_n3A_184, %eq3A_186 : vector<256x1xi32>
    %jit3A_188 = arith.constant 0.000000e+00 : f32
    %broadcast_in_dim3A_189 = vector.broadcast %reduce_sum3A_162 : f32 to vector<256x1xf32>
    %broadcast_in_dim3A_190 = vector.broadcast %jit3A_188 : f32 to vector<256x1xf32>
    %select_n3A_191 = arith.select %eq3A_187, %broadcast_in_dim3A_189, %broadcast_in_dim3A_190 : vector<256x1xi1>, vector<256x1xf32>
    %add3A_192 = arith.addf %add3A_152, %select_n3A_191 : vector<256x1xf32>
    %eq3A_193 = arith.constant 5 : i32
    %eq3A_194 = vector.broadcast %eq3A_193 : i32 to vector<16x32768xi32>
    %eq3A_195 = arith.cmpi eq, %get3A_1, %eq3A_194 : vector<16x32768xi32>
    %convert_element_type3A_196 = arith.extui %eq3A_195 : vector<16x32768xi1> to vector<16x32768xi32>
    %convert_element_type3A_197 = arith.sitofp %convert_element_type3A_196 : vector<16x32768xi32> to vector<16x32768xf32>
    %reduce_sum3A_198 = vector.shape_cast %convert_element_type3A_197 : vector<16x32768xf32> to vector<1x16x32768xf32>
    %reduce_sum3A_199 = arith.constant dense<0.000000e+00> : vector<1xf32>
    %reduce_sum3A_200 = vector.multi_reduction <add>, %reduce_sum3A_198, %reduce_sum3A_199 [1, 2] : vector<1x16x32768xf32> to vector<1xf32>
    %reduce_sum3A_201 = vector.shape_cast %reduce_sum3A_200 : vector<1xf32> to vector<1x1x1xf32>
    %reduce_sum3A_202 = vector.extract %reduce_sum3A_201[0, 0, 0] : f32 from vector<1x1x1xf32>
    %jit3A_203 = arith.constant 16 : i32
    %eq3A_204 = arith.constant 0 : i32
    %eq3A_205 = arith.cmpi eq, %jit3A_203, %eq3A_204 : i32
    %jit3A_206 = arith.constant 1 : i32
    %select_n3A_207 = arith.select %eq3A_205, %jit3A_206, %jit3A_203 : i32
    %rem3A_208 = vector.broadcast %select_n3A_207 : i32 to vector<256x1xi32>
    %rem3A_209 = arith.remsi %iota3A, %rem3A_208 : vector<256x1xi32>
    %ne3A_210 = arith.constant 0 : i32
    %ne3A_211 = vector.broadcast %ne3A_210 : i32 to vector<256x1xi32>
    %ne3A_212 = arith.cmpi ne, %rem3A_209, %ne3A_211 : vector<256x1xi32>
    %lt3A_213 = arith.constant 0 : i32
    %lt3A_214 = vector.broadcast %lt3A_213 : i32 to vector<256x1xi32>
    %lt3A_215 = arith.cmpi slt, %rem3A_209, %lt3A_214 : vector<256x1xi32>
    %lt3A_216 = arith.constant 0 : i32
    %lt3A_217 = arith.cmpi slt, %select_n3A_207, %lt3A_216 : i32
    %ne3A_218 = vector.broadcast %lt3A_217 : i1 to vector<256x1xi1>
    %ne3A_219 = vector.broadcast %ne3A_218 : vector<256x1xi1> to vector<256x1xi1>
    %ne3A_220 = arith.xori %lt3A_215, %ne3A_219 : vector<256x1xi1>
    %and3A_221 = arith.andi %ne3A_220, %ne3A_212 : vector<256x1xi1>
    %add3A_222 = vector.broadcast %select_n3A_207 : i32 to vector<256x1xi32>
    %add3A_223 = arith.addi %rem3A_209, %add3A_222 : vector<256x1xi32>
    %select_n3A_224 = arith.select %and3A_221, %add3A_223, %rem3A_209 : vector<256x1xi1>, vector<256x1xi32>
    %eq3A_225 = arith.constant 5 : i32
    %eq3A_226 = vector.broadcast %eq3A_225 : i32 to vector<256x1xi32>
    %eq3A_227 = arith.cmpi eq, %select_n3A_224, %eq3A_226 : vector<256x1xi32>
    %jit3A_228 = arith.constant 0.000000e+00 : f32
    %broadcast_in_dim3A_229 = vector.broadcast %reduce_sum3A_202 : f32 to vector<256x1xf32>
    %broadcast_in_dim3A_230 = vector.broadcast %jit3A_228 : f32 to vector<256x1xf32>
    %select_n3A_231 = arith.select %eq3A_227, %broadcast_in_dim3A_229, %broadcast_in_dim3A_230 : vector<256x1xi1>, vector<256x1xf32>
    %add3A_232 = arith.addf %add3A_192, %select_n3A_231 : vector<256x1xf32>
    %eq3A_233 = arith.constant 6 : i32
    %eq3A_234 = vector.broadcast %eq3A_233 : i32 to vector<16x32768xi32>
    %eq3A_235 = arith.cmpi eq, %get3A_1, %eq3A_234 : vector<16x32768xi32>
    %convert_element_type3A_236 = arith.extui %eq3A_235 : vector<16x32768xi1> to vector<16x32768xi32>
    %convert_element_type3A_237 = arith.sitofp %convert_element_type3A_236 : vector<16x32768xi32> to vector<16x32768xf32>
    %reduce_sum3A_238 = vector.shape_cast %convert_element_type3A_237 : vector<16x32768xf32> to vector<1x16x32768xf32>
    %reduce_sum3A_239 = arith.constant dense<0.000000e+00> : vector<1xf32>
    %reduce_sum3A_240 = vector.multi_reduction <add>, %reduce_sum3A_238, %reduce_sum3A_239 [1, 2] : vector<1x16x32768xf32> to vector<1xf32>
    %reduce_sum3A_241 = vector.shape_cast %reduce_sum3A_240 : vector<1xf32> to vector<1x1x1xf32>
    %reduce_sum3A_242 = vector.extract %reduce_sum3A_241[0, 0, 0] : f32 from vector<1x1x1xf32>
    %jit3A_243 = arith.constant 16 : i32
    %eq3A_244 = arith.constant 0 : i32
    %eq3A_245 = arith.cmpi eq, %jit3A_243, %eq3A_244 : i32
    %jit3A_246 = arith.constant 1 : i32
    %select_n3A_247 = arith.select %eq3A_245, %jit3A_246, %jit3A_243 : i32
    %rem3A_248 = vector.broadcast %select_n3A_247 : i32 to vector<256x1xi32>
    %rem3A_249 = arith.remsi %iota3A, %rem3A_248 : vector<256x1xi32>
    %ne3A_250 = arith.constant 0 : i32
    %ne3A_251 = vector.broadcast %ne3A_250 : i32 to vector<256x1xi32>
    %ne3A_252 = arith.cmpi ne, %rem3A_249, %ne3A_251 : vector<256x1xi32>
    %lt3A_253 = arith.constant 0 : i32
    %lt3A_254 = vector.broadcast %lt3A_253 : i32 to vector<256x1xi32>
    %lt3A_255 = arith.cmpi slt, %rem3A_249, %lt3A_254 : vector<256x1xi32>
    %lt3A_256 = arith.constant 0 : i32
    %lt3A_257 = arith.cmpi slt, %select_n3A_247, %lt3A_256 : i32
    %ne3A_258 = vector.broadcast %lt3A_257 : i1 to vector<256x1xi1>
    %ne3A_259 = vector.broadcast %ne3A_258 : vector<256x1xi1> to vector<256x1xi1>
    %ne3A_260 = arith.xori %lt3A_255, %ne3A_259 : vector<256x1xi1>
    %and3A_261 = arith.andi %ne3A_260, %ne3A_252 : vector<256x1xi1>
    %add3A_262 = vector.broadcast %select_n3A_247 : i32 to vector<256x1xi32>
    %add3A_263 = arith.addi %rem3A_249, %add3A_262 : vector<256x1xi32>
    %select_n3A_264 = arith.select %and3A_261, %add3A_263, %rem3A_249 : vector<256x1xi1>, vector<256x1xi32>
    %eq3A_265 = arith.constant 6 : i32
    %eq3A_266 = vector.broadcast %eq3A_265 : i32 to vector<256x1xi32>
    %eq3A_267 = arith.cmpi eq, %select_n3A_264, %eq3A_266 : vector<256x1xi32>
    %jit3A_268 = arith.constant 0.000000e+00 : f32
    %broadcast_in_dim3A_269 = vector.broadcast %reduce_sum3A_242 : f32 to vector<256x1xf32>
    %broadcast_in_dim3A_270 = vector.broadcast %jit3A_268 : f32 to vector<256x1xf32>
    %select_n3A_271 = arith.select %eq3A_267, %broadcast_in_dim3A_269, %broadcast_in_dim3A_270 : vector<256x1xi1>, vector<256x1xf32>
    %add3A_272 = arith.addf %add3A_232, %select_n3A_271 : vector<256x1xf32>
    %eq3A_273 = arith.constant 7 : i32
    %eq3A_274 = vector.broadcast %eq3A_273 : i32 to vector<16x32768xi32>
    %eq3A_275 = arith.cmpi eq, %get3A_1, %eq3A_274 : vector<16x32768xi32>
    %convert_element_type3A_276 = arith.extui %eq3A_275 : vector<16x32768xi1> to vector<16x32768xi32>
    %convert_element_type3A_277 = arith.sitofp %convert_element_type3A_276 : vector<16x32768xi32> to vector<16x32768xf32>
    %reduce_sum3A_278 = vector.shape_cast %convert_element_type3A_277 : vector<16x32768xf32> to vector<1x16x32768xf32>
    %reduce_sum3A_279 = arith.constant dense<0.000000e+00> : vector<1xf32>
    %reduce_sum3A_280 = vector.multi_reduction <add>, %reduce_sum3A_278, %reduce_sum3A_279 [1, 2] : vector<1x16x32768xf32> to vector<1xf32>
    %reduce_sum3A_281 = vector.shape_cast %reduce_sum3A_280 : vector<1xf32> to vector<1x1x1xf32>
    %reduce_sum3A_282 = vector.extract %reduce_sum3A_281[0, 0, 0] : f32 from vector<1x1x1xf32>
    %jit3A_283 = arith.constant 16 : i32
    %eq3A_284 = arith.constant 0 : i32
    %eq3A_285 = arith.cmpi eq, %jit3A_283, %eq3A_284 : i32
    %jit3A_286 = arith.constant 1 : i32
    %select_n3A_287 = arith.select %eq3A_285, %jit3A_286, %jit3A_283 : i32
    %rem3A_288 = vector.broadcast %select_n3A_287 : i32 to vector<256x1xi32>
    %rem3A_289 = arith.remsi %iota3A, %rem3A_288 : vector<256x1xi32>
    %ne3A_290 = arith.constant 0 : i32
    %ne3A_291 = vector.broadcast %ne3A_290 : i32 to vector<256x1xi32>
    %ne3A_292 = arith.cmpi ne, %rem3A_289, %ne3A_291 : vector<256x1xi32>
    %lt3A_293 = arith.constant 0 : i32
    %lt3A_294 = vector.broadcast %lt3A_293 : i32 to vector<256x1xi32>
    %lt3A_295 = arith.cmpi slt, %rem3A_289, %lt3A_294 : vector<256x1xi32>
    %lt3A_296 = arith.constant 0 : i32
    %lt3A_297 = arith.cmpi slt, %select_n3A_287, %lt3A_296 : i32
    %ne3A_298 = vector.broadcast %lt3A_297 : i1 to vector<256x1xi1>
    %ne3A_299 = vector.broadcast %ne3A_298 : vector<256x1xi1> to vector<256x1xi1>
    %ne3A_300 = arith.xori %lt3A_295, %ne3A_299 : vector<256x1xi1>
    %and3A_301 = arith.andi %ne3A_300, %ne3A_292 : vector<256x1xi1>
    %add3A_302 = vector.broadcast %select_n3A_287 : i32 to vector<256x1xi32>
    %add3A_303 = arith.addi %rem3A_289, %add3A_302 : vector<256x1xi32>
    %select_n3A_304 = arith.select %and3A_301, %add3A_303, %rem3A_289 : vector<256x1xi1>, vector<256x1xi32>
    %eq3A_305 = arith.constant 7 : i32
    %eq3A_306 = vector.broadcast %eq3A_305 : i32 to vector<256x1xi32>
    %eq3A_307 = arith.cmpi eq, %select_n3A_304, %eq3A_306 : vector<256x1xi32>
    %jit3A_308 = arith.constant 0.000000e+00 : f32
    %broadcast_in_dim3A_309 = vector.broadcast %reduce_sum3A_282 : f32 to vector<256x1xf32>
    %broadcast_in_dim3A_310 = vector.broadcast %jit3A_308 : f32 to vector<256x1xf32>
    %select_n3A_311 = arith.select %eq3A_307, %broadcast_in_dim3A_309, %broadcast_in_dim3A_310 : vector<256x1xi1>, vector<256x1xf32>
    %add3A_312 = arith.addf %add3A_272, %select_n3A_311 : vector<256x1xf32>
    %eq3A_313 = arith.constant 8 : i32
    %eq3A_314 = vector.broadcast %eq3A_313 : i32 to vector<16x32768xi32>
    %eq3A_315 = arith.cmpi eq, %get3A_1, %eq3A_314 : vector<16x32768xi32>
    %convert_element_type3A_316 = arith.extui %eq3A_315 : vector<16x32768xi1> to vector<16x32768xi32>
    %convert_element_type3A_317 = arith.sitofp %convert_element_type3A_316 : vector<16x32768xi32> to vector<16x32768xf32>
    %reduce_sum3A_318 = vector.shape_cast %convert_element_type3A_317 : vector<16x32768xf32> to vector<1x16x32768xf32>
    %reduce_sum3A_319 = arith.constant dense<0.000000e+00> : vector<1xf32>
    %reduce_sum3A_320 = vector.multi_reduction <add>, %reduce_sum3A_318, %reduce_sum3A_319 [1, 2] : vector<1x16x32768xf32> to vector<1xf32>
    %reduce_sum3A_321 = vector.shape_cast %reduce_sum3A_320 : vector<1xf32> to vector<1x1x1xf32>
    %reduce_sum3A_322 = vector.extract %reduce_sum3A_321[0, 0, 0] : f32 from vector<1x1x1xf32>
    %jit3A_323 = arith.constant 16 : i32
    %eq3A_324 = arith.constant 0 : i32
    %eq3A_325 = arith.cmpi eq, %jit3A_323, %eq3A_324 : i32
    %jit3A_326 = arith.constant 1 : i32
    %select_n3A_327 = arith.select %eq3A_325, %jit3A_326, %jit3A_323 : i32
    %rem3A_328 = vector.broadcast %select_n3A_327 : i32 to vector<256x1xi32>
    %rem3A_329 = arith.remsi %iota3A, %rem3A_328 : vector<256x1xi32>
    %ne3A_330 = arith.constant 0 : i32
    %ne3A_331 = vector.broadcast %ne3A_330 : i32 to vector<256x1xi32>
    %ne3A_332 = arith.cmpi ne, %rem3A_329, %ne3A_331 : vector<256x1xi32>
    %lt3A_333 = arith.constant 0 : i32
    %lt3A_334 = vector.broadcast %lt3A_333 : i32 to vector<256x1xi32>
    %lt3A_335 = arith.cmpi slt, %rem3A_329, %lt3A_334 : vector<256x1xi32>
    %lt3A_336 = arith.constant 0 : i32
    %lt3A_337 = arith.cmpi slt, %select_n3A_327, %lt3A_336 : i32
    %ne3A_338 = vector.broadcast %lt3A_337 : i1 to vector<256x1xi1>
    %ne3A_339 = vector.broadcast %ne3A_338 : vector<256x1xi1> to vector<256x1xi1>
    %ne3A_340 = arith.xori %lt3A_335, %ne3A_339 : vector<256x1xi1>
    %and3A_341 = arith.andi %ne3A_340, %ne3A_332 : vector<256x1xi1>
    %add3A_342 = vector.broadcast %select_n3A_327 : i32 to vector<256x1xi32>
    %add3A_343 = arith.addi %rem3A_329, %add3A_342 : vector<256x1xi32>
    %select_n3A_344 = arith.select %and3A_341, %add3A_343, %rem3A_329 : vector<256x1xi1>, vector<256x1xi32>
    %eq3A_345 = arith.constant 8 : i32
    %eq3A_346 = vector.broadcast %eq3A_345 : i32 to vector<256x1xi32>
    %eq3A_347 = arith.cmpi eq, %select_n3A_344, %eq3A_346 : vector<256x1xi32>
    %jit3A_348 = arith.constant 0.000000e+00 : f32
    %broadcast_in_dim3A_349 = vector.broadcast %reduce_sum3A_322 : f32 to vector<256x1xf32>
    %broadcast_in_dim3A_350 = vector.broadcast %jit3A_348 : f32 to vector<256x1xf32>
    %select_n3A_351 = arith.select %eq3A_347, %broadcast_in_dim3A_349, %broadcast_in_dim3A_350 : vector<256x1xi1>, vector<256x1xf32>
    %add3A_352 = arith.addf %add3A_312, %select_n3A_351 : vector<256x1xf32>
    %eq3A_353 = arith.constant 9 : i32
    %eq3A_354 = vector.broadcast %eq3A_353 : i32 to vector<16x32768xi32>
    %eq3A_355 = arith.cmpi eq, %get3A_1, %eq3A_354 : vector<16x32768xi32>
    %convert_element_type3A_356 = arith.extui %eq3A_355 : vector<16x32768xi1> to vector<16x32768xi32>
    %convert_element_type3A_357 = arith.sitofp %convert_element_type3A_356 : vector<16x32768xi32> to vector<16x32768xf32>
    %reduce_sum3A_358 = vector.shape_cast %convert_element_type3A_357 : vector<16x32768xf32> to vector<1x16x32768xf32>
    %reduce_sum3A_359 = arith.constant dense<0.000000e+00> : vector<1xf32>
    %reduce_sum3A_360 = vector.multi_reduction <add>, %reduce_sum3A_358, %reduce_sum3A_359 [1, 2] : vector<1x16x32768xf32> to vector<1xf32>
    %reduce_sum3A_361 = vector.shape_cast %reduce_sum3A_360 : vector<1xf32> to vector<1x1x1xf32>
    %reduce_sum3A_362 = vector.extract %reduce_sum3A_361[0, 0, 0] : f32 from vector<1x1x1xf32>
    %jit3A_363 = arith.constant 16 : i32
    %eq3A_364 = arith.constant 0 : i32
    %eq3A_365 = arith.cmpi eq, %jit3A_363, %eq3A_364 : i32
    %jit3A_366 = arith.constant 1 : i32
    %select_n3A_367 = arith.select %eq3A_365, %jit3A_366, %jit3A_363 : i32
    %rem3A_368 = vector.broadcast %select_n3A_367 : i32 to vector<256x1xi32>
    %rem3A_369 = arith.remsi %iota3A, %rem3A_368 : vector<256x1xi32>
    %ne3A_370 = arith.constant 0 : i32
    %ne3A_371 = vector.broadcast %ne3A_370 : i32 to vector<256x1xi32>
    %ne3A_372 = arith.cmpi ne, %rem3A_369, %ne3A_371 : vector<256x1xi32>
    %lt3A_373 = arith.constant 0 : i32
    %lt3A_374 = vector.broadcast %lt3A_373 : i32 to vector<256x1xi32>
    %lt3A_375 = arith.cmpi slt, %rem3A_369, %lt3A_374 : vector<256x1xi32>
    %lt3A_376 = arith.constant 0 : i32
    %lt3A_377 = arith.cmpi slt, %select_n3A_367, %lt3A_376 : i32
    %ne3A_378 = vector.broadcast %lt3A_377 : i1 to vector<256x1xi1>
    %ne3A_379 = vector.broadcast %ne3A_378 : vector<256x1xi1> to vector<256x1xi1>
    %ne3A_380 = arith.xori %lt3A_375, %ne3A_379 : vector<256x1xi1>
    %and3A_381 = arith.andi %ne3A_380, %ne3A_372 : vector<256x1xi1>
    %add3A_382 = vector.broadcast %select_n3A_367 : i32 to vector<256x1xi32>
    %add3A_383 = arith.addi %rem3A_369, %add3A_382 : vector<256x1xi32>
    %select_n3A_384 = arith.select %and3A_381, %add3A_383, %rem3A_369 : vector<256x1xi1>, vector<256x1xi32>
    %eq3A_385 = arith.constant 9 : i32
    %eq3A_386 = vector.broadcast %eq3A_385 : i32 to vector<256x1xi32>
    %eq3A_387 = arith.cmpi eq, %select_n3A_384, %eq3A_386 : vector<256x1xi32>
    %jit3A_388 = arith.constant 0.000000e+00 : f32
    %broadcast_in_dim3A_389 = vector.broadcast %reduce_sum3A_362 : f32 to vector<256x1xf32>
    %broadcast_in_dim3A_390 = vector.broadcast %jit3A_388 : f32 to vector<256x1xf32>
    %select_n3A_391 = arith.select %eq3A_387, %broadcast_in_dim3A_389, %broadcast_in_dim3A_390 : vector<256x1xi1>, vector<256x1xf32>
    %add3A_392 = arith.addf %add3A_352, %select_n3A_391 : vector<256x1xf32>
    %eq3A_393 = arith.constant 10 : i32
    %eq3A_394 = vector.broadcast %eq3A_393 : i32 to vector<16x32768xi32>
    %eq3A_395 = arith.cmpi eq, %get3A_1, %eq3A_394 : vector<16x32768xi32>
    %convert_element_type3A_396 = arith.extui %eq3A_395 : vector<16x32768xi1> to vector<16x32768xi32>
    %convert_element_type3A_397 = arith.sitofp %convert_element_type3A_396 : vector<16x32768xi32> to vector<16x32768xf32>
    %reduce_sum3A_398 = vector.shape_cast %convert_element_type3A_397 : vector<16x32768xf32> to vector<1x16x32768xf32>
    %reduce_sum3A_399 = arith.constant dense<0.000000e+00> : vector<1xf32>
    %reduce_sum3A_400 = vector.multi_reduction <add>, %reduce_sum3A_398, %reduce_sum3A_399 [1, 2] : vector<1x16x32768xf32> to vector<1xf32>
    %reduce_sum3A_401 = vector.shape_cast %reduce_sum3A_400 : vector<1xf32> to vector<1x1x1xf32>
    %reduce_sum3A_402 = vector.extract %reduce_sum3A_401[0, 0, 0] : f32 from vector<1x1x1xf32>
    %jit3A_403 = arith.constant 16 : i32
    %eq3A_404 = arith.constant 0 : i32
    %eq3A_405 = arith.cmpi eq, %jit3A_403, %eq3A_404 : i32
    %jit3A_406 = arith.constant 1 : i32
    %select_n3A_407 = arith.select %eq3A_405, %jit3A_406, %jit3A_403 : i32
    %rem3A_408 = vector.broadcast %select_n3A_407 : i32 to vector<256x1xi32>
    %rem3A_409 = arith.remsi %iota3A, %rem3A_408 : vector<256x1xi32>
    %ne3A_410 = arith.constant 0 : i32
    %ne3A_411 = vector.broadcast %ne3A_410 : i32 to vector<256x1xi32>
    %ne3A_412 = arith.cmpi ne, %rem3A_409, %ne3A_411 : vector<256x1xi32>
    %lt3A_413 = arith.constant 0 : i32
    %lt3A_414 = vector.broadcast %lt3A_413 : i32 to vector<256x1xi32>
    %lt3A_415 = arith.cmpi slt, %rem3A_409, %lt3A_414 : vector<256x1xi32>
    %lt3A_416 = arith.constant 0 : i32
    %lt3A_417 = arith.cmpi slt, %select_n3A_407, %lt3A_416 : i32
    %ne3A_418 = vector.broadcast %lt3A_417 : i1 to vector<256x1xi1>
    %ne3A_419 = vector.broadcast %ne3A_418 : vector<256x1xi1> to vector<256x1xi1>
    %ne3A_420 = arith.xori %lt3A_415, %ne3A_419 : vector<256x1xi1>
    %and3A_421 = arith.andi %ne3A_420, %ne3A_412 : vector<256x1xi1>
    %add3A_422 = vector.broadcast %select_n3A_407 : i32 to vector<256x1xi32>
    %add3A_423 = arith.addi %rem3A_409, %add3A_422 : vector<256x1xi32>
    %select_n3A_424 = arith.select %and3A_421, %add3A_423, %rem3A_409 : vector<256x1xi1>, vector<256x1xi32>
    %eq3A_425 = arith.constant 10 : i32
    %eq3A_426 = vector.broadcast %eq3A_425 : i32 to vector<256x1xi32>
    %eq3A_427 = arith.cmpi eq, %select_n3A_424, %eq3A_426 : vector<256x1xi32>
    %jit3A_428 = arith.constant 0.000000e+00 : f32
    %broadcast_in_dim3A_429 = vector.broadcast %reduce_sum3A_402 : f32 to vector<256x1xf32>
    %broadcast_in_dim3A_430 = vector.broadcast %jit3A_428 : f32 to vector<256x1xf32>
    %select_n3A_431 = arith.select %eq3A_427, %broadcast_in_dim3A_429, %broadcast_in_dim3A_430 : vector<256x1xi1>, vector<256x1xf32>
    %add3A_432 = arith.addf %add3A_392, %select_n3A_431 : vector<256x1xf32>
    %eq3A_433 = arith.constant 11 : i32
    %eq3A_434 = vector.broadcast %eq3A_433 : i32 to vector<16x32768xi32>
    %eq3A_435 = arith.cmpi eq, %get3A_1, %eq3A_434 : vector<16x32768xi32>
    %convert_element_type3A_436 = arith.extui %eq3A_435 : vector<16x32768xi1> to vector<16x32768xi32>
    %convert_element_type3A_437 = arith.sitofp %convert_element_type3A_436 : vector<16x32768xi32> to vector<16x32768xf32>
    %reduce_sum3A_438 = vector.shape_cast %convert_element_type3A_437 : vector<16x32768xf32> to vector<1x16x32768xf32>
    %reduce_sum3A_439 = arith.constant dense<0.000000e+00> : vector<1xf32>
    %reduce_sum3A_440 = vector.multi_reduction <add>, %reduce_sum3A_438, %reduce_sum3A_439 [1, 2] : vector<1x16x32768xf32> to vector<1xf32>
    %reduce_sum3A_441 = vector.shape_cast %reduce_sum3A_440 : vector<1xf32> to vector<1x1x1xf32>
    %reduce_sum3A_442 = vector.extract %reduce_sum3A_441[0, 0, 0] : f32 from vector<1x1x1xf32>
    %jit3A_443 = arith.constant 16 : i32
    %eq3A_444 = arith.constant 0 : i32
    %eq3A_445 = arith.cmpi eq, %jit3A_443, %eq3A_444 : i32
    %jit3A_446 = arith.constant 1 : i32
    %select_n3A_447 = arith.select %eq3A_445, %jit3A_446, %jit3A_443 : i32
    %rem3A_448 = vector.broadcast %select_n3A_447 : i32 to vector<256x1xi32>
    %rem3A_449 = arith.remsi %iota3A, %rem3A_448 : vector<256x1xi32>
    %ne3A_450 = arith.constant 0 : i32
    %ne3A_451 = vector.broadcast %ne3A_450 : i32 to vector<256x1xi32>
    %ne3A_452 = arith.cmpi ne, %rem3A_449, %ne3A_451 : vector<256x1xi32>
    %lt3A_453 = arith.constant 0 : i32
    %lt3A_454 = vector.broadcast %lt3A_453 : i32 to vector<256x1xi32>
    %lt3A_455 = arith.cmpi slt, %rem3A_449, %lt3A_454 : vector<256x1xi32>
    %lt3A_456 = arith.constant 0 : i32
    %lt3A_457 = arith.cmpi slt, %select_n3A_447, %lt3A_456 : i32
    %ne3A_458 = vector.broadcast %lt3A_457 : i1 to vector<256x1xi1>
    %ne3A_459 = vector.broadcast %ne3A_458 : vector<256x1xi1> to vector<256x1xi1>
    %ne3A_460 = arith.xori %lt3A_455, %ne3A_459 : vector<256x1xi1>
    %and3A_461 = arith.andi %ne3A_460, %ne3A_452 : vector<256x1xi1>
    %add3A_462 = vector.broadcast %select_n3A_447 : i32 to vector<256x1xi32>
    %add3A_463 = arith.addi %rem3A_449, %add3A_462 : vector<256x1xi32>
    %select_n3A_464 = arith.select %and3A_461, %add3A_463, %rem3A_449 : vector<256x1xi1>, vector<256x1xi32>
    %eq3A_465 = arith.constant 11 : i32
    %eq3A_466 = vector.broadcast %eq3A_465 : i32 to vector<256x1xi32>
    %eq3A_467 = arith.cmpi eq, %select_n3A_464, %eq3A_466 : vector<256x1xi32>
    %jit3A_468 = arith.constant 0.000000e+00 : f32
    %broadcast_in_dim3A_469 = vector.broadcast %reduce_sum3A_442 : f32 to vector<256x1xf32>
    %broadcast_in_dim3A_470 = vector.broadcast %jit3A_468 : f32 to vector<256x1xf32>
    %select_n3A_471 = arith.select %eq3A_467, %broadcast_in_dim3A_469, %broadcast_in_dim3A_470 : vector<256x1xi1>, vector<256x1xf32>
    %add3A_472 = arith.addf %add3A_432, %select_n3A_471 : vector<256x1xf32>
    %eq3A_473 = arith.constant 12 : i32
    %eq3A_474 = vector.broadcast %eq3A_473 : i32 to vector<16x32768xi32>
    %eq3A_475 = arith.cmpi eq, %get3A_1, %eq3A_474 : vector<16x32768xi32>
    %convert_element_type3A_476 = arith.extui %eq3A_475 : vector<16x32768xi1> to vector<16x32768xi32>
    %convert_element_type3A_477 = arith.sitofp %convert_element_type3A_476 : vector<16x32768xi32> to vector<16x32768xf32>
    %reduce_sum3A_478 = vector.shape_cast %convert_element_type3A_477 : vector<16x32768xf32> to vector<1x16x32768xf32>
    %reduce_sum3A_479 = arith.constant dense<0.000000e+00> : vector<1xf32>
    %reduce_sum3A_480 = vector.multi_reduction <add>, %reduce_sum3A_478, %reduce_sum3A_479 [1, 2] : vector<1x16x32768xf32> to vector<1xf32>
    %reduce_sum3A_481 = vector.shape_cast %reduce_sum3A_480 : vector<1xf32> to vector<1x1x1xf32>
    %reduce_sum3A_482 = vector.extract %reduce_sum3A_481[0, 0, 0] : f32 from vector<1x1x1xf32>
    %jit3A_483 = arith.constant 16 : i32
    %eq3A_484 = arith.constant 0 : i32
    %eq3A_485 = arith.cmpi eq, %jit3A_483, %eq3A_484 : i32
    %jit3A_486 = arith.constant 1 : i32
    %select_n3A_487 = arith.select %eq3A_485, %jit3A_486, %jit3A_483 : i32
    %rem3A_488 = vector.broadcast %select_n3A_487 : i32 to vector<256x1xi32>
    %rem3A_489 = arith.remsi %iota3A, %rem3A_488 : vector<256x1xi32>
    %ne3A_490 = arith.constant 0 : i32
    %ne3A_491 = vector.broadcast %ne3A_490 : i32 to vector<256x1xi32>
    %ne3A_492 = arith.cmpi ne, %rem3A_489, %ne3A_491 : vector<256x1xi32>
    %lt3A_493 = arith.constant 0 : i32
    %lt3A_494 = vector.broadcast %lt3A_493 : i32 to vector<256x1xi32>
    %lt3A_495 = arith.cmpi slt, %rem3A_489, %lt3A_494 : vector<256x1xi32>
    %lt3A_496 = arith.constant 0 : i32
    %lt3A_497 = arith.cmpi slt, %select_n3A_487, %lt3A_496 : i32
    %ne3A_498 = vector.broadcast %lt3A_497 : i1 to vector<256x1xi1>
    %ne3A_499 = vector.broadcast %ne3A_498 : vector<256x1xi1> to vector<256x1xi1>
    %ne3A_500 = arith.xori %lt3A_495, %ne3A_499 : vector<256x1xi1>
    %and3A_501 = arith.andi %ne3A_500, %ne3A_492 : vector<256x1xi1>
    %add3A_502 = vector.broadcast %select_n3A_487 : i32 to vector<256x1xi32>
    %add3A_503 = arith.addi %rem3A_489, %add3A_502 : vector<256x1xi32>
    %select_n3A_504 = arith.select %and3A_501, %add3A_503, %rem3A_489 : vector<256x1xi1>, vector<256x1xi32>
    %eq3A_505 = arith.constant 12 : i32
    %eq3A_506 = vector.broadcast %eq3A_505 : i32 to vector<256x1xi32>
    %eq3A_507 = arith.cmpi eq, %select_n3A_504, %eq3A_506 : vector<256x1xi32>
    %jit3A_508 = arith.constant 0.000000e+00 : f32
    %broadcast_in_dim3A_509 = vector.broadcast %reduce_sum3A_482 : f32 to vector<256x1xf32>
    %broadcast_in_dim3A_510 = vector.broadcast %jit3A_508 : f32 to vector<256x1xf32>
    %select_n3A_511 = arith.select %eq3A_507, %broadcast_in_dim3A_509, %broadcast_in_dim3A_510 : vector<256x1xi1>, vector<256x1xf32>
    %add3A_512 = arith.addf %add3A_472, %select_n3A_511 : vector<256x1xf32>
    %eq3A_513 = arith.constant 13 : i32
    %eq3A_514 = vector.broadcast %eq3A_513 : i32 to vector<16x32768xi32>
    %eq3A_515 = arith.cmpi eq, %get3A_1, %eq3A_514 : vector<16x32768xi32>
    %convert_element_type3A_516 = arith.extui %eq3A_515 : vector<16x32768xi1> to vector<16x32768xi32>
    %convert_element_type3A_517 = arith.sitofp %convert_element_type3A_516 : vector<16x32768xi32> to vector<16x32768xf32>
    %reduce_sum3A_518 = vector.shape_cast %convert_element_type3A_517 : vector<16x32768xf32> to vector<1x16x32768xf32>
    %reduce_sum3A_519 = arith.constant dense<0.000000e+00> : vector<1xf32>
    %reduce_sum3A_520 = vector.multi_reduction <add>, %reduce_sum3A_518, %reduce_sum3A_519 [1, 2] : vector<1x16x32768xf32> to vector<1xf32>
    %reduce_sum3A_521 = vector.shape_cast %reduce_sum3A_520 : vector<1xf32> to vector<1x1x1xf32>
    %reduce_sum3A_522 = vector.extract %reduce_sum3A_521[0, 0, 0] : f32 from vector<1x1x1xf32>
    %jit3A_523 = arith.constant 16 : i32
    %eq3A_524 = arith.constant 0 : i32
    %eq3A_525 = arith.cmpi eq, %jit3A_523, %eq3A_524 : i32
    %jit3A_526 = arith.constant 1 : i32
    %select_n3A_527 = arith.select %eq3A_525, %jit3A_526, %jit3A_523 : i32
    %rem3A_528 = vector.broadcast %select_n3A_527 : i32 to vector<256x1xi32>
    %rem3A_529 = arith.remsi %iota3A, %rem3A_528 : vector<256x1xi32>
    %ne3A_530 = arith.constant 0 : i32
    %ne3A_531 = vector.broadcast %ne3A_530 : i32 to vector<256x1xi32>
    %ne3A_532 = arith.cmpi ne, %rem3A_529, %ne3A_531 : vector<256x1xi32>
    %lt3A_533 = arith.constant 0 : i32
    %lt3A_534 = vector.broadcast %lt3A_533 : i32 to vector<256x1xi32>
    %lt3A_535 = arith.cmpi slt, %rem3A_529, %lt3A_534 : vector<256x1xi32>
    %lt3A_536 = arith.constant 0 : i32
    %lt3A_537 = arith.cmpi slt, %select_n3A_527, %lt3A_536 : i32
    %ne3A_538 = vector.broadcast %lt3A_537 : i1 to vector<256x1xi1>
    %ne3A_539 = vector.broadcast %ne3A_538 : vector<256x1xi1> to vector<256x1xi1>
    %ne3A_540 = arith.xori %lt3A_535, %ne3A_539 : vector<256x1xi1>
    %and3A_541 = arith.andi %ne3A_540, %ne3A_532 : vector<256x1xi1>
    %add3A_542 = vector.broadcast %select_n3A_527 : i32 to vector<256x1xi32>
    %add3A_543 = arith.addi %rem3A_529, %add3A_542 : vector<256x1xi32>
    %select_n3A_544 = arith.select %and3A_541, %add3A_543, %rem3A_529 : vector<256x1xi1>, vector<256x1xi32>
    %eq3A_545 = arith.constant 13 : i32
    %eq3A_546 = vector.broadcast %eq3A_545 : i32 to vector<256x1xi32>
    %eq3A_547 = arith.cmpi eq, %select_n3A_544, %eq3A_546 : vector<256x1xi32>
    %jit3A_548 = arith.constant 0.000000e+00 : f32
    %broadcast_in_dim3A_549 = vector.broadcast %reduce_sum3A_522 : f32 to vector<256x1xf32>
    %broadcast_in_dim3A_550 = vector.broadcast %jit3A_548 : f32 to vector<256x1xf32>
    %select_n3A_551 = arith.select %eq3A_547, %broadcast_in_dim3A_549, %broadcast_in_dim3A_550 : vector<256x1xi1>, vector<256x1xf32>
    %add3A_552 = arith.addf %add3A_512, %select_n3A_551 : vector<256x1xf32>
    %eq3A_553 = arith.constant 14 : i32
    %eq3A_554 = vector.broadcast %eq3A_553 : i32 to vector<16x32768xi32>
    %eq3A_555 = arith.cmpi eq, %get3A_1, %eq3A_554 : vector<16x32768xi32>
    %convert_element_type3A_556 = arith.extui %eq3A_555 : vector<16x32768xi1> to vector<16x32768xi32>
    %convert_element_type3A_557 = arith.sitofp %convert_element_type3A_556 : vector<16x32768xi32> to vector<16x32768xf32>
    %reduce_sum3A_558 = vector.shape_cast %convert_element_type3A_557 : vector<16x32768xf32> to vector<1x16x32768xf32>
    %reduce_sum3A_559 = arith.constant dense<0.000000e+00> : vector<1xf32>
    %reduce_sum3A_560 = vector.multi_reduction <add>, %reduce_sum3A_558, %reduce_sum3A_559 [1, 2] : vector<1x16x32768xf32> to vector<1xf32>
    %reduce_sum3A_561 = vector.shape_cast %reduce_sum3A_560 : vector<1xf32> to vector<1x1x1xf32>
    %reduce_sum3A_562 = vector.extract %reduce_sum3A_561[0, 0, 0] : f32 from vector<1x1x1xf32>
    %jit3A_563 = arith.constant 16 : i32
    %eq3A_564 = arith.constant 0 : i32
    %eq3A_565 = arith.cmpi eq, %jit3A_563, %eq3A_564 : i32
    %jit3A_566 = arith.constant 1 : i32
    %select_n3A_567 = arith.select %eq3A_565, %jit3A_566, %jit3A_563 : i32
    %rem3A_568 = vector.broadcast %select_n3A_567 : i32 to vector<256x1xi32>
    %rem3A_569 = arith.remsi %iota3A, %rem3A_568 : vector<256x1xi32>
    %ne3A_570 = arith.constant 0 : i32
    %ne3A_571 = vector.broadcast %ne3A_570 : i32 to vector<256x1xi32>
    %ne3A_572 = arith.cmpi ne, %rem3A_569, %ne3A_571 : vector<256x1xi32>
    %lt3A_573 = arith.constant 0 : i32
    %lt3A_574 = vector.broadcast %lt3A_573 : i32 to vector<256x1xi32>
    %lt3A_575 = arith.cmpi slt, %rem3A_569, %lt3A_574 : vector<256x1xi32>
    %lt3A_576 = arith.constant 0 : i32
    %lt3A_577 = arith.cmpi slt, %select_n3A_567, %lt3A_576 : i32
    %ne3A_578 = vector.broadcast %lt3A_577 : i1 to vector<256x1xi1>
    %ne3A_579 = vector.broadcast %ne3A_578 : vector<256x1xi1> to vector<256x1xi1>
    %ne3A_580 = arith.xori %lt3A_575, %ne3A_579 : vector<256x1xi1>
    %and3A_581 = arith.andi %ne3A_580, %ne3A_572 : vector<256x1xi1>
    %add3A_582 = vector.broadcast %select_n3A_567 : i32 to vector<256x1xi32>
    %add3A_583 = arith.addi %rem3A_569, %add3A_582 : vector<256x1xi32>
    %select_n3A_584 = arith.select %and3A_581, %add3A_583, %rem3A_569 : vector<256x1xi1>, vector<256x1xi32>
    %eq3A_585 = arith.constant 14 : i32
    %eq3A_586 = vector.broadcast %eq3A_585 : i32 to vector<256x1xi32>
    %eq3A_587 = arith.cmpi eq, %select_n3A_584, %eq3A_586 : vector<256x1xi32>
    %jit3A_588 = arith.constant 0.000000e+00 : f32
    %broadcast_in_dim3A_589 = vector.broadcast %reduce_sum3A_562 : f32 to vector<256x1xf32>
    %broadcast_in_dim3A_590 = vector.broadcast %jit3A_588 : f32 to vector<256x1xf32>
    %select_n3A_591 = arith.select %eq3A_587, %broadcast_in_dim3A_589, %broadcast_in_dim3A_590 : vector<256x1xi1>, vector<256x1xf32>
    %add3A_592 = arith.addf %add3A_552, %select_n3A_591 : vector<256x1xf32>
    %eq3A_593 = arith.constant 15 : i32
    %eq3A_594 = vector.broadcast %eq3A_593 : i32 to vector<16x32768xi32>
    %eq3A_595 = arith.cmpi eq, %get3A_1, %eq3A_594 : vector<16x32768xi32>
    %convert_element_type3A_596 = arith.extui %eq3A_595 : vector<16x32768xi1> to vector<16x32768xi32>
    %convert_element_type3A_597 = arith.sitofp %convert_element_type3A_596 : vector<16x32768xi32> to vector<16x32768xf32>
    %reduce_sum3A_598 = vector.shape_cast %convert_element_type3A_597 : vector<16x32768xf32> to vector<1x16x32768xf32>
    %reduce_sum3A_599 = arith.constant dense<0.000000e+00> : vector<1xf32>
    %reduce_sum3A_600 = vector.multi_reduction <add>, %reduce_sum3A_598, %reduce_sum3A_599 [1, 2] : vector<1x16x32768xf32> to vector<1xf32>
    %reduce_sum3A_601 = vector.shape_cast %reduce_sum3A_600 : vector<1xf32> to vector<1x1x1xf32>
    %reduce_sum3A_602 = vector.extract %reduce_sum3A_601[0, 0, 0] : f32 from vector<1x1x1xf32>
    %jit3A_603 = arith.constant 16 : i32
    %eq3A_604 = arith.constant 0 : i32
    %eq3A_605 = arith.cmpi eq, %jit3A_603, %eq3A_604 : i32
    %jit3A_606 = arith.constant 1 : i32
    %select_n3A_607 = arith.select %eq3A_605, %jit3A_606, %jit3A_603 : i32
    %rem3A_608 = vector.broadcast %select_n3A_607 : i32 to vector<256x1xi32>
    %rem3A_609 = arith.remsi %iota3A, %rem3A_608 : vector<256x1xi32>
    %ne3A_610 = arith.constant 0 : i32
    %ne3A_611 = vector.broadcast %ne3A_610 : i32 to vector<256x1xi32>
    %ne3A_612 = arith.cmpi ne, %rem3A_609, %ne3A_611 : vector<256x1xi32>
    %lt3A_613 = arith.constant 0 : i32
    %lt3A_614 = vector.broadcast %lt3A_613 : i32 to vector<256x1xi32>
    %lt3A_615 = arith.cmpi slt, %rem3A_609, %lt3A_614 : vector<256x1xi32>
    %lt3A_616 = arith.constant 0 : i32
    %lt3A_617 = arith.cmpi slt, %select_n3A_607, %lt3A_616 : i32
    %ne3A_618 = vector.broadcast %lt3A_617 : i1 to vector<256x1xi1>
    %ne3A_619 = vector.broadcast %ne3A_618 : vector<256x1xi1> to vector<256x1xi1>
    %ne3A_620 = arith.xori %lt3A_615, %ne3A_619 : vector<256x1xi1>
    %and3A_621 = arith.andi %ne3A_620, %ne3A_612 : vector<256x1xi1>
    %add3A_622 = vector.broadcast %select_n3A_607 : i32 to vector<256x1xi32>
    %add3A_623 = arith.addi %rem3A_609, %add3A_622 : vector<256x1xi32>
    %select_n3A_624 = arith.select %and3A_621, %add3A_623, %rem3A_609 : vector<256x1xi1>, vector<256x1xi32>
    %eq3A_625 = arith.constant 15 : i32
    %eq3A_626 = vector.broadcast %eq3A_625 : i32 to vector<256x1xi32>
    %eq3A_627 = arith.cmpi eq, %select_n3A_624, %eq3A_626 : vector<256x1xi32>
    %jit3A_628 = arith.constant 0.000000e+00 : f32
    %broadcast_in_dim3A_629 = vector.broadcast %reduce_sum3A_602 : f32 to vector<256x1xf32>
    %broadcast_in_dim3A_630 = vector.broadcast %jit3A_628 : f32 to vector<256x1xf32>
    %select_n3A_631 = arith.select %eq3A_627, %broadcast_in_dim3A_629, %broadcast_in_dim3A_630 : vector<256x1xi1>, vector<256x1xf32>
    %add3A_632 = arith.addf %add3A_592, %select_n3A_631 : vector<256x1xf32>
    %swap3A = arith.constant 0 : index
    %swap3A_633 = arith.constant 0 : index
    %swap3A_634 = vector.load %arg1[%swap3A, %swap3A_633] : memref<256x1xf32, #tpu.memory_space<vmem>>, vector<256x1xf32>
    tpu.vector_store %arg1[%swap3A, %swap3A_633], %add3A_632 {strides = array<i32>} : memref<256x1xf32, #tpu.memory_space<vmem>>, vector<256x1xf32>,
    return
  }
}

module attributes {stable_mosaic.version = 14 : i64} {
  func.func @_gini_kernel(%arg0: i32, %arg1: memref<16x1024xi32, #tpu.memory_space<vmem>>, %arg2: memref<256x1xf32, #tpu.memory_space<vmem>>, %arg3: memref<1024x1024xbf16, #tpu.memory_space<vmem>>, %arg4: memref<1x1024xf32, #tpu.memory_space<vmem>>, %arg5: memref<1x1024xf32, #tpu.memory_space<vmem>>, %arg6: memref<16x1024xf32, #tpu.memory_space<vmem>>, %arg7: memref<256x1xf32, #tpu.memory_space<vmem>>) attributes {dimension_semantics = [#tpu.dimension_semantics<arbitrary>], iteration_bounds = array<i64: 512>, scalar_prefetch = 0 : i64, scratch_operands = 1 : i64, tpu.core_type = #tpu.core_type<tc>, window_params = [{transform_indices = @transform_0, window_bounds = array<i64: 16, 1024>}, {pipeline_mode = #tpu.pipeline_mode<synchronous>, transform_indices = @transform_1, window_bounds = array<i64: 256, 1>}, {pipeline_mode = #tpu.pipeline_mode<synchronous>, transform_indices = @transform_2, window_bounds = array<i64: 1024, 1024>}, {transform_indices = @transform_3, window_bounds = array<i64: 1, 1024>}, {transform_indices = @transform_4, window_bounds = array<i64: 1, 1024>}, {transform_indices = @transform_5, window_bounds = array<i64: 16, 1024>}]} {
    %eq3A = arith.constant 0 : i32
    %eq3A_0 = arith.cmpi eq, %arg0, %eq3A : i32
    %convert_element_type3A = arith.extui %eq3A_0 : i1 to i32
    %cond3A = arith.constant 0 : i32
    %cond3A_1 = arith.cmpi ne, %convert_element_type3A, %cond3A : i32
    scf.if %cond3A_1 {
      %broadcast_in_dim3A_71 = arith.constant 0.000000e+00 : f32
      %broadcast_in_dim3A_72 = vector.broadcast %broadcast_in_dim3A_71 : f32 to vector<256x1xf32>
      %swap3A_73 = arith.constant 0 : index
      %swap3A_74 = arith.constant 0 : index
      %swap3A_75 = vector.load %arg7[%swap3A_73, %swap3A_74] : memref<256x1xf32, #tpu.memory_space<vmem>>, vector<256x1xf32>
      tpu.vector_store %arg7[%swap3A_73, %swap3A_74], %broadcast_in_dim3A_72 {strides = array<i32>} : memref<256x1xf32, #tpu.memory_space<vmem>>, vector<256x1xf32>,
    } else {
    }
    %get3A = arith.constant 0 : index
    %get3A_2 = arith.constant 0 : index
    %get3A_3 = vector.load %arg1[%get3A, %get3A_2] : memref<16x1024xi32, #tpu.memory_space<vmem>>, vector<16x1024xi32>
    %and3A = arith.constant 15 : i32
    %and3A_4 = vector.broadcast %and3A : i32 to vector<16x1024xi32>
    %and3A_5 = arith.andi %get3A_3, %and3A_4 : vector<16x1024xi32>
    %convert_element_type3A_6 = arith.sitofp %and3A_5 : vector<16x1024xi32> to vector<16x1024xf32>
    %iota3A = tpu.iota {dimensions = array<i32: 0>} : vector<256x1xi32>
    %jit3A = arith.constant 16 : i32
    %eq3A_7 = arith.constant 0 : i32
    %eq3A_8 = arith.cmpi eq, %jit3A, %eq3A_7 : i32
    %jit3A_9 = arith.constant 1 : i32
    %select_n3A = arith.select %eq3A_8, %jit3A_9, %jit3A : i32
    %rem3A = vector.broadcast %select_n3A : i32 to vector<256x1xi32>
    %rem3A_10 = arith.remsi %iota3A, %rem3A : vector<256x1xi32>
    %ne3A = arith.constant 0 : i32
    %ne3A_11 = vector.broadcast %ne3A : i32 to vector<256x1xi32>
    %ne3A_12 = arith.cmpi ne, %rem3A_10, %ne3A_11 : vector<256x1xi32>
    %lt3A = arith.constant 0 : i32
    %lt3A_13 = vector.broadcast %lt3A : i32 to vector<256x1xi32>
    %lt3A_14 = arith.cmpi slt, %rem3A_10, %lt3A_13 : vector<256x1xi32>
    %lt3A_15 = arith.constant 0 : i32
    %lt3A_16 = arith.cmpi slt, %select_n3A, %lt3A_15 : i32
    %ne3A_17 = vector.broadcast %lt3A_16 : i1 to vector<256x1xi1>
    %ne3A_18 = vector.broadcast %ne3A_17 : vector<256x1xi1> to vector<256x1xi1>
    %ne3A_19 = arith.xori %lt3A_14, %ne3A_18 : vector<256x1xi1>
    %and3A_20 = arith.andi %ne3A_19, %ne3A_12 : vector<256x1xi1>
    %add3A = vector.broadcast %select_n3A : i32 to vector<256x1xi32>
    %add3A_21 = arith.addi %rem3A_10, %add3A : vector<256x1xi32>
    %select_n3A_22 = arith.select %and3A_20, %add3A_21, %rem3A_10 : vector<256x1xi1>, vector<256x1xi32>
    %convert_element_type3A_23 = arith.sitofp %select_n3A_22 : vector<256x1xi32> to vector<256x1xf32>
    %reshape3A = vector.shape_cast %convert_element_type3A_6 : vector<16x1024xf32> to vector<16x1x1024xf32>
    %broadcast_in_dim3A = vector.shape_cast %reshape3A : vector<16x1x1024xf32> to vector<16x1x1024xf32>
    %broadcast_in_dim3A_24 = vector.broadcast %broadcast_in_dim3A : vector<16x1x1024xf32> to vector<16x16x1024xf32>
    %reshape3A_25 = vector.shape_cast %broadcast_in_dim3A_24 : vector<16x16x1024xf32> to vector<256x1024xf32>
    %eq3A_26 = vector.broadcast %convert_element_type3A_23 : vector<256x1xf32> to vector<256x1024xf32>
    %eq3A_27 = arith.cmpf oeq, %reshape3A_25, %eq3A_26 : vector<256x1024xf32>
    %convert_element_type3A_28 = arith.extui %eq3A_27 : vector<256x1024xi1> to vector<256x1024xi32>
    %convert_element_type3A_29 = arith.sitofp %convert_element_type3A_28 : vector<256x1024xi32> to vector<256x1024xf32>
    %convert_element_type3A_30 = arith.truncf %convert_element_type3A_29 : vector<256x1024xf32> to vector<256x1024xbf16>
    %get3A_31 = arith.constant 0 : index
    %get3A_32 = arith.constant 0 : index
    %get3A_33 = vector.load %arg3[%get3A_31, %get3A_32] : memref<1024x1024xbf16, #tpu.memory_space<vmem>>, vector<1024x1024xbf16>
    %dot_general3A = arith.constant dense<0.000000e+00> : vector<256x1024xf32>
    %dot_general3A_34 = tpu.matmul %convert_element_type3A_30, %get3A_33, %dot_general3A {dimension_numbers = #tpu.dot_dimension_numbers<[1], [0], [0], [1], [0, 0, 1, 1], [], []>, transpose_lhs_hint = false} : vector<256x1024xbf16>, vector<1024x1024xbf16>, vector<256x1024xf32> -> vector<256x1024xf32>
    %get3A_35 = arith.constant 0 : index
    %get3A_36 = arith.constant 0 : index
    %get3A_37 = vector.load %arg7[%get3A_35, %get3A_36] : memref<256x1xf32, #tpu.memory_space<vmem>>, vector<256x1xf32>
    %add3A_38 = vector.broadcast %get3A_37 : vector<256x1xf32> to vector<256x1024xf32>
    %add3A_39 = arith.addf %dot_general3A_34, %add3A_38 : vector<256x1024xf32>
    %slice3A = vector.extract_strided_slice %add3A_39 {offsets = [0, 1023], sizes = [256, 1], strides = [1, 1]} : vector<256x1024xf32> to vector<256x1xf32>
    %swap3A = arith.constant 0 : index
    %swap3A_40 = arith.constant 0 : index
    %swap3A_41 = vector.load %arg7[%swap3A, %swap3A_40] : memref<256x1xf32, #tpu.memory_space<vmem>>, vector<256x1xf32>
    tpu.vector_store %arg7[%swap3A, %swap3A_40], %slice3A {strides = array<i32>} : memref<256x1xf32, #tpu.memory_space<vmem>>, vector<256x1xf32>,
    %get3A_42 = arith.constant 0 : index
    %get3A_43 = arith.constant 0 : index
    %get3A_44 = vector.load %arg2[%get3A_42, %get3A_43] : memref<256x1xf32, #tpu.memory_space<vmem>>, vector<256x1xf32>
    %sub3A = vector.broadcast %get3A_44 : vector<256x1xf32> to vector<256x1024xf32>
    %sub3A_45 = arith.subf %sub3A, %add3A_39 : vector<256x1024xf32>
    %mul3A = arith.mulf %add3A_39, %add3A_39 : vector<256x1024xf32>
    %reshape3A_46 = vector.shape_cast %mul3A : vector<256x1024xf32> to vector<16x16x1024xf32>
    %reduce_sum3A = arith.constant dense<0.000000e+00> : vector<16x1024xf32>
    %reduce_sum3A_47 = vector.multi_reduction <add>, %reshape3A_46, %reduce_sum3A [1] : vector<16x16x1024xf32> to vector<16x1024xf32>
    %mul3A_48 = arith.mulf %sub3A_45, %sub3A_45 : vector<256x1024xf32>
    %reshape3A_49 = vector.shape_cast %mul3A_48 : vector<256x1024xf32> to vector<16x16x1024xf32>
    %reduce_sum3A_50 = arith.constant dense<0.000000e+00> : vector<16x1024xf32>
    %reduce_sum3A_51 = vector.multi_reduction <add>, %reshape3A_49, %reduce_sum3A_50 [1] : vector<16x16x1024xf32> to vector<16x1024xf32>
    %get3A_52 = arith.constant 0 : index
    %get3A_53 = arith.constant 0 : index
    %get3A_54 = vector.load %arg4[%get3A_52, %get3A_53] : memref<1x1024xf32, #tpu.memory_space<vmem>>, vector<1x1024xf32>
    %get3A_55 = arith.constant 0 : index
    %get3A_56 = arith.constant 0 : index
    %get3A_57 = vector.load %arg5[%get3A_55, %get3A_56] : memref<1x1024xf32, #tpu.memory_space<vmem>>, vector<1x1024xf32>
    %mul3A_58 = vector.broadcast %get3A_54 : vector<1x1024xf32> to vector<16x1024xf32>
    %mul3A_59 = arith.mulf %reduce_sum3A_47, %mul3A_58 : vector<16x1024xf32>
    %mul3A_60 = vector.broadcast %get3A_57 : vector<1x1024xf32> to vector<16x1024xf32>
    %mul3A_61 = arith.mulf %reduce_sum3A_51, %mul3A_60 : vector<16x1024xf32>
    %add3A_62 = arith.addf %mul3A_59, %mul3A_61 : vector<16x1024xf32>
    %div3A = arith.constant 5.242880e+05 : f32
    %div3A_63 = vector.broadcast %div3A : f32 to vector<16x1024xf32>
    %div3A_64 = arith.divf %add3A_62, %div3A_63 : vector<16x1024xf32>
    %sub3A_65 = arith.constant 1.000000e+00 : f32
    %sub3A_66 = vector.broadcast %sub3A_65 : f32 to vector<16x1024xf32>
    %sub3A_67 = arith.subf %sub3A_66, %div3A_64 : vector<16x1024xf32>
    %swap3A_68 = arith.constant 0 : index
    %swap3A_69 = arith.constant 0 : index
    %swap3A_70 = vector.load %arg6[%swap3A_68, %swap3A_69] : memref<16x1024xf32, #tpu.memory_space<vmem>>, vector<16x1024xf32>
    tpu.vector_store %arg6[%swap3A_68, %swap3A_69], %sub3A_67 {strides = array<i32>} : memref<16x1024xf32, #tpu.memory_space<vmem>>, vector<16x1024xf32>,
    return
  }
  func.func @transform_0(%arg0: i32) -> (i32, i32) {
    %c0_i32 = arith.constant 0 : i32
    %c0_i32_0 = arith.constant 0 : i32
    return %c0_i32, %arg0 : i32, i32
  }
  func.func @transform_1(%arg0: i32) -> (i32, i32) {
    %c0_i32 = arith.constant 0 : i32
    %c0_i32_0 = arith.constant 0 : i32
    %c0_i32_1 = arith.constant 0 : i32
    return %c0_i32, %c0_i32_0 : i32, i32
  }
  func.func @transform_2(%arg0: i32) -> (i32, i32) {
    %c0_i32 = arith.constant 0 : i32
    %c0_i32_0 = arith.constant 0 : i32
    %c0_i32_1 = arith.constant 0 : i32
    return %c0_i32, %c0_i32_0 : i32, i32
  }
  func.func @transform_3(%arg0: i32) -> (i32, i32) {
    %c0_i32 = arith.constant 0 : i32
    %c0_i32_0 = arith.constant 0 : i32
    return %c0_i32, %arg0 : i32, i32
  }
  func.func @transform_4(%arg0: i32) -> (i32, i32) {
    %c0_i32 = arith.constant 0 : i32
    %c0_i32_0 = arith.constant 0 : i32
    return %c0_i32, %arg0 : i32, i32
  }
  func.func @transform_5(%arg0: i32) -> (i32, i32) {
    %c0_i32 = arith.constant 0 : i32
    %c0_i32_0 = arith.constant 0 : i32
    return %c0_i32, %arg0 : i32, i32
  }
}

</mosaic_0001>

<sc_bundles>
// kernel: kernel.5.cloned.1.call-start
scs
__scs_entry_jumppad:
0x0: {  	(pc) =	sbr.rel $0x88, $3  }
0x1: {  	(tag) =	ssettag $0x0;
	lr =	simm.s32 $0x1  }
0x2: {  	[smem:$0x3F9F] =	sst lr;
	_ =	strace $0xD0000000  }
0x3: {  	_ = 	snop  }
0x4: {  	_ = 	snop  }
0x5: {  	_ = 	snop  }
0x6: {  	_ = 	snop  }
0x7: {  	_ = 	snop  }
__scs_overlays_trampoline_lowered:
0x8: {  	[smem:$0x3FAE] =	sst s0  }
0x9: {  	[smem:$0x3FAF] =	sst s1  }
0xa: {  	[smem:$0x3FB0] =	sst s2  }
0xb: {  	[smem:$0x3FB1] =	sst s3  }
0xc: {  	[smem:$0x3FB2] =	sst s4  }
0xd: {  	[smem:$0x3FB3] =	sst s5  }
0xe: {  	[smem:$0x3FB4] =	sst s6  }
0xf: {  	[smem:$0x3FB5] =	sst s7  }
0x10: {  	[smem:$0x3FB6] =	sst s8  }
0x11: {  	[smem:$0x3FB7] =	sst s9;
	s0 =	simm.s32 @!p0 $0x0  }
0x12: {  	s1 =	sld [smem:$0x3F9D];
	s0 =	simm.s32 @p0 $0x1  }
0x13: {  	[smem:$0x3FB8] =	sst s0;
	s0 =	simm.s32 @!p1 $0x0  }
0x14: {  	s2 =	sld [smem:$0x3F9C];
	s0 =	simm.s32 @p1 $0x1  }
0x15: {  	[smem:$0x3FB9] =	sst s0;
	s0 =	simm.s32 @!p2 $0x0  }
0x16: {  	s3 =	sld [smem:$0x3FDB];
	s0 =	simm.s32 @p2 $0x1  }
0x17: {  	s4 =	simm.s32 $0x1BF5;
	[smem:$0x3FBB] =	sst s0  }
0x18: {  	s0 =	sld [smem:$0x3F9E];
	_ =	swait.ge [sflag:s4], $0x0  }
0x19: {  	s7 =	sld [smem:$0x3F9F]  }
0x1a: {  	s8 =	sadd.s32 $0xFFFFE003, lr  }
0x1b: {  	s9 =	sadd.s32 $0xFFFFFEF7, lr;
	s5 =	simm.s32 $0xFFFFFFFF;
	p2 =	slt.u32 s8, $0xFFFFF086  }
0x1c: {  	p1 =	slt.u32 s9, $0xF7A;
	s5 =	simm.s32 @!p2 $0x0  }
0x1d: {  	s5 =	simm.s32 @p1 $0x1;
	p0 =	seq.s32 s7, s2  }
0x1e: {  	s7 =	smul.u32 @!p0 $0xF7A, s2;
	p2 =	seq.s32 @!p0 s5, $0x0  }
0x1f: {  	s9 =	smul.u32 $0xF7A, s1;
	s8 =	simm.s32 @!p0 $0x1BF5;
	p2 =	por !p2, p0  }
0x20: {  	[sflag:s8] =	ssyncset.s32 @!p0 $0xFFFFF086;
	s6 =	sadd.s32 @!p0 s3, s7;
	s7 =	simm.s32 @!p0 $0x108  }
0x21: {  	s3 =	sadd.s32 s3, s9;
	s6 =	sadd.s32 @!p0 $0x88, s6;
	s7 =	simm.s32 @p2 $0x1082  }
0x22: {  	[simem:s7], [sflag:s8] =	dma.local @!p0 [hbm:s6], $0xF7A  }
0x23: {  	s9 =	sor.u32 $0xD0000000, s2;
	s6 =	simm.s32 $0x108;
	_ =	swait.ge @!p0 [sflag:s8], $0x0  }
0x24: {  	s3 =	sadd.s32 $0x88, s3;
	s6 =	simm.s32 @!p1 $0x1082;
	[sflag:s4] =	ssyncset.s32 $0xFFFFF086  }
0x25: {  	[simem:s6], [sflag:s4] =	dma.local [hbm:s3], $0xF7A  }
0x26: {  	[smem:$0x3F9F] =	sst s1;
	(tag) =	ssettag s2;
	_ =	strace s9  }
0x27: {  	s1 =	sld [smem:$0x3FAF]  }
0x28: {  	s2 =	sld [smem:$0x3FB0]  }
0x29: {  	s4 =	sld [smem:$0x3FB2]  }
0x2a: {  	p0 =	seq.s32 s5, $0x0;
	s5 =	sld [smem:$0x3FB3]  }
0x2b: {  	s6 =	sld [smem:$0x3FB4]  }
0x2c: {  	s7 =	sld [smem:$0x3FB5]  }
0x2d: {  	s3 =	simm.s32 $0x108;
	s8 =	sld [smem:$0x3FB6]  }
0x2e: {  	s3 =	simm.s32 @!p0 $0x1082;
	s9 =	sld [smem:$0x3FB7]  }
0x2f: {  	lr =	sadd.s32 s0, s3;
	s0 =	sld [smem:$0x3FAE]  }
0x30: {  	s3 =	sld [smem:$0x3FB1]  }
0x31: {  	[smem:$0x3FBA] =	sst s10  }
0x32: {  	s10 =	sld [smem:$0x3FB8];
	_ =	sdelay $0x3  }
0x33: {  	p0 =	seq.s32 s10, $0x1;
	s10 =	sld [smem:$0x3FBA];
	_ =	sdelay $0x3  }
0x34: {  	[smem:$0x3FBA] =	sst s10  }
0x35: {  	s10 =	sld [smem:$0x3FB9];
	_ =	sdelay $0x3  }
0x36: {  	p1 =	seq.s32 s10, $0x1;
	s10 =	sld [smem:$0x3FBA];
	_ =	sdelay $0x3  }
0x37: {  	[smem:$0x3FBA] =	sst s10  }
0x38: {  	s10 =	sld [smem:$0x3FBB]  }
0x39: {  	_ = 	snop;
	(pc) =	sbr.ind lr, $3  }
0x3a: {  	_ = 	snop  }
0x3b: {  	_ = 	snop  }
0x3c: {  	p2 =	seq.s32 s10, $0x1;
	s10 =	sld [smem:$0x3FBA]  }
0x3d: {  	_ =	shalt  }
0x3e: {  	_ =	shalt  }
0x3f: {  	_ =	shalt  }
0x40: {  	_ =	shalt  }
0x41: {  	_ =	shalt  }
0x42: {  	_ =	shalt  }
0x43: {  	_ =	shalt  }
0x44: {  	_ =	shalt  }
0x45: {  	_ =	shalt  }
0x46: {  	_ =	shalt  }
0x47: {  	_ =	shalt  }
0x48: {  	_ =	shalt  }
0x49: {  	_ =	shalt  }
0x4a: {  	_ =	shalt  }
0x4b: {  	_ =	shalt  }
0x4c: {  	_ =	shalt  }
0x4d: {  	_ =	shalt  }
0x4e: {  	_ =	shalt  }
0x4f: {  	_ =	shalt  }
0x50: {  	_ =	shalt  }
0x51: {  	_ =	shalt  }
0x52: {  	_ =	shalt  }
0x53: {  	_ =	shalt  }
0x54: {  	_ =	shalt  }
0x55: {  	_ =	shalt  }
0x56: {  	_ =	shalt  }
0x57: {  	_ =	shalt  }
0x58: {  	_ =	shalt  }
0x59: {  	_ =	shalt  }
0x5a: {  	_ =	shalt  }
0x5b: {  	_ =	shalt  }
0x5c: {  	_ =	shalt  }
0x5d: {  	_ =	shalt  }
0x5e: {  	_ =	shalt  }
0x5f: {  	_ =	shalt  }
0x60: {  	_ =	shalt  }
0x61: {  	_ =	shalt  }
0x62: {  	_ =	shalt  }
0x63: {  	_ =	shalt  }
0x64: {  	_ =	shalt  }
0x65: {  	_ =	shalt  }
0x66: {  	_ =	shalt  }
0x67: {  	_ =	shalt  }
0x68: {  	_ =	shalt  }
0x69: {  	_ =	shalt  }
0x6a: {  	_ =	shalt  }
0x6b: {  	_ =	shalt  }
0x6c: {  	_ =	shalt  }
0x6d: {  	_ =	shalt  }
0x6e: {  	_ =	shalt  }
0x6f: {  	_ =	shalt  }
0x70: {  	_ =	shalt  }
0x71: {  	_ =	shalt  }
0x72: {  	_ =	shalt  }
0x73: {  	_ =	shalt  }
0x74: {  	_ =	shalt  }
0x75: {  	_ =	shalt  }
0x76: {  	_ =	shalt  }
0x77: {  	_ =	shalt  }
0x78: {  	_ =	shalt  }
0x79: {  	_ =	shalt  }
0x7a: {  	_ =	shalt  }
0x7b: {  	_ =	shalt  }
0x7c: {  	_ =	shalt  }
0x7d: {  	_ =	shalt  }
0x7e: {  	_ =	shalt  }
0x7f: {  	_ =	shalt  }
0x80: {  	_ =	shalt  }
0x81: {  	_ =	shalt  }
0x82: {  	_ =	shalt  }
0x83: {  	_ =	shalt  }
0x84: {  	_ =	shalt  }
0x85: {  	_ =	shalt  }
0x86: {  	_ =	shalt  }
0x87: {  	_ =	shalt  }
.Lfunc_end0:
.L_simem_size_0:
called_computation_lowered:
.L_overlay_start_0:
0x88: {  	s2 =	sld [smem:$0x3FD9]  }
0x89: {  	s3 =	sld [smem:$0x3FFE];
	_ =	sdelay $0x1  }
0x8a: {  	s1 =	srdreg.scid  }
0x8b: {  	s0 =	sand.u32 $0x1, s1  }
0x8c: {  	s17 =	sshll.u32 s0, $0xA;
	s2 =	sadd.s32 s3, s2  }
0x8d: {  	s2 =	sadd.s32 s2, s17  }
0x8e: {  	[smem:$0x3FC6] =	sst s2  }
0x8f: {  	_ = 	snop  }
0x90: {  	s2 =	sld [smem:$0x3FC9]  }
0x91: {  	s18 =	sld [smem:$0x3FC8];
	(tm) =	ssettm $0x1  }
0x92: {  	s4 =	sld [smem:$0x3FFB];
	_ =	sdelay $0x3  }
0x93: {  	_ =	strace s4  }
0x94: {  	s4 =	sld [smem:$0x3FFC];
	_ =	sdelay $0x3  }
0x95: {  	_ =	strace s4  }
0x96: {  	s4 =	sld [smem:$0x3FFD];
	_ =	sdelay $0x3  }
0x97: {  	_ =	strace s4  }
0x98: {  	_ =	strace $0x8FFFFFFF  }
0x99: {  	s19 =	sld [smem:$0x3FDB];
	_ =	sdelay $0x1  }
0x9a: {  	s5 =	simm.s32 $_scs_section_size  }
0x9b: {  	s6 =	simm.s32 $_size__tile_overlayer_lowered;
	s7 =	simm.s32 $_tile_overlayer_lowered  }
0x9c: {  	s22 =	simm.s32 $0x1BFF;
	s21 =	sshll.u32 s7, $0x1;
	s4 =	sadd.s32 s5, s19  }
0x9d: {  	s8 =	simm.s32 $0x0;
	s20 =	sshll.u32 s6, $0x1;
	s6 =	sadd.s32 s21, s4  }
0x9e: {  	[timem:s8], [sflag:s22] =	dma.local [hbm:s6], s20  }
0x9f: {  	_ =	swait.ge [sflag:s22], s20  }
0xa0: {  	s5 =	ssub.s32 $0x0, s20;
	[sflag:s22] =	ssyncset.done $0x0  }
0xa1: {  	[sflag:s22] =	ssyncadd.s32 s5;
	_ =	sdelay $0x1  }
0xa2: {  	s23 =	simm.s32 $0x1B8B  }
0xa3: {  	_ =	swait.ge [sflag:s23], $0x1  }
0xa4: {  	[sflag:s23] =	ssyncset.done $0x0  }
0xa5: {  	s25 =	simm.s32 $0x1B8E;
	s24 =	sld [smem:$0x3FFE];
	[sflag:s23] =	ssyncadd.s32 $0xFFFFFFFF  }
0xa6: {  	s26 =	simm.s32 $execute0_lowered;
	[smem:$0x3FD2] =	sst s25  }
0xa7: {  	s6 =	sshll.u32 s26, $0x1;
	_ =	strace $0x80000046;
	[dreg:$0x1] =	wrdreg $0xFFFFFFFF  }
0xa8: {  	s28 =	simm.s32 $_size_execute0_lowered;
	s4 =	sadd.s32 s4, s6;
	[dreg:$0x0] =	wrdreg $0x0  }
0xa9: {  	s6 =	sshll.u32 s28, $0x1;
	[dreg:$0x2] =	wrdreg s4  }
0xaa: {  	[dreg:$0x3] =	wrdreg s6  }
0xab: {  	[dreg:$0x4] =	wrdreg $0xC0  }
0xac: {  	_ =	task [dreg:s8], $0x5FFFF  }
0xad: {  	[dreg:$0x1] =	wrdreg $0xFFFFFFFF  }
0xae: {  	[dreg:$0x0] =	wrdreg $0x60  }
0xaf: {  	[dreg:$0x2] =	wrdreg s2  }
0xb0: {  	[dreg:$0x3] =	wrdreg s18  }
0xb1: {  	[dreg:$0x4] =	wrdreg s24  }
0xb2: {  	[dreg:$0x5] =	wrdreg $0x120000  }
0xb3: {  	[dreg:$0x6] =	wrdreg $0x100000  }
0xb4: {  	[dreg:$0x7] =	wrdreg $0x110000  }
0xb5: {  	[dreg:$0x8] =	wrdreg $0x0  }
0xb6: {  	[dreg:$0x9] =	wrdreg $0x80000  }
0xb7: {  	[dreg:$0xa] =	wrdreg $0x9  }
0xb8: {  	_ =	task.clear_ibuf [dreg:s8], $0xBFFFF;
	_ =	strace $0x90000046  }
0xb9: {  	s29 =	simm.s32 $0x9;
	_ =	strace $0x80000048  }
0xba: {  	_ =	swait.ge [sflag:s29], $0x1  }
0xbb: {  	[sflag:s29] =	ssyncadd.s32 $0xFFFFFFFF  }
0xbc: {  	_ =	strace $0x90000048  }
0xbd: {  	_ =	sfence  }
0xbe: {  	s30 =	sld [smem:$0x0];
	_ =	sdelay $0x2  }
0xbf: {  	s31 =	sshll.u32 s1, $0xD;
	s1 =	sshrl.u32 s1, $0x2  }
0xc0: {  	s3 =	sand.u32 $0x4000, s31;
	s1 =	sadd.s32 s1, s30  }
0xc1: {  	s0 =	sor.u32 s3, s0;
	s1 =	sshll.u32 s1, $0x11  }
0xc2: {  	s0 =	sor.u32 s1, s0  }
0xc3: {  	s0 =	sadd.s32 $0x8F2B, s0  }
0xc4: {  	[sflag:s0] =	ssyncadd.remote.s32 $0x1  }
0xc5: {  	_ =	sfence.sel $0xFFFF  }
0xc6: {  	[dreg:$0x0] =	wrdreg $0xFFFFFFFF;
	(pc) =	sbr.abs _section_cstart, $3  }
0xc7: {  	[dreg:$0x1] =	wrdreg $0xFFFFFFFF  }
0xc8: {  	_ =	task.clear_ibuf [dreg:s8], $0x2FFFF;
	_ =	strace $0x9FFFFFFF  }
0xc9: {  	(tm) =	ssettm $0x7FFFFFFF  }
tec
execute0_lowered:
.L_overlay_start_1:
0x0: {  	(tag) =	ssettag $0x1  }
0x1: {  	s1 =	rddreg [dreg:$0x0]  }
0x2: {  	s0 =	rddreg [dreg:$0x2]  }
0x3: {  	s11 =	rddreg [dreg:$0x3]  }
0x4: {  	s2 =	rddreg [dreg:$0x4]  }
0x5: {  	s3 =	rddreg [dreg:$0x5]  }
0x6: {  	s4 =	rddreg [dreg:$0x6]  }
0x7: {  	s6 =	rddreg [dreg:$0x7]  }
0x8: {  	s7 =	simm.s32 $0x0;
	s5 =	simm.s32 $0x0;
	s12 =	stileid.u32  }
0x9: {  	s21 =	srdreg.scid;
	s19 =	simm.s32 $0x80;
	s20 =	simm.s32 $0x400  }
0xa: {  	s13 =	simm.s32 $0x8000;
	s18 =	simm.s32 $0x13810;
	[dreg:$0x9] =	wrdreg s5  }
0xb: {  	[smem:$0x7FF] =	sst s7;
	s8 =	sshll.u32 s12, $0xF;
	s5 =	sand.u32 $0x1, s21  }
0xc: {  	s22 =	sshll.u32 s12, $0xC;
	s9 =	sshll.u32 s12, $0x7;
	s23 =	sshll.u32 s12, $0xB  }
0xd: {  	s21 =	simm.s32 $0x12010;
	_ =	strace $0x80000047;
	[dreg:$0xa] =	wrdreg s5  }
0xe: {  	s5 =	ssub.s32 $0x2, s5;
	s0 =	sadd.s32 s8, s0;
	s7 =	sor.u32 s9, s22  }
0xf: {  	s1 =	sadd.s32 s1, s8;
	s25 =	sadd.s32 s23, s2;
	s26 =	sadd.s32 s9, s11  }
0x10: {  	s28 =	sadd.s32 s23, s3;
	s16 =	sadd.s32 s8, s4;
	[dreg:$0xb] =	wrdreg s1  }
0x11: {  	s30 =	sadd.s32 s8, s6;
	s22 =	simm.s32 $0x3;
	[dreg:$0xd] =	wrdreg s25  }
0x12: {  	s23 =	simm.s32 $0x15010;
	s10 =	sshrl.u32 s5, $0x1;
	[dreg:$0xe] =	wrdreg s26  }
0x13: {  	s7 =	sand.u32 $0x8380, s7;
	[dreg:$0xf] =	wrdreg s28;
	s0 =	sadd.s32 $0x800, s0  }
0x14: {  	s5 =	ssub.s32 s5, s10;
	s24 =	sadd.s32 s7, s2;
	[dreg:$0x11] =	wrdreg s0  }
0x15: {  	s29 =	sadd.s32 s7, s3;
	s0 =	sshrl.u32 s30, $0x3;
	[dreg:$0xc] =	wrdreg s24  }
0x16: {  	s2 =	simm.s32 $0x12810;
	s7 =	simm.s32 $0x13010;
	[dreg:$0x10] =	wrdreg s29  }
0x17: {  	v0 =	vimm.s32 $0x0;
	v3 =	vlaneseq.u32;
	v2 =	vmov s12;
	s31 =	smax.u32 s5, $0x1;
	s24 =	simm.s32 $0x800;
	[dreg:$0x13] =	wrdreg s0  }
0x18: {  	v1 =	vimm.s32 $0x1;
	vm0 =	vgt.u32 v2, v3;
	vm1 =	veq.s32 v2, v3;
	s0 =	simm.s32 $0x14810;
	s5 =	simm.s32 $0x14010;
	[dreg:$0x12] =	wrdreg s31  }
.LBB2_1:
0x19: {  	s10 =	simm.s32 $0x0  }
.LBB2_2:
0x1a: {  	s3 =	simm.s32 $0x40;
	s9 =	simm.s32 $0x0  }
.LBB2_3:
0x1b: {  	p0 =	seq.s32 s3, $0x3FC0;
	[tilespmem:s9+$0x15010] =	vst v0;
	s9 =	smov.u32 s3;
	s3 =	sadd.s32 $0x40, s3  }
.Ltmp0:
0x1c: {  	(pc) =	sbr.rel @!p0 .LBB2_3-.Ltmp0, $2  }
0x1d: {  	_ =	sdelay $0x2  }
0x1e: {  	s9 =	sshra.s32 s9, $0x2  }
0x1f: {  	s1 =	rddreg [dreg:$0xa]  }
0x20: {  	s3 =	sshll.u32 s10, $0x1;
	[dreg:$0x14] =	wrdreg s10  }
0x21: {  	s25 =	sshll.u32 s10, $0x11;
	s30 =	rddreg [dreg:$0xb];
	s1 =	sor.u32 s1, s3  }
0x22: {  	s26 =	sand.u32 $0x80000, s25;
	[dreg:$0x17] =	wrdreg s1;
	s28 =	sshll.u32 s1, $0x4  }
0x23: {  	[dreg:$0x15] =	wrdreg s26;
	s31 =	sadd.s32 s26, s30;
	s29 =	sand.u32 $0x70, s28  }
0x24: {  	[tilespmem:s9+$0x15010] =	vst v0;
	s9 =	simm.s32 $0x0;
	[dreg:$0x16] =	wrdreg s29;
	s3 =	sadd.s32 s29, s31  }
.LBB2_5:
0x25: {  	s10 =	sshll.u32 s9, $0xB  }
0x26: {  	s10 =	sadd.s32 s10, s3  }
0x27: {  	[tilespmem:s21], [sflag:$0x3] =	stream.strided.gather [hbm4b:s10+s19], $0x800, s20, s19, $0x38;
	[tilespmem:$0x18890] =	vst v63  }
0x28: {  	_ =	swait.ge [sflag:s22], $0x800  }
0x29: {  	[sflag:s22] =	ssyncset.done $0x0  }
0x2a: {  	s11 =	simm.s32 $0x0;
	s10 =	simm.s32 $0x40;
	[sflag:s22] =	ssyncadd.s32 $0xFFFFF800  }
.LBB2_6:
0x2b: {  	p0 =	sne.s32 s10, $0x1FC0;
	v2 =	vld [tilespmem:s11+$0x12010];
	_ =	sdelay $0x4  }
0x2c: {  	v2 =	vmul.f32 $1.677721600e+07, v2;
	_ =	sdelay $0x1  }
0x2d: {  	v2 =	vtrunc.f32 v2  }
0x2e: {  	v2 =	vcvt.f32.s32 v2;
	_ =	sdelay $0x1  }
0x2f: {  	v2 =	vand.u32 $0xFFF, v2  }
.Ltmp1:
0x30: {  	(pc) =	sbr.rel @p0 .LBB2_6-.Ltmp1, $2  }
0x31: {  	_ =	sdelay $0x2  }
0x32: {  	s11 =	sshra.s32 s10, $0x2;
	s10 =	sadd.s32 $0x40, s10;
	[tilespmem:v2+s23+$0x0] =	vst.idx.add.s32.msk $0xffff, v1  }
0x33: {  	v2 =	vld [tilespmem:s11+$0x12010];
	_ =	sdelay $0x4  }
0x34: {  	v2 =	vmul.f32 $1.677721600e+07, v2;
	_ =	sdelay $0x1  }
0x35: {  	v2 =	vtrunc.f32 v2  }
0x36: {  	v2 =	vcvt.f32.s32 v2  }
0x37: {  	s9 =	sadd.s32 $0x1, s9  }
0x38: {  	p0 =	sne.s32 s9, $0x10;
	v2 =	vand.u32 $0xFFF, v2  }
.Ltmp2:
0x39: {  	_ = 	snop;
	(pc) =	sbr.rel @p0 .LBB2_5-.Ltmp2, $2  }
0x3a: {  	_ =	sdelay $0x2  }
0x3b: {  	[tilespmem:v2+s23+$0x0] =	vst.idx.add.s32.msk $0xffff, v1  }
0x3c: {  	s1 =	rddreg [dreg:$0xc]  }
0x3d: {  	[spmem:s1] =	stream.strided.scatter [tilespmem:s23], [sflag:$0x3], $0x1000, s20, s19, $0x38;
	[tilespmem:$0x18890] =	vst v63  }
0x3e: {  	_ =	swait.ge [sflag:s22], $0x1000  }
0x3f: {  	[sflag:s22] =	ssyncset.done $0x0  }
0x40: {  	[sflag:s22] =	ssyncadd.s32 $0xFFFFF000  }
0x41: {  	[bflag:$0x0] =	sbarrier.arrive $0xFFFF  }
0x42: {  	s3 =	simm.s32 $0x16010;
	s14 =	rddreg [dreg:$0xd]  }
0x43: {  	[tilespmem:s3], [sflag:$0x3] =	stream.strided.gather [spmem:s14], $0x1000, s13, s24, $0x38;
	[tilespmem:$0x18890] =	vst v63  }
0x44: {  	_ =	swait.ge [sflag:s22], $0x1000  }
0x45: {  	[sflag:s22] =	ssyncset.done $0x0  }
0x46: {  	[sflag:s22] =	ssyncadd.s32 $0xFFFFF000  }
0x47: {  	v2 =	vld [tilespmem:$0x16010];
	_ =	sdelay $0x4  }
0x48: {  	[tilespmem:$0x1FCB0] =	vst v2;
	v2 =	vld [tilespmem:$0x16090];
	_ =	sdelay $0x4  }
0x49: {  	[tilespmem:$0x1FCC0] =	vst v2;
	v2 =	vld [tilespmem:$0x16110];
	_ =	sdelay $0x4  }
0x4a: {  	[tilespmem:$0x1FD00] =	vst v2;
	v2 =	vld [tilespmem:$0x16190];
	_ =	sdelay $0x4  }
0x4b: {  	[tilespmem:$0x1FD40] =	vst v2;
	v2 =	vld [tilespmem:$0x16210];
	_ =	sdelay $0x4  }
0x4c: {  	[tilespmem:$0x1FD70] =	vst v2;
	v2 =	vld [tilespmem:$0x16290];
	_ =	sdelay $0x4  }
0x4d: {  	[tilespmem:$0x1FDA0] =	vst v2;
	v2 =	vld [tilespmem:$0x16310];
	_ =	sdelay $0x4  }
0x4e: {  	[tilespmem:$0x1FDD0] =	vst v2;
	v2 =	vld [tilespmem:$0x16390];
	_ =	sdelay $0x4  }
0x4f: {  	[tilespmem:$0x1FE00] =	vst v2;
	v2 =	vld [tilespmem:$0x16810];
	_ =	sdelay $0x4  }
0x50: {  	[tilespmem:$0x1FE30] =	vst v2;
	v2 =	vld [tilespmem:$0x16890];
	_ =	sdelay $0x4  }
0x51: {  	[tilespmem:$0x1FE60] =	vst v2;
	v2 =	vld [tilespmem:$0x16910];
	_ =	sdelay $0x4  }
0x52: {  	[tilespmem:$0x1FE90] =	vst v2;
	v2 =	vld [tilespmem:$0x16990];
	_ =	sdelay $0x4  }
0x53: {  	[tilespmem:$0x1FEC0] =	vst v2;
	v2 =	vld [tilespmem:$0x16A10];
	_ =	sdelay $0x4  }
0x54: {  	[tilespmem:$0x1FEF0] =	vst v2;
	v2 =	vld [tilespmem:$0x16A90];
	_ =	sdelay $0x4  }
0x55: {  	[tilespmem:$0x1FF20] =	vst v2;
	v2 =	vld [tilespmem:$0x16B10];
	_ =	sdelay $0x4  }
0x56: {  	[tilespmem:$0x1FF50] =	vst v2;
	v2 =	vld [tilespmem:$0x16B90];
	_ =	sdelay $0x4  }
0x57: {  	[tilespmem:$0x1FF80] =	vst v2;
	v2 =	vld [tilespmem:$0x16020];
	_ =	sdelay $0x4  }
0x58: {  	[tilespmem:$0x1FCE0] =	vst v2;
	v2 =	vld [tilespmem:$0x160A0];
	_ =	sdelay $0x4  }
0x59: {  	[tilespmem:$0x1FCF0] =	vst v2;
	v2 =	vld [tilespmem:$0x16120];
	_ =	sdelay $0x4  }
0x5a: {  	[tilespmem:$0x1FD30] =	vst v2;
	v2 =	vld [tilespmem:$0x161A0];
	_ =	sdelay $0x4  }
0x5b: {  	[tilespmem:$0x1FD60] =	vst v2;
	v2 =	vld [tilespmem:$0x16220];
	_ =	sdelay $0x4  }
0x5c: {  	[tilespmem:$0x1FD90] =	vst v2;
	v2 =	vld [tilespmem:$0x162A0];
	_ =	sdelay $0x4  }
0x5d: {  	[tilespmem:$0x1FDC0] =	vst v2;
	v2 =	vld [tilespmem:$0x16320];
	_ =	sdelay $0x4  }
0x5e: {  	[tilespmem:$0x1FDF0] =	vst v2;
	v2 =	vld [tilespmem:$0x163A0];
	_ =	sdelay $0x4  }
0x5f: {  	[tilespmem:$0x1FE20] =	vst v2;
	v2 =	vld [tilespmem:$0x16820];
	_ =	sdelay $0x4  }
0x60: {  	[tilespmem:$0x1FE50] =	vst v2;
	v2 =	vld [tilespmem:$0x168A0];
	_ =	sdelay $0x4  }
0x61: {  	[tilespmem:$0x1FE80] =	vst v2;
	v2 =	vld [tilespmem:$0x16920];
	_ =	sdelay $0x4  }
0x62: {  	[tilespmem:$0x1FEB0] =	vst v2;
	v2 =	vld [tilespmem:$0x169A0];
	_ =	sdelay $0x4  }
0x63: {  	[tilespmem:$0x1FEE0] =	vst v2;
	v2 =	vld [tilespmem:$0x16A20];
	_ =	sdelay $0x4  }
0x64: {  	[tilespmem:$0x1FF10] =	vst v2;
	v2 =	vld [tilespmem:$0x16AA0];
	_ =	sdelay $0x4  }
0x65: {  	[tilespmem:$0x1FF40] =	vst v2;
	v2 =	vld [tilespmem:$0x16B20];
	_ =	sdelay $0x4  }
0x66: {  	[tilespmem:$0x1FF70] =	vst v2;
	v2 =	vld [tilespmem:$0x16BA0];
	_ =	sdelay $0x4  }
0x67: {  	[tilespmem:$0x1FFB0] =	vst v2;
	v2 =	vld [tilespmem:$0x16030];
	_ =	sdelay $0x4  }
0x68: {  	[tilespmem:$0x1FD10] =	vst v2;
	v2 =	vld [tilespmem:$0x160B0];
	_ =	sdelay $0x4  }
0x69: {  	[tilespmem:$0x1FD20] =	vst v2;
	v2 =	vld [tilespmem:$0x16130];
	_ =	sdelay $0x4  }
0x6a: {  	[tilespmem:$0x1FD50] =	vst v2;
	v2 =	vld [tilespmem:$0x161B0];
	_ =	sdelay $0x4  }
0x6b: {  	[tilespmem:$0x1FD80] =	vst v2;
	v2 =	vld [tilespmem:$0x16230];
	_ =	sdelay $0x4  }
0x6c: {  	[tilespmem:$0x1FDB0] =	vst v2;
	v2 =	vld [tilespmem:$0x162B0];
	_ =	sdelay $0x4  }
0x6d: {  	[tilespmem:$0x1FDE0] =	vst v2;
	v2 =	vld [tilespmem:$0x16330];
	_ =	sdelay $0x4  }
0x6e: {  	[tilespmem:$0x1FE10] =	vst v2;
	v2 =	vld [tilespmem:$0x163B0];
	_ =	sdelay $0x4  }
0x6f: {  	[tilespmem:$0x1FE40] =	vst v2;
	v2 =	vld [tilespmem:$0x16830];
	_ =	sdelay $0x4  }
0x70: {  	[tilespmem:$0x1FE70] =	vst v2;
	v2 =	vld [tilespmem:$0x168B0];
	_ =	sdelay $0x4  }
0x71: {  	[tilespmem:$0x1FEA0] =	vst v2;
	v2 =	vld [tilespmem:$0x16930];
	_ =	sdelay $0x4  }
0x72: {  	[tilespmem:$0x1FED0] =	vst v2;
	v2 =	vld [tilespmem:$0x169B0];
	_ =	sdelay $0x4  }
0x73: {  	[tilespmem:$0x1FF00] =	vst v2;
	v2 =	vld [tilespmem:$0x16A30];
	_ =	sdelay $0x4  }
0x74: {  	[tilespmem:$0x1FF30] =	vst v2;
	v2 =	vld [tilespmem:$0x16AB0];
	_ =	sdelay $0x4  }
0x75: {  	[tilespmem:$0x1FF60] =	vst v2;
	v2 =	vld [tilespmem:$0x16B30];
	_ =	sdelay $0x4  }
0x76: {  	[tilespmem:$0x1FFA0] =	vst v2;
	v2 =	vld [tilespmem:$0x16BB0];
	_ =	sdelay $0x4  }
0x77: {  	[tilespmem:$0x1FFD0] =	vst v2;
	v2 =	vld [tilespmem:$0x16040];
	_ =	sdelay $0x4  }
0x78: {  	[tilespmem:$0x1FB50] =	vst v2  }
0x79: {  	v2 =	vld [tilespmem:$0x160C0];
	_ =	sdelay $0x4  }
0x7a: {  	[tilespmem:$0x1FB60] =	vst v2;
	v2 =	vld [tilespmem:$0x16140];
	_ =	sdelay $0x4  }
0x7b: {  	[tilespmem:$0x1FB80] =	vst v2;
	v2 =	vld [tilespmem:$0x161C0];
	_ =	sdelay $0x4  }
0x7c: {  	[tilespmem:$0x1FBA0] =	vst v2;
	v2 =	vld [tilespmem:$0x16240];
	_ =	sdelay $0x4  }
0x7d: {  	[tilespmem:$0x1FBC0] =	vst v2;
	v2 =	vld [tilespmem:$0x162C0];
	_ =	sdelay $0x4  }
0x7e: {  	[tilespmem:$0x1FBE0] =	vst v2;
	v2 =	vld [tilespmem:$0x16340];
	_ =	sdelay $0x4  }
0x7f: {  	[tilespmem:$0x1FC00] =	vst v2;
	v2 =	vld [tilespmem:$0x163C0];
	_ =	sdelay $0x4  }
0x80: {  	[tilespmem:$0x1FC20] =	vst v2;
	v2 =	vld [tilespmem:$0x16840];
	_ =	sdelay $0x4  }
0x81: {  	[tilespmem:$0x1FC40] =	vst v2;
	v2 =	vld [tilespmem:$0x168C0];
	_ =	sdelay $0x4  }
0x82: {  	[tilespmem:$0x1FC60] =	vst v2;
	v2 =	vld [tilespmem:$0x16940];
	_ =	sdelay $0x4  }
0x83: {  	[tilespmem:$0x1FC80] =	vst v2;
	v2 =	vld [tilespmem:$0x169C0];
	_ =	sdelay $0x4  }
0x84: {  	[tilespmem:$0x1FCA0] =	vst v2;
	v2 =	vld [tilespmem:$0x16A40];
	_ =	sdelay $0x4  }
0x85: {  	[tilespmem:$0x1FCD0] =	vst v2;
	v2 =	vld [tilespmem:$0x16AC0];
	_ =	sdelay $0x4  }
0x86: {  	[tilespmem:$0x1FF90] =	vst v2;
	v2 =	vld [tilespmem:$0x16B40];
	_ =	sdelay $0x4  }
0x87: {  	[tilespmem:$0x1FFC0] =	vst v2;
	v2 =	vld [tilespmem:$0x16BC0];
	_ =	sdelay $0x4  }
0x88: {  	[tilespmem:$0x1FFE0] =	vst v2;
	v2 =	vld [tilespmem:$0x16050];
	_ =	sdelay $0x4  }
0x89: {  	[tilespmem:$0x1FB20] =	vst v2;
	v2 =	vld [tilespmem:$0x160D0];
	_ =	sdelay $0x4  }
0x8a: {  	[tilespmem:$0x1FB30] =	vst v2;
	v2 =	vld [tilespmem:$0x16150];
	_ =	sdelay $0x4  }
0x8b: {  	[tilespmem:$0x1FB40] =	vst v2;
	v2 =	vld [tilespmem:$0x161D0];
	_ =	sdelay $0x4  }
0x8c: {  	[tilespmem:$0x1FB70] =	vst v2;
	v2 =	vld [tilespmem:$0x16250];
	_ =	sdelay $0x4  }
0x8d: {  	[tilespmem:$0x1FB90] =	vst v2;
	v2 =	vld [tilespmem:$0x162D0];
	_ =	sdelay $0x4  }
0x8e: {  	[tilespmem:$0x1FBB0] =	vst v2;
	v2 =	vld [tilespmem:$0x16350];
	_ =	sdelay $0x4  }
0x8f: {  	[tilespmem:$0x1FBD0] =	vst v2;
	v2 =	vld [tilespmem:$0x163D0];
	_ =	sdelay $0x4  }
0x90: {  	[tilespmem:$0x1FBF0] =	vst v2;
	v2 =	vld [tilespmem:$0x16850];
	_ =	sdelay $0x4  }
0x91: {  	[tilespmem:$0x1FC10] =	vst v2;
	v2 =	vld [tilespmem:$0x168D0];
	_ =	sdelay $0x4  }
0x92: {  	[tilespmem:$0x1FC30] =	vst v2;
	v2 =	vld [tilespmem:$0x16950];
	_ =	sdelay $0x4  }
0x93: {  	[tilespmem:$0x1FC50] =	vst v2;
	v2 =	vld [tilespmem:$0x169D0];
	_ =	sdelay $0x4  }
0x94: {  	[tilespmem:$0x1FC70] =	vst v2;
	v2 =	vld [tilespmem:$0x16A50];
	_ =	sdelay $0x4  }
0x95: {  	[tilespmem:$0x1FC90] =	vst v2;
	v2 =	vld [tilespmem:$0x16060];
	_ =	sdelay $0x4  }
0x96: {  	[tilespmem:$0x1FAF0] =	vst v2;
	v2 =	vld [tilespmem:$0x160E0];
	_ =	sdelay $0x4  }
0x97: {  	[tilespmem:$0x1FB00] =	vst v2;
	v2 =	vld [tilespmem:$0x16160];
	_ =	sdelay $0x4  }
0x98: {  	[tilespmem:$0x1FB10] =	vst v2;
	v2 =	vld [tilespmem:$0x16070];
	_ =	sdelay $0x4  }
0x99: {  	[tilespmem:$0x1F9A0] =	vst v2;
	v2 =	vld [tilespmem:$0x160F0];
	_ =	sdelay $0x4  }
0x9a: {  	[tilespmem:$0x1F9B0] =	vst v2;
	v2 =	vld [tilespmem:$0x16170];
	_ =	sdelay $0x4  }
0x9b: {  	[tilespmem:$0x1F9D0] =	vst v2;
	v2 =	vld [tilespmem:$0x161F0];
	_ =	sdelay $0x4  }
0x9c: {  	[tilespmem:$0x1F9F0] =	vst v2;
	v2 =	vld [tilespmem:$0x16270];
	_ =	sdelay $0x4  }
0x9d: {  	[tilespmem:$0x1FA10] =	vst v2;
	v2 =	vld [tilespmem:$0x162F0];
	_ =	sdelay $0x4  }
0x9e: {  	[tilespmem:$0x1FA30] =	vst v2;
	v2 =	vld [tilespmem:$0x16370];
	_ =	sdelay $0x4  }
0x9f: {  	[tilespmem:$0x1FA50] =	vst v2;
	v2 =	vld [tilespmem:$0x163F0];
	_ =	sdelay $0x4  }
0xa0: {  	[tilespmem:$0x1FA70] =	vst v2;
	v2 =	vld [tilespmem:$0x16870];
	_ =	sdelay $0x4  }
0xa1: {  	[tilespmem:$0x1FA90] =	vst v2;
	v2 =	vld [tilespmem:$0x168F0];
	_ =	sdelay $0x4  }
0xa2: {  	[tilespmem:$0x1FAB0] =	vst v2;
	v2 =	vld [tilespmem:$0x16970];
	_ =	sdelay $0x4  }
0xa3: {  	[tilespmem:$0x1FAD0] =	vst v2;
	v2 =	vld [tilespmem:$0x169F0];
	_ =	sdelay $0x4  }
0xa4: {  	[tilespmem:$0x1FAE0] =	vst v2;
	v2 =	vld [tilespmem:$0x16080];
	_ =	sdelay $0x4  }
0xa5: {  	[tilespmem:$0x1F970] =	vst v2;
	v2 =	vld [tilespmem:$0x16100];
	_ =	sdelay $0x4  }
0xa6: {  	[tilespmem:$0x1F980] =	vst v2;
	v2 =	vld [tilespmem:$0x16180];
	_ =	sdelay $0x4  }
0xa7: {  	[tilespmem:$0x1F990] =	vst v2;
	v2 =	vld [tilespmem:$0x16200];
	_ =	sdelay $0x3  }
0xa8: {  	v48 =	vld [tilespmem:$0x16420]  }
0xa9: {  	[tilespmem:$0x1F9C0] =	vst v2;
	v2 =	vld [tilespmem:$0x16280]  }
0xaa: {  	v46 =	vld [tilespmem:$0x164A0]  }
0xab: {  	v50 =	vld [tilespmem:$0x16520]  }
0xac: {  	v53 =	vld [tilespmem:$0x165A0]  }
0xad: {  	v55 =	vld [tilespmem:$0x16620]  }
0xae: {  	[tilespmem:$0x1F9E0] =	vst v2;
	v2 =	vld [tilespmem:$0x16300]  }
0xaf: {  	v57 =	vld [tilespmem:$0x166A0]  }
0xb0: {  	v58 =	vld [tilespmem:$0x16720]  }
0xb1: {  	v52 =	vld [tilespmem:$0x16430]  }
0xb2: {  	v39 =	vld [tilespmem:$0x164B0]  }
0xb3: {  	[tilespmem:$0x1FA00] =	vst v2;
	v2 =	vld [tilespmem:$0x16380]  }
0xb4: {  	v40 =	vld [tilespmem:$0x16530]  }
0xb5: {  	v41 =	vld [tilespmem:$0x165B0]  }
0xb6: {  	v42 =	vld [tilespmem:$0x16630]  }
0xb7: {  	v43 =	vld [tilespmem:$0x166B0]  }
0xb8: {  	[tilespmem:$0x1FA20] =	vst v2;
	v2 =	vld [tilespmem:$0x16400]  }
0xb9: {  	v44 =	vld [tilespmem:$0x16730]  }
0xba: {  	v45 =	vld [tilespmem:$0x167B0]  }
0xbb: {  	v47 =	vld [tilespmem:$0x16C30]  }
0xbc: {  	v49 =	vld [tilespmem:$0x16CB0]  }
0xbd: {  	[tilespmem:$0x1FA40] =	vst v2;
	v2 =	vld [tilespmem:$0x16880]  }
0xbe: {  	v51 =	vld [tilespmem:$0x16D30]  }
0xbf: {  	v54 =	vld [tilespmem:$0x16DB0]  }
0xc0: {  	v56 =	vld [tilespmem:$0x16E30]  }
0xc1: {  	v36 =	vld [tilespmem:$0x16440]  }
0xc2: {  	[tilespmem:$0x1FA60] =	vst v2;
	v2 =	vld [tilespmem:$0x16900]  }
0xc3: {  	v35 =	vld [tilespmem:$0x164C0]  }
0xc4: {  	v37 =	vld [tilespmem:$0x16540]  }
0xc5: {  	v38 =	vld [tilespmem:$0x165C0]  }
0xc6: {  	v59 =	vld [tilespmem:$0x16450]  }
0xc7: {  	[tilespmem:$0x1FA80] =	vst v2;
	v2 =	vld [tilespmem:$0x16980]  }
0xc8: {  	v62 =	vld [tilespmem:$0x164D0]  }
0xc9: {  	v21 =	vld [tilespmem:$0x16550]  }
0xca: {  	v23 =	vld [tilespmem:$0x165D0]  }
0xcb: {  	v25 =	vld [tilespmem:$0x16650]  }
0xcc: {  	[tilespmem:$0x1FAA0] =	vst v2;
	v2 =	vld [tilespmem:$0x16A00]  }
0xcd: {  	v27 =	vld [tilespmem:$0x166D0]  }
0xce: {  	v29 =	vld [tilespmem:$0x16750]  }
0xcf: {  	v30 =	vld [tilespmem:$0x167D0]  }
0xd0: {  	v31 =	vld [tilespmem:$0x16C50]  }
0xd1: {  	[tilespmem:$0x1FAC0] =	vst v2;
	v2 =	vld [tilespmem:$0x16410]  }
0xd2: {  	v32 =	vld [tilespmem:$0x16CD0]  }
0xd3: {  	v33 =	vld [tilespmem:$0x16D50]  }
0xd4: {  	v34 =	vld [tilespmem:$0x16DD0]  }
0xd5: {  	v13 =	vld [tilespmem:$0x16460]  }
0xd6: {  	[tilespmem:$0x1F940] =	vst v2;
	v2 =	vld [tilespmem:$0x16490]  }
0xd7: {  	v12 =	vld [tilespmem:$0x164E0]  }
0xd8: {  	v14 =	vld [tilespmem:$0x16560]  }
0xd9: {  	v15 =	vld [tilespmem:$0x165E0]  }
0xda: {  	v16 =	vld [tilespmem:$0x16660]  }
0xdb: {  	[tilespmem:$0x1F950] =	vst v2;
	v2 =	vld [tilespmem:$0x16510]  }
0xdc: {  	v17 =	vld [tilespmem:$0x166E0]  }
0xdd: {  	v18 =	vld [tilespmem:$0x16760]  }
0xde: {  	v19 =	vld [tilespmem:$0x167E0]  }
0xdf: {  	v20 =	vld [tilespmem:$0x16C60]  }
0xe0: {  	[tilespmem:$0x1F960] =	vst v2;
	v2 =	vld [tilespmem:$0x16D20]  }
0xe1: {  	v22 =	vld [tilespmem:$0x16CE0]  }
0xe2: {  	v24 =	vld [tilespmem:$0x16D60]  }
0xe3: {  	v26 =	vld [tilespmem:$0x16DE0]  }
0xe4: {  	v28 =	vld [tilespmem:$0x16E60]  }
0xe5: {  	[tilespmem:$0x1F920] =	vst v2;
	v2 =	vld [tilespmem:$0x16DA0]  }
0xe6: {  	v9 =	vld [tilespmem:$0x16470]  }
0xe7: {  	v8 =	vld [tilespmem:$0x164F0]  }
0xe8: {  	v10 =	vld [tilespmem:$0x16570]  }
0xe9: {  	v3 =	vld [tilespmem:$0x16480]  }
0xea: {  	[tilespmem:$0x1F930] =	vst v2;
	v2 =	vld [tilespmem:$0x16500]  }
0xeb: {  	v4 =	vld [tilespmem:$0x16580]  }
0xec: {  	v5 =	vld [tilespmem:$0x16600]  }
0xed: {  	v6 =	vld [tilespmem:$0x16680]  }
0xee: {  	v7 =	vld [tilespmem:$0x16700]  }
0xef: {  	v2 =	vadd.s32 v3, v2;
	v3 =	vld [tilespmem:$0x16780]  }
0xf0: {  	v2 =	vadd.s32 v2, v4;
	v4 =	vld [tilespmem:$0x16800]  }
0xf1: {  	v2 =	vadd.s32 v2, v5;
	v5 =	vld [tilespmem:$0x16C80]  }
0xf2: {  	v2 =	vadd.s32 v2, v6;
	v6 =	vld [tilespmem:$0x16D00]  }
0xf3: {  	v2 =	vadd.s32 v2, v7;
	v7 =	vld [tilespmem:$0x16D80]  }
0xf4: {  	v2 =	vadd.s32 v2, v3;
	v3 =	vld [tilespmem:$0x16E00]  }
0xf5: {  	v2 =	vadd.s32 v2, v4;
	v4 =	vld [tilespmem:$0x16E80]  }
0xf6: {  	v2 =	vadd.s32 v2, v5;
	v5 =	vld [tilespmem:$0x16F00]  }
0xf7: {  	v11 =	vld [tilespmem:$0x165F0];
	v2 =	vadd.s32 v2, v6  }
0xf8: {  	v6 =	vld [tilespmem:$0x16670];
	v2 =	vadd.s32 v2, v7  }
0xf9: {  	v7 =	vld [tilespmem:$0x166F0];
	v2 =	vadd.s32 v2, v3  }
0xfa: {  	v3 =	vadd.s32 v9, v8;
	v8 =	vld [tilespmem:$0x16770];
	v2 =	vadd.s32 v2, v4  }
0xfb: {  	v9 =	vld [tilespmem:$0x167F0];
	v3 =	vadd.s32 v3, v10;
	v4 =	vadd.s32 v13, v12;
	v2 =	vadd.s32 v2, v5  }
0xfc: {  	[tilespmem:$0x1FFF0] =	vst v2;
	v2 =	vadd.s32 v3, v11;
	v3 =	vadd.s32 v4, v14;
	v4 =	vld [tilespmem:$0x16C70]  }
0xfd: {  	v5 =	vadd.s32 v59, v62;
	v2 =	vadd.s32 v2, v6;
	v3 =	vadd.s32 v3, v15;
	v6 =	vld [tilespmem:$0x16CF0]  }
0xfe: {  	v5 =	vadd.s32 v5, v21;
	v2 =	vadd.s32 v2, v7;
	v3 =	vadd.s32 v3, v16;
	v7 =	vld [tilespmem:$0x16D70]  }
0xff: {  	v5 =	vadd.s32 v5, v23;
	v2 =	vadd.s32 v2, v8;
	v3 =	vadd.s32 v3, v17;
	v8 =	vld [tilespmem:$0x16DF0]  }
0x100: {  	v5 =	vadd.s32 v5, v25;
	v2 =	vadd.s32 v2, v9;
	v3 =	vadd.s32 v3, v18;
	v9 =	vld [tilespmem:$0x16E70]  }
0x101: {  	v2 =	vadd.s32 v2, v4;
	v3 =	vadd.s32 v3, v19;
	v4 =	vadd.s32 v5, v27;
	v5 =	vld [tilespmem:$0x16EF0]  }
0x102: {  	v2 =	vadd.s32 v2, v6;
	v3 =	vadd.s32 v3, v20;
	v4 =	vadd.s32 v4, v29;
	v6 =	vld [tilespmem:$0x16EE0]  }
0x103: {  	v2 =	vadd.s32 v2, v7;
	v3 =	vadd.s32 v3, v22;
	v4 =	vadd.s32 v4, v30;
	v7 =	vld [tilespmem:$0x16E50]  }
0x104: {  	v2 =	vadd.s32 v2, v8;
	v3 =	vadd.s32 v3, v24;
	v4 =	vadd.s32 v4, v31;
	v8 =	vld [tilespmem:$0x16ED0]  }
0x105: {  	v2 =	vadd.s32 v2, v9;
	v3 =	vadd.s32 v3, v26;
	v4 =	vadd.s32 v4, v32;
	v9 =	vld [tilespmem:$0x16640]  }
0x106: {  	v62 =	vadd.s32 v2, v5;
	v2 =	vadd.s32 v3, v28;
	v3 =	vadd.s32 v4, v33;
	v4 =	vld [tilespmem:$0x166C0]  }
0x107: {  	v5 =	vld [tilespmem:$0x16740];
	v59 =	vadd.s32 v2, v6;
	v2 =	vadd.s32 v3, v34;
	v3 =	vadd.s32 v36, v35  }
0x108: {  	v6 =	vadd.s32 v52, v39;
	v2 =	vadd.s32 v2, v7;
	v3 =	vadd.s32 v3, v37;
	v7 =	vld [tilespmem:$0x167C0]  }
0x109: {  	v52 =	vadd.s32 v2, v8;
	v2 =	vadd.s32 v3, v38;
	v3 =	vadd.s32 v6, v40;
	v6 =	vld [tilespmem:$0x16C40]  }
0x10a: {  	v8 =	vadd.s32 v48, v46;
	v2 =	vadd.s32 v2, v9;
	v3 =	vadd.s32 v3, v41;
	v9 =	vld [tilespmem:$0x16CC0]  }
0x10b: {  	v2 =	vadd.s32 v2, v4;
	v3 =	vadd.s32 v3, v42;
	v4 =	vadd.s32 v8, v50;
	v8 =	vld [tilespmem:$0x16D40]  }
0x10c: {  	v2 =	vadd.s32 v2, v5;
	v3 =	vadd.s32 v3, v43;
	v5 =	vld [tilespmem:$0x16DC0]  }
0x10d: {  	v2 =	vadd.s32 v2, v7;
	v3 =	vadd.s32 v3, v44;
	v7 =	vld [tilespmem:$0x16E40]  }
0x10e: {  	v2 =	vadd.s32 v2, v6;
	v3 =	vadd.s32 v3, v45;
	v6 =	vld [tilespmem:$0x16EC0]  }
0x10f: {  	v10 =	vld [tilespmem:$0x16EB0];
	v2 =	vadd.s32 v2, v9;
	v3 =	vadd.s32 v3, v47  }
0x110: {  	v60 =	vld [tilespmem:$0x167A0];
	v2 =	vadd.s32 v2, v8;
	v3 =	vadd.s32 v3, v49  }
0x111: {  	v61 =	vld [tilespmem:$0x16C20];
	v4 =	vadd.s32 v4, v53;
	v2 =	vadd.s32 v2, v5;
	v3 =	vadd.s32 v3, v51  }
0x112: {  	v63 =	vld [tilespmem:$0x16CA0];
	v4 =	vadd.s32 v4, v55;
	v2 =	vadd.s32 v2, v7;
	v3 =	vadd.s32 v3, v54  }
0x113: {  	v4 =	vadd.s32 v4, v57;
	v9 =	vadd.s32 v2, v6;
	v2 =	vadd.s32 v3, v56;
	v3 =	vld [tilespmem:$0x1F920]  }
0x114: {  	v4 =	vadd.s32 v4, v58;
	v6 =	vadd.s32 v2, v10;
	v2 =	vld [tilespmem:$0x1F930]  }
0x115: {  	v4 =	vadd.s32 v4, v60;
	v8 =	vld [tilespmem:$0x16E20]  }
0x116: {  	v4 =	vadd.s32 v4, v61  }
0x117: {  	v4 =	vadd.s32 v4, v63  }
0x118: {  	v10 =	vld [tilespmem:$0x1F950];
	v3 =	vadd.s32 v4, v3  }
0x119: {  	v2 =	vadd.s32 v3, v2;
	v3 =	vld [tilespmem:$0x1F940]  }
0x11a: {  	v2 =	vadd.s32 v2, v8;
	v8 =	vld [tilespmem:$0x1F960]  }
0x11b: {  	v5 =	vld [tilespmem:$0x16590]  }
0x11c: {  	v7 =	vld [tilespmem:$0x16610]  }
0x11d: {  	v4 =	vld [tilespmem:$0x16690]  }
0x11e: {  	v11 =	vld [tilespmem:$0x1F980];
	v3 =	vadd.s32 v3, v10  }
0x11f: {  	v3 =	vadd.s32 v3, v8;
	v8 =	vld [tilespmem:$0x1F970]  }
0x120: {  	v3 =	vadd.s32 v3, v5;
	v5 =	vld [tilespmem:$0x1F990]  }
0x121: {  	v3 =	vadd.s32 v3, v7;
	v7 =	vld [tilespmem:$0x1F9C0]  }
0x122: {  	v3 =	vadd.s32 v3, v4;
	v4 =	vld [tilespmem:$0x1F9E0];
	_ =	sdelay $0x1  }
0x123: {  	v12 =	vld [tilespmem:$0x1F9B0];
	v8 =	vadd.s32 v8, v11  }
0x124: {  	v5 =	vadd.s32 v8, v5;
	v8 =	vld [tilespmem:$0x1F9A0]  }
0x125: {  	v5 =	vadd.s32 v5, v7;
	v7 =	vld [tilespmem:$0x1F9D0]  }
0x126: {  	v4 =	vadd.s32 v5, v4;
	v5 =	vld [tilespmem:$0x1F9F0]  }
0x127: {  	v10 =	vld [tilespmem:$0x16710]  }
0x128: {  	v11 =	vld [tilespmem:$0x16790]  }
0x129: {  	v8 =	vadd.s32 v8, v12;
	v12 =	vld [tilespmem:$0x16C10]  }
0x12a: {  	v7 =	vadd.s32 v8, v7;
	v8 =	vld [tilespmem:$0x16C90]  }
0x12b: {  	v5 =	vadd.s32 v7, v5;
	v7 =	vld [tilespmem:$0x16D10]  }
0x12c: {  	v3 =	vadd.s32 v3, v10;
	v10 =	vld [tilespmem:$0x1FA00]  }
0x12d: {  	v3 =	vadd.s32 v3, v11;
	v11 =	vld [tilespmem:$0x1FA20]  }
0x12e: {  	v3 =	vadd.s32 v3, v12;
	v12 =	vld [tilespmem:$0x1FA40]  }
0x12f: {  	v3 =	vadd.s32 v3, v8;
	v8 =	vld [tilespmem:$0x1FA60]  }
0x130: {  	v3 =	vadd.s32 v3, v7;
	v7 =	vld [tilespmem:$0x1FA80]  }
0x131: {  	v4 =	vadd.s32 v4, v10;
	v10 =	vld [tilespmem:$0x1FA10]  }
0x132: {  	v4 =	vadd.s32 v4, v11;
	v11 =	vld [tilespmem:$0x1FA30]  }
0x133: {  	v4 =	vadd.s32 v4, v12;
	v12 =	vld [tilespmem:$0x1FA50]  }
0x134: {  	v4 =	vadd.s32 v4, v8;
	v8 =	vld [tilespmem:$0x1FA70]  }
0x135: {  	v4 =	vadd.s32 v4, v7;
	v7 =	vld [tilespmem:$0x1FA90]  }
0x136: {  	v5 =	vadd.s32 v5, v10  }
0x137: {  	v5 =	vadd.s32 v5, v11  }
0x138: {  	v5 =	vadd.s32 v5, v12  }
0x139: {  	v5 =	vadd.s32 v5, v8  }
0x13a: {  	v5 =	vadd.s32 v5, v7;
	v7 =	vld [tilespmem:$0x1FAA0];
	_ =	sdelay $0x2  }
0x13b: {  	v10 =	vld [tilespmem:$0x16D90]  }
0x13c: {  	v11 =	vld [tilespmem:$0x16E10]  }
0x13d: {  	v4 =	vadd.s32 v4, v7;
	v7 =	vld [tilespmem:$0x1FAB0]  }
0x13e: {  	v13 =	vld [tilespmem:$0x161E0]  }
0x13f: {  	v14 =	vld [tilespmem:$0x1FB30]  }
0x140: {  	v21 =	vld [tilespmem:$0x1FD20]  }
0x141: {  	v15 =	vld [tilespmem:$0x1FB60];
	v3 =	vadd.s32 v3, v10  }
0x142: {  	v7 =	vadd.s32 v5, v7;
	v5 =	vadd.s32 v3, v11;
	v3 =	vld [tilespmem:$0x1FAC0]  }
0x143: {  	v23 =	vld [tilespmem:$0x1FD80]  }
0x144: {  	v16 =	vld [tilespmem:$0x16BD0]  }
0x145: {  	v25 =	vld [tilespmem:$0x16C00]  }
0x146: {  	v12 =	vld [tilespmem:$0x16A80]  }
0x147: {  	v3 =	vadd.s32 v4, v3;
	v4 =	vld [tilespmem:$0x1FAD0]  }
0x148: {  	v18 =	vld [tilespmem:$0x16BE0]  }
0x149: {  	v19 =	vld [tilespmem:$0x1FCF0]  }
0x14a: {  	v27 =	vld [tilespmem:$0x16F10]  }
0x14b: {  	v20 =	vld [tilespmem:$0x1FD10]  }
0x14c: {  	v4 =	vadd.s32 v7, v4;
	v7 =	vadd.s32 v3, v12;
	v3 =	vld [tilespmem:$0x1FAE0]  }
0x14d: {  	v8 =	vld [tilespmem:$0x16A70]  }
0x14e: {  	v22 =	vld [tilespmem:$0x1FD50]  }
0x14f: {  	v24 =	vld [tilespmem:$0x16B80]  }
0x150: {  	v12 =	vld [tilespmem:$0x1FB00]  }
0x151: {  	v3 =	vadd.s32 v4, v3;
	v4 =	vld [tilespmem:$0x1FAF0]  }
0x152: {  	v8 =	vadd.s32 v3, v8;
	v3 =	vld [tilespmem:$0x1FB10]  }
0x153: {  	v26 =	vld [tilespmem:$0x16E90]  }
0x154: {  	v10 =	vld [tilespmem:$0x16260]  }
0x155: {  	v11 =	vld [tilespmem:$0x162E0]  }
0x156: {  	v20 =	vadd.s32 v20, v21;
	v21 =	vld [tilespmem:$0x1FD30];
	v4 =	vadd.s32 v4, v12  }
0x157: {  	v3 =	vadd.s32 v4, v3;
	v4 =	vld [tilespmem:$0x1FB20]  }
0x158: {  	v3 =	vadd.s32 v3, v13;
	v13 =	vld [tilespmem:$0x1FB40]  }
0x159: {  	v3 =	vadd.s32 v3, v10;
	v10 =	vld [tilespmem:$0x1FB70]  }
0x15a: {  	v3 =	vadd.s32 v3, v11;
	v11 =	vld [tilespmem:$0x1FB90]  }
0x15b: {  	v36 =	vld [tilespmem:$0x1FED0]  }
0x15c: {  	v12 =	vld [tilespmem:$0x16360];
	v4 =	vadd.s32 v4, v14  }
0x15d: {  	v4 =	vadd.s32 v4, v13;
	v13 =	vld [tilespmem:$0x1FB50]  }
0x15e: {  	v4 =	vadd.s32 v4, v10;
	v10 =	vld [tilespmem:$0x1FB80]  }
0x15f: {  	v4 =	vadd.s32 v4, v11;
	v11 =	vld [tilespmem:$0x1FBA0]  }
0x160: {  	v14 =	vld [tilespmem:$0x163E0]  }
0x161: {  	v3 =	vadd.s32 v3, v12;
	v12 =	vld [tilespmem:$0x1FBB0]  }
0x162: {  	v13 =	vadd.s32 v13, v15;
	v15 =	vld [tilespmem:$0x16860]  }
0x163: {  	v10 =	vadd.s32 v13, v10;
	v13 =	vld [tilespmem:$0x168E0]  }
0x164: {  	v10 =	vadd.s32 v10, v11;
	v11 =	vld [tilespmem:$0x16960]  }
0x165: {  	v3 =	vadd.s32 v3, v14;
	v14 =	vld [tilespmem:$0x1FBD0]  }
0x166: {  	v4 =	vadd.s32 v4, v12;
	v12 =	vld [tilespmem:$0x1FBC0]  }
0x167: {  	v3 =	vadd.s32 v3, v15;
	v15 =	vld [tilespmem:$0x1FBF0]  }
0x168: {  	v3 =	vadd.s32 v3, v13;
	v13 =	vld [tilespmem:$0x1FC10]  }
0x169: {  	v3 =	vadd.s32 v3, v11;
	v11 =	vld [tilespmem:$0x1FC30]  }
0x16a: {  	v4 =	vadd.s32 v4, v14;
	v14 =	vld [tilespmem:$0x1FBE0]  }
0x16b: {  	v10 =	vadd.s32 v10, v12;
	v12 =	vld [tilespmem:$0x169E0]  }
0x16c: {  	v4 =	vadd.s32 v4, v15;
	v15 =	vld [tilespmem:$0x1FC00]  }
0x16d: {  	v4 =	vadd.s32 v4, v13;
	v13 =	vld [tilespmem:$0x1FC20]  }
0x16e: {  	v4 =	vadd.s32 v4, v11;
	v11 =	vld [tilespmem:$0x1FC40]  }
0x16f: {  	v10 =	vadd.s32 v10, v14;
	v14 =	vld [tilespmem:$0x16A60]  }
0x170: {  	v39 =	vld [tilespmem:$0x16F20]  }
0x171: {  	v20 =	vadd.s32 v20, v22;
	v22 =	vld [tilespmem:$0x1FD60];
	v10 =	vadd.s32 v10, v15  }
0x172: {  	v37 =	vld [tilespmem:$0x1FEE0];
	v10 =	vadd.s32 v10, v13  }
0x173: {  	v3 =	vadd.s32 v3, v12;
	v10 =	vadd.s32 v10, v11;
	v11 =	vld [tilespmem:$0x1FC50]  }
0x174: {  	v14 =	vadd.s32 v3, v14;
	v3 =	vld [tilespmem:$0x1FC70]  }
0x175: {  	v12 =	vld [tilespmem:$0x1FC90]  }
0x176: {  	v20 =	vadd.s32 v20, v23;
	v23 =	vld [tilespmem:$0x1FD90]  }
0x177: {  	v46 =	vld [tilespmem:$0x1FE00]  }
0x178: {  	v4 =	vadd.s32 v4, v11;
	v11 =	vld [tilespmem:$0x1FC60]  }
0x179: {  	v3 =	vadd.s32 v4, v3;
	v4 =	vld [tilespmem:$0x1FC80]  }
0x17a: {  	v17 =	vadd.s32 v3, v12;
	v3 =	vld [tilespmem:$0x1FCA0]  }
0x17b: {  	v48 =	vld [tilespmem:$0x1FE20]  }
0x17c: {  	v38 =	vld [tilespmem:$0x1FEF0]  }
0x17d: {  	v40 =	vld [tilespmem:$0x1FF00];
	v10 =	vadd.s32 v10, v11  }
0x17e: {  	v12 =	vld [tilespmem:$0x1FCC0];
	v4 =	vadd.s32 v10, v4  }
0x17f: {  	v3 =	vadd.s32 v4, v3;
	v4 =	vld [tilespmem:$0x1FCB0]  }
0x180: {  	v41 =	vld [tilespmem:$0x1FDB0]  }
0x181: {  	v42 =	vld [tilespmem:$0x1FDC0]  }
0x182: {  	v50 =	vld [tilespmem:$0x1FE40]  }
0x183: {  	v43 =	vld [tilespmem:$0x1FDD0]  }
0x184: {  	v4 =	vadd.s32 v4, v12;
	v12 =	vld [tilespmem:$0x1FCD0]  }
0x185: {  	v53 =	vld [tilespmem:$0x1FE60]  }
0x186: {  	v44 =	vld [tilespmem:$0x1FDE0]  }
0x187: {  	v55 =	vld [tilespmem:$0x1FE80]  }
0x188: {  	v45 =	vld [tilespmem:$0x1FDF0]  }
0x189: {  	v3 =	vadd.s32 v3, v12;
	v12 =	vld [tilespmem:$0x1FCE0]  }
0x18a: {  	v57 =	vld [tilespmem:$0x16F90]  }
0x18b: {  	v47 =	vld [tilespmem:$0x1FE10]  }
0x18c: {  	v58 =	vld [tilespmem:$0x1FEA0]  }
0x18d: {  	v20 =	vadd.s32 v20, v41;
	v41 =	vld [tilespmem:$0x1FF10]  }
0x18e: {  	v12 =	vadd.s32 v12, v19;
	v19 =	vld [tilespmem:$0x1FD00]  }
0x18f: {  	v12 =	vadd.s32 v12, v21;
	v21 =	vld [tilespmem:$0x1FD40]  }
0x190: {  	v12 =	vadd.s32 v12, v22;
	v22 =	vld [tilespmem:$0x1FD70]  }
0x191: {  	v12 =	vadd.s32 v12, v23;
	v23 =	vld [tilespmem:$0x1FDA0]  }
0x192: {  	v49 =	vld [tilespmem:$0x1FE30]  }
0x193: {  	v51 =	vld [tilespmem:$0x1FE50];
	v4 =	vadd.s32 v4, v19  }
0x194: {  	v60 =	vld [tilespmem:$0x1FEB0];
	v4 =	vadd.s32 v4, v21  }
0x195: {  	v61 =	vld [tilespmem:$0x1FEC0];
	v12 =	vadd.s32 v12, v42;
	v4 =	vadd.s32 v4, v22  }
0x196: {  	v54 =	vld [tilespmem:$0x1FE70];
	v12 =	vadd.s32 v12, v45;
	v4 =	vadd.s32 v4, v23  }
0x197: {  	v56 =	vld [tilespmem:$0x1FE90];
	v12 =	vadd.s32 v12, v48;
	v4 =	vadd.s32 v4, v43  }
0x198: {  	v45 =	vld [tilespmem:$0x1FF40];
	v12 =	vadd.s32 v12, v51;
	v4 =	vadd.s32 v4, v46  }
0x199: {  	v12 =	vadd.s32 v12, v55;
	v4 =	vadd.s32 v4, v49;
	v49 =	vld [tilespmem:$0x1FF70]  }
0x19a: {  	v63 =	vld [tilespmem:$0x16EA0];
	v12 =	vadd.s32 v12, v60  }
0x19b: {  	v20 =	vadd.s32 v20, v44;
	v44 =	vld [tilespmem:$0x1FF30];
	v12 =	vadd.s32 v12, v37  }
0x19c: {  	v42 =	vld [tilespmem:$0x1FF20];
	v12 =	vadd.s32 v12, v41  }
0x19d: {  	v46 =	vld [tilespmem:$0x1FF50];
	v4 =	vadd.s32 v4, v53;
	v12 =	vadd.s32 v12, v45  }
0x19e: {  	v4 =	vadd.s32 v4, v56;
	v33 =	vadd.s32 v12, v49;
	v12 =	vld [tilespmem:$0x1FF80]  }
0x19f: {  	v15 =	vld [tilespmem:$0x16AD0];
	v4 =	vadd.s32 v4, v61  }
0x1a0: {  	v20 =	vadd.s32 v20, v47;
	v47 =	vld [tilespmem:$0x16F30];
	v4 =	vadd.s32 v4, v38  }
0x1a1: {  	v20 =	vadd.s32 v20, v50;
	v50 =	vld [tilespmem:$0x16FB0];
	v4 =	vadd.s32 v4, v42  }
0x1a2: {  	v13 =	vld [tilespmem:$0x16B50];
	v4 =	vadd.s32 v4, v46  }
0x1a3: {  	v12 =	vadd.s32 v4, v12;
	v4 =	vld [tilespmem:$0x1FF90]  }
0x1a4: {  	v15 =	vadd.s32 v17, v15;
	v17 =	vld [tilespmem:$0x1FFC0]  }
0x1a5: {  	v11 =	vld [tilespmem:$0x16AE0]  }
0x1a6: {  	v10 =	vld [tilespmem:$0x16B60]  }
0x1a7: {  	v20 =	vadd.s32 v20, v54;
	v48 =	vld [tilespmem:$0x1FF60]  }
0x1a8: {  	v20 =	vadd.s32 v20, v58;
	v4 =	vadd.s32 v3, v4;
	v3 =	vld [tilespmem:$0x1FFA0]  }
0x1a9: {  	v20 =	vadd.s32 v20, v36;
	v13 =	vadd.s32 v15, v13;
	v15 =	vld [tilespmem:$0x16FD0]  }
0x1aa: {  	v20 =	vadd.s32 v20, v40;
	v14 =	vadd.s32 v14, v11;
	v11 =	vld [tilespmem:$0x1FFE0]  }
0x1ab: {  	v20 =	vadd.s32 v20, v44;
	v14 =	vadd.s32 v14, v10;
	v10 =	vadd.s32 v13, v16;
	v16 =	vld [tilespmem:$0x16F60]  }
0x1ac: {  	v19 =	vld [tilespmem:$0x16AF0];
	v20 =	vadd.s32 v20, v48  }
0x1ad: {  	v20 =	vadd.s32 v20, v3;
	v3 =	vld [tilespmem:$0x1FFB0]  }
0x1ae: {  	v17 =	vadd.s32 v4, v17;
	v4 =	vld [tilespmem:$0x1FFD0]  }
0x1af: {  	v23 =	vld [tilespmem:$0x16B00]  }
0x1b0: {  	v21 =	vld [tilespmem:$0x16B70]  }
0x1b1: {  	v22 =	vld [tilespmem:$0x16BF0]  }
0x1b2: {  	v51 =	vld [tilespmem:$0x16F40];
	(xrf0) =	vadd.scan.msk.s32 $0xffff, v12;
	v3 =	vadd.s32 v33, v3  }
0x1b3: {  	v2 =	vadd.s32 v2, v63;
	v5 =	vadd.s32 v5, v26;
	v43 =	vld [tilespmem:$0x16FA0];
	v4 =	vadd.s32 v20, v4;
	(xrf0) =	vadd.scan.msk.s32 $0xffff, v3  }
0x1b4: {  	v8 =	vadd.s32 v8, v19;
	v7 =	vadd.s32 v7, v23;
	v11 =	vadd.s32 v17, v11;
	v20 =	vld [tilespmem:$0x16FC0];
	(xrf0) =	vadd.scan.msk.s32 $0xffff, v4  }
0x1b5: {  	v13 =	vadd.s32 v8, v21;
	v8 =	vadd.s32 v14, v18;
	v14 =	vadd.s32 v7, v24;
	v17 =	vld [tilespmem:$0x16FE0];
	(xrf0) =	vadd.scan.msk.s32 $0xffff, v11  }
0x1b6: {  	v19 =	vld [tilespmem:$0x16FF0];
	v7 =	vadd.s32 v13, v22;
	v13 =	vadd.s32 v5, v27;
	v5 =	vadd.s32 v14, v25;
	(xrf0) =	vadd.scan.msk.s32 $0xffff, v10  }
0x1b7: {  	v53 =	vld [tilespmem:$0x16F50];
	v14 =	vadd.s32 v2, v39;
	v2 =	vadd.s32 v13, v57;
	v13 =	vadd.s32 v6, v47;
	(xrf0) =	vadd.scan.msk.s32 $0xffff, v8  }
0x1b8: {  	v18 =	vld [tilespmem:$0x16F70];
	v9 =	vadd.s32 v9, v51;
	v6 =	vadd.s32 v14, v43;
	v14 =	vadd.s32 v13, v50;
	v54, _, _ =	vpop (xrf0);
	(xrf0) =	vadd.scan.msk.s32 $0xffff, v7  }
0x1b9: {  	v21 =	vld [tilespmem:$0x16F80];
	(v2sf) =	vpush v54, $0xF;
	v13 =	vadd.s32 v9, v20;
	v9 =	vadd.s32 v59, v16;
	v55, _, _ =	vpop (xrf0);
	(xrf0) =	vadd.scan.msk.s32 $0xffff, v5  }
0x1ba: {  	v9 =	vadd.s32 v9, v17;
	v17 =	vld [tilespmem:$0x1FFF0];
	(v2sf) =	vpush v55, $0xF;
	v56, _, _ =	vpop (xrf0);
	(xrf0) =	vadd.scan.msk.s32 $0xffff, v2  }
0x1bb: {  	v22 =	vld [tilespmem:$0x17000];
	(v2sf) =	vpush v56, $0xF;
	v57, _, _ =	vpop (xrf0);
	(xrf0) =	vadd.scan.msk.s32 $0xffff, v6  }
0x1bc: {  	v23 =	vadd.s32 v52, v53;
	(v2sf) =	vpush v57, $0xF;
	v30, _, _ =	vpop (xrf0);
	(xrf0) =	vadd.scan.msk.s32 $0xffff, v14  }
0x1bd: {  	v15 =	vadd.s32 v23, v15;
	(v2sf) =	vpush v30, $0xF;
	v31, _, _ =	vpop (xrf0);
	(xrf0) =	vadd.scan.msk.s32 $0xffff, v13  }
0x1be: {  	v16 =	vadd.s32 v62, v18;
	(v2sf) =	vpush v31, $0xF;
	v32, _, _ =	vpop (xrf0);
	(xrf0) =	vadd.scan.msk.s32 $0xffff, v15  }
0x1bf: {  	v16 =	vadd.s32 v16, v19;
	v17 =	vadd.s32 v17, v21;
	(v2sf) =	vpush v32, $0xF;
	v33, _, _ =	vpop (xrf0);
	(xrf0) =	vadd.scan.msk.s32 $0xffff, v9  }
0x1c0: {  	v17 =	vadd.s32 v17, v22;
	(v2sf) =	vpush v33, $0xF;
	v28, _, _ =	vpop (xrf0);
	(xrf0) =	vadd.scan.msk.s32 $0xffff, v16  }
0x1c1: {  	(v2sf) =	vpush v28, $0xF;
	v24, _, _ =	vpop (xrf0);
	(xrf0) =	vadd.scan.msk.s32 $0xffff, v17  }
0x1c2: {  	v23, _, _ =	vpop (xrf0);
	(v2sf) =	vpush v24, $0xF  }
0x1c3: {  	v22, _, _ =	vpop (xrf0);
	(v2sf) =	vpush v23, $0xF  }
0x1c4: {  	v21, _, _ =	vpop (xrf0);
	(v2sf) =	vpush v22, $0xF  }
0x1c5: {  	v19, _, _ =	vpop (xrf0);
	(v2sf) =	vpush v21, $0xF  }
0x1c6: {  	v18, _, _ =	vpop (xrf0);
	(v2sf) =	vpush v19, $0xF  }
0x1c7: {  	(v2sf) =	vpush v18, $0xF;
	v20, _, _ =	vpop (xrf0)  }
0x1c8: {  	s15 =	spop (v2sf);
	(v2sf) =	vpush v20, $0xF  }
0x1c9: {  	s9 =	spop (v2sf)  }
0x1ca: {  	s11 =	spop (v2sf);
	s10 =	sadd.s32 s15, s9  }
0x1cb: {  	s17 =	spop (v2sf);
	s28 =	sadd.s32 s10, s11  }
0x1cc: {  	s25 =	spop (v2sf);
	s3 =	sadd.s32 s28, s17  }
0x1cd: {  	s26 =	spop (v2sf);
	s25 =	sadd.s32 s3, s25  }
0x1ce: {  	s30 =	spop (v2sf);
	s17 =	sadd.s32 s25, s26  }
0x1cf: {  	s31 =	spop (v2sf);
	s9 =	sadd.s32 s17, s30  }
0x1d0: {  	s12 =	spop (v2sf);
	s26 =	sadd.s32 s9, s31  }
0x1d1: {  	s1 =	spop (v2sf);
	s15 =	sadd.s32 s26, s12  }
0x1d2: {  	s13 =	spop (v2sf);
	s14 =	sadd.s32 s15, s1  }
0x1d3: {  	s30 =	spop (v2sf);
	s13 =	sadd.s32 s14, s13  }
0x1d4: {  	s29 =	spop (v2sf);
	s12 =	sadd.s32 s13, s30  }
0x1d5: {  	s30 =	spop (v2sf);
	s11 =	sadd.s32 s12, s29  }
0x1d6: {  	s29 =	spop (v2sf);
	s30 =	sadd.s32 s11, s30  }
0x1d7: {  	s31 =	sadd.s32 s30, s29;
	s29 =	spop (v2sf)  }
0x1d8: {  	s29 =	sadd.s32 s31, s29  }
0x1d9: {  	v58 =	vmov s29  }
0x1da: {  	v34 =	vnsel vm1, $0x0, v58  }
0x1db: {  	s1 =	rddreg [dreg:$0xe];
	s29 =	simm.s32 $0x18810;
	[tilespmem:$0x18810] =	vst v34  }
0x1dc: {  	[spmem:s1] =	stream.linear.scatter [tilespmem:s29], [sflag:$0x3], $0x80, $0x38;
	[tilespmem:$0x18890] =	vst v63  }
0x1dd: {  	_ =	swait.ge [sflag:s22], $0x80  }
0x1de: {  	[sflag:s22] =	ssyncset.done $0x0  }
0x1df: {  	[sflag:s22] =	ssyncadd.s32 $0xFFFFFF80  }
0x1e0: {  	[bflag:$0x0] =	sbarrier.arrive $0xFFFF  }
0x1e1: {  	s29 =	simm.s32 $0x18010;
	s1 =	rddreg [dreg:$0x3]  }
0x1e2: {  	[tilespmem:s29], [sflag:$0x3] =	stream.linear.gather [spmem:s1], $0x800, $0x38;
	[tilespmem:$0x18890] =	vst v63  }
0x1e3: {  	_ =	swait.ge [sflag:s22], $0x800  }
0x1e4: {  	[sflag:s22] =	ssyncset.done $0x0  }
0x1e5: {  	[sflag:s22] =	ssyncadd.s32 $0xFFFFF800  }
0x1e6: {  	v59 =	vld [tilespmem:$0x18010]  }
0x1e7: {  	v60 =	vld [tilespmem:$0x18090]  }
0x1e8: {  	v61 =	vld [tilespmem:$0x18110]  }
0x1e9: {  	v62 =	vld [tilespmem:$0x18190]  }
0x1ea: {  	v63 =	vld [tilespmem:$0x18210]  }
0x1eb: {  	v42 =	vld [tilespmem:$0x18290]  }
0x1ec: {  	v43 =	vld [tilespmem:$0x18310];
	v34 =	vadd.s32 v59, v60  }
0x1ed: {  	v44 =	vld [tilespmem:$0x18390];
	v34 =	vadd.s32 v34, v61  }
0x1ee: {  	v45 =	vld [tilespmem:$0x18410];
	v34 =	vadd.s32 v34, v62  }
0x1ef: {  	v46 =	vld [tilespmem:$0x18490];
	v34 =	vadd.s32 v34, v63  }
0x1f0: {  	v47 =	vld [tilespmem:$0x18510];
	v34 =	vadd.s32 v34, v42  }
0x1f1: {  	v48 =	vld [tilespmem:$0x18590];
	v34 =	vadd.s32 v34, v43  }
0x1f2: {  	v49 =	vld [tilespmem:$0x18610];
	v34 =	vadd.s32 v34, v44  }
0x1f3: {  	v50 =	vld [tilespmem:$0x18690];
	v34 =	vadd.s32 v34, v45  }
0x1f4: {  	v51 =	vld [tilespmem:$0x18710];
	v34 =	vadd.s32 v34, v46  }
0x1f5: {  	v52 =	vld [tilespmem:$0x18790];
	v34 =	vadd.s32 v34, v47  }
0x1f6: {  	v34 =	vadd.s32 v34, v48  }
0x1f7: {  	v34 =	vadd.s32 v34, v49  }
0x1f8: {  	v34 =	vadd.s32 v34, v50  }
0x1f9: {  	v34 =	vadd.s32 v34, v51  }
0x1fa: {  	v34 =	vadd.s32 v34, v52  }
0x1fb: {  	v34 =	vnsel vm0, $0x0, v34  }
0x1fc: {  	(xrf0) =	vadd.scan.msk.s32 $0xffff, v34;
	_ =	sdelay $0x4  }
0x1fd: {  	v26 =	vbroadcast v54, $0xF  }
0x1fe: {  	v34, _, _ =	vpop (xrf0)  }
0x1ff: {  	v3 =	vsub.s32 v26, v3;
	v34 =	vbroadcast v34, $0xF  }
0x200: {  	v12 =	vsub.s32 v54, v12;
	v3 =	vadd.s32 v55, v3  }
0x201: {  	v4 =	vsub.s32 s10, v4;
	v2 =	vsub.s32 s26, v2;
	s29 =	simm.s32 $0x0;
	v12 =	vadd.s32 v34, v12  }
0x202: {  	s1 =	sand.u32 $0x800, s29;
	s29 =	sand.u32 $0x380, s29;
	v54 =	vadd.s32 v34, v3;
	v3 =	vadd.s32 v56, v4;
	v4 =	vsub.s32 s28, v11  }
0x203: {  	s29 =	sor.u32 s29, s1;
	v11 =	vadd.s32 v34, v3;
	v3 =	vadd.s32 v57, v4;
	v4 =	vsub.s32 s3, v10  }
0x204: {  	v2 =	vadd.s32 v28, v2;
	v59 =	vld [tilespmem:s29+$0x16050];
	[tilespmem:s29+$0x17010] =	vst v12;
	v29 =	vadd.s32 v34, v3;
	v3 =	vadd.s32 v30, v4  }
0x205: {  	v56 =	vld [tilespmem:s29+$0x16020];
	v28 =	vadd.s32 v34, v2;
	[tilespmem:s29+$0x17020] =	vst v54;
	v4 =	vsub.s32 s25, v8;
	v8 =	vadd.s32 v34, v3  }
0x206: {  	v53 =	vld [tilespmem:s29+$0x16480];
	[tilespmem:s29+$0x17410] =	vst v28;
	v3 =	vadd.s32 v31, v4;
	v4 =	vsub.s32 s17, v7;
	v7 =	vsub.s32 s30, v16  }
0x207: {  	v55 =	vld [tilespmem:s29+$0x16010];
	[tilespmem:s29+$0x17030] =	vst v11;
	v31 =	vadd.s32 v34, v3;
	v3 =	vadd.s32 v32, v4;
	v4 =	vsub.s32 s9, v5  }
0x208: {  	v57 =	vld [tilespmem:s29+$0x16030];
	[tilespmem:s29+$0x17040] =	vst v29;
	v5 =	vsub.s32 s12, v15;
	v7 =	vadd.s32 v18, v7;
	v32 =	vadd.s32 v34, v3  }
0x209: {  	v61 =	vld [tilespmem:s29+$0x16070];
	[tilespmem:s29+$0x17050] =	vst v8;
	v3 =	vadd.s32 v33, v4;
	v4 =	vsub.s32 s13, v13;
	v5 =	vadd.s32 v21, v5  }
0x20a: {  	v63 =	vld [tilespmem:s29+$0x16410];
	[tilespmem:s29+$0x17060] =	vst v31;
	v7 =	vadd.s32 v34, v7;
	v10 =	vadd.s32 v54, v56;
	v13 =	vadd.s32 v8, v59  }
0x20b: {  	v60 =	vld [tilespmem:s29+$0x16060];
	[tilespmem:s29+$0x17070] =	vst v32;
	v33 =	vadd.s32 v34, v3;
	v3 =	vsub.s32 s15, v6;
	v4 =	vadd.s32 v22, v4  }
0x20c: {  	v62 =	vld [tilespmem:s29+$0x16080];
	v5 =	vadd.s32 v34, v5;
	v6 =	vsub.s32 s11, v9;
	v9 =	vsub.s32 s31, v17;
	[tilespmem:s29+$0x17470] =	vst v7  }
0x20d: {  	v58 =	vld [tilespmem:s29+$0x16040];
	v11 =	vadd.s32 v11, v57;
	[tilespmem:s29+$0x17080] =	vst v33;
	v2 =	vadd.s32 v24, v3;
	v3 =	vsub.s32 s14, v14  }
0x20e: {  	v16 =	vadd.s32 v32, v61;
	v4 =	vadd.s32 v34, v4;
	[tilespmem:s29+$0x17450] =	vst v5;
	v3 =	vadd.s32 v23, v3;
	v23 =	vld [tilespmem:s29+$0x16420]  }
0x20f: {  	v21 =	vld [tilespmem:s29+$0x16430];
	v17 =	vadd.s32 v28, v63;
	v6 =	vadd.s32 v19, v6;
	v2 =	vadd.s32 v34, v2;
	[tilespmem:s29+$0x17440] =	vst v4  }
0x210: {  	v19 =	vld [tilespmem:s29+$0x16440];
	v9 =	vadd.s32 v20, v9;
	v14 =	vadd.s32 v31, v60;
	v6 =	vadd.s32 v34, v6;
	[tilespmem:s29+$0x17420] =	vst v2  }
0x211: {  	s3 =	simm.s32 $0x80;
	s31 =	simm.s32 $0x100;
	v20 =	vld [tilespmem:s29+$0x16450];
	v18 =	vadd.s32 v33, v62;
	v15 =	vadd.s32 v34, v9;
	v3 =	vadd.s32 v34, v3;
	[tilespmem:s29+$0x17460] =	vst v6  }
0x212: {  	s9 =	simm.s32 $0x200;
	v22 =	vld [tilespmem:s29+$0x16460];
	s11 =	sand.u32 $0x380, s3;
	s10 =	sand.u32 $0x800, s31;
	v9 =	vadd.s32 v12, v55;
	v12 =	vadd.s32 v29, v58;
	v8 =	vadd.s32 v15, v53;
	[tilespmem:s29+$0x17430] =	vst v3  }
.LBB2_9:
0x213: {  	p0 =	sne.s32 s9, $0xF00;
	v2 =	vadd.s32 v2, v23;
	v23 =	vld [tilespmem:s29+$0x16470];
	[tilespmem:s29+$0x17480] =	vst v15;
	s29 =	sor.u32 s11, s10;
	v15 =	vmov v8  }
0x214: {  	[tilespmem:s29+$0x17010] =	vst v9;
	v24 =	vld [tilespmem:s29+$0x16480];
	v3 =	vadd.s32 v3, v21  }
0x215: {  	v21 =	vld [tilespmem:s29+$0x16010];
	[tilespmem:s29+$0x17020] =	vst v10;
	v4 =	vadd.s32 v4, v19  }
0x216: {  	v19 =	vld [tilespmem:s29+$0x16020];
	[tilespmem:s29+$0x17030] =	vst v11;
	v5 =	vadd.s32 v5, v20  }
0x217: {  	v20 =	vld [tilespmem:s29+$0x16030];
	[tilespmem:s29+$0x17040] =	vst v12;
	v6 =	vadd.s32 v6, v22  }
0x218: {  	v22 =	vld [tilespmem:s29+$0x16040];
	[tilespmem:s29+$0x17050] =	vst v13;
	v7 =	vadd.s32 v7, v23  }
0x219: {  	v23 =	vld [tilespmem:s29+$0x16050];
	[tilespmem:s29+$0x17060] =	vst v14;
	v8 =	vadd.s32 v8, v24  }
0x21a: {  	v9 =	vadd.s32 v9, v21;
	v21 =	vld [tilespmem:s29+$0x16060];
	[tilespmem:s29+$0x17070] =	vst v16  }
0x21b: {  	v10 =	vadd.s32 v10, v19;
	v19 =	vld [tilespmem:s29+$0x16070];
	[tilespmem:s29+$0x17080] =	vst v18  }
0x21c: {  	v11 =	vadd.s32 v11, v20;
	v20 =	vld [tilespmem:s29+$0x16080];
	[tilespmem:s29+$0x17410] =	vst v17  }
0x21d: {  	v12 =	vadd.s32 v12, v22;
	v22 =	vld [tilespmem:s29+$0x16410];
	[tilespmem:s29+$0x17420] =	vst v2  }
.Ltmp3:
0x21e: {  	v13 =	vadd.s32 v13, v23;
	v23 =	vld [tilespmem:s29+$0x16420];
	[tilespmem:s29+$0x17430] =	vst v3;
	(pc) =	sbr.rel @p0 .LBB2_9-.Ltmp3, $4  }
0x21f: {  	v14 =	vadd.s32 v14, v21;
	v21 =	vld [tilespmem:s29+$0x16430];
	[tilespmem:s29+$0x17440] =	vst v4  }
0x220: {  	v16 =	vadd.s32 v16, v19;
	v19 =	vld [tilespmem:s29+$0x16440];
	[tilespmem:s29+$0x17450] =	vst v5  }
0x221: {  	s3 =	sadd.s32 $0x80, s3;
	v18 =	vadd.s32 v18, v20;
	v20 =	vld [tilespmem:s29+$0x16450];
	[tilespmem:s29+$0x17460] =	vst v6  }
0x222: {  	s10 =	sand.u32 $0x800, s9;
	s9 =	sadd.s32 $0x100, s9;
	s11 =	sand.u32 $0x380, s3;
	v17 =	vadd.s32 v17, v22;
	v22 =	vld [tilespmem:s29+$0x16460];
	[tilespmem:s29+$0x17470] =	vst v7  }
0x223: {  	[tilespmem:s29+$0x17480] =	vst v15;
	s1 =	sor.u32 s11, s10  }
0x224: {  	v24 =	vld [tilespmem:s29+$0x16470];
	[tilespmem:s1+$0x17010] =	vst v9  }
0x225: {  	[tilespmem:s1+$0x17020] =	vst v10  }
0x226: {  	[tilespmem:s1+$0x17030] =	vst v11  }
0x227: {  	[tilespmem:s1+$0x17040] =	vst v12  }
0x228: {  	[tilespmem:s1+$0x17050] =	vst v13  }
0x229: {  	[tilespmem:s1+$0x17060] =	vst v14  }
0x22a: {  	[tilespmem:s1+$0x17070] =	vst v16  }
0x22b: {  	[tilespmem:s1+$0x17080] =	vst v18  }
0x22c: {  	v2 =	vadd.s32 v2, v23;
	[tilespmem:s1+$0x17410] =	vst v17  }
0x22d: {  	[tilespmem:s1+$0x17420] =	vst v2  }
0x22e: {  	v3 =	vadd.s32 v3, v21;
	[tilespmem:s1+$0x17480] =	vst v8  }
0x22f: {  	v2 =	vadd.s32 v4, v19;
	[tilespmem:s1+$0x17430] =	vst v3  }
0x230: {  	v3 =	vadd.s32 v5, v20;
	[tilespmem:s1+$0x17440] =	vst v2  }
0x231: {  	v2 =	vadd.s32 v6, v22;
	[tilespmem:s1+$0x17450] =	vst v3  }
0x232: {  	v3 =	vadd.s32 v7, v24;
	[tilespmem:s1+$0x17460] =	vst v2  }
0x233: {  	s15 =	rddreg [dreg:$0xf];
	s13 =	simm.s32 $0x8000;
	s3 =	simm.s32 $0x17010;
	[tilespmem:s1+$0x17470] =	vst v3  }
0x234: {  	[spmem:s15] =	stream.strided.scatter [tilespmem:s3], [sflag:$0x3], $0x1000, s13, s24, $0x38;
	[tilespmem:$0x18890] =	vst v63  }
0x235: {  	_ =	swait.ge [sflag:s22], $0x1000  }
0x236: {  	[sflag:s22] =	ssyncset.done $0x0  }
0x237: {  	[sflag:s22] =	ssyncadd.s32 $0xFFFFF000  }
0x238: {  	[bflag:$0x0] =	sbarrier.arrive $0xFFFF  }
0x239: {  	s17 =	rddreg [dreg:$0x10]  }
0x23a: {  	s25 =	rddreg [dreg:$0x14]  }
0x23b: {  	s26 =	rddreg [dreg:$0x17]  }
0x23c: {  	[tilespmem:s23], [sflag:$0x3] =	stream.strided.gather [spmem:s17], $0x1000, s20, s19, $0x38;
	[tilespmem:$0x18890] =	vst v63  }
0x23d: {  	s1 =	sshll.u32 s25, $0x14;
	s3 =	sshll.u32 s26, $0x7;
	_ =	swait.ge [sflag:s22], $0x1000  }
0x23e: {  	s1 =	sand.u32 $0x400000, s1;
	s3 =	sand.u32 $0x380, s3;
	[sflag:s22] =	ssyncset.done $0x0  }
0x23f: {  	s1 =	sor.u32 s3, s1;
	[sflag:s22] =	ssyncadd.s32 $0xFFFFF000  }
0x240: {  	s29 =	simm.s32 $0x0;
	s1 =	sshrl.u32 s1, $0x3;
	s31 =	rddreg [dreg:$0x0]  }
0x241: {  	s30 =	simm.s32 $0x0;
	s12 =	rddreg [dreg:$0x1];
	s28 =	sadd.s32 s31, s1  }
.LBB2_11:
0x242: {  	p0 =	seq.s32 s30, $0x0  }
0x243: {  	s1 =	simm.s32 @!p0 $0x1  }
0x244: {  	s3 =	sshll.u32 s30, $0xC;
	_ =	swait.ge @!p0 [sflag:s1], $0x800  }
0x245: {  	s9 =	sor.u32 s8, s3;
	[sflag:s1] =	ssyncset.done @!p0 $0x0  }
0x246: {  	s26 =	sadd.s32 s28, s9;
	[sflag:s1] =	ssyncadd.s32 @!p0 $0xFFFFF800  }
0x247: {  	[tilespmem:s21], [sflag:$0x3] =	stream.strided.gather [hbm4b:s26+s19], $0x800, s20, s19, $0x38;
	[tilespmem:$0x18890] =	vst v63  }
0x248: {  	_ =	swait.ge [sflag:s22], $0x800  }
0x249: {  	s31 =	sshrl.u32 s9, $0x3;
	[sflag:s22] =	ssyncset.done $0x0  }
0x24a: {  	s1 =	sadd.s32 s12, s31;
	[sflag:s22] =	ssyncadd.s32 $0xFFFFF800  }
0x24b: {  	[tilespmem:s2], [sflag:$0x3] =	stream.linear.gather [hbm4b:s1+s29], $0x800, $0x38;
	[tilespmem:$0x18890] =	vst v63  }
0x24c: {  	_ =	swait.ge [sflag:s22], $0x800  }
0x24d: {  	[sflag:s22] =	ssyncset.done $0x0  }
0x24e: {  	s3 =	simm.s32 $0x0;
	[sflag:s22] =	ssyncadd.s32 $0xFFFFF800  }
0x24f: {  	v2 =	vld [tilespmem:s3+$0x12010];
	_ =	sdelay $0x4  }
0x250: {  	v2 =	vmul.f32 $1.677721600e+07, v2;
	_ =	sdelay $0x1  }
0x251: {  	v2 =	vtrunc.f32 v2  }
0x252: {  	v2 =	vcvt.f32.s32 v2;
	_ =	sdelay $0x1  }
0x253: {  	v3 =	vand.u32 $0xFFF, v2  }
0x254: {  	(xrf1) =	vunique.msk.u32 $0xffff, v3;
	_ =	sdelay $0x2  }
0x255: {  	v4 =	vld [tilespmem:s3+$0x12810]  }
0x256: {  	v5 =	vld.idx.msk [tilespmem:v3+s23+$0x0], $0xffff  }
0x257: {  	s10 =	simm.s32 $0x10;
	[tilespmem:v3+s23+$0x0] =	vst.idx.add.s32.msk $0xffff, v1  }
0x258: {  	v3 =	vld [tilespmem:s10+$0x12010];
	_ =	sdelay $0x4  }
0x259: {  	v3 =	vmul.f32 $1.677721600e+07, v3;
	_ =	sdelay $0x1  }
0x25a: {  	v2 =	vshll.u32 v2, $0x4;
	v3 =	vtrunc.f32 v3  }
0x25b: {  	v2 =	vor.u32 v4, v2;
	v3 =	vcvt.f32.s32 v3;
	_, v4, _ =	vpop (xrf1)  }
0x25c: {  	[tilespmem:s3+$0x13010] =	vst v2;
	v5 =	vadd.s32 v4, v5  }
0x25d: {  	s11 =	simm.s32 $0x80;
	v2 =	vld [tilespmem:s10+$0x12810];
	v4 =	vand.u32 $0xFFF, v3;
	v5 =	vadd.s32 $0xFFFFFFFF, v5  }
.LBB2_12:
0x25e: {  	p1 =	sne.s32 s11, $0x1FC0;
	(xrf1) =	vunique.msk.u32 $0xffff, v4;
	[tilespmem:s3+$0x13810] =	vst v5;
	s1 =	smov.u32 s11;
	s11 =	sadd.s32 $0x40, s11  }
0x25f: {  	s3 =	smov.u32 s10;
	_ =	sdelay $0x2  }
0x260: {  	v3 =	vshll.u32 v3, $0x4;
	v5 =	vld.idx.msk [tilespmem:v4+s23+$0x0], $0xffff  }
0x261: {  	s10 =	sshra.s32 s1, $0x2;
	v2 =	vor.u32 v2, v3;
	[tilespmem:v4+s23+$0x0] =	vst.idx.add.s32.msk $0xffff, v1  }
0x262: {  	v3 =	vld [tilespmem:s10+$0x12010];
	[tilespmem:s3+$0x13010] =	vst v2  }
0x263: {  	v2 =	vld [tilespmem:s10+$0x12810];
	_ =	sdelay $0x3  }
0x264: {  	v3 =	vmul.f32 $1.677721600e+07, v3  }
.Ltmp4:
0x265: {  	(pc) =	sbr.rel @p1 .LBB2_12-.Ltmp4, $4  }
0x266: {  	v3 =	vtrunc.f32 v3  }
0x267: {  	v3 =	vcvt.f32.s32 v3;
	_, v4, _ =	vpop (xrf1)  }
0x268: {  	v5 =	vadd.s32 v4, v5  }
0x269: {  	v4 =	vand.u32 $0xFFF, v3;
	v5 =	vadd.s32 $0xFFFFFFFF, v5  }
0x26a: {  	(xrf1) =	vunique.msk.u32 $0xffff, v4;
	_ =	sdelay $0x8  }
0x26b: {  	[tilespmem:s3+$0x13810] =	vst v5  }
0x26c: {  	v5 =	vld.idx.msk [tilespmem:v4+s23+$0x0], $0xffff;
	_ =	sdelay $0x3  }
0x26d: {  	v3 =	vshll.u32 v3, $0x4;
	_, v6, _ =	vpop (xrf1)  }
0x26e: {  	v2 =	vor.u32 v2, v3;
	[tilespmem:v4+s23+$0x0] =	vst.idx.add.s32.msk $0xffff, v1;
	v3 =	vadd.s32 v6, v5  }
0x26f: {  	[tilespmem:s10+$0x13010] =	vst v2;
	v2 =	vadd.s32 $0xFFFFFFFF, v3  }
0x270: {  	s1 =	simm.s32 @!p0 $0x2;
	[tilespmem:s10+$0x13810] =	vst v2  }
0x271: {  	[spmem:s4] =	stream.indirect.scatter [tilespmem:s7], [sflag:$0x1], $0x1, s18, s24, $0xb8;
	[tilespmem:$0x18890] =	vst v63  }
0x272: {  	_ =	swait.ge @!p0 [sflag:s1], $0x800  }
0x273: {  	s17 =	sor.u32 $0x800, s9;
	[sflag:s1] =	ssyncset.done @!p0 $0x0  }
0x274: {  	s25 =	sadd.s32 s28, s17;
	[sflag:s1] =	ssyncadd.s32 @!p0 $0xFFFFF800  }
0x275: {  	[tilespmem:s21], [sflag:$0x3] =	stream.strided.gather [hbm4b:s25+s19], $0x800, s20, s19, $0x38;
	[tilespmem:$0x18890] =	vst v63  }
0x276: {  	_ =	swait.ge [sflag:s22], $0x800  }
0x277: {  	s26 =	sshrl.u32 s17, $0x3;
	[sflag:s22] =	ssyncset.done $0x0  }
0x278: {  	s31 =	simm.s32 $0x0;
	s1 =	sadd.s32 s12, s26;
	[sflag:s22] =	ssyncadd.s32 $0xFFFFF800  }
0x279: {  	[tilespmem:s2], [sflag:$0x3] =	stream.linear.gather [hbm4b:s1+s31], $0x800, $0x38;
	[tilespmem:$0x18890] =	vst v63  }
0x27a: {  	_ =	swait.ge [sflag:s22], $0x800  }
0x27b: {  	[sflag:s22] =	ssyncset.done $0x0  }
0x27c: {  	s3 =	simm.s32 $0x0;
	[sflag:s22] =	ssyncadd.s32 $0xFFFFF800  }
0x27d: {  	v2 =	vld [tilespmem:s3+$0x12010];
	_ =	sdelay $0x4  }
0x27e: {  	v2 =	vmul.f32 $1.677721600e+07, v2;
	_ =	sdelay $0x1  }
0x27f: {  	v2 =	vtrunc.f32 v2  }
0x280: {  	v2 =	vcvt.f32.s32 v2;
	_ =	sdelay $0x1  }
0x281: {  	v3 =	vand.u32 $0xFFF, v2  }
0x282: {  	(xrf1) =	vunique.msk.u32 $0xffff, v3;
	_ =	sdelay $0x2  }
0x283: {  	v4 =	vld [tilespmem:s3+$0x12810]  }
0x284: {  	v5 =	vld.idx.msk [tilespmem:v3+s23+$0x0], $0xffff  }
0x285: {  	s9 =	simm.s32 $0x10;
	[tilespmem:v3+s23+$0x0] =	vst.idx.add.s32.msk $0xffff, v1  }
0x286: {  	v3 =	vld [tilespmem:s9+$0x12010];
	_ =	sdelay $0x4  }
0x287: {  	v3 =	vmul.f32 $1.677721600e+07, v3;
	_ =	sdelay $0x1  }
0x288: {  	v2 =	vshll.u32 v2, $0x4;
	v3 =	vtrunc.f32 v3  }
0x289: {  	v2 =	vor.u32 v4, v2;
	v3 =	vcvt.f32.s32 v3;
	_, v4, _ =	vpop (xrf1)  }
0x28a: {  	[tilespmem:s3+$0x14010] =	vst v2;
	v5 =	vadd.s32 v4, v5  }
0x28b: {  	s10 =	simm.s32 $0x80;
	v2 =	vld [tilespmem:s9+$0x12810];
	v4 =	vand.u32 $0xFFF, v3;
	v5 =	vadd.s32 $0xFFFFFFFF, v5  }
.LBB2_14:
0x28c: {  	p0 =	sne.s32 s10, $0x1FC0;
	(xrf1) =	vunique.msk.u32 $0xffff, v4;
	[tilespmem:s3+$0x14810] =	vst v5;
	s1 =	smov.u32 s10;
	s10 =	sadd.s32 $0x40, s10  }
0x28d: {  	s3 =	smov.u32 s9;
	_ =	sdelay $0x2  }
0x28e: {  	v3 =	vshll.u32 v3, $0x4;
	v5 =	vld.idx.msk [tilespmem:v4+s23+$0x0], $0xffff  }
0x28f: {  	s9 =	sshra.s32 s1, $0x2;
	v2 =	vor.u32 v2, v3;
	[tilespmem:v4+s23+$0x0] =	vst.idx.add.s32.msk $0xffff, v1  }
0x290: {  	v3 =	vld [tilespmem:s9+$0x12010];
	[tilespmem:s3+$0x14010] =	vst v2  }
0x291: {  	v2 =	vld [tilespmem:s9+$0x12810];
	_ =	sdelay $0x3  }
0x292: {  	v3 =	vmul.f32 $1.677721600e+07, v3  }
.Ltmp5:
0x293: {  	(pc) =	sbr.rel @p0 .LBB2_14-.Ltmp5, $4  }
0x294: {  	v3 =	vtrunc.f32 v3  }
0x295: {  	v3 =	vcvt.f32.s32 v3;
	_, v4, _ =	vpop (xrf1)  }
0x296: {  	v5 =	vadd.s32 v4, v5  }
0x297: {  	v4 =	vand.u32 $0xFFF, v3;
	v5 =	vadd.s32 $0xFFFFFFFF, v5  }
0x298: {  	(xrf1) =	vunique.msk.u32 $0xffff, v4;
	_ =	sdelay $0x8  }
0x299: {  	[tilespmem:s3+$0x14810] =	vst v5  }
0x29a: {  	v5 =	vld.idx.msk [tilespmem:v4+s23+$0x0], $0xffff;
	_ =	sdelay $0x1  }
0x29b: {  	s30 =	sadd.s32 $0x1, s30  }
0x29c: {  	p0 =	sne.s32 s30, $0x8  }
.Ltmp6:
0x29d: {  	v3 =	vshll.u32 v3, $0x4;
	_, v6, _ =	vpop (xrf1);
	(pc) =	sbr.rel @p0 .LBB2_11-.Ltmp6, $4  }
0x29e: {  	v2 =	vor.u32 v2, v3;
	[tilespmem:v4+s23+$0x0] =	vst.idx.add.s32.msk $0xffff, v1;
	v3 =	vadd.s32 v6, v5  }
0x29f: {  	[tilespmem:s9+$0x14010] =	vst v2;
	v2 =	vadd.s32 $0xFFFFFFFF, v3  }
0x2a0: {  	[tilespmem:s9+$0x14810] =	vst v2  }
0x2a1: {  	[spmem:s4] =	stream.indirect.scatter [tilespmem:s5], [sflag:$0x2], $0x1, s0, s24, $0xb8;
	[tilespmem:$0x18890] =	vst v63  }
0x2a2: {  	s1 =	simm.s32 $0x1  }
0x2a3: {  	_ =	swait.ge [sflag:s1], $0x800  }
0x2a4: {  	[sflag:s1] =	ssyncset.done $0x0  }
0x2a5: {  	s31 =	simm.s32 $0x2;
	[sflag:s1] =	ssyncadd.s32 $0xFFFFF800  }
0x2a6: {  	_ =	swait.ge [sflag:s31], $0x800  }
0x2a7: {  	[sflag:s31] =	ssyncset.done $0x0  }
0x2a8: {  	s3 =	simm.s32 $0x0;
	[sflag:s31] =	ssyncadd.s32 $0xFFFFF800  }
0x2a9: {  	s9 =	simm.s32 $0x40;
	s10 =	simm.s32 $0x0;
	[bflag:$0x0] =	sbarrier.arrive $0xFFFF  }
.LBB2_17:
0x2aa: {  	p0 =	sne.s32 s9, $0x3FC0;
	[tilespmem:s10+$0x15010] =	vst v0;
	s1 =	smov.u32 s9;
	s9 =	sadd.s32 $0x40, s9  }
.Ltmp7:
0x2ab: {  	(pc) =	sbr.rel @p0 .LBB2_17-.Ltmp7, $2  }
0x2ac: {  	_ =	sdelay $0x2  }
0x2ad: {  	s10 =	sshra.s32 s1, $0x2  }
0x2ae: {  	[tilespmem:s10+$0x15010] =	vst v0  }
.LBB2_19:
0x2af: {  	s1 =	sshll.u32 s3, $0xB  }
0x2b0: {  	s1 =	sand.u32 $0x3FFFF800, s1  }
0x2b1: {  	s1 =	sadd.s32 s1, s16  }
0x2b2: {  	[tilespmem:s2], [sflag:$0x3] =	stream.linear.gather [spmem:s1], $0x800, $0x38;
	[tilespmem:$0x18890] =	vst v63  }
0x2b3: {  	_ =	swait.ge [sflag:s22], $0x800  }
0x2b4: {  	[sflag:s22] =	ssyncset.done $0x0  }
0x2b5: {  	s10 =	simm.s32 $0x0;
	s9 =	simm.s32 $0x40;
	[sflag:s22] =	ssyncadd.s32 $0xFFFFF800  }
.LBB2_20:
0x2b6: {  	p0 =	sne.s32 s9, $0x1FC0;
	v2 =	vld [tilespmem:s10+$0x12810];
	_ =	sdelay $0x4  }
0x2b7: {  	v2 =	vshrl.u32 v2, $0x10  }
0x2b8: {  	v2 =	vand.u32 $0xFFF, v2  }
.Ltmp8:
0x2b9: {  	(pc) =	sbr.rel @p0 .LBB2_20-.Ltmp8, $2  }
0x2ba: {  	_ =	sdelay $0x2  }
0x2bb: {  	s10 =	sshra.s32 s9, $0x2;
	s9 =	sadd.s32 $0x40, s9;
	[tilespmem:v2+s23+$0x0] =	vst.idx.add.s32.msk $0xffff, v1  }
0x2bc: {  	v2 =	vld [tilespmem:s10+$0x12810];
	_ =	sdelay $0x4  }
0x2bd: {  	s3 =	sadd.s32 $0x1, s3;
	v2 =	vshrl.u32 v2, $0x10  }
0x2be: {  	p0 =	sne.s32 s3, $0x10;
	v2 =	vand.u32 $0xFFF, v2  }
.Ltmp9:
0x2bf: {  	_ = 	snop;
	(pc) =	sbr.rel @p0 .LBB2_19-.Ltmp9, $2  }
0x2c0: {  	_ =	sdelay $0x2  }
0x2c1: {  	[tilespmem:v2+s23+$0x0] =	vst.idx.add.s32.msk $0xffff, v1  }
0x2c2: {  	s1 =	rddreg [dreg:$0xc]  }
0x2c3: {  	[spmem:s1] =	stream.strided.scatter [tilespmem:s23], [sflag:$0x3], $0x1000, s20, s19, $0x38;
	[tilespmem:$0x18890] =	vst v63  }
0x2c4: {  	_ =	swait.ge [sflag:s22], $0x1000  }
0x2c5: {  	[sflag:s22] =	ssyncset.done $0x0  }
0x2c6: {  	[sflag:s22] =	ssyncadd.s32 $0xFFFFF000  }
0x2c7: {  	[bflag:$0x0] =	sbarrier.arrive $0xFFFF  }
0x2c8: {  	s3 =	simm.s32 $0x16010;
	s9 =	rddreg [dreg:$0xd]  }
0x2c9: {  	[tilespmem:s3], [sflag:$0x3] =	stream.strided.gather [spmem:s9], $0x1000, s13, s24, $0x38;
	[tilespmem:$0x18890] =	vst v63  }
0x2ca: {  	_ =	swait.ge [sflag:s22], $0x1000  }
0x2cb: {  	[sflag:s22] =	ssyncset.done $0x0  }
0x2cc: {  	[sflag:s22] =	ssyncadd.s32 $0xFFFFF000  }
0x2cd: {  	v2 =	vld [tilespmem:$0x16010];
	_ =	sdelay $0x4  }
0x2ce: {  	[tilespmem:$0x1F5D0] =	vst v2;
	v2 =	vld [tilespmem:$0x16090];
	_ =	sdelay $0x4  }
0x2cf: {  	[tilespmem:$0x1F5E0] =	vst v2;
	v2 =	vld [tilespmem:$0x16110];
	_ =	sdelay $0x4  }
0x2d0: {  	[tilespmem:$0x1F620] =	vst v2;
	v2 =	vld [tilespmem:$0x16190];
	_ =	sdelay $0x4  }
0x2d1: {  	[tilespmem:$0x1F660] =	vst v2;
	v2 =	vld [tilespmem:$0x16210];
	_ =	sdelay $0x4  }
0x2d2: {  	[tilespmem:$0x1F690] =	vst v2;
	v2 =	vld [tilespmem:$0x16290];
	_ =	sdelay $0x4  }
0x2d3: {  	[tilespmem:$0x1F6C0] =	vst v2;
	v2 =	vld [tilespmem:$0x16310];
	_ =	sdelay $0x4  }
0x2d4: {  	[tilespmem:$0x1F6F0] =	vst v2;
	v2 =	vld [tilespmem:$0x16390];
	_ =	sdelay $0x4  }
0x2d5: {  	[tilespmem:$0x1F720] =	vst v2;
	v2 =	vld [tilespmem:$0x16810];
	_ =	sdelay $0x4  }
0x2d6: {  	[tilespmem:$0x1F750] =	vst v2;
	v2 =	vld [tilespmem:$0x16890];
	_ =	sdelay $0x4  }
0x2d7: {  	[tilespmem:$0x1F780] =	vst v2;
	v2 =	vld [tilespmem:$0x16910];
	_ =	sdelay $0x4  }
0x2d8: {  	[tilespmem:$0x1F7B0] =	vst v2;
	v2 =	vld [tilespmem:$0x16990];
	_ =	sdelay $0x4  }
0x2d9: {  	[tilespmem:$0x1F7E0] =	vst v2;
	v2 =	vld [tilespmem:$0x16A10];
	_ =	sdelay $0x4  }
0x2da: {  	[tilespmem:$0x1F810] =	vst v2;
	v2 =	vld [tilespmem:$0x16A90];
	_ =	sdelay $0x4  }
0x2db: {  	[tilespmem:$0x1F840] =	vst v2;
	v2 =	vld [tilespmem:$0x16B10];
	_ =	sdelay $0x4  }
0x2dc: {  	[tilespmem:$0x1F870] =	vst v2;
	v2 =	vld [tilespmem:$0x16B90];
	_ =	sdelay $0x4  }
0x2dd: {  	[tilespmem:$0x1F8A0] =	vst v2;
	v2 =	vld [tilespmem:$0x16020];
	_ =	sdelay $0x4  }
0x2de: {  	[tilespmem:$0x1F600] =	vst v2;
	v2 =	vld [tilespmem:$0x160A0];
	_ =	sdelay $0x4  }
0x2df: {  	[tilespmem:$0x1F610] =	vst v2;
	v2 =	vld [tilespmem:$0x16120];
	_ =	sdelay $0x4  }
0x2e0: {  	[tilespmem:$0x1F650] =	vst v2;
	v2 =	vld [tilespmem:$0x161A0];
	_ =	sdelay $0x4  }
0x2e1: {  	[tilespmem:$0x1F680] =	vst v2;
	v2 =	vld [tilespmem:$0x16220];
	_ =	sdelay $0x4  }
0x2e2: {  	[tilespmem:$0x1F6B0] =	vst v2;
	v2 =	vld [tilespmem:$0x162A0];
	_ =	sdelay $0x4  }
0x2e3: {  	[tilespmem:$0x1F6E0] =	vst v2;
	v2 =	vld [tilespmem:$0x16320];
	_ =	sdelay $0x4  }
0x2e4: {  	[tilespmem:$0x1F710] =	vst v2;
	v2 =	vld [tilespmem:$0x163A0];
	_ =	sdelay $0x4  }
0x2e5: {  	[tilespmem:$0x1F740] =	vst v2;
	v2 =	vld [tilespmem:$0x16820];
	_ =	sdelay $0x4  }
0x2e6: {  	[tilespmem:$0x1F770] =	vst v2;
	v2 =	vld [tilespmem:$0x168A0];
	_ =	sdelay $0x4  }
0x2e7: {  	[tilespmem:$0x1F7A0] =	vst v2;
	v2 =	vld [tilespmem:$0x16920];
	_ =	sdelay $0x4  }
0x2e8: {  	[tilespmem:$0x1F7D0] =	vst v2;
	v2 =	vld [tilespmem:$0x169A0];
	_ =	sdelay $0x4  }
0x2e9: {  	[tilespmem:$0x1F800] =	vst v2;
	v2 =	vld [tilespmem:$0x16A20];
	_ =	sdelay $0x4  }
0x2ea: {  	[tilespmem:$0x1F830] =	vst v2;
	v2 =	vld [tilespmem:$0x16AA0];
	_ =	sdelay $0x4  }
0x2eb: {  	[tilespmem:$0x1F860] =	vst v2;
	v2 =	vld [tilespmem:$0x16B20];
	_ =	sdelay $0x4  }
0x2ec: {  	[tilespmem:$0x1F890] =	vst v2;
	v2 =	vld [tilespmem:$0x16BA0];
	_ =	sdelay $0x4  }
0x2ed: {  	[tilespmem:$0x1F8D0] =	vst v2;
	v2 =	vld [tilespmem:$0x16030];
	_ =	sdelay $0x4  }
0x2ee: {  	[tilespmem:$0x1F630] =	vst v2;
	v2 =	vld [tilespmem:$0x160B0];
	_ =	sdelay $0x4  }
0x2ef: {  	[tilespmem:$0x1F640] =	vst v2;
	v2 =	vld [tilespmem:$0x16130];
	_ =	sdelay $0x4  }
0x2f0: {  	[tilespmem:$0x1F670] =	vst v2;
	v2 =	vld [tilespmem:$0x161B0];
	_ =	sdelay $0x4  }
0x2f1: {  	[tilespmem:$0x1F6A0] =	vst v2;
	v2 =	vld [tilespmem:$0x16230];
	_ =	sdelay $0x4  }
0x2f2: {  	[tilespmem:$0x1F6D0] =	vst v2;
	v2 =	vld [tilespmem:$0x162B0];
	_ =	sdelay $0x4  }
0x2f3: {  	[tilespmem:$0x1F700] =	vst v2;
	v2 =	vld [tilespmem:$0x16330];
	_ =	sdelay $0x4  }
0x2f4: {  	[tilespmem:$0x1F730] =	vst v2;
	v2 =	vld [tilespmem:$0x163B0];
	_ =	sdelay $0x4  }
0x2f5: {  	[tilespmem:$0x1F760] =	vst v2;
	v2 =	vld [tilespmem:$0x16830];
	_ =	sdelay $0x4  }
0x2f6: {  	[tilespmem:$0x1F790] =	vst v2;
	v2 =	vld [tilespmem:$0x168B0];
	_ =	sdelay $0x4  }
0x2f7: {  	[tilespmem:$0x1F7C0] =	vst v2;
	v2 =	vld [tilespmem:$0x16930];
	_ =	sdelay $0x4  }
0x2f8: {  	[tilespmem:$0x1F7F0] =	vst v2;
	v2 =	vld [tilespmem:$0x169B0];
	_ =	sdelay $0x4  }
0x2f9: {  	[tilespmem:$0x1F820] =	vst v2;
	v2 =	vld [tilespmem:$0x16A30];
	_ =	sdelay $0x4  }
0x2fa: {  	[tilespmem:$0x1F850] =	vst v2;
	v2 =	vld [tilespmem:$0x16AB0];
	_ =	sdelay $0x4  }
0x2fb: {  	[tilespmem:$0x1F880] =	vst v2;
	v2 =	vld [tilespmem:$0x16B30];
	_ =	sdelay $0x4  }
0x2fc: {  	[tilespmem:$0x1F8C0] =	vst v2;
	v2 =	vld [tilespmem:$0x16BB0];
	_ =	sdelay $0x4  }
0x2fd: {  	[tilespmem:$0x1F8F0] =	vst v2;
	v2 =	vld [tilespmem:$0x16040];
	_ =	sdelay $0x4  }
0x2fe: {  	[tilespmem:$0x1F470] =	vst v2  }
0x2ff: {  	v2 =	vld [tilespmem:$0x160C0];
	_ =	sdelay $0x4  }
0x300: {  	[tilespmem:$0x1F480] =	vst v2;
	v2 =	vld [tilespmem:$0x16140];
	_ =	sdelay $0x4  }
0x301: {  	[tilespmem:$0x1F4A0] =	vst v2;
	v2 =	vld [tilespmem:$0x161C0];
	_ =	sdelay $0x4  }
0x302: {  	[tilespmem:$0x1F4C0] =	vst v2;
	v2 =	vld [tilespmem:$0x16240];
	_ =	sdelay $0x4  }
0x303: {  	[tilespmem:$0x1F4E0] =	vst v2;
	v2 =	vld [tilespmem:$0x162C0];
	_ =	sdelay $0x4  }
0x304: {  	[tilespmem:$0x1F500] =	vst v2;
	v2 =	vld [tilespmem:$0x16340];
	_ =	sdelay $0x4  }
0x305: {  	[tilespmem:$0x1F520] =	vst v2;
	v2 =	vld [tilespmem:$0x163C0];
	_ =	sdelay $0x4  }
0x306: {  	[tilespmem:$0x1F540] =	vst v2;
	v2 =	vld [tilespmem:$0x16840];
	_ =	sdelay $0x4  }
0x307: {  	[tilespmem:$0x1F560] =	vst v2;
	v2 =	vld [tilespmem:$0x168C0];
	_ =	sdelay $0x4  }
0x308: {  	[tilespmem:$0x1F580] =	vst v2;
	v2 =	vld [tilespmem:$0x16940];
	_ =	sdelay $0x4  }
0x309: {  	[tilespmem:$0x1F5A0] =	vst v2;
	v2 =	vld [tilespmem:$0x169C0];
	_ =	sdelay $0x4  }
0x30a: {  	[tilespmem:$0x1F5C0] =	vst v2;
	v2 =	vld [tilespmem:$0x16A40];
	_ =	sdelay $0x4  }
0x30b: {  	[tilespmem:$0x1F5F0] =	vst v2;
	v2 =	vld [tilespmem:$0x16AC0];
	_ =	sdelay $0x4  }
0x30c: {  	[tilespmem:$0x1F8B0] =	vst v2;
	v2 =	vld [tilespmem:$0x16B40];
	_ =	sdelay $0x4  }
0x30d: {  	[tilespmem:$0x1F8E0] =	vst v2;
	v2 =	vld [tilespmem:$0x16BC0];
	_ =	sdelay $0x4  }
0x30e: {  	[tilespmem:$0x1F900] =	vst v2;
	v2 =	vld [tilespmem:$0x16050];
	_ =	sdelay $0x4  }
0x30f: {  	[tilespmem:$0x1F440] =	vst v2;
	v2 =	vld [tilespmem:$0x160D0];
	_ =	sdelay $0x4  }
0x310: {  	[tilespmem:$0x1F450] =	vst v2;
	v2 =	vld [tilespmem:$0x16150];
	_ =	sdelay $0x4  }
0x311: {  	[tilespmem:$0x1F460] =	vst v2;
	v2 =	vld [tilespmem:$0x161D0];
	_ =	sdelay $0x4  }
0x312: {  	[tilespmem:$0x1F490] =	vst v2;
	v2 =	vld [tilespmem:$0x16250];
	_ =	sdelay $0x4  }
0x313: {  	[tilespmem:$0x1F4B0] =	vst v2;
	v2 =	vld [tilespmem:$0x162D0];
	_ =	sdelay $0x4  }
0x314: {  	[tilespmem:$0x1F4D0] =	vst v2;
	v2 =	vld [tilespmem:$0x16350];
	_ =	sdelay $0x4  }
0x315: {  	[tilespmem:$0x1F4F0] =	vst v2;
	v2 =	vld [tilespmem:$0x163D0];
	_ =	sdelay $0x4  }
0x316: {  	[tilespmem:$0x1F510] =	vst v2;
	v2 =	vld [tilespmem:$0x16850];
	_ =	sdelay $0x4  }
0x317: {  	[tilespmem:$0x1F530] =	vst v2;
	v2 =	vld [tilespmem:$0x168D0];
	_ =	sdelay $0x4  }
0x318: {  	[tilespmem:$0x1F550] =	vst v2;
	v2 =	vld [tilespmem:$0x16950];
	_ =	sdelay $0x4  }
0x319: {  	[tilespmem:$0x1F570] =	vst v2;
	v2 =	vld [tilespmem:$0x169D0];
	_ =	sdelay $0x4  }
0x31a: {  	[tilespmem:$0x1F590] =	vst v2;
	v2 =	vld [tilespmem:$0x16A50];
	_ =	sdelay $0x4  }
0x31b: {  	[tilespmem:$0x1F5B0] =	vst v2;
	v2 =	vld [tilespmem:$0x16060];
	_ =	sdelay $0x4  }
0x31c: {  	[tilespmem:$0x1F410] =	vst v2;
	v2 =	vld [tilespmem:$0x160E0];
	_ =	sdelay $0x4  }
0x31d: {  	[tilespmem:$0x1F420] =	vst v2;
	v2 =	vld [tilespmem:$0x16160];
	_ =	sdelay $0x4  }
0x31e: {  	[tilespmem:$0x1F430] =	vst v2;
	v2 =	vld [tilespmem:$0x16070];
	_ =	sdelay $0x4  }
0x31f: {  	[tilespmem:$0x1F2C0] =	vst v2;
	v2 =	vld [tilespmem:$0x160F0];
	_ =	sdelay $0x4  }
0x320: {  	[tilespmem:$0x1F2D0] =	vst v2;
	v2 =	vld [tilespmem:$0x16170];
	_ =	sdelay $0x4  }
0x321: {  	[tilespmem:$0x1F2F0] =	vst v2;
	v2 =	vld [tilespmem:$0x161F0];
	_ =	sdelay $0x4  }
0x322: {  	[tilespmem:$0x1F310] =	vst v2;
	v2 =	vld [tilespmem:$0x16270];
	_ =	sdelay $0x4  }
0x323: {  	[tilespmem:$0x1F330] =	vst v2;
	v2 =	vld [tilespmem:$0x162F0];
	_ =	sdelay $0x4  }
0x324: {  	[tilespmem:$0x1F350] =	vst v2;
	v2 =	vld [tilespmem:$0x16370];
	_ =	sdelay $0x4  }
0x325: {  	[tilespmem:$0x1F370] =	vst v2;
	v2 =	vld [tilespmem:$0x163F0];
	_ =	sdelay $0x4  }
0x326: {  	[tilespmem:$0x1F390] =	vst v2;
	v2 =	vld [tilespmem:$0x16870];
	_ =	sdelay $0x4  }
0x327: {  	[tilespmem:$0x1F3B0] =	vst v2;
	v2 =	vld [tilespmem:$0x168F0];
	_ =	sdelay $0x4  }
0x328: {  	[tilespmem:$0x1F3D0] =	vst v2;
	v2 =	vld [tilespmem:$0x16970];
	_ =	sdelay $0x4  }
0x329: {  	[tilespmem:$0x1F3F0] =	vst v2;
	v2 =	vld [tilespmem:$0x169F0];
	_ =	sdelay $0x4  }
0x32a: {  	[tilespmem:$0x1F400] =	vst v2;
	v2 =	vld [tilespmem:$0x16080];
	_ =	sdelay $0x4  }
0x32b: {  	[tilespmem:$0x1F290] =	vst v2;
	v2 =	vld [tilespmem:$0x16100];
	_ =	sdelay $0x4  }
0x32c: {  	[tilespmem:$0x1F2A0] =	vst v2;
	v2 =	vld [tilespmem:$0x16180];
	_ =	sdelay $0x4  }
0x32d: {  	[tilespmem:$0x1F2B0] =	vst v2;
	v2 =	vld [tilespmem:$0x16200];
	_ =	sdelay $0x3  }
0x32e: {  	v48 =	vld [tilespmem:$0x16420]  }
0x32f: {  	[tilespmem:$0x1F2E0] =	vst v2;
	v2 =	vld [tilespmem:$0x16280]  }
0x330: {  	v46 =	vld [tilespmem:$0x164A0]  }
0x331: {  	v50 =	vld [tilespmem:$0x16520]  }
0x332: {  	v53 =	vld [tilespmem:$0x165A0]  }
0x333: {  	v55 =	vld [tilespmem:$0x16620]  }
0x334: {  	[tilespmem:$0x1F300] =	vst v2;
	v2 =	vld [tilespmem:$0x16300]  }
0x335: {  	v57 =	vld [tilespmem:$0x166A0]  }
0x336: {  	v58 =	vld [tilespmem:$0x16720]  }
0x337: {  	v52 =	vld [tilespmem:$0x16430]  }
0x338: {  	v39 =	vld [tilespmem:$0x164B0]  }
0x339: {  	[tilespmem:$0x1F320] =	vst v2;
	v2 =	vld [tilespmem:$0x16380]  }
0x33a: {  	v40 =	vld [tilespmem:$0x16530]  }
0x33b: {  	v41 =	vld [tilespmem:$0x165B0]  }
0x33c: {  	v42 =	vld [tilespmem:$0x16630]  }
0x33d: {  	v43 =	vld [tilespmem:$0x166B0]  }
0x33e: {  	[tilespmem:$0x1F340] =	vst v2;
	v2 =	vld [tilespmem:$0x16400]  }
0x33f: {  	v44 =	vld [tilespmem:$0x16730]  }
0x340: {  	v45 =	vld [tilespmem:$0x167B0]  }
0x341: {  	v47 =	vld [tilespmem:$0x16C30]  }
0x342: {  	v49 =	vld [tilespmem:$0x16CB0]  }
0x343: {  	[tilespmem:$0x1F360] =	vst v2;
	v2 =	vld [tilespmem:$0x16880]  }
0x344: {  	v51 =	vld [tilespmem:$0x16D30]  }
0x345: {  	v54 =	vld [tilespmem:$0x16DB0]  }
0x346: {  	v56 =	vld [tilespmem:$0x16E30]  }
0x347: {  	v36 =	vld [tilespmem:$0x16440]  }
0x348: {  	[tilespmem:$0x1F380] =	vst v2;
	v2 =	vld [tilespmem:$0x16900]  }
0x349: {  	v35 =	vld [tilespmem:$0x164C0]  }
0x34a: {  	v37 =	vld [tilespmem:$0x16540]  }
0x34b: {  	v38 =	vld [tilespmem:$0x165C0]  }
0x34c: {  	v59 =	vld [tilespmem:$0x16450]  }
0x34d: {  	[tilespmem:$0x1F3A0] =	vst v2;
	v2 =	vld [tilespmem:$0x16980]  }
0x34e: {  	v62 =	vld [tilespmem:$0x164D0]  }
0x34f: {  	v21 =	vld [tilespmem:$0x16550]  }
0x350: {  	v23 =	vld [tilespmem:$0x165D0]  }
0x351: {  	v25 =	vld [tilespmem:$0x16650]  }
0x352: {  	[tilespmem:$0x1F3C0] =	vst v2;
	v2 =	vld [tilespmem:$0x16A00]  }
0x353: {  	v27 =	vld [tilespmem:$0x166D0]  }
0x354: {  	v29 =	vld [tilespmem:$0x16750]  }
0x355: {  	v30 =	vld [tilespmem:$0x167D0]  }
0x356: {  	v31 =	vld [tilespmem:$0x16C50]  }
0x357: {  	[tilespmem:$0x1F3E0] =	vst v2;
	v2 =	vld [tilespmem:$0x16410]  }
0x358: {  	v32 =	vld [tilespmem:$0x16CD0]  }
0x359: {  	v33 =	vld [tilespmem:$0x16D50]  }
0x35a: {  	v34 =	vld [tilespmem:$0x16DD0]  }
0x35b: {  	v13 =	vld [tilespmem:$0x16460]  }
0x35c: {  	[tilespmem:$0x1F260] =	vst v2;
	v2 =	vld [tilespmem:$0x16490]  }
0x35d: {  	v12 =	vld [tilespmem:$0x164E0]  }
0x35e: {  	v14 =	vld [tilespmem:$0x16560]  }
0x35f: {  	v15 =	vld [tilespmem:$0x165E0]  }
0x360: {  	v16 =	vld [tilespmem:$0x16660]  }
0x361: {  	[tilespmem:$0x1F270] =	vst v2;
	v2 =	vld [tilespmem:$0x16510]  }
0x362: {  	v17 =	vld [tilespmem:$0x166E0]  }
0x363: {  	v18 =	vld [tilespmem:$0x16760]  }
0x364: {  	v19 =	vld [tilespmem:$0x167E0]  }
0x365: {  	v20 =	vld [tilespmem:$0x16C60]  }
0x366: {  	[tilespmem:$0x1F280] =	vst v2;
	v2 =	vld [tilespmem:$0x16D20]  }
0x367: {  	v22 =	vld [tilespmem:$0x16CE0]  }
0x368: {  	v24 =	vld [tilespmem:$0x16D60]  }
0x369: {  	v26 =	vld [tilespmem:$0x16DE0]  }
0x36a: {  	v28 =	vld [tilespmem:$0x16E60]  }
0x36b: {  	[tilespmem:$0x1F240] =	vst v2;
	v2 =	vld [tilespmem:$0x16DA0]  }
0x36c: {  	v9 =	vld [tilespmem:$0x16470]  }
0x36d: {  	v8 =	vld [tilespmem:$0x164F0]  }
0x36e: {  	v10 =	vld [tilespmem:$0x16570]  }
0x36f: {  	v3 =	vld [tilespmem:$0x16480]  }
0x370: {  	[tilespmem:$0x1F250] =	vst v2;
	v2 =	vld [tilespmem:$0x16500]  }
0x371: {  	v4 =	vld [tilespmem:$0x16580]  }
0x372: {  	v5 =	vld [tilespmem:$0x16600]  }
0x373: {  	v6 =	vld [tilespmem:$0x16680]  }
0x374: {  	v7 =	vld [tilespmem:$0x16700]  }
0x375: {  	v2 =	vadd.s32 v3, v2;
	v3 =	vld [tilespmem:$0x16780]  }
0x376: {  	v2 =	vadd.s32 v2, v4;
	v4 =	vld [tilespmem:$0x16800]  }
0x377: {  	v2 =	vadd.s32 v2, v5;
	v5 =	vld [tilespmem:$0x16C80]  }
0x378: {  	v2 =	vadd.s32 v2, v6;
	v6 =	vld [tilespmem:$0x16D00]  }
0x379: {  	v2 =	vadd.s32 v2, v7;
	v7 =	vld [tilespmem:$0x16D80]  }
0x37a: {  	v2 =	vadd.s32 v2, v3;
	v3 =	vld [tilespmem:$0x16E00]  }
0x37b: {  	v2 =	vadd.s32 v2, v4;
	v4 =	vld [tilespmem:$0x16E80]  }
0x37c: {  	v2 =	vadd.s32 v2, v5;
	v5 =	vld [tilespmem:$0x16F00]  }
0x37d: {  	v11 =	vld [tilespmem:$0x165F0];
	v2 =	vadd.s32 v2, v6  }
0x37e: {  	v6 =	vld [tilespmem:$0x16670];
	v2 =	vadd.s32 v2, v7  }
0x37f: {  	v7 =	vld [tilespmem:$0x166F0];
	v2 =	vadd.s32 v2, v3  }
0x380: {  	v3 =	vadd.s32 v9, v8;
	v8 =	vld [tilespmem:$0x16770];
	v2 =	vadd.s32 v2, v4  }
0x381: {  	v9 =	vld [tilespmem:$0x167F0];
	v3 =	vadd.s32 v3, v10;
	v4 =	vadd.s32 v13, v12;
	v2 =	vadd.s32 v2, v5  }
0x382: {  	[tilespmem:$0x1F910] =	vst v2;
	v2 =	vadd.s32 v3, v11;
	v3 =	vadd.s32 v4, v14;
	v4 =	vld [tilespmem:$0x16C70]  }
0x383: {  	v5 =	vadd.s32 v59, v62;
	v2 =	vadd.s32 v2, v6;
	v3 =	vadd.s32 v3, v15;
	v6 =	vld [tilespmem:$0x16CF0]  }
0x384: {  	v5 =	vadd.s32 v5, v21;
	v2 =	vadd.s32 v2, v7;
	v3 =	vadd.s32 v3, v16;
	v7 =	vld [tilespmem:$0x16D70]  }
0x385: {  	v5 =	vadd.s32 v5, v23;
	v2 =	vadd.s32 v2, v8;
	v3 =	vadd.s32 v3, v17;
	v8 =	vld [tilespmem:$0x16DF0]  }
0x386: {  	v5 =	vadd.s32 v5, v25;
	v2 =	vadd.s32 v2, v9;
	v3 =	vadd.s32 v3, v18;
	v9 =	vld [tilespmem:$0x16E70]  }
0x387: {  	v2 =	vadd.s32 v2, v4;
	v3 =	vadd.s32 v3, v19;
	v4 =	vadd.s32 v5, v27;
	v5 =	vld [tilespmem:$0x16EF0]  }
0x388: {  	v2 =	vadd.s32 v2, v6;
	v3 =	vadd.s32 v3, v20;
	v4 =	vadd.s32 v4, v29;
	v6 =	vld [tilespmem:$0x16EE0]  }
0x389: {  	v2 =	vadd.s32 v2, v7;
	v3 =	vadd.s32 v3, v22;
	v4 =	vadd.s32 v4, v30;
	v7 =	vld [tilespmem:$0x16E50]  }
0x38a: {  	v2 =	vadd.s32 v2, v8;
	v3 =	vadd.s32 v3, v24;
	v4 =	vadd.s32 v4, v31;
	v8 =	vld [tilespmem:$0x16ED0]  }
0x38b: {  	v2 =	vadd.s32 v2, v9;
	v3 =	vadd.s32 v3, v26;
	v4 =	vadd.s32 v4, v32;
	v9 =	vld [tilespmem:$0x16640]  }
0x38c: {  	v62 =	vadd.s32 v2, v5;
	v2 =	vadd.s32 v3, v28;
	v3 =	vadd.s32 v4, v33;
	v4 =	vld [tilespmem:$0x166C0]  }
0x38d: {  	v5 =	vld [tilespmem:$0x16740];
	v59 =	vadd.s32 v2, v6;
	v2 =	vadd.s32 v3, v34;
	v3 =	vadd.s32 v36, v35  }
0x38e: {  	v6 =	vadd.s32 v52, v39;
	v2 =	vadd.s32 v2, v7;
	v3 =	vadd.s32 v3, v37;
	v7 =	vld [tilespmem:$0x167C0]  }
0x38f: {  	v52 =	vadd.s32 v2, v8;
	v2 =	vadd.s32 v3, v38;
	v3 =	vadd.s32 v6, v40;
	v6 =	vld [tilespmem:$0x16C40]  }
0x390: {  	v8 =	vadd.s32 v48, v46;
	v2 =	vadd.s32 v2, v9;
	v3 =	vadd.s32 v3, v41;
	v9 =	vld [tilespmem:$0x16CC0]  }
0x391: {  	v2 =	vadd.s32 v2, v4;
	v3 =	vadd.s32 v3, v42;
	v4 =	vadd.s32 v8, v50;
	v8 =	vld [tilespmem:$0x16D40]  }
0x392: {  	v2 =	vadd.s32 v2, v5;
	v3 =	vadd.s32 v3, v43;
	v5 =	vld [tilespmem:$0x16DC0]  }
0x393: {  	v2 =	vadd.s32 v2, v7;
	v3 =	vadd.s32 v3, v44;
	v7 =	vld [tilespmem:$0x16E40]  }
0x394: {  	v2 =	vadd.s32 v2, v6;
	v3 =	vadd.s32 v3, v45;
	v6 =	vld [tilespmem:$0x16EC0]  }
0x395: {  	v10 =	vld [tilespmem:$0x16EB0];
	v2 =	vadd.s32 v2, v9;
	v3 =	vadd.s32 v3, v47  }
0x396: {  	v60 =	vld [tilespmem:$0x167A0];
	v2 =	vadd.s32 v2, v8;
	v3 =	vadd.s32 v3, v49  }
0x397: {  	v61 =	vld [tilespmem:$0x16C20];
	v4 =	vadd.s32 v4, v53;
	v2 =	vadd.s32 v2, v5;
	v3 =	vadd.s32 v3, v51  }
0x398: {  	v63 =	vld [tilespmem:$0x16CA0];
	v4 =	vadd.s32 v4, v55;
	v2 =	vadd.s32 v2, v7;
	v3 =	vadd.s32 v3, v54  }
0x399: {  	v4 =	vadd.s32 v4, v57;
	v9 =	vadd.s32 v2, v6;
	v2 =	vadd.s32 v3, v56;
	v3 =	vld [tilespmem:$0x1F240]  }
0x39a: {  	v4 =	vadd.s32 v4, v58;
	v6 =	vadd.s32 v2, v10;
	v2 =	vld [tilespmem:$0x1F250]  }
0x39b: {  	v4 =	vadd.s32 v4, v60;
	v8 =	vld [tilespmem:$0x16E20]  }
0x39c: {  	v4 =	vadd.s32 v4, v61  }
0x39d: {  	v4 =	vadd.s32 v4, v63  }
0x39e: {  	v10 =	vld [tilespmem:$0x1F270];
	v3 =	vadd.s32 v4, v3  }
0x39f: {  	v2 =	vadd.s32 v3, v2;
	v3 =	vld [tilespmem:$0x1F260]  }
0x3a0: {  	v2 =	vadd.s32 v2, v8;
	v8 =	vld [tilespmem:$0x1F280]  }
0x3a1: {  	v5 =	vld [tilespmem:$0x16590]  }
0x3a2: {  	v7 =	vld [tilespmem:$0x16610]  }
0x3a3: {  	v4 =	vld [tilespmem:$0x16690]  }
0x3a4: {  	v11 =	vld [tilespmem:$0x1F2A0];
	v3 =	vadd.s32 v3, v10  }
0x3a5: {  	v3 =	vadd.s32 v3, v8;
	v8 =	vld [tilespmem:$0x1F290]  }
0x3a6: {  	v3 =	vadd.s32 v3, v5;
	v5 =	vld [tilespmem:$0x1F2B0]  }
0x3a7: {  	v3 =	vadd.s32 v3, v7;
	v7 =	vld [tilespmem:$0x1F2E0]  }
0x3a8: {  	v3 =	vadd.s32 v3, v4;
	v4 =	vld [tilespmem:$0x1F300];
	_ =	sdelay $0x1  }
0x3a9: {  	v12 =	vld [tilespmem:$0x1F2D0];
	v8 =	vadd.s32 v8, v11  }
0x3aa: {  	v5 =	vadd.s32 v8, v5;
	v8 =	vld [tilespmem:$0x1F2C0]  }
0x3ab: {  	v5 =	vadd.s32 v5, v7;
	v7 =	vld [tilespmem:$0x1F2F0]  }
0x3ac: {  	v4 =	vadd.s32 v5, v4;
	v5 =	vld [tilespmem:$0x1F310]  }
0x3ad: {  	v10 =	vld [tilespmem:$0x16710]  }
0x3ae: {  	v11 =	vld [tilespmem:$0x16790]  }
0x3af: {  	v8 =	vadd.s32 v8, v12;
	v12 =	vld [tilespmem:$0x16C10]  }
0x3b0: {  	v7 =	vadd.s32 v8, v7;
	v8 =	vld [tilespmem:$0x16C90]  }
0x3b1: {  	v5 =	vadd.s32 v7, v5;
	v7 =	vld [tilespmem:$0x16D10]  }
0x3b2: {  	v3 =	vadd.s32 v3, v10;
	v10 =	vld [tilespmem:$0x1F320]  }
0x3b3: {  	v3 =	vadd.s32 v3, v11;
	v11 =	vld [tilespmem:$0x1F340]  }
0x3b4: {  	v3 =	vadd.s32 v3, v12;
	v12 =	vld [tilespmem:$0x1F360]  }
0x3b5: {  	v3 =	vadd.s32 v3, v8;
	v8 =	vld [tilespmem:$0x1F380]  }
0x3b6: {  	v3 =	vadd.s32 v3, v7;
	v7 =	vld [tilespmem:$0x1F3A0]  }
0x3b7: {  	v4 =	vadd.s32 v4, v10;
	v10 =	vld [tilespmem:$0x1F330]  }
0x3b8: {  	v4 =	vadd.s32 v4, v11;
	v11 =	vld [tilespmem:$0x1F350]  }
0x3b9: {  	v4 =	vadd.s32 v4, v12;
	v12 =	vld [tilespmem:$0x1F370]  }
0x3ba: {  	v4 =	vadd.s32 v4, v8;
	v8 =	vld [tilespmem:$0x1F390]  }
0x3bb: {  	v4 =	vadd.s32 v4, v7;
	v7 =	vld [tilespmem:$0x1F3B0]  }
0x3bc: {  	v5 =	vadd.s32 v5, v10  }
0x3bd: {  	v5 =	vadd.s32 v5, v11  }
0x3be: {  	v5 =	vadd.s32 v5, v12  }
0x3bf: {  	v5 =	vadd.s32 v5, v8  }
0x3c0: {  	v5 =	vadd.s32 v5, v7;
	v7 =	vld [tilespmem:$0x1F3C0];
	_ =	sdelay $0x2  }
0x3c1: {  	v10 =	vld [tilespmem:$0x16D90]  }
0x3c2: {  	v11 =	vld [tilespmem:$0x16E10]  }
0x3c3: {  	v4 =	vadd.s32 v4, v7;
	v7 =	vld [tilespmem:$0x1F3D0]  }
0x3c4: {  	v13 =	vld [tilespmem:$0x161E0]  }
0x3c5: {  	v14 =	vld [tilespmem:$0x1F450]  }
0x3c6: {  	v21 =	vld [tilespmem:$0x1F640]  }
0x3c7: {  	v15 =	vld [tilespmem:$0x1F480];
	v3 =	vadd.s32 v3, v10  }
0x3c8: {  	v7 =	vadd.s32 v5, v7;
	v5 =	vadd.s32 v3, v11;
	v3 =	vld [tilespmem:$0x1F3E0]  }
0x3c9: {  	v23 =	vld [tilespmem:$0x1F6A0]  }
0x3ca: {  	v16 =	vld [tilespmem:$0x16BD0]  }
0x3cb: {  	v25 =	vld [tilespmem:$0x16C00]  }
0x3cc: {  	v12 =	vld [tilespmem:$0x16A80]  }
0x3cd: {  	v3 =	vadd.s32 v4, v3;
	v4 =	vld [tilespmem:$0x1F3F0]  }
0x3ce: {  	v18 =	vld [tilespmem:$0x16BE0]  }
0x3cf: {  	v19 =	vld [tilespmem:$0x1F610]  }
0x3d0: {  	v27 =	vld [tilespmem:$0x16F10]  }
0x3d1: {  	v20 =	vld [tilespmem:$0x1F630]  }
0x3d2: {  	v4 =	vadd.s32 v7, v4;
	v7 =	vadd.s32 v3, v12;
	v3 =	vld [tilespmem:$0x1F400]  }
0x3d3: {  	v8 =	vld [tilespmem:$0x16A70]  }
0x3d4: {  	v22 =	vld [tilespmem:$0x1F670]  }
0x3d5: {  	v24 =	vld [tilespmem:$0x16B80]  }
0x3d6: {  	v12 =	vld [tilespmem:$0x1F420]  }
0x3d7: {  	v3 =	vadd.s32 v4, v3;
	v4 =	vld [tilespmem:$0x1F410]  }
0x3d8: {  	v8 =	vadd.s32 v3, v8;
	v3 =	vld [tilespmem:$0x1F430]  }
0x3d9: {  	v26 =	vld [tilespmem:$0x16E90]  }
0x3da: {  	v10 =	vld [tilespmem:$0x16260]  }
0x3db: {  	v11 =	vld [tilespmem:$0x162E0]  }
0x3dc: {  	v20 =	vadd.s32 v20, v21;
	v21 =	vld [tilespmem:$0x1F650];
	v4 =	vadd.s32 v4, v12  }
0x3dd: {  	v3 =	vadd.s32 v4, v3;
	v4 =	vld [tilespmem:$0x1F440]  }
0x3de: {  	v3 =	vadd.s32 v3, v13;
	v13 =	vld [tilespmem:$0x1F460]  }
0x3df: {  	v3 =	vadd.s32 v3, v10;
	v10 =	vld [tilespmem:$0x1F490]  }
0x3e0: {  	v3 =	vadd.s32 v3, v11;
	v11 =	vld [tilespmem:$0x1F4B0]  }
0x3e1: {  	v36 =	vld [tilespmem:$0x1F7F0]  }
0x3e2: {  	v12 =	vld [tilespmem:$0x16360];
	v4 =	vadd.s32 v4, v14  }
0x3e3: {  	v4 =	vadd.s32 v4, v13;
	v13 =	vld [tilespmem:$0x1F470]  }
0x3e4: {  	v4 =	vadd.s32 v4, v10;
	v10 =	vld [tilespmem:$0x1F4A0]  }
0x3e5: {  	v4 =	vadd.s32 v4, v11;
	v11 =	vld [tilespmem:$0x1F4C0]  }
0x3e6: {  	v14 =	vld [tilespmem:$0x163E0]  }
0x3e7: {  	v3 =	vadd.s32 v3, v12;
	v12 =	vld [tilespmem:$0x1F4D0]  }
0x3e8: {  	v13 =	vadd.s32 v13, v15;
	v15 =	vld [tilespmem:$0x16860]  }
0x3e9: {  	v10 =	vadd.s32 v13, v10;
	v13 =	vld [tilespmem:$0x168E0]  }
0x3ea: {  	v10 =	vadd.s32 v10, v11;
	v11 =	vld [tilespmem:$0x16960]  }
0x3eb: {  	v3 =	vadd.s32 v3, v14;
	v14 =	vld [tilespmem:$0x1F4F0]  }
0x3ec: {  	v4 =	vadd.s32 v4, v12;
	v12 =	vld [tilespmem:$0x1F4E0]  }
0x3ed: {  	v3 =	vadd.s32 v3, v15;
	v15 =	vld [tilespmem:$0x1F510]  }
0x3ee: {  	v3 =	vadd.s32 v3, v13;
	v13 =	vld [tilespmem:$0x1F530]  }
0x3ef: {  	v3 =	vadd.s32 v3, v11;
	v11 =	vld [tilespmem:$0x1F550]  }
0x3f0: {  	v4 =	vadd.s32 v4, v14;
	v14 =	vld [tilespmem:$0x1F500]  }
0x3f1: {  	v10 =	vadd.s32 v10, v12;
	v12 =	vld [tilespmem:$0x169E0]  }
0x3f2: {  	v4 =	vadd.s32 v4, v15;
	v15 =	vld [tilespmem:$0x1F520]  }
0x3f3: {  	v4 =	vadd.s32 v4, v13;
	v13 =	vld [tilespmem:$0x1F540]  }
0x3f4: {  	v4 =	vadd.s32 v4, v11;
	v11 =	vld [tilespmem:$0x1F560]  }
0x3f5: {  	v10 =	vadd.s32 v10, v14;
	v14 =	vld [tilespmem:$0x16A60]  }
0x3f6: {  	v39 =	vld [tilespmem:$0x16F20]  }
0x3f7: {  	v20 =	vadd.s32 v20, v22;
	v22 =	vld [tilespmem:$0x1F680];
	v10 =	vadd.s32 v10, v15  }
0x3f8: {  	v37 =	vld [tilespmem:$0x1F800];
	v10 =	vadd.s32 v10, v13  }
0x3f9: {  	v3 =	vadd.s32 v3, v12;
	v10 =	vadd.s32 v10, v11;
	v11 =	vld [tilespmem:$0x1F570]  }
0x3fa: {  	v14 =	vadd.s32 v3, v14;
	v3 =	vld [tilespmem:$0x1F590]  }
0x3fb: {  	v12 =	vld [tilespmem:$0x1F5B0]  }
0x3fc: {  	v20 =	vadd.s32 v20, v23;
	v23 =	vld [tilespmem:$0x1F6B0]  }
0x3fd: {  	v46 =	vld [tilespmem:$0x1F720]  }
0x3fe: {  	v4 =	vadd.s32 v4, v11;
	v11 =	vld [tilespmem:$0x1F580]  }
0x3ff: {  	v3 =	vadd.s32 v4, v3;
	v4 =	vld [tilespmem:$0x1F5A0]  }
0x400: {  	v17 =	vadd.s32 v3, v12;
	v3 =	vld [tilespmem:$0x1F5C0]  }
0x401: {  	v48 =	vld [tilespmem:$0x1F740]  }
0x402: {  	v38 =	vld [tilespmem:$0x1F810]  }
0x403: {  	v40 =	vld [tilespmem:$0x1F820];
	v10 =	vadd.s32 v10, v11  }
0x404: {  	v12 =	vld [tilespmem:$0x1F5E0];
	v4 =	vadd.s32 v10, v4  }
0x405: {  	v3 =	vadd.s32 v4, v3;
	v4 =	vld [tilespmem:$0x1F5D0]  }
0x406: {  	v41 =	vld [tilespmem:$0x1F6D0]  }
0x407: {  	v42 =	vld [tilespmem:$0x1F6E0]  }
0x408: {  	v50 =	vld [tilespmem:$0x1F760]  }
0x409: {  	v43 =	vld [tilespmem:$0x1F6F0]  }
0x40a: {  	v4 =	vadd.s32 v4, v12;
	v12 =	vld [tilespmem:$0x1F5F0]  }
0x40b: {  	v53 =	vld [tilespmem:$0x1F780]  }
0x40c: {  	v44 =	vld [tilespmem:$0x1F700]  }
0x40d: {  	v55 =	vld [tilespmem:$0x1F7A0]  }
0x40e: {  	v45 =	vld [tilespmem:$0x1F710]  }
0x40f: {  	v3 =	vadd.s32 v3, v12;
	v12 =	vld [tilespmem:$0x1F600]  }
0x410: {  	v57 =	vld [tilespmem:$0x16F90]  }
0x411: {  	v47 =	vld [tilespmem:$0x1F730]  }
0x412: {  	v58 =	vld [tilespmem:$0x1F7C0]  }
0x413: {  	v20 =	vadd.s32 v20, v41;
	v41 =	vld [tilespmem:$0x1F830]  }
0x414: {  	v12 =	vadd.s32 v12, v19;
	v19 =	vld [tilespmem:$0x1F620]  }
0x415: {  	v12 =	vadd.s32 v12, v21;
	v21 =	vld [tilespmem:$0x1F660]  }
0x416: {  	v12 =	vadd.s32 v12, v22;
	v22 =	vld [tilespmem:$0x1F690]  }
0x417: {  	v12 =	vadd.s32 v12, v23;
	v23 =	vld [tilespmem:$0x1F6C0]  }
0x418: {  	v49 =	vld [tilespmem:$0x1F750]  }
0x419: {  	v51 =	vld [tilespmem:$0x1F770];
	v4 =	vadd.s32 v4, v19  }
0x41a: {  	v60 =	vld [tilespmem:$0x1F7D0];
	v4 =	vadd.s32 v4, v21  }
0x41b: {  	v61 =	vld [tilespmem:$0x1F7E0];
	v12 =	vadd.s32 v12, v42;
	v4 =	vadd.s32 v4, v22  }
0x41c: {  	v54 =	vld [tilespmem:$0x1F790];
	v12 =	vadd.s32 v12, v45;
	v4 =	vadd.s32 v4, v23  }
0x41d: {  	v56 =	vld [tilespmem:$0x1F7B0];
	v12 =	vadd.s32 v12, v48;
	v4 =	vadd.s32 v4, v43  }
0x41e: {  	v45 =	vld [tilespmem:$0x1F860];
	v12 =	vadd.s32 v12, v51;
	v4 =	vadd.s32 v4, v46  }
0x41f: {  	v12 =	vadd.s32 v12, v55;
	v4 =	vadd.s32 v4, v49;
	v49 =	vld [tilespmem:$0x1F890]  }
0x420: {  	v63 =	vld [tilespmem:$0x16EA0];
	v12 =	vadd.s32 v12, v60  }
0x421: {  	v20 =	vadd.s32 v20, v44;
	v44 =	vld [tilespmem:$0x1F850];
	v12 =	vadd.s32 v12, v37  }
0x422: {  	v42 =	vld [tilespmem:$0x1F840];
	v12 =	vadd.s32 v12, v41  }
0x423: {  	v46 =	vld [tilespmem:$0x1F870];
	v4 =	vadd.s32 v4, v53;
	v12 =	vadd.s32 v12, v45  }
0x424: {  	v4 =	vadd.s32 v4, v56;
	v33 =	vadd.s32 v12, v49;
	v12 =	vld [tilespmem:$0x1F8A0]  }
0x425: {  	v15 =	vld [tilespmem:$0x16AD0];
	v4 =	vadd.s32 v4, v61  }
0x426: {  	v20 =	vadd.s32 v20, v47;
	v47 =	vld [tilespmem:$0x16F30];
	v4 =	vadd.s32 v4, v38  }
0x427: {  	v20 =	vadd.s32 v20, v50;
	v50 =	vld [tilespmem:$0x16FB0];
	v4 =	vadd.s32 v4, v42  }
0x428: {  	v13 =	vld [tilespmem:$0x16B50];
	v4 =	vadd.s32 v4, v46  }
0x429: {  	v12 =	vadd.s32 v4, v12;
	v4 =	vld [tilespmem:$0x1F8B0]  }
0x42a: {  	v15 =	vadd.s32 v17, v15;
	v17 =	vld [tilespmem:$0x1F8E0]  }
0x42b: {  	v11 =	vld [tilespmem:$0x16AE0]  }
0x42c: {  	v10 =	vld [tilespmem:$0x16B60]  }
0x42d: {  	v20 =	vadd.s32 v20, v54;
	v48 =	vld [tilespmem:$0x1F880]  }
0x42e: {  	v20 =	vadd.s32 v20, v58;
	v4 =	vadd.s32 v3, v4;
	v3 =	vld [tilespmem:$0x1F8C0]  }
0x42f: {  	v20 =	vadd.s32 v20, v36;
	v13 =	vadd.s32 v15, v13;
	v15 =	vld [tilespmem:$0x16FD0]  }
0x430: {  	v20 =	vadd.s32 v20, v40;
	v14 =	vadd.s32 v14, v11;
	v11 =	vld [tilespmem:$0x1F900]  }
0x431: {  	v20 =	vadd.s32 v20, v44;
	v14 =	vadd.s32 v14, v10;
	v10 =	vadd.s32 v13, v16;
	v16 =	vld [tilespmem:$0x16F60]  }
0x432: {  	v19 =	vld [tilespmem:$0x16AF0];
	v20 =	vadd.s32 v20, v48  }
0x433: {  	v20 =	vadd.s32 v20, v3;
	v3 =	vld [tilespmem:$0x1F8D0]  }
0x434: {  	v17 =	vadd.s32 v4, v17;
	v4 =	vld [tilespmem:$0x1F8F0]  }
0x435: {  	v23 =	vld [tilespmem:$0x16B00]  }
0x436: {  	v21 =	vld [tilespmem:$0x16B70]  }
0x437: {  	v22 =	vld [tilespmem:$0x16BF0]  }
0x438: {  	v51 =	vld [tilespmem:$0x16F40];
	(xrf0) =	vadd.scan.msk.s32 $0xffff, v12;
	v3 =	vadd.s32 v33, v3  }
0x439: {  	v2 =	vadd.s32 v2, v63;
	v5 =	vadd.s32 v5, v26;
	v43 =	vld [tilespmem:$0x16FA0];
	v4 =	vadd.s32 v20, v4;
	(xrf0) =	vadd.scan.msk.s32 $0xffff, v3  }
0x43a: {  	v8 =	vadd.s32 v8, v19;
	v7 =	vadd.s32 v7, v23;
	v11 =	vadd.s32 v17, v11;
	v20 =	vld [tilespmem:$0x16FC0];
	(xrf0) =	vadd.scan.msk.s32 $0xffff, v4  }
0x43b: {  	v13 =	vadd.s32 v8, v21;
	v8 =	vadd.s32 v14, v18;
	v14 =	vadd.s32 v7, v24;
	v17 =	vld [tilespmem:$0x16FE0];
	(xrf0) =	vadd.scan.msk.s32 $0xffff, v11  }
0x43c: {  	v19 =	vld [tilespmem:$0x16FF0];
	v7 =	vadd.s32 v13, v22;
	v13 =	vadd.s32 v5, v27;
	v5 =	vadd.s32 v14, v25;
	(xrf0) =	vadd.scan.msk.s32 $0xffff, v10  }
0x43d: {  	v53 =	vld [tilespmem:$0x16F50];
	v14 =	vadd.s32 v2, v39;
	v2 =	vadd.s32 v13, v57;
	v13 =	vadd.s32 v6, v47;
	(xrf0) =	vadd.scan.msk.s32 $0xffff, v8  }
0x43e: {  	v18 =	vld [tilespmem:$0x16F70];
	v9 =	vadd.s32 v9, v51;
	v6 =	vadd.s32 v14, v43;
	v14 =	vadd.s32 v13, v50;
	v54, _, _ =	vpop (xrf0);
	(xrf0) =	vadd.scan.msk.s32 $0xffff, v7  }
0x43f: {  	v21 =	vld [tilespmem:$0x16F80];
	(v2sf) =	vpush v54, $0xF;
	v13 =	vadd.s32 v9, v20;
	v9 =	vadd.s32 v59, v16;
	v55, _, _ =	vpop (xrf0);
	(xrf0) =	vadd.scan.msk.s32 $0xffff, v5  }
0x440: {  	v9 =	vadd.s32 v9, v17;
	v17 =	vld [tilespmem:$0x1F910];
	(v2sf) =	vpush v55, $0xF;
	v56, _, _ =	vpop (xrf0);
	(xrf0) =	vadd.scan.msk.s32 $0xffff, v2  }
0x441: {  	v22 =	vld [tilespmem:$0x17000];
	(v2sf) =	vpush v56, $0xF;
	v57, _, _ =	vpop (xrf0);
	(xrf0) =	vadd.scan.msk.s32 $0xffff, v6  }
0x442: {  	v23 =	vadd.s32 v52, v53;
	(v2sf) =	vpush v57, $0xF;
	v30, _, _ =	vpop (xrf0);
	(xrf0) =	vadd.scan.msk.s32 $0xffff, v14  }
0x443: {  	v15 =	vadd.s32 v23, v15;
	(v2sf) =	vpush v30, $0xF;
	v31, _, _ =	vpop (xrf0);
	(xrf0) =	vadd.scan.msk.s32 $0xffff, v13  }
0x444: {  	v16 =	vadd.s32 v62, v18;
	(v2sf) =	vpush v31, $0xF;
	v32, _, _ =	vpop (xrf0);
	(xrf0) =	vadd.scan.msk.s32 $0xffff, v15  }
0x445: {  	v16 =	vadd.s32 v16, v19;
	v17 =	vadd.s32 v17, v21;
	(v2sf) =	vpush v32, $0xF;
	v33, _, _ =	vpop (xrf0);
	(xrf0) =	vadd.scan.msk.s32 $0xffff, v9  }
0x446: {  	v17 =	vadd.s32 v17, v22;
	(v2sf) =	vpush v33, $0xF;
	v28, _, _ =	vpop (xrf0);
	(xrf0) =	vadd.scan.msk.s32 $0xffff, v16  }
0x447: {  	(v2sf) =	vpush v28, $0xF;
	v24, _, _ =	vpop (xrf0);
	(xrf0) =	vadd.scan.msk.s32 $0xffff, v17  }
0x448: {  	v23, _, _ =	vpop (xrf0);
	(v2sf) =	vpush v24, $0xF  }
0x449: {  	v22, _, _ =	vpop (xrf0);
	(v2sf) =	vpush v23, $0xF  }
0x44a: {  	v21, _, _ =	vpop (xrf0);
	(v2sf) =	vpush v22, $0xF  }
0x44b: {  	v19, _, _ =	vpop (xrf0);
	(v2sf) =	vpush v21, $0xF  }
0x44c: {  	v18, _, _ =	vpop (xrf0);
	(v2sf) =	vpush v19, $0xF  }
0x44d: {  	(v2sf) =	vpush v18, $0xF;
	v20, _, _ =	vpop (xrf0)  }
0x44e: {  	s10 =	spop (v2sf);
	(v2sf) =	vpush v20, $0xF  }
0x44f: {  	s11 =	spop (v2sf)  }
0x450: {  	s9 =	spop (v2sf);
	s10 =	sadd.s32 s10, s11  }
0x451: {  	s12 =	spop (v2sf);
	s31 =	sadd.s32 s10, s9  }
0x452: {  	s13 =	spop (v2sf);
	s3 =	sadd.s32 s31, s12  }
0x453: {  	s14 =	spop (v2sf);
	s25 =	sadd.s32 s3, s13  }
0x454: {  	s15 =	spop (v2sf);
	s17 =	sadd.s32 s25, s14  }
0x455: {  	s26 =	spop (v2sf);
	s9 =	sadd.s32 s17, s15  }
0x456: {  	s11 =	spop (v2sf);
	s26 =	sadd.s32 s9, s26  }
0x457: {  	s29 =	spop (v2sf);
	s15 =	sadd.s32 s26, s11  }
0x458: {  	s30 =	spop (v2sf);
	s14 =	sadd.s32 s15, s29  }
0x459: {  	s12 =	spop (v2sf);
	s13 =	sadd.s32 s14, s30  }
0x45a: {  	s29 =	spop (v2sf);
	s12 =	sadd.s32 s13, s12  }
0x45b: {  	s30 =	spop (v2sf);
	s11 =	sadd.s32 s12, s29  }
0x45c: {  	s28 =	spop (v2sf);
	s29 =	sadd.s32 s11, s30  }
0x45d: {  	s30 =	sadd.s32 s29, s28;
	s1 =	spop (v2sf)  }
0x45e: {  	s1 =	sadd.s32 s30, s1  }
0x45f: {  	v58 =	vmov s1  }
0x460: {  	v34 =	vnsel vm1, $0x0, v58  }
0x461: {  	s28 =	simm.s32 $0x18810;
	s1 =	rddreg [dreg:$0xe];
	[tilespmem:$0x18810] =	vst v34  }
0x462: {  	[spmem:s1] =	stream.linear.scatter [tilespmem:s28], [sflag:$0x3], $0x80, $0x38;
	[tilespmem:$0x18890] =	vst v63  }
0x463: {  	_ =	swait.ge [sflag:s22], $0x80  }
0x464: {  	[sflag:s22] =	ssyncset.done $0x0  }
0x465: {  	[sflag:s22] =	ssyncadd.s32 $0xFFFFFF80  }
0x466: {  	[bflag:$0x0] =	sbarrier.arrive $0xFFFF  }
0x467: {  	s28 =	simm.s32 $0x18010;
	s1 =	rddreg [dreg:$0x3]  }
0x468: {  	[tilespmem:s28], [sflag:$0x3] =	stream.linear.gather [spmem:s1], $0x800, $0x38;
	[tilespmem:$0x18890] =	vst v63  }
0x469: {  	_ =	swait.ge [sflag:s22], $0x800  }
0x46a: {  	[sflag:s22] =	ssyncset.done $0x0  }
0x46b: {  	[sflag:s22] =	ssyncadd.s32 $0xFFFFF800  }
0x46c: {  	v59 =	vld [tilespmem:$0x18010]  }
0x46d: {  	v60 =	vld [tilespmem:$0x18090]  }
0x46e: {  	v61 =	vld [tilespmem:$0x18110]  }
0x46f: {  	v62 =	vld [tilespmem:$0x18190]  }
0x470: {  	v63 =	vld [tilespmem:$0x18210]  }
0x471: {  	v42 =	vld [tilespmem:$0x18290]  }
0x472: {  	v43 =	vld [tilespmem:$0x18310];
	v34 =	vadd.s32 v59, v60  }
0x473: {  	v44 =	vld [tilespmem:$0x18390];
	v34 =	vadd.s32 v34, v61  }
0x474: {  	v45 =	vld [tilespmem:$0x18410];
	v34 =	vadd.s32 v34, v62  }
0x475: {  	v46 =	vld [tilespmem:$0x18490];
	v34 =	vadd.s32 v34, v63  }
0x476: {  	v47 =	vld [tilespmem:$0x18510];
	v34 =	vadd.s32 v34, v42  }
0x477: {  	v48 =	vld [tilespmem:$0x18590];
	v34 =	vadd.s32 v34, v43  }
0x478: {  	v49 =	vld [tilespmem:$0x18610];
	v34 =	vadd.s32 v34, v44  }
0x479: {  	v50 =	vld [tilespmem:$0x18690];
	v34 =	vadd.s32 v34, v45  }
0x47a: {  	v51 =	vld [tilespmem:$0x18710];
	v34 =	vadd.s32 v34, v46  }
0x47b: {  	v52 =	vld [tilespmem:$0x18790];
	v34 =	vadd.s32 v34, v47  }
0x47c: {  	v34 =	vadd.s32 v34, v48  }
0x47d: {  	v34 =	vadd.s32 v34, v49  }
0x47e: {  	v34 =	vadd.s32 v34, v50  }
0x47f: {  	v34 =	vadd.s32 v34, v51  }
0x480: {  	v34 =	vadd.s32 v34, v52  }
0x481: {  	v34 =	vnsel vm0, $0x0, v34  }
0x482: {  	(xrf0) =	vadd.scan.msk.s32 $0xffff, v34;
	_ =	sdelay $0x4  }
0x483: {  	v26 =	vbroadcast v54, $0xF  }
0x484: {  	v34, _, _ =	vpop (xrf0)  }
0x485: {  	v3 =	vsub.s32 v26, v3;
	v34 =	vbroadcast v34, $0xF  }
0x486: {  	v12 =	vsub.s32 v54, v12;
	v3 =	vadd.s32 v55, v3  }
0x487: {  	v4 =	vsub.s32 s10, v4;
	v2 =	vsub.s32 s26, v2;
	s1 =	simm.s32 $0x0;
	v12 =	vadd.s32 v34, v12  }
0x488: {  	s28 =	sand.u32 $0x800, s1;
	s1 =	sand.u32 $0x380, s1;
	v54 =	vadd.s32 v34, v3;
	v3 =	vadd.s32 v56, v4;
	v4 =	vsub.s32 s31, v11  }
0x489: {  	s28 =	sor.u32 s1, s28;
	v11 =	vadd.s32 v34, v3;
	v3 =	vadd.s32 v57, v4;
	v4 =	vsub.s32 s3, v10  }
0x48a: {  	v2 =	vadd.s32 v28, v2;
	v59 =	vld [tilespmem:s28+$0x16050];
	[tilespmem:s28+$0x17010] =	vst v12;
	v29 =	vadd.s32 v34, v3;
	v3 =	vadd.s32 v30, v4  }
0x48b: {  	v56 =	vld [tilespmem:s28+$0x16020];
	v28 =	vadd.s32 v34, v2;
	[tilespmem:s28+$0x17020] =	vst v54;
	v4 =	vsub.s32 s25, v8;
	v8 =	vadd.s32 v34, v3  }
0x48c: {  	v53 =	vld [tilespmem:s28+$0x16480];
	[tilespmem:s28+$0x17410] =	vst v28;
	v3 =	vadd.s32 v31, v4;
	v4 =	vsub.s32 s17, v7;
	v7 =	vsub.s32 s29, v16  }
0x48d: {  	v55 =	vld [tilespmem:s28+$0x16010];
	[tilespmem:s28+$0x17030] =	vst v11;
	v31 =	vadd.s32 v34, v3;
	v3 =	vadd.s32 v32, v4;
	v4 =	vsub.s32 s9, v5  }
0x48e: {  	v57 =	vld [tilespmem:s28+$0x16030];
	[tilespmem:s28+$0x17040] =	vst v29;
	v5 =	vsub.s32 s12, v15;
	v7 =	vadd.s32 v18, v7;
	v32 =	vadd.s32 v34, v3  }
0x48f: {  	v61 =	vld [tilespmem:s28+$0x16070];
	[tilespmem:s28+$0x17050] =	vst v8;
	v3 =	vadd.s32 v33, v4;
	v4 =	vsub.s32 s13, v13;
	v5 =	vadd.s32 v21, v5  }
0x490: {  	v63 =	vld [tilespmem:s28+$0x16410];
	[tilespmem:s28+$0x17060] =	vst v31;
	v7 =	vadd.s32 v34, v7;
	v10 =	vadd.s32 v54, v56;
	v13 =	vadd.s32 v8, v59  }
0x491: {  	v60 =	vld [tilespmem:s28+$0x16060];
	[tilespmem:s28+$0x17070] =	vst v32;
	v33 =	vadd.s32 v34, v3;
	v3 =	vsub.s32 s15, v6;
	v4 =	vadd.s32 v22, v4  }
0x492: {  	v62 =	vld [tilespmem:s28+$0x16080];
	v5 =	vadd.s32 v34, v5;
	v6 =	vsub.s32 s11, v9;
	v9 =	vsub.s32 s30, v17;
	[tilespmem:s28+$0x17470] =	vst v7  }
0x493: {  	v58 =	vld [tilespmem:s28+$0x16040];
	v11 =	vadd.s32 v11, v57;
	[tilespmem:s28+$0x17080] =	vst v33;
	v2 =	vadd.s32 v24, v3;
	v3 =	vsub.s32 s14, v14  }
0x494: {  	v16 =	vadd.s32 v32, v61;
	v4 =	vadd.s32 v34, v4;
	[tilespmem:s28+$0x17450] =	vst v5;
	v3 =	vadd.s32 v23, v3;
	v23 =	vld [tilespmem:s28+$0x16420]  }
0x495: {  	v21 =	vld [tilespmem:s28+$0x16430];
	v17 =	vadd.s32 v28, v63;
	v6 =	vadd.s32 v19, v6;
	v2 =	vadd.s32 v34, v2;
	[tilespmem:s28+$0x17440] =	vst v4  }
0x496: {  	v19 =	vld [tilespmem:s28+$0x16440];
	v9 =	vadd.s32 v20, v9;
	v14 =	vadd.s32 v31, v60;
	v6 =	vadd.s32 v34, v6;
	[tilespmem:s28+$0x17420] =	vst v2  }
0x497: {  	s31 =	simm.s32 $0x100;
	s3 =	simm.s32 $0x80;
	v20 =	vld [tilespmem:s28+$0x16450];
	v18 =	vadd.s32 v33, v62;
	v15 =	vadd.s32 v34, v9;
	v3 =	vadd.s32 v34, v3;
	[tilespmem:s28+$0x17460] =	vst v6  }
0x498: {  	s10 =	sand.u32 $0x800, s31;
	s9 =	simm.s32 $0x200;
	v22 =	vld [tilespmem:s28+$0x16460];
	s11 =	sand.u32 $0x380, s3;
	v9 =	vadd.s32 v12, v55;
	v12 =	vadd.s32 v29, v58;
	v8 =	vadd.s32 v15, v53;
	[tilespmem:s28+$0x17430] =	vst v3  }
.LBB2_23:
0x499: {  	p0 =	sne.s32 s9, $0xF00;
	v2 =	vadd.s32 v2, v23;
	v23 =	vld [tilespmem:s28+$0x16470];
	[tilespmem:s28+$0x17480] =	vst v15;
	s28 =	sor.u32 s11, s10;
	v15 =	vmov v8  }
0x49a: {  	[tilespmem:s28+$0x17010] =	vst v9;
	v24 =	vld [tilespmem:s28+$0x16480];
	v3 =	vadd.s32 v3, v21  }
0x49b: {  	v21 =	vld [tilespmem:s28+$0x16010];
	[tilespmem:s28+$0x17020] =	vst v10;
	v4 =	vadd.s32 v4, v19  }
0x49c: {  	v19 =	vld [tilespmem:s28+$0x16020];
	[tilespmem:s28+$0x17030] =	vst v11;
	v5 =	vadd.s32 v5, v20  }
0x49d: {  	v20 =	vld [tilespmem:s28+$0x16030];
	[tilespmem:s28+$0x17040] =	vst v12;
	v6 =	vadd.s32 v6, v22  }
0x49e: {  	v22 =	vld [tilespmem:s28+$0x16040];
	[tilespmem:s28+$0x17050] =	vst v13;
	v7 =	vadd.s32 v7, v23  }
0x49f: {  	v23 =	vld [tilespmem:s28+$0x16050];
	[tilespmem:s28+$0x17060] =	vst v14;
	v8 =	vadd.s32 v8, v24  }
0x4a0: {  	v9 =	vadd.s32 v9, v21;
	v21 =	vld [tilespmem:s28+$0x16060];
	[tilespmem:s28+$0x17070] =	vst v16  }
0x4a1: {  	v10 =	vadd.s32 v10, v19;
	v19 =	vld [tilespmem:s28+$0x16070];
	[tilespmem:s28+$0x17080] =	vst v18  }
0x4a2: {  	v11 =	vadd.s32 v11, v20;
	v20 =	vld [tilespmem:s28+$0x16080];
	[tilespmem:s28+$0x17410] =	vst v17  }
0x4a3: {  	v12 =	vadd.s32 v12, v22;
	v22 =	vld [tilespmem:s28+$0x16410];
	[tilespmem:s28+$0x17420] =	vst v2  }
.Ltmp10:
0x4a4: {  	v13 =	vadd.s32 v13, v23;
	v23 =	vld [tilespmem:s28+$0x16420];
	[tilespmem:s28+$0x17430] =	vst v3;
	(pc) =	sbr.rel @p0 .LBB2_23-.Ltmp10, $4  }
0x4a5: {  	v14 =	vadd.s32 v14, v21;
	v21 =	vld [tilespmem:s28+$0x16430];
	[tilespmem:s28+$0x17440] =	vst v4  }
0x4a6: {  	v16 =	vadd.s32 v16, v19;
	v19 =	vld [tilespmem:s28+$0x16440];
	[tilespmem:s28+$0x17450] =	vst v5  }
0x4a7: {  	s3 =	sadd.s32 $0x80, s3;
	v18 =	vadd.s32 v18, v20;
	v20 =	vld [tilespmem:s28+$0x16450];
	[tilespmem:s28+$0x17460] =	vst v6  }
0x4a8: {  	s10 =	sand.u32 $0x800, s9;
	s9 =	sadd.s32 $0x100, s9;
	s11 =	sand.u32 $0x380, s3;
	v17 =	vadd.s32 v17, v22;
	v22 =	vld [tilespmem:s28+$0x16460];
	[tilespmem:s28+$0x17470] =	vst v7  }
0x4a9: {  	[tilespmem:s28+$0x17480] =	vst v15;
	s1 =	sor.u32 s11, s10  }
0x4aa: {  	v24 =	vld [tilespmem:s28+$0x16470];
	[tilespmem:s1+$0x17010] =	vst v9  }
0x4ab: {  	[tilespmem:s1+$0x17020] =	vst v10  }
0x4ac: {  	[tilespmem:s1+$0x17030] =	vst v11  }
0x4ad: {  	[tilespmem:s1+$0x17040] =	vst v12  }
0x4ae: {  	[tilespmem:s1+$0x17050] =	vst v13  }
0x4af: {  	[tilespmem:s1+$0x17060] =	vst v14  }
0x4b0: {  	[tilespmem:s1+$0x17070] =	vst v16  }
0x4b1: {  	[tilespmem:s1+$0x17080] =	vst v18  }
0x4b2: {  	v2 =	vadd.s32 v2, v23;
	[tilespmem:s1+$0x17410] =	vst v17  }
0x4b3: {  	[tilespmem:s1+$0x17420] =	vst v2  }
0x4b4: {  	v3 =	vadd.s32 v3, v21;
	[tilespmem:s1+$0x17480] =	vst v8  }
0x4b5: {  	v2 =	vadd.s32 v4, v19;
	[tilespmem:s1+$0x17430] =	vst v3  }
0x4b6: {  	v3 =	vadd.s32 v5, v20;
	[tilespmem:s1+$0x17440] =	vst v2  }
0x4b7: {  	v2 =	vadd.s32 v6, v22;
	[tilespmem:s1+$0x17450] =	vst v3  }
0x4b8: {  	v3 =	vadd.s32 v7, v24;
	[tilespmem:s1+$0x17460] =	vst v2  }
0x4b9: {  	s30 =	rddreg [dreg:$0xf];
	s13 =	simm.s32 $0x8000;
	s3 =	simm.s32 $0x17010;
	[tilespmem:s1+$0x17470] =	vst v3  }
0x4ba: {  	[spmem:s30] =	stream.strided.scatter [tilespmem:s3], [sflag:$0x3], $0x1000, s13, s24, $0x38;
	[tilespmem:$0x18890] =	vst v63  }
0x4bb: {  	_ =	swait.ge [sflag:s22], $0x1000  }
0x4bc: {  	[sflag:s22] =	ssyncset.done $0x0  }
0x4bd: {  	[sflag:s22] =	ssyncadd.s32 $0xFFFFF000  }
0x4be: {  	[bflag:$0x0] =	sbarrier.arrive $0xFFFF  }
0x4bf: {  	s31 =	rddreg [dreg:$0x10]  }
0x4c0: {  	[tilespmem:s23], [sflag:$0x3] =	stream.strided.gather [spmem:s31], $0x1000, s20, s19, $0x38;
	[tilespmem:$0x18890] =	vst v63  }
0x4c1: {  	_ =	swait.ge [sflag:s22], $0x1000  }
0x4c2: {  	[sflag:s22] =	ssyncset.done $0x0  }
0x4c3: {  	s28 =	simm.s32 $0x0;
	[sflag:s22] =	ssyncadd.s32 $0xFFFFF000  }
.LBB2_25:
0x4c4: {  	p0 =	seq.s32 s28, $0x0  }
0x4c5: {  	s1 =	simm.s32 @!p0 $0x1  }
0x4c6: {  	s3 =	sshll.u32 s28, $0xC;
	_ =	swait.ge @!p0 [sflag:s1], $0x800  }
0x4c7: {  	s3 =	sand.u32 $0x3FFFF000, s3;
	[sflag:s1] =	ssyncset.done @!p0 $0x0  }
0x4c8: {  	s3 =	sadd.s32 s3, s16;
	[sflag:s1] =	ssyncadd.s32 @!p0 $0xFFFFF800  }
0x4c9: {  	[tilespmem:s2], [sflag:$0x3] =	stream.linear.gather [spmem:s3], $0x800, $0x38;
	[tilespmem:$0x18890] =	vst v63  }
0x4ca: {  	_ =	swait.ge [sflag:s22], $0x800  }
0x4cb: {  	[sflag:s22] =	ssyncset.done $0x0  }
0x4cc: {  	s10 =	simm.s32 $0x0;
	[sflag:s22] =	ssyncadd.s32 $0xFFFFF800  }
0x4cd: {  	v4 =	vld [tilespmem:s10+$0x12810];
	_ =	sdelay $0x4  }
0x4ce: {  	v2 =	vshrl.u32 v4, $0x10  }
0x4cf: {  	v2 =	vand.u32 $0xFFF, v2  }
0x4d0: {  	(xrf1) =	vunique.msk.u32 $0xffff, v2;
	_ =	sdelay $0x6  }
0x4d1: {  	v3 =	vld.idx.msk [tilespmem:v2+s23+$0x0], $0xffff  }
0x4d2: {  	s9 =	simm.s32 $0x10;
	[tilespmem:v2+s23+$0x0] =	vst.idx.add.s32.msk $0xffff, v1  }
0x4d3: {  	v2 =	vld [tilespmem:s9+$0x12810];
	_ =	sdelay $0x4  }
0x4d4: {  	v5 =	vshrl.u32 v2, $0x10;
	_, v6, _ =	vpop (xrf1)  }
0x4d5: {  	v6 =	vadd.s32 v6, v3;
	v3 =	vand.u32 $0xFFF, v5  }
0x4d6: {  	(xrf1) =	vunique.msk.u32 $0xffff, v3;
	_ =	sdelay $0x1  }
0x4d7: {  	s11 =	simm.s32 $0x80;
	[tilespmem:s10+$0x13010] =	vst v4;
	v4 =	vadd.s32 $0xFFFFFFFF, v6  }
.LBB2_26:
0x4d8: {  	p1 =	sne.s32 s11, $0x1FC0;
	[tilespmem:s10+$0x13810] =	vst v4;
	s1 =	smov.u32 s11;
	s11 =	sadd.s32 $0x40, s11  }
0x4d9: {  	s10 =	smov.u32 s9  }
0x4da: {  	v4 =	vld.idx.msk [tilespmem:v3+s23+$0x0], $0xffff  }
0x4db: {  	s9 =	sshra.s32 s1, $0x2;
	[tilespmem:v3+s23+$0x0] =	vst.idx.add.s32.msk $0xffff, v1  }
0x4dc: {  	[tilespmem:s10+$0x13010] =	vst v2;
	v2 =	vld [tilespmem:s9+$0x12810];
	_ =	sdelay $0x4  }
.Ltmp11:
0x4dd: {  	v3 =	vshrl.u32 v2, $0x10;
	(pc) =	sbr.rel @p1 .LBB2_26-.Ltmp11, $4  }
0x4de: {  	v3 =	vand.u32 $0xFFF, v3  }
0x4df: {  	(xrf1) =	vunique.msk.u32 $0xffff, v3;
	_, v5, _ =	vpop (xrf1)  }
0x4e0: {  	v4 =	vadd.s32 v5, v4  }
0x4e1: {  	v4 =	vadd.s32 $0xFFFFFFFF, v4  }
0x4e2: {  	_ =	sdelay $0x5  }
0x4e3: {  	[tilespmem:s10+$0x13810] =	vst v4  }
0x4e4: {  	v4 =	vld.idx.msk [tilespmem:v3+s23+$0x0], $0xffff;
	_ =	sdelay $0x3  }
0x4e5: {  	_, v5, _ =	vpop (xrf1)  }
0x4e6: {  	[tilespmem:v3+s23+$0x0] =	vst.idx.add.s32.msk $0xffff, v1;
	v3 =	vadd.s32 v5, v4  }
0x4e7: {  	[tilespmem:s9+$0x13010] =	vst v2;
	v2 =	vadd.s32 $0xFFFFFFFF, v3  }
0x4e8: {  	s1 =	simm.s32 @!p0 $0x2;
	[tilespmem:s9+$0x13810] =	vst v2  }
0x4e9: {  	[spmem:s6] =	stream.indirect.scatter [tilespmem:s7], [sflag:$0x1], $0x1, s18, s24, $0xb8;
	[tilespmem:$0x18890] =	vst v63  }
0x4ea: {  	_ =	swait.ge @!p0 [sflag:s1], $0x800  }
0x4eb: {  	[sflag:s1] =	ssyncset.done @!p0 $0x0  }
0x4ec: {  	s31 =	sadd.s32 $0x800, s3;
	[sflag:s1] =	ssyncadd.s32 @!p0 $0xFFFFF800  }
0x4ed: {  	[tilespmem:s2], [sflag:$0x3] =	stream.linear.gather [spmem:s31], $0x800, $0x38;
	[tilespmem:$0x18890] =	vst v63  }
0x4ee: {  	_ =	swait.ge [sflag:s22], $0x800  }
0x4ef: {  	[sflag:s22] =	ssyncset.done $0x0  }
0x4f0: {  	s9 =	simm.s32 $0x0;
	[sflag:s22] =	ssyncadd.s32 $0xFFFFF800  }
0x4f1: {  	v4 =	vld [tilespmem:s9+$0x12810];
	_ =	sdelay $0x4  }
0x4f2: {  	v2 =	vshrl.u32 v4, $0x10  }
0x4f3: {  	v2 =	vand.u32 $0xFFF, v2  }
0x4f4: {  	(xrf1) =	vunique.msk.u32 $0xffff, v2;
	_ =	sdelay $0x6  }
0x4f5: {  	v3 =	vld.idx.msk [tilespmem:v2+s23+$0x0], $0xffff  }
0x4f6: {  	s3 =	simm.s32 $0x10;
	[tilespmem:v2+s23+$0x0] =	vst.idx.add.s32.msk $0xffff, v1  }
0x4f7: {  	v2 =	vld [tilespmem:s3+$0x12810];
	_ =	sdelay $0x4  }
0x4f8: {  	v5 =	vshrl.u32 v2, $0x10;
	_, v6, _ =	vpop (xrf1)  }
0x4f9: {  	v6 =	vadd.s32 v6, v3;
	v3 =	vand.u32 $0xFFF, v5  }
0x4fa: {  	(xrf1) =	vunique.msk.u32 $0xffff, v3;
	_ =	sdelay $0x1  }
0x4fb: {  	s10 =	simm.s32 $0x80;
	[tilespmem:s9+$0x14010] =	vst v4;
	v4 =	vadd.s32 $0xFFFFFFFF, v6  }
.LBB2_28:
0x4fc: {  	p0 =	sne.s32 s10, $0x1FC0;
	[tilespmem:s9+$0x14810] =	vst v4;
	s1 =	smov.u32 s10;
	s10 =	sadd.s32 $0x40, s10  }
0x4fd: {  	s9 =	smov.u32 s3  }
0x4fe: {  	v4 =	vld.idx.msk [tilespmem:v3+s23+$0x0], $0xffff  }
0x4ff: {  	s3 =	sshra.s32 s1, $0x2;
	[tilespmem:v3+s23+$0x0] =	vst.idx.add.s32.msk $0xffff, v1  }
0x500: {  	[tilespmem:s9+$0x14010] =	vst v2;
	v2 =	vld [tilespmem:s3+$0x12810];
	_ =	sdelay $0x4  }
.Ltmp12:
0x501: {  	v3 =	vshrl.u32 v2, $0x10;
	(pc) =	sbr.rel @p0 .LBB2_28-.Ltmp12, $4  }
0x502: {  	v3 =	vand.u32 $0xFFF, v3  }
0x503: {  	(xrf1) =	vunique.msk.u32 $0xffff, v3;
	_, v5, _ =	vpop (xrf1)  }
0x504: {  	v4 =	vadd.s32 v5, v4  }
0x505: {  	v4 =	vadd.s32 $0xFFFFFFFF, v4  }
0x506: {  	_ =	sdelay $0x5  }
0x507: {  	[tilespmem:s9+$0x14810] =	vst v4  }
0x508: {  	v4 =	vld.idx.msk [tilespmem:v3+s23+$0x0], $0xffff;
	_ =	sdelay $0x1  }
0x509: {  	s28 =	sadd.s32 $0x1, s28  }
0x50a: {  	p0 =	sne.s32 s28, $0x8  }
.Ltmp13:
0x50b: {  	_, v5, _ =	vpop (xrf1);
	(pc) =	sbr.rel @p0 .LBB2_25-.Ltmp13, $4  }
0x50c: {  	[tilespmem:v3+s23+$0x0] =	vst.idx.add.s32.msk $0xffff, v1;
	v3 =	vadd.s32 v5, v4  }
0x50d: {  	[tilespmem:s3+$0x14010] =	vst v2;
	v2 =	vadd.s32 $0xFFFFFFFF, v3  }
0x50e: {  	[tilespmem:s3+$0x14810] =	vst v2  }
0x50f: {  	[spmem:s6] =	stream.indirect.scatter [tilespmem:s5], [sflag:$0x2], $0x1, s0, s24, $0xb8;
	[tilespmem:$0x18890] =	vst v63  }
0x510: {  	s10 =	simm.s32 $0x1  }
0x511: {  	_ =	swait.ge [sflag:s10], $0x800  }
0x512: {  	[sflag:s10] =	ssyncset.done $0x0  }
0x513: {  	s1 =	simm.s32 $0x2;
	[sflag:s10] =	ssyncadd.s32 $0xFFFFF800  }
0x514: {  	_ =	swait.ge [sflag:s1], $0x800  }
0x515: {  	[sflag:s1] =	ssyncset.done $0x0  }
0x516: {  	s29 =	stileid.u32;
	s28 =	rddreg [dreg:$0x15];
	[sflag:s1] =	ssyncadd.s32 $0xFFFFF800  }
0x517: {  	s11 =	simm.s32 $0x10;
	s3 =	rddreg [dreg:$0x16];
	[bflag:$0x0] =	sbarrier.arrive $0xFFFF  }
0x518: {  	s1 =	sor.u32 s3, s28;
	s3 =	sshll.u32 s29, $0x6;
	s9 =	rddreg [dreg:$0x11]  }
0x519: {  	s3 =	sor.u32 $0x1C03, s3;
	s30 =	rddreg [dreg:$0x13];
	s1 =	sadd.s32 s1, s9  }
0x51a: {  	[hbm:s1@s19], [sflag:s3] =	dma.strided [spmem:s30@s11], $0x1000, s10, $0x10   }
0x51b: {  	_ =	swait.ge [sflag:s22], $0x1000  }
0x51c: {  	s31 =	rddreg [dreg:$0x14]  }
0x51d: {  	s10 =	sadd.s32 $0x1, s31  }
0x51e: {  	p0 =	sne.s32 s10, $0x8  }
.Ltmp14:
0x51f: {  	_ = 	snop;
	(pc) =	sbr.rel @p0 .LBB2_2-.Ltmp14, $3  }
0x520: {  	[sflag:s22] =	ssyncset.done $0x0  }
0x521: {  	[sflag:s22] =	ssyncadd.s32 $0xFFFFF000  }
0x522: {  	[bflag:$0x0] =	sbarrier.arrive $0xFFFF;
	_ =	sdelay $0x1  }
0x523: {  	s1 =	rddreg [dreg:$0x9]  }
0x524: {  	s3 =	rddreg [dreg:$0x12];
	s1 =	sadd.s32 $0x1, s1  }
0x525: {  	p0 =	sne.s32 s1, s3  }
.Ltmp15:
0x526: {  	_ = 	snop;
	(pc) =	sbr.rel @p0 .LBB2_1-.Ltmp15, $2  }
0x527: {  	_ =	sdelay $0x2  }
0x528: {  	[dreg:$0x9] =	wrdreg s1  }
0x529: {  	_ =	sfence.sel $0x180000  }
0x52a: {  	[bflag:$0x0] =	sbarrier.arrive $0xFFFF  }
0x52b: {  	_ =	strace $0x90000047  }
0x52c: {  	s0 =	stileid.u32;
	[bflag:$0x2] =	sbarrier.arrive $0xFFFF  }
0x52d: {  	p0 =	sne.s32 s0, $0x0;
	s0 =	rddreg [dreg:$0x8]  }
0x52e: {  	s0 =	sadd.s32 @!p0 $0x100000, s0  }
0x52f: {  	[sflag:s0] =	ssyncadd.tile.s32 @!p0 $0x1;
	_ =	shalt  }
.Lfunc_end2:
_tile_overlayer_lowered:
.L_overlay_start_2:
0x530: {  	(tag) =	ssettag $0x2  }
0x531: {  	s0 =	rddreg [dreg:$0x0];
	s2 =	stileid.u32  }
0x532: {  	s1 =	rddreg [dreg:$0x1];
	p0 =	sne.s32 s2, $0x0  }
0x533: {  	s3 =	rddreg [dreg:$0x2];
	[bflag:$0x3] =	sbarrier.arrive $0xFFFF;
	s2 =	simm.s32 @!p0 $0x1C03  }
0x534: {  	[timem:s3], [sflag:s2] =	dma.local @!p0 [hbm:s0], s1  }
0x535: {  	s0 =	simm.s32 @!p0 $0x3  }
0x536: {  	_ =	swait.ge @!p0 [sflag:s0], s1  }
0x537: {  	s1 =	ssub.s32 @!p0 $0x0, s1;
	[sflag:s0] =	ssyncset.done @!p0 $0x0  }
0x538: {  	[sflag:s0] =	ssyncadd.s32 @!p0 s1  }
0x539: {  	[bflag:$0x3] =	sbarrier.arrive $0xFFFF  }
0x53a: {  	_ =	shalt  }

</sc_bundles>
